<compile_context>
chip_gen: v7x
topology: tpu7x:2x2x1
jax: 0.10.2.dev20260603
libtpu: 0.0.44.dev20260713+nightly
codegen_flags: <defaults>
</compile_context>

<pallas_src>
import functools

import jax
import jax.numpy as jnp
from jax import lax
from jax.experimental import pallas as pl
from jax.experimental.pallas import tpu as pltpu
from jax.experimental.pallas import tpu_sc as plsc

_B, _K, _H, _W = 64, 256, 256, 256
_C = 8
_NC, _NS, _L = 2, 16, 16
_NW = _NC * _NS
_BPW = _B // _NW
_GPW = _BPW * _K * _C


def _gather_body(feat_hbm, ind_hbm, pred_hbm, ind_v, idx_v, val_v, sem):
    wid = lax.axis_index("s") * _NC + lax.axis_index("c")
    b0 = wid * _BPW
    pltpu.sync_copy(ind_hbm.at[pl.ds(b0 * _K, _BPW * _K)], ind_v)

    def build_quarter(q):
        bl = q // 2
        kt = q % 2
        for jj in range(8):
            k0 = kt * 128 + jj * _L
            ind16 = ind_v[pl.ds(bl * _K + k0, _L)]
            h16 = jnp.right_shift(ind16, 8)
            w16 = jnp.bitwise_and(ind16, _W - 1)
            tiled_off = (
                jnp.left_shift(jnp.right_shift(h16, 3), 11)
                + jnp.left_shift(jnp.right_shift(w16, 7), 10)
                + jnp.left_shift(jnp.bitwise_and(h16, 7), 7)
                + jnp.bitwise_and(w16, 127)
            )
            base_row = (b0 + bl) * _C
            for c in range(_C):
                idx_v[pl.ds(q * 1024 + c * 128 + jj * _L, _L)] = (
                    (base_row + c) * (_H * _W) + tiled_off
                )

    for q in range(4):
        build_quarter(q)
        pltpu.async_copy(
            feat_hbm.at[idx_v.at[pl.ds(q * 1024, 1024)]],
            val_v.at[pl.ds(q * 1024, 1024)],
            sem,
        )
    for q in range(4):
        pltpu.make_async_copy(
            feat_hbm.at[idx_v.at[pl.ds(q * 1024, 1024)]],
            val_v.at[pl.ds(q * 1024, 1024)],
            sem,
        ).wait()
    pltpu.sync_copy(val_v, pred_hbm.at[pl.ds(wid * _GPW, _GPW)])


_gather_sc = functools.partial(
    pl.kernel,
    mesh=plsc.VectorSubcoreMesh(core_axis_name="c", subcore_axis_name="s"),
    out_type=jax.ShapeDtypeStruct((_B * _C * _K,), jnp.float32),
    scratch_types=[
        pltpu.VMEM((_BPW * _K,), jnp.int32),
        pltpu.VMEM((_GPW,), jnp.int32),
        pltpu.VMEM((_GPW,), jnp.float32),
        pltpu.SemaphoreType.DMA,
    ],
    compiler_params=pltpu.CompilerParams(use_tc_tiling_on_sc=False),
)(_gather_body)


def _loss_body(pred_ref, rb_ref, tr_ref, mask_ref, out_ref):
    m = mask_ref[...]
    n = jnp.float32(_B * _K)

    def ce_mean(l0, l1, t):
        a = l0 * m
        b = l1 * m
        mx = jnp.maximum(a, b)
        lse = mx + jnp.log(1.0 + jnp.exp(-jnp.abs(a - b)))
        tf = t.astype(jnp.float32)
        picked = a + tf * (b - a)
        return jnp.sum(lse - picked) / n

    def sl1_sum(x, y, msk):
        d = x - y
        ad = jnp.abs(d)
        v = jnp.where(ad < 1.0, 0.5 * d * d, ad - 0.5)
        return jnp.sum(v * msk)

    tb0 = rb_ref[0]
    tb1 = rb_ref[1]
    tr0 = tr_ref[0]
    tr1 = tr_ref[1]
    m1 = (tb0 != 0).astype(jnp.float32)
    m2 = (tb1 != 0).astype(jnp.float32)
    cnt1 = jnp.sum(m1)
    cnt2 = jnp.sum(m2)

    loss_bin = ce_mean(pred_ref[:, 0, :], pred_ref[:, 1, :], tb0) + ce_mean(
        pred_ref[:, 4, :], pred_ref[:, 5, :], tb1
    )
    res1 = sl1_sum(pred_ref[:, 2, :], jnp.sin(tr0), m1) + sl1_sum(
        pred_ref[:, 3, :], jnp.cos(tr0), m1
    )
    res2 = sl1_sum(pred_ref[:, 6, :], jnp.sin(tr1), m2) + sl1_sum(
        pred_ref[:, 7, :], jnp.cos(tr1), m2
    )
    total = (
        loss_bin
        + jnp.where(cnt1 > 0, res1 / cnt1, 0.0)
        + jnp.where(cnt2 > 0, res2 / cnt2, 0.0)
    )
    out_ref[...] = jnp.reshape(total, (1, 1))


def kernel(output, mask, ind, rotbin, rotres):
    feat = (
        output.reshape(_B, _C, _H // 8, 8, _W // 128, 128)
        .transpose(0, 1, 2, 4, 3, 5)
        .reshape(-1)
    )
    pred_flat = _gather_sc(feat, ind.reshape(-1))
    pred = (
        pred_flat.reshape(_B, 2, _C, 128)
        .transpose(0, 2, 1, 3)
        .reshape(_B, _C, _K)
    )
    rb_t = jnp.transpose(rotbin, (2, 0, 1))
    tr_t = jnp.transpose(rotres, (2, 0, 1))
    loss = pl.pallas_call(
        _loss_body,
        out_shape=jax.ShapeDtypeStruct((1, 1), jnp.float32),
    )(pred, rb_t, tr_t, mask)
    return loss[0, 0]

# --- scband reference (transcript-rebuilt; emitter-appended) ---
"""Pipeline reference for scband-bin-rot-loss-103079215565 (READ-ONLY COPY).

The authoritative reference and input builder live on the scoring server;
editing this copy changes nothing except your own understanding.
"""

import jax, jax.numpy as jnp
import numpy as np

B, K, H, W = 64, 256, 256, 256


def setup_inputs(seed: int = 0) -> dict:
    key = jax.random.key(seed)
    k1, k2, k3, k4 = jax.random.split(key, 4)
    output = jax.random.normal(k1, (B, 8, H, W), dtype=jnp.float32)
    mask = jnp.ones((B, K), dtype=jnp.float32)
    ind = jax.random.randint(k2, (B, K), 0, H * W, dtype=jnp.int32)
    rotbin = jax.random.randint(k3, (B, K, 2), 0, 2, dtype=jnp.int32)
    rotres = jax.random.normal(k4, (B, K, 2), dtype=jnp.float32)
    return {"output": output, "mask": mask, "ind": ind, "rotbin": rotbin, "rotres": rotres}


def _cross_entropy_mean(logits, target):
    logp = jax.nn.log_softmax(logits, axis=-1)
    picked = jnp.take_along_axis(logp, target[:, None].astype(jnp.int32), axis=1)
    return -jnp.mean(picked)


def _compute_bin_loss(logits, target, mask):
    logits = logits * mask  # mask [N,1] broadcasts over the 2 bin logits
    return _cross_entropy_mean(logits, target)


def _smooth_l1(x, y):
    d = x - y
    ad = jnp.abs(d)
    return jnp.mean(jnp.where(ad < 1.0, 0.5 * d * d, ad - 0.5))


def _smooth_l1_masked(x, y, m):
    d = x - y
    ad = jnp.abs(d)
    v = jnp.where(ad < 1.0, 0.5 * d * d, ad - 0.5)
    cnt = jnp.sum(m)
    return jnp.where(cnt > 0, jnp.sum(v * m) / cnt, jnp.zeros_like(cnt))


def reference(output, mask, ind, rotbin, rotres):
    # _tranpose_and_gather_feat
    b = output.shape[0]
    feat = jnp.transpose(output, (0, 2, 3, 1)).reshape(b, -1, output.shape[1])
    idx = jnp.broadcast_to(ind[:, :, None].astype(jnp.int32), (b, ind.shape[1], feat.shape[2]))
    pred = jnp.take_along_axis(feat, idx, axis=1)
    # compute_rot_loss
    o = pred.reshape(-1, 8)
    tb = rotbin.reshape(-1, 2)
    tr = rotres.reshape(-1, 2)
    m = mask.reshape(-1, 1)
    loss_bin1 = _compute_bin_loss(o[:, 0:2], tb[:, 0], m)
    loss_bin2 = _compute_bin_loss(o[:, 4:6], tb[:, 1], m)
    loss_res = jnp.zeros_like(loss_bin1)
    m1 = (tb[:, 0] != 0).astype(jnp.float32)
    loss_sin1 = _smooth_l1_masked(o[:, 2], jnp.sin(tr[:, 0]), m1)
    loss_cos1 = _smooth_l1_masked(o[:, 3], jnp.cos(tr[:, 0]), m1)
    loss_res = loss_res + loss_sin1 + loss_cos1
    m2 = (tb[:, 1] != 0).astype(jnp.float32)
    loss_sin2 = _smooth_l1_masked(o[:, 6], jnp.sin(tr[:, 1]), m2)
    loss_cos2 = _smooth_l1_masked(o[:, 7], jnp.cos(tr[:, 1]), m2)
    loss_res = loss_res + loss_sin2 + loss_cos2
    return loss_bin1 + loss_bin2 + loss_res

if __name__ == "__main__":
    import jax
    _d = setup_inputs()
    print(jax.jit(kernel)(*tuple(_d.values())))

</pallas_src>

<mosaic_0001>
#map = affine_map<(d0, d1) -> (0)>
module attributes {stable_mosaic.version = 14 : i64} {
  func.func @_gather_body(%arg0: i32, %arg1: i32, %arg2: memref<33554432xf32, #tpu.memory_space<hbm>>, %arg3: memref<16384xi32, #tpu.memory_space<hbm>>, %arg4: memref<131072xf32, #tpu.memory_space<hbm>>, %arg5: memref<512xi32, #tpu.memory_space<vmem>>, %arg6: memref<4096xi32, #tpu.memory_space<vmem>>, %arg7: memref<4096xf32, #tpu.memory_space<vmem>>, %arg8: memref<!tpu.dma_semaphore, #tpu.memory_space<semaphore_mem>>) attributes {dimension_semantics = [#tpu.dimension_semantics<core_parallel>, #tpu.dimension_semantics<subcore_parallel>], iteration_bounds = array<i64: 2, 16>, scalar_prefetch = 0 : i64, scratch_operands = 4 : i64, tpu.core_type = #tpu.core_type<sc_vector_subcore>, window_params = [{transform_indices = #map}, {transform_indices = #map}, {transform_indices = #map}]} {
    %mul3A = arith.constant 2 : i32
    %mul3A_0 = arith.muli %arg1, %mul3A : i32
    %add3A = arith.addi %mul3A_0, %arg0 : i32
    %mul3A_1 = arith.constant 2 : i32
    %mul3A_2 = arith.muli %add3A, %mul3A_1 : i32
    %mul3A_3 = arith.constant 256 : i32
    %mul3A_4 = arith.muli %mul3A_2, %mul3A_3 : i32
    "tpu.region"() ({
      %run_scoped3A = tpu.sem_alloc : memref<!tpu.dma_semaphore, #tpu.memory_space<semaphore_mem>>
      %dma_start3A_3792 = tpu.memref_slice %arg3[%mul3A_4] : memref<16384xi32, #tpu.memory_space<hbm>> -> memref<512xi32, #tpu.memory_space<hbm>>
      %dma_start3A_3793 = tpu.memref_slice %arg3[%mul3A_4] : memref<16384xi32, #tpu.memory_space<hbm>> -> memref<512xi32, #tpu.memory_space<hbm>>
      tpu.enqueue_dma source(%dma_start3A_3793 : memref<512xi32, #tpu.memory_space<hbm>>) target(%arg5 : memref<512xi32, #tpu.memory_space<vmem>>) target_semaphore(%run_scoped3A : memref<!tpu.dma_semaphore, #tpu.memory_space<semaphore_mem>>)
      %dma_wait3A_3794 = tpu.memref_slice %arg3[%mul3A_4] : memref<16384xi32, #tpu.memory_space<hbm>> -> memref<512xi32, #tpu.memory_space<hbm>>
      %dma_wait3A_3795 = tpu.memref_slice %arg3[%mul3A_4] : memref<16384xi32, #tpu.memory_space<hbm>> -> memref<512xi32, #tpu.memory_space<hbm>>
      tpu.wait_dma2 semaphore(%run_scoped3A : memref<!tpu.dma_semaphore, #tpu.memory_space<semaphore_mem>>) src(%dma_wait3A_3795 : memref<512xi32, #tpu.memory_space<hbm>>) dst(%arg5 : memref<512xi32, #tpu.memory_space<vmem>>)
      tpu.yield
    }) : () -> ()
    %get3A = arith.constant 0 : index
    %get3A_5 = tpu.vector_load %arg5[%get3A] {strides = array<i32>} : memref<512xi32, #tpu.memory_space<vmem>>, vector<16xi32>,
    %get3A_6 = vector.shape_cast %get3A_5 : vector<16xi32> to vector<16xi32>
    %shift_right_arithmetic3A = arith.constant 8 : i32
    %shift_right_arithmetic3A_7 = vector.broadcast %shift_right_arithmetic3A : i32 to vector<16xi32>
    %shift_right_arithmetic3A_8 = arith.shrsi %get3A_6, %shift_right_arithmetic3A_7 : vector<16xi32>
    %and3A = arith.constant 255 : i32
    %and3A_9 = vector.broadcast %and3A : i32 to vector<16xi32>
    %and3A_10 = arith.andi %get3A_6, %and3A_9 : vector<16xi32>
    %shift_right_arithmetic3A_11 = arith.constant 3 : i32
    %shift_right_arithmetic3A_12 = vector.broadcast %shift_right_arithmetic3A_11 : i32 to vector<16xi32>
    %shift_right_arithmetic3A_13 = arith.shrsi %shift_right_arithmetic3A_8, %shift_right_arithmetic3A_12 : vector<16xi32>
    %shift_left3A = arith.constant 11 : i32
    %shift_left3A_14 = vector.broadcast %shift_left3A : i32 to vector<16xi32>
    %shift_left3A_15 = arith.shli %shift_right_arithmetic3A_13, %shift_left3A_14 : vector<16xi32>
    %shift_right_arithmetic3A_16 = arith.constant 7 : i32
    %shift_right_arithmetic3A_17 = vector.broadcast %shift_right_arithmetic3A_16 : i32 to vector<16xi32>
    %shift_right_arithmetic3A_18 = arith.shrsi %and3A_10, %shift_right_arithmetic3A_17 : vector<16xi32>
    %shift_left3A_19 = arith.constant 10 : i32
    %shift_left3A_20 = vector.broadcast %shift_left3A_19 : i32 to vector<16xi32>
    %shift_left3A_21 = arith.shli %shift_right_arithmetic3A_18, %shift_left3A_20 : vector<16xi32>
    %add3A_22 = arith.addi %shift_left3A_15, %shift_left3A_21 : vector<16xi32>
    %and3A_23 = arith.constant 7 : i32
    %and3A_24 = vector.broadcast %and3A_23 : i32 to vector<16xi32>
    %and3A_25 = arith.andi %shift_right_arithmetic3A_8, %and3A_24 : vector<16xi32>
    %shift_left3A_26 = arith.constant 7 : i32
    %shift_left3A_27 = vector.broadcast %shift_left3A_26 : i32 to vector<16xi32>
    %shift_left3A_28 = arith.shli %and3A_25, %shift_left3A_27 : vector<16xi32>
    %add3A_29 = arith.addi %add3A_22, %shift_left3A_28 : vector<16xi32>
    %and3A_30 = arith.constant 127 : i32
    %and3A_31 = vector.broadcast %and3A_30 : i32 to vector<16xi32>
    %and3A_32 = arith.andi %and3A_10, %and3A_31 : vector<16xi32>
    %add3A_33 = arith.addi %add3A_29, %and3A_32 : vector<16xi32>
    %add3A_34 = arith.constant 0 : i32
    %add3A_35 = arith.addi %mul3A_2, %add3A_34 : i32
    %mul3A_36 = arith.constant 8 : i32
    %mul3A_37 = arith.muli %add3A_35, %mul3A_36 : i32
    %add3A_38 = arith.constant 0 : i32
    %add3A_39 = arith.addi %mul3A_37, %add3A_38 : i32
    %mul3A_40 = arith.constant 65536 : i32
    %mul3A_41 = arith.muli %add3A_39, %mul3A_40 : i32
    %add3A_42 = vector.broadcast %mul3A_41 : i32 to vector<16xi32>
    %add3A_43 = arith.addi %add3A_42, %add3A_33 : vector<16xi32>
    %swap3A = arith.constant 0 : index
    %swap3A_44 = tpu.vector_load %arg6[%swap3A] {strides = array<i32>} : memref<4096xi32, #tpu.memory_space<vmem>>, vector<16xi32>,
    %swap3A_45 = vector.shape_cast %swap3A_44 : vector<16xi32> to vector<16xi32>
    %swap3A_46 = vector.shape_cast %add3A_43 : vector<16xi32> to vector<16xi32>
    tpu.vector_store %arg6[%swap3A], %swap3A_46 {strides = array<i32>} : memref<4096xi32, #tpu.memory_space<vmem>>, vector<16xi32>,
    %add3A_47 = arith.constant 1 : i32
    %add3A_48 = arith.addi %mul3A_37, %add3A_47 : i32
    %mul3A_49 = arith.constant 65536 : i32
    %mul3A_50 = arith.muli %add3A_48, %mul3A_49 : i32
    %add3A_51 = vector.broadcast %mul3A_50 : i32 to vector<16xi32>
    %add3A_52 = arith.addi %add3A_51, %add3A_33 : vector<16xi32>
    %swap3A_53 = arith.constant 128 : index
    %swap3A_54 = tpu.vector_load %arg6[%swap3A_53] {strides = array<i32>} : memref<4096xi32, #tpu.memory_space<vmem>>, vector<16xi32>,
    %swap3A_55 = vector.shape_cast %swap3A_54 : vector<16xi32> to vector<16xi32>
    %swap3A_56 = vector.shape_cast %add3A_52 : vector<16xi32> to vector<16xi32>
    tpu.vector_store %arg6[%swap3A_53], %swap3A_56 {strides = array<i32>} : memref<4096xi32, #tpu.memory_space<vmem>>, vector<16xi32>,
    %add3A_57 = arith.constant 2 : i32
    %add3A_58 = arith.addi %mul3A_37, %add3A_57 : i32
    %mul3A_59 = arith.constant 65536 : i32
    %mul3A_60 = arith.muli %add3A_58, %mul3A_59 : i32
    %add3A_61 = vector.broadcast %mul3A_60 : i32 to vector<16xi32>
    %add3A_62 = arith.addi %add3A_61, %add3A_33 : vector<16xi32>
    %swap3A_63 = arith.constant 256 : index
    %swap3A_64 = tpu.vector_load %arg6[%swap3A_63] {strides = array<i32>} : memref<4096xi32, #tpu.memory_space<vmem>>, vector<16xi32>,
    %swap3A_65 = vector.shape_cast %swap3A_64 : vector<16xi32> to vector<16xi32>
    %swap3A_66 = vector.shape_cast %add3A_62 : vector<16xi32> to vector<16xi32>
    tpu.vector_store %arg6[%swap3A_63], %swap3A_66 {strides = array<i32>} : memref<4096xi32, #tpu.memory_space<vmem>>, vector<16xi32>,
    %add3A_67 = arith.constant 3 : i32
    %add3A_68 = arith.addi %mul3A_37, %add3A_67 : i32
    %mul3A_69 = arith.constant 65536 : i32
    %mul3A_70 = arith.muli %add3A_68, %mul3A_69 : i32
    %add3A_71 = vector.broadcast %mul3A_70 : i32 to vector<16xi32>
    %add3A_72 = arith.addi %add3A_71, %add3A_33 : vector<16xi32>
    %swap3A_73 = arith.constant 384 : index
    %swap3A_74 = tpu.vector_load %arg6[%swap3A_73] {strides = array<i32>} : memref<4096xi32, #tpu.memory_space<vmem>>, vector<16xi32>,
    %swap3A_75 = vector.shape_cast %swap3A_74 : vector<16xi32> to vector<16xi32>
    %swap3A_76 = vector.shape_cast %add3A_72 : vector<16xi32> to vector<16xi32>
    tpu.vector_store %arg6[%swap3A_73], %swap3A_76 {strides = array<i32>} : memref<4096xi32, #tpu.memory_space<vmem>>, vector<16xi32>,
    %add3A_77 = arith.constant 4 : i32
    %add3A_78 = arith.addi %mul3A_37, %add3A_77 : i32
    %mul3A_79 = arith.constant 65536 : i32
    %mul3A_80 = arith.muli %add3A_78, %mul3A_79 : i32
    %add3A_81 = vector.broadcast %mul3A_80 : i32 to vector<16xi32>
    %add3A_82 = arith.addi %add3A_81, %add3A_33 : vector<16xi32>
    %swap3A_83 = arith.constant 512 : index
    %swap3A_84 = tpu.vector_load %arg6[%swap3A_83] {strides = array<i32>} : memref<4096xi32, #tpu.memory_space<vmem>>, vector<16xi32>,
    %swap3A_85 = vector.shape_cast %swap3A_84 : vector<16xi32> to vector<16xi32>
    %swap3A_86 = vector.shape_cast %add3A_82 : vector<16xi32> to vector<16xi32>
    tpu.vector_store %arg6[%swap3A_83], %swap3A_86 {strides = array<i32>} : memref<4096xi32, #tpu.memory_space<vmem>>, vector<16xi32>,
    %add3A_87 = arith.constant 5 : i32
    %add3A_88 = arith.addi %mul3A_37, %add3A_87 : i32
    %mul3A_89 = arith.constant 65536 : i32
    %mul3A_90 = arith.muli %add3A_88, %mul3A_89 : i32
    %add3A_91 = vector.broadcast %mul3A_90 : i32 to vector<16xi32>
    %add3A_92 = arith.addi %add3A_91, %add3A_33 : vector<16xi32>
    %swap3A_93 = arith.constant 640 : index
    %swap3A_94 = tpu.vector_load %arg6[%swap3A_93] {strides = array<i32>} : memref<4096xi32, #tpu.memory_space<vmem>>, vector<16xi32>,
    %swap3A_95 = vector.shape_cast %swap3A_94 : vector<16xi32> to vector<16xi32>
    %swap3A_96 = vector.shape_cast %add3A_92 : vector<16xi32> to vector<16xi32>
    tpu.vector_store %arg6[%swap3A_93], %swap3A_96 {strides = array<i32>} : memref<4096xi32, #tpu.memory_space<vmem>>, vector<16xi32>,
    %add3A_97 = arith.constant 6 : i32
    %add3A_98 = arith.addi %mul3A_37, %add3A_97 : i32
    %mul3A_99 = arith.constant 65536 : i32
    %mul3A_100 = arith.muli %add3A_98, %mul3A_99 : i32
    %add3A_101 = vector.broadcast %mul3A_100 : i32 to vector<16xi32>
    %add3A_102 = arith.addi %add3A_101, %add3A_33 : vector<16xi32>
    %swap3A_103 = arith.constant 768 : index
    %swap3A_104 = tpu.vector_load %arg6[%swap3A_103] {strides = array<i32>} : memref<4096xi32, #tpu.memory_space<vmem>>, vector<16xi32>,
    %swap3A_105 = vector.shape_cast %swap3A_104 : vector<16xi32> to vector<16xi32>
    %swap3A_106 = vector.shape_cast %add3A_102 : vector<16xi32> to vector<16xi32>
    tpu.vector_store %arg6[%swap3A_103], %swap3A_106 {strides = array<i32>} : memref<4096xi32, #tpu.memory_space<vmem>>, vector<16xi32>,
    %add3A_107 = arith.constant 7 : i32
    %add3A_108 = arith.addi %mul3A_37, %add3A_107 : i32
    %mul3A_109 = arith.constant 65536 : i32
    %mul3A_110 = arith.muli %add3A_108, %mul3A_109 : i32
    %add3A_111 = vector.broadcast %mul3A_110 : i32 to vector<16xi32>
    %add3A_112 = arith.addi %add3A_111, %add3A_33 : vector<16xi32>
    %swap3A_113 = arith.constant 896 : index
    %swap3A_114 = tpu.vector_load %arg6[%swap3A_113] {strides = array<i32>} : memref<4096xi32, #tpu.memory_space<vmem>>, vector<16xi32>,
    %swap3A_115 = vector.shape_cast %swap3A_114 : vector<16xi32> to vector<16xi32>
    %swap3A_116 = vector.shape_cast %add3A_112 : vector<16xi32> to vector<16xi32>
    tpu.vector_store %arg6[%swap3A_113], %swap3A_116 {strides = array<i32>} : memref<4096xi32, #tpu.memory_space<vmem>>, vector<16xi32>,
    %get3A_117 = arith.constant 16 : index
    %get3A_118 = tpu.vector_load %arg5[%get3A_117] {strides = array<i32>} : memref<512xi32, #tpu.memory_space<vmem>>, vector<16xi32>,
    %get3A_119 = vector.shape_cast %get3A_118 : vector<16xi32> to vector<16xi32>
    %shift_right_arithmetic3A_120 = arith.constant 8 : i32
    %shift_right_arithmetic3A_121 = vector.broadcast %shift_right_arithmetic3A_120 : i32 to vector<16xi32>
    %shift_right_arithmetic3A_122 = arith.shrsi %get3A_119, %shift_right_arithmetic3A_121 : vector<16xi32>
    %and3A_123 = arith.constant 255 : i32
    %and3A_124 = vector.broadcast %and3A_123 : i32 to vector<16xi32>
    %and3A_125 = arith.andi %get3A_119, %and3A_124 : vector<16xi32>
    %shift_right_arithmetic3A_126 = arith.constant 3 : i32
    %shift_right_arithmetic3A_127 = vector.broadcast %shift_right_arithmetic3A_126 : i32 to vector<16xi32>
    %shift_right_arithmetic3A_128 = arith.shrsi %shift_right_arithmetic3A_122, %shift_right_arithmetic3A_127 : vector<16xi32>
    %shift_left3A_129 = arith.constant 11 : i32
    %shift_left3A_130 = vector.broadcast %shift_left3A_129 : i32 to vector<16xi32>
    %shift_left3A_131 = arith.shli %shift_right_arithmetic3A_128, %shift_left3A_130 : vector<16xi32>
    %shift_right_arithmetic3A_132 = arith.constant 7 : i32
    %shift_right_arithmetic3A_133 = vector.broadcast %shift_right_arithmetic3A_132 : i32 to vector<16xi32>
    %shift_right_arithmetic3A_134 = arith.shrsi %and3A_125, %shift_right_arithmetic3A_133 : vector<16xi32>
    %shift_left3A_135 = arith.constant 10 : i32
    %shift_left3A_136 = vector.broadcast %shift_left3A_135 : i32 to vector<16xi32>
    %shift_left3A_137 = arith.shli %shift_right_arithmetic3A_134, %shift_left3A_136 : vector<16xi32>
    %add3A_138 = arith.addi %shift_left3A_131, %shift_left3A_137 : vector<16xi32>
    %and3A_139 = arith.constant 7 : i32
    %and3A_140 = vector.broadcast %and3A_139 : i32 to vector<16xi32>
    %and3A_141 = arith.andi %shift_right_arithmetic3A_122, %and3A_140 : vector<16xi32>
    %shift_left3A_142 = arith.constant 7 : i32
    %shift_left3A_143 = vector.broadcast %shift_left3A_142 : i32 to vector<16xi32>
    %shift_left3A_144 = arith.shli %and3A_141, %shift_left3A_143 : vector<16xi32>
    %add3A_145 = arith.addi %add3A_138, %shift_left3A_144 : vector<16xi32>
    %and3A_146 = arith.constant 127 : i32
    %and3A_147 = vector.broadcast %and3A_146 : i32 to vector<16xi32>
    %and3A_148 = arith.andi %and3A_125, %and3A_147 : vector<16xi32>
    %add3A_149 = arith.addi %add3A_145, %and3A_148 : vector<16xi32>
    %add3A_150 = arith.constant 0 : i32
    %add3A_151 = arith.addi %mul3A_2, %add3A_150 : i32
    %mul3A_152 = arith.constant 8 : i32
    %mul3A_153 = arith.muli %add3A_151, %mul3A_152 : i32
    %add3A_154 = arith.constant 0 : i32
    %add3A_155 = arith.addi %mul3A_153, %add3A_154 : i32
    %mul3A_156 = arith.constant 65536 : i32
    %mul3A_157 = arith.muli %add3A_155, %mul3A_156 : i32
    %add3A_158 = vector.broadcast %mul3A_157 : i32 to vector<16xi32>
    %add3A_159 = arith.addi %add3A_158, %add3A_149 : vector<16xi32>
    %swap3A_160 = arith.constant 16 : index
    %swap3A_161 = tpu.vector_load %arg6[%swap3A_160] {strides = array<i32>} : memref<4096xi32, #tpu.memory_space<vmem>>, vector<16xi32>,
    %swap3A_162 = vector.shape_cast %swap3A_161 : vector<16xi32> to vector<16xi32>
    %swap3A_163 = vector.shape_cast %add3A_159 : vector<16xi32> to vector<16xi32>
    tpu.vector_store %arg6[%swap3A_160], %swap3A_163 {strides = array<i32>} : memref<4096xi32, #tpu.memory_space<vmem>>, vector<16xi32>,
    %add3A_164 = arith.constant 1 : i32
    %add3A_165 = arith.addi %mul3A_153, %add3A_164 : i32
    %mul3A_166 = arith.constant 65536 : i32
    %mul3A_167 = arith.muli %add3A_165, %mul3A_166 : i32
    %add3A_168 = vector.broadcast %mul3A_167 : i32 to vector<16xi32>
    %add3A_169 = arith.addi %add3A_168, %add3A_149 : vector<16xi32>
    %swap3A_170 = arith.constant 144 : index
    %swap3A_171 = tpu.vector_load %arg6[%swap3A_170] {strides = array<i32>} : memref<4096xi32, #tpu.memory_space<vmem>>, vector<16xi32>,
    %swap3A_172 = vector.shape_cast %swap3A_171 : vector<16xi32> to vector<16xi32>
    %swap3A_173 = vector.shape_cast %add3A_169 : vector<16xi32> to vector<16xi32>
    tpu.vector_store %arg6[%swap3A_170], %swap3A_173 {strides = array<i32>} : memref<4096xi32, #tpu.memory_space<vmem>>, vector<16xi32>,
    %add3A_174 = arith.constant 2 : i32
    %add3A_175 = arith.addi %mul3A_153, %add3A_174 : i32
    %mul3A_176 = arith.constant 65536 : i32
    %mul3A_177 = arith.muli %add3A_175, %mul3A_176 : i32
    %add3A_178 = vector.broadcast %mul3A_177 : i32 to vector<16xi32>
    %add3A_179 = arith.addi %add3A_178, %add3A_149 : vector<16xi32>
    %swap3A_180 = arith.constant 272 : index
    %swap3A_181 = tpu.vector_load %arg6[%swap3A_180] {strides = array<i32>} : memref<4096xi32, #tpu.memory_space<vmem>>, vector<16xi32>,
    %swap3A_182 = vector.shape_cast %swap3A_181 : vector<16xi32> to vector<16xi32>
    %swap3A_183 = vector.shape_cast %add3A_179 : vector<16xi32> to vector<16xi32>
    tpu.vector_store %arg6[%swap3A_180], %swap3A_183 {strides = array<i32>} : memref<4096xi32, #tpu.memory_space<vmem>>, vector<16xi32>,
    %add3A_184 = arith.constant 3 : i32
    %add3A_185 = arith.addi %mul3A_153, %add3A_184 : i32
    %mul3A_186 = arith.constant 65536 : i32
    %mul3A_187 = arith.muli %add3A_185, %mul3A_186 : i32
    %add3A_188 = vector.broadcast %mul3A_187 : i32 to vector<16xi32>
    %add3A_189 = arith.addi %add3A_188, %add3A_149 : vector<16xi32>
    %swap3A_190 = arith.constant 400 : index
    %swap3A_191 = tpu.vector_load %arg6[%swap3A_190] {strides = array<i32>} : memref<4096xi32, #tpu.memory_space<vmem>>, vector<16xi32>,
    %swap3A_192 = vector.shape_cast %swap3A_191 : vector<16xi32> to vector<16xi32>
    %swap3A_193 = vector.shape_cast %add3A_189 : vector<16xi32> to vector<16xi32>
    tpu.vector_store %arg6[%swap3A_190], %swap3A_193 {strides = array<i32>} : memref<4096xi32, #tpu.memory_space<vmem>>, vector<16xi32>,
    %add3A_194 = arith.constant 4 : i32
    %add3A_195 = arith.addi %mul3A_153, %add3A_194 : i32
    %mul3A_196 = arith.constant 65536 : i32
    %mul3A_197 = arith.muli %add3A_195, %mul3A_196 : i32
    %add3A_198 = vector.broadcast %mul3A_197 : i32 to vector<16xi32>
    %add3A_199 = arith.addi %add3A_198, %add3A_149 : vector<16xi32>
    %swap3A_200 = arith.constant 528 : index
    %swap3A_201 = tpu.vector_load %arg6[%swap3A_200] {strides = array<i32>} : memref<4096xi32, #tpu.memory_space<vmem>>, vector<16xi32>,
    %swap3A_202 = vector.shape_cast %swap3A_201 : vector<16xi32> to vector<16xi32>
    %swap3A_203 = vector.shape_cast %add3A_199 : vector<16xi32> to vector<16xi32>
    tpu.vector_store %arg6[%swap3A_200], %swap3A_203 {strides = array<i32>} : memref<4096xi32, #tpu.memory_space<vmem>>, vector<16xi32>,
    %add3A_204 = arith.constant 5 : i32
    %add3A_205 = arith.addi %mul3A_153, %add3A_204 : i32
    %mul3A_206 = arith.constant 65536 : i32
    %mul3A_207 = arith.muli %add3A_205, %mul3A_206 : i32
    %add3A_208 = vector.broadcast %mul3A_207 : i32 to vector<16xi32>
    %add3A_209 = arith.addi %add3A_208, %add3A_149 : vector<16xi32>
    %swap3A_210 = arith.constant 656 : index
    %swap3A_211 = tpu.vector_load %arg6[%swap3A_210] {strides = array<i32>} : memref<4096xi32, #tpu.memory_space<vmem>>, vector<16xi32>,
    %swap3A_212 = vector.shape_cast %swap3A_211 : vector<16xi32> to vector<16xi32>
    %swap3A_213 = vector.shape_cast %add3A_209 : vector<16xi32> to vector<16xi32>
    tpu.vector_store %arg6[%swap3A_210], %swap3A_213 {strides = array<i32>} : memref<4096xi32, #tpu.memory_space<vmem>>, vector<16xi32>,
    %add3A_214 = arith.constant 6 : i32
    %add3A_215 = arith.addi %mul3A_153, %add3A_214 : i32
    %mul3A_216 = arith.constant 65536 : i32
    %mul3A_217 = arith.muli %add3A_215, %mul3A_216 : i32
    %add3A_218 = vector.broadcast %mul3A_217 : i32 to vector<16xi32>
    %add3A_219 = arith.addi %add3A_218, %add3A_149 : vector<16xi32>
    %swap3A_220 = arith.constant 784 : index
    %swap3A_221 = tpu.vector_load %arg6[%swap3A_220] {strides = array<i32>} : memref<4096xi32, #tpu.memory_space<vmem>>, vector<16xi32>,
    %swap3A_222 = vector.shape_cast %swap3A_221 : vector<16xi32> to vector<16xi32>
    %swap3A_223 = vector.shape_cast %add3A_219 : vector<16xi32> to vector<16xi32>
    tpu.vector_store %arg6[%swap3A_220], %swap3A_223 {strides = array<i32>} : memref<4096xi32, #tpu.memory_space<vmem>>, vector<16xi32>,
    %add3A_224 = arith.constant 7 : i32
    %add3A_225 = arith.addi %mul3A_153, %add3A_224 : i32
    %mul3A_226 = arith.constant 65536 : i32
    %mul3A_227 = arith.muli %add3A_225, %mul3A_226 : i32
    %add3A_228 = vector.broadcast %mul3A_227 : i32 to vector<16xi32>
    %add3A_229 = arith.addi %add3A_228, %add3A_149 : vector<16xi32>
    %swap3A_230 = arith.constant 912 : index
    %swap3A_231 = tpu.vector_load %arg6[%swap3A_230] {strides = array<i32>} : memref<4096xi32, #tpu.memory_space<vmem>>, vector<16xi32>,
    %swap3A_232 = vector.shape_cast %swap3A_231 : vector<16xi32> to vector<16xi32>
    %swap3A_233 = vector.shape_cast %add3A_229 : vector<16xi32> to vector<16xi32>
    tpu.vector_store %arg6[%swap3A_230], %swap3A_233 {strides = array<i32>} : memref<4096xi32, #tpu.memory_space<vmem>>, vector<16xi32>,
    %get3A_234 = arith.constant 32 : index
    %get3A_235 = tpu.vector_load %arg5[%get3A_234] {strides = array<i32>} : memref<512xi32, #tpu.memory_space<vmem>>, vector<16xi32>,
    %get3A_236 = vector.shape_cast %get3A_235 : vector<16xi32> to vector<16xi32>
    %shift_right_arithmetic3A_237 = arith.constant 8 : i32
    %shift_right_arithmetic3A_238 = vector.broadcast %shift_right_arithmetic3A_237 : i32 to vector<16xi32>
    %shift_right_arithmetic3A_239 = arith.shrsi %get3A_236, %shift_right_arithmetic3A_238 : vector<16xi32>
    %and3A_240 = arith.constant 255 : i32
    %and3A_241 = vector.broadcast %and3A_240 : i32 to vector<16xi32>
    %and3A_242 = arith.andi %get3A_236, %and3A_241 : vector<16xi32>
    %shift_right_arithmetic3A_243 = arith.constant 3 : i32
    %shift_right_arithmetic3A_244 = vector.broadcast %shift_right_arithmetic3A_243 : i32 to vector<16xi32>
    %shift_right_arithmetic3A_245 = arith.shrsi %shift_right_arithmetic3A_239, %shift_right_arithmetic3A_244 : vector<16xi32>
    %shift_left3A_246 = arith.constant 11 : i32
    %shift_left3A_247 = vector.broadcast %shift_left3A_246 : i32 to vector<16xi32>
    %shift_left3A_248 = arith.shli %shift_right_arithmetic3A_245, %shift_left3A_247 : vector<16xi32>
    %shift_right_arithmetic3A_249 = arith.constant 7 : i32
    %shift_right_arithmetic3A_250 = vector.broadcast %shift_right_arithmetic3A_249 : i32 to vector<16xi32>
    %shift_right_arithmetic3A_251 = arith.shrsi %and3A_242, %shift_right_arithmetic3A_250 : vector<16xi32>
    %shift_left3A_252 = arith.constant 10 : i32
    %shift_left3A_253 = vector.broadcast %shift_left3A_252 : i32 to vector<16xi32>
    %shift_left3A_254 = arith.shli %shift_right_arithmetic3A_251, %shift_left3A_253 : vector<16xi32>
    %add3A_255 = arith.addi %shift_left3A_248, %shift_left3A_254 : vector<16xi32>
    %and3A_256 = arith.constant 7 : i32
    %and3A_257 = vector.broadcast %and3A_256 : i32 to vector<16xi32>
    %and3A_258 = arith.andi %shift_right_arithmetic3A_239, %and3A_257 : vector<16xi32>
    %shift_left3A_259 = arith.constant 7 : i32
    %shift_left3A_260 = vector.broadcast %shift_left3A_259 : i32 to vector<16xi32>
    %shift_left3A_261 = arith.shli %and3A_258, %shift_left3A_260 : vector<16xi32>
    %add3A_262 = arith.addi %add3A_255, %shift_left3A_261 : vector<16xi32>
    %and3A_263 = arith.constant 127 : i32
    %and3A_264 = vector.broadcast %and3A_263 : i32 to vector<16xi32>
    %and3A_265 = arith.andi %and3A_242, %and3A_264 : vector<16xi32>
    %add3A_266 = arith.addi %add3A_262, %and3A_265 : vector<16xi32>
    %add3A_267 = arith.constant 0 : i32
    %add3A_268 = arith.addi %mul3A_2, %add3A_267 : i32
    %mul3A_269 = arith.constant 8 : i32
    %mul3A_270 = arith.muli %add3A_268, %mul3A_269 : i32
    %add3A_271 = arith.constant 0 : i32
    %add3A_272 = arith.addi %mul3A_270, %add3A_271 : i32
    %mul3A_273 = arith.constant 65536 : i32
    %mul3A_274 = arith.muli %add3A_272, %mul3A_273 : i32
    %add3A_275 = vector.broadcast %mul3A_274 : i32 to vector<16xi32>
    %add3A_276 = arith.addi %add3A_275, %add3A_266 : vector<16xi32>
    %swap3A_277 = arith.constant 32 : index
    %swap3A_278 = tpu.vector_load %arg6[%swap3A_277] {strides = array<i32>} : memref<4096xi32, #tpu.memory_space<vmem>>, vector<16xi32>,
    %swap3A_279 = vector.shape_cast %swap3A_278 : vector<16xi32> to vector<16xi32>
    %swap3A_280 = vector.shape_cast %add3A_276 : vector<16xi32> to vector<16xi32>
    tpu.vector_store %arg6[%swap3A_277], %swap3A_280 {strides = array<i32>} : memref<4096xi32, #tpu.memory_space<vmem>>, vector<16xi32>,
    %add3A_281 = arith.constant 1 : i32
    %add3A_282 = arith.addi %mul3A_270, %add3A_281 : i32
    %mul3A_283 = arith.constant 65536 : i32
    %mul3A_284 = arith.muli %add3A_282, %mul3A_283 : i32
    %add3A_285 = vector.broadcast %mul3A_284 : i32 to vector<16xi32>
    %add3A_286 = arith.addi %add3A_285, %add3A_266 : vector<16xi32>
    %swap3A_287 = arith.constant 160 : index
    %swap3A_288 = tpu.vector_load %arg6[%swap3A_287] {strides = array<i32>} : memref<4096xi32, #tpu.memory_space<vmem>>, vector<16xi32>,
    %swap3A_289 = vector.shape_cast %swap3A_288 : vector<16xi32> to vector<16xi32>
    %swap3A_290 = vector.shape_cast %add3A_286 : vector<16xi32> to vector<16xi32>
    tpu.vector_store %arg6[%swap3A_287], %swap3A_290 {strides = array<i32>} : memref<4096xi32, #tpu.memory_space<vmem>>, vector<16xi32>,
    %add3A_291 = arith.constant 2 : i32
    %add3A_292 = arith.addi %mul3A_270, %add3A_291 : i32
    %mul3A_293 = arith.constant 65536 : i32
    %mul3A_294 = arith.muli %add3A_292, %mul3A_293 : i32
    %add3A_295 = vector.broadcast %mul3A_294 : i32 to vector<16xi32>
    %add3A_296 = arith.addi %add3A_295, %add3A_266 : vector<16xi32>
    %swap3A_297 = arith.constant 288 : index
    %swap3A_298 = tpu.vector_load %arg6[%swap3A_297] {strides = array<i32>} : memref<4096xi32, #tpu.memory_space<vmem>>, vector<16xi32>,
    %swap3A_299 = vector.shape_cast %swap3A_298 : vector<16xi32> to vector<16xi32>
    %swap3A_300 = vector.shape_cast %add3A_296 : vector<16xi32> to vector<16xi32>
    tpu.vector_store %arg6[%swap3A_297], %swap3A_300 {strides = array<i32>} : memref<4096xi32, #tpu.memory_space<vmem>>, vector<16xi32>,
    %add3A_301 = arith.constant 3 : i32
    %add3A_302 = arith.addi %mul3A_270, %add3A_301 : i32
    %mul3A_303 = arith.constant 65536 : i32
    %mul3A_304 = arith.muli %add3A_302, %mul3A_303 : i32
    %add3A_305 = vector.broadcast %mul3A_304 : i32 to vector<16xi32>
    %add3A_306 = arith.addi %add3A_305, %add3A_266 : vector<16xi32>
    %swap3A_307 = arith.constant 416 : index
    %swap3A_308 = tpu.vector_load %arg6[%swap3A_307] {strides = array<i32>} : memref<4096xi32, #tpu.memory_space<vmem>>, vector<16xi32>,
    %swap3A_309 = vector.shape_cast %swap3A_308 : vector<16xi32> to vector<16xi32>
    %swap3A_310 = vector.shape_cast %add3A_306 : vector<16xi32> to vector<16xi32>
    tpu.vector_store %arg6[%swap3A_307], %swap3A_310 {strides = array<i32>} : memref<4096xi32, #tpu.memory_space<vmem>>, vector<16xi32>,
    %add3A_311 = arith.constant 4 : i32
    %add3A_312 = arith.addi %mul3A_270, %add3A_311 : i32
    %mul3A_313 = arith.constant 65536 : i32
    %mul3A_314 = arith.muli %add3A_312, %mul3A_313 : i32
    %add3A_315 = vector.broadcast %mul3A_314 : i32 to vector<16xi32>
    %add3A_316 = arith.addi %add3A_315, %add3A_266 : vector<16xi32>
    %swap3A_317 = arith.constant 544 : index
    %swap3A_318 = tpu.vector_load %arg6[%swap3A_317] {strides = array<i32>} : memref<4096xi32, #tpu.memory_space<vmem>>, vector<16xi32>,
    %swap3A_319 = vector.shape_cast %swap3A_318 : vector<16xi32> to vector<16xi32>
    %swap3A_320 = vector.shape_cast %add3A_316 : vector<16xi32> to vector<16xi32>
    tpu.vector_store %arg6[%swap3A_317], %swap3A_320 {strides = array<i32>} : memref<4096xi32, #tpu.memory_space<vmem>>, vector<16xi32>,
    %add3A_321 = arith.constant 5 : i32
    %add3A_322 = arith.addi %mul3A_270, %add3A_321 : i32
    %mul3A_323 = arith.constant 65536 : i32
    %mul3A_324 = arith.muli %add3A_322, %mul3A_323 : i32
    %add3A_325 = vector.broadcast %mul3A_324 : i32 to vector<16xi32>
    %add3A_326 = arith.addi %add3A_325, %add3A_266 : vector<16xi32>
    %swap3A_327 = arith.constant 672 : index
    %swap3A_328 = tpu.vector_load %arg6[%swap3A_327] {strides = array<i32>} : memref<4096xi32, #tpu.memory_space<vmem>>, vector<16xi32>,
    %swap3A_329 = vector.shape_cast %swap3A_328 : vector<16xi32> to vector<16xi32>
    %swap3A_330 = vector.shape_cast %add3A_326 : vector<16xi32> to vector<16xi32>
    tpu.vector_store %arg6[%swap3A_327], %swap3A_330 {strides = array<i32>} : memref<4096xi32, #tpu.memory_space<vmem>>, vector<16xi32>,
    %add3A_331 = arith.constant 6 : i32
    %add3A_332 = arith.addi %mul3A_270, %add3A_331 : i32
    %mul3A_333 = arith.constant 65536 : i32
    %mul3A_334 = arith.muli %add3A_332, %mul3A_333 : i32
    %add3A_335 = vector.broadcast %mul3A_334 : i32 to vector<16xi32>
    %add3A_336 = arith.addi %add3A_335, %add3A_266 : vector<16xi32>
    %swap3A_337 = arith.constant 800 : index
    %swap3A_338 = tpu.vector_load %arg6[%swap3A_337] {strides = array<i32>} : memref<4096xi32, #tpu.memory_space<vmem>>, vector<16xi32>,
    %swap3A_339 = vector.shape_cast %swap3A_338 : vector<16xi32> to vector<16xi32>
    %swap3A_340 = vector.shape_cast %add3A_336 : vector<16xi32> to vector<16xi32>
    tpu.vector_store %arg6[%swap3A_337], %swap3A_340 {strides = array<i32>} : memref<4096xi32, #tpu.memory_space<vmem>>, vector<16xi32>,
    %add3A_341 = arith.constant 7 : i32
    %add3A_342 = arith.addi %mul3A_270, %add3A_341 : i32
    %mul3A_343 = arith.constant 65536 : i32
    %mul3A_344 = arith.muli %add3A_342, %mul3A_343 : i32
    %add3A_345 = vector.broadcast %mul3A_344 : i32 to vector<16xi32>
    %add3A_346 = arith.addi %add3A_345, %add3A_266 : vector<16xi32>
    %swap3A_347 = arith.constant 928 : index
    %swap3A_348 = tpu.vector_load %arg6[%swap3A_347] {strides = array<i32>} : memref<4096xi32, #tpu.memory_space<vmem>>, vector<16xi32>,
    %swap3A_349 = vector.shape_cast %swap3A_348 : vector<16xi32> to vector<16xi32>
    %swap3A_350 = vector.shape_cast %add3A_346 : vector<16xi32> to vector<16xi32>
    tpu.vector_store %arg6[%swap3A_347], %swap3A_350 {strides = array<i32>} : memref<4096xi32, #tpu.memory_space<vmem>>, vector<16xi32>,
    %get3A_351 = arith.constant 48 : index
    %get3A_352 = tpu.vector_load %arg5[%get3A_351] {strides = array<i32>} : memref<512xi32, #tpu.memory_space<vmem>>, vector<16xi32>,
    %get3A_353 = vector.shape_cast %get3A_352 : vector<16xi32> to vector<16xi32>
    %shift_right_arithmetic3A_354 = arith.constant 8 : i32
    %shift_right_arithmetic3A_355 = vector.broadcast %shift_right_arithmetic3A_354 : i32 to vector<16xi32>
    %shift_right_arithmetic3A_356 = arith.shrsi %get3A_353, %shift_right_arithmetic3A_355 : vector<16xi32>
    %and3A_357 = arith.constant 255 : i32
    %and3A_358 = vector.broadcast %and3A_357 : i32 to vector<16xi32>
    %and3A_359 = arith.andi %get3A_353, %and3A_358 : vector<16xi32>
    %shift_right_arithmetic3A_360 = arith.constant 3 : i32
    %shift_right_arithmetic3A_361 = vector.broadcast %shift_right_arithmetic3A_360 : i32 to vector<16xi32>
    %shift_right_arithmetic3A_362 = arith.shrsi %shift_right_arithmetic3A_356, %shift_right_arithmetic3A_361 : vector<16xi32>
    %shift_left3A_363 = arith.constant 11 : i32
    %shift_left3A_364 = vector.broadcast %shift_left3A_363 : i32 to vector<16xi32>
    %shift_left3A_365 = arith.shli %shift_right_arithmetic3A_362, %shift_left3A_364 : vector<16xi32>
    %shift_right_arithmetic3A_366 = arith.constant 7 : i32
    %shift_right_arithmetic3A_367 = vector.broadcast %shift_right_arithmetic3A_366 : i32 to vector<16xi32>
    %shift_right_arithmetic3A_368 = arith.shrsi %and3A_359, %shift_right_arithmetic3A_367 : vector<16xi32>
    %shift_left3A_369 = arith.constant 10 : i32
    %shift_left3A_370 = vector.broadcast %shift_left3A_369 : i32 to vector<16xi32>
    %shift_left3A_371 = arith.shli %shift_right_arithmetic3A_368, %shift_left3A_370 : vector<16xi32>
    %add3A_372 = arith.addi %shift_left3A_365, %shift_left3A_371 : vector<16xi32>
    %and3A_373 = arith.constant 7 : i32
    %and3A_374 = vector.broadcast %and3A_373 : i32 to vector<16xi32>
    %and3A_375 = arith.andi %shift_right_arithmetic3A_356, %and3A_374 : vector<16xi32>
    %shift_left3A_376 = arith.constant 7 : i32
    %shift_left3A_377 = vector.broadcast %shift_left3A_376 : i32 to vector<16xi32>
    %shift_left3A_378 = arith.shli %and3A_375, %shift_left3A_377 : vector<16xi32>
    %add3A_379 = arith.addi %add3A_372, %shift_left3A_378 : vector<16xi32>
    %and3A_380 = arith.constant 127 : i32
    %and3A_381 = vector.broadcast %and3A_380 : i32 to vector<16xi32>
    %and3A_382 = arith.andi %and3A_359, %and3A_381 : vector<16xi32>
    %add3A_383 = arith.addi %add3A_379, %and3A_382 : vector<16xi32>
    %add3A_384 = arith.constant 0 : i32
    %add3A_385 = arith.addi %mul3A_2, %add3A_384 : i32
    %mul3A_386 = arith.constant 8 : i32
    %mul3A_387 = arith.muli %add3A_385, %mul3A_386 : i32
    %add3A_388 = arith.constant 0 : i32
    %add3A_389 = arith.addi %mul3A_387, %add3A_388 : i32
    %mul3A_390 = arith.constant 65536 : i32
    %mul3A_391 = arith.muli %add3A_389, %mul3A_390 : i32
    %add3A_392 = vector.broadcast %mul3A_391 : i32 to vector<16xi32>
    %add3A_393 = arith.addi %add3A_392, %add3A_383 : vector<16xi32>
    %swap3A_394 = arith.constant 48 : index
    %swap3A_395 = tpu.vector_load %arg6[%swap3A_394] {strides = array<i32>} : memref<4096xi32, #tpu.memory_space<vmem>>, vector<16xi32>,
    %swap3A_396 = vector.shape_cast %swap3A_395 : vector<16xi32> to vector<16xi32>
    %swap3A_397 = vector.shape_cast %add3A_393 : vector<16xi32> to vector<16xi32>
    tpu.vector_store %arg6[%swap3A_394], %swap3A_397 {strides = array<i32>} : memref<4096xi32, #tpu.memory_space<vmem>>, vector<16xi32>,
    %add3A_398 = arith.constant 1 : i32
    %add3A_399 = arith.addi %mul3A_387, %add3A_398 : i32
    %mul3A_400 = arith.constant 65536 : i32
    %mul3A_401 = arith.muli %add3A_399, %mul3A_400 : i32
    %add3A_402 = vector.broadcast %mul3A_401 : i32 to vector<16xi32>
    %add3A_403 = arith.addi %add3A_402, %add3A_383 : vector<16xi32>
    %swap3A_404 = arith.constant 176 : index
    %swap3A_405 = tpu.vector_load %arg6[%swap3A_404] {strides = array<i32>} : memref<4096xi32, #tpu.memory_space<vmem>>, vector<16xi32>,
    %swap3A_406 = vector.shape_cast %swap3A_405 : vector<16xi32> to vector<16xi32>
    %swap3A_407 = vector.shape_cast %add3A_403 : vector<16xi32> to vector<16xi32>
    tpu.vector_store %arg6[%swap3A_404], %swap3A_407 {strides = array<i32>} : memref<4096xi32, #tpu.memory_space<vmem>>, vector<16xi32>,
    %add3A_408 = arith.constant 2 : i32
    %add3A_409 = arith.addi %mul3A_387, %add3A_408 : i32
    %mul3A_410 = arith.constant 65536 : i32
    %mul3A_411 = arith.muli %add3A_409, %mul3A_410 : i32
    %add3A_412 = vector.broadcast %mul3A_411 : i32 to vector<16xi32>
    %add3A_413 = arith.addi %add3A_412, %add3A_383 : vector<16xi32>
    %swap3A_414 = arith.constant 304 : index
    %swap3A_415 = tpu.vector_load %arg6[%swap3A_414] {strides = array<i32>} : memref<4096xi32, #tpu.memory_space<vmem>>, vector<16xi32>,
    %swap3A_416 = vector.shape_cast %swap3A_415 : vector<16xi32> to vector<16xi32>
    %swap3A_417 = vector.shape_cast %add3A_413 : vector<16xi32> to vector<16xi32>
    tpu.vector_store %arg6[%swap3A_414], %swap3A_417 {strides = array<i32>} : memref<4096xi32, #tpu.memory_space<vmem>>, vector<16xi32>,
    %add3A_418 = arith.constant 3 : i32
    %add3A_419 = arith.addi %mul3A_387, %add3A_418 : i32
    %mul3A_420 = arith.constant 65536 : i32
    %mul3A_421 = arith.muli %add3A_419, %mul3A_420 : i32
    %add3A_422 = vector.broadcast %mul3A_421 : i32 to vector<16xi32>
    %add3A_423 = arith.addi %add3A_422, %add3A_383 : vector<16xi32>
    %swap3A_424 = arith.constant 432 : index
    %swap3A_425 = tpu.vector_load %arg6[%swap3A_424] {strides = array<i32>} : memref<4096xi32, #tpu.memory_space<vmem>>, vector<16xi32>,
    %swap3A_426 = vector.shape_cast %swap3A_425 : vector<16xi32> to vector<16xi32>
    %swap3A_427 = vector.shape_cast %add3A_423 : vector<16xi32> to vector<16xi32>
    tpu.vector_store %arg6[%swap3A_424], %swap3A_427 {strides = array<i32>} : memref<4096xi32, #tpu.memory_space<vmem>>, vector<16xi32>,
    %add3A_428 = arith.constant 4 : i32
    %add3A_429 = arith.addi %mul3A_387, %add3A_428 : i32
    %mul3A_430 = arith.constant 65536 : i32
    %mul3A_431 = arith.muli %add3A_429, %mul3A_430 : i32
    %add3A_432 = vector.broadcast %mul3A_431 : i32 to vector<16xi32>
    %add3A_433 = arith.addi %add3A_432, %add3A_383 : vector<16xi32>
    %swap3A_434 = arith.constant 560 : index
    %swap3A_435 = tpu.vector_load %arg6[%swap3A_434] {strides = array<i32>} : memref<4096xi32, #tpu.memory_space<vmem>>, vector<16xi32>,
    %swap3A_436 = vector.shape_cast %swap3A_435 : vector<16xi32> to vector<16xi32>
    %swap3A_437 = vector.shape_cast %add3A_433 : vector<16xi32> to vector<16xi32>
    tpu.vector_store %arg6[%swap3A_434], %swap3A_437 {strides = array<i32>} : memref<4096xi32, #tpu.memory_space<vmem>>, vector<16xi32>,
    %add3A_438 = arith.constant 5 : i32
    %add3A_439 = arith.addi %mul3A_387, %add3A_438 : i32
    %mul3A_440 = arith.constant 65536 : i32
    %mul3A_441 = arith.muli %add3A_439, %mul3A_440 : i32
    %add3A_442 = vector.broadcast %mul3A_441 : i32 to vector<16xi32>
    %add3A_443 = arith.addi %add3A_442, %add3A_383 : vector<16xi32>
    %swap3A_444 = arith.constant 688 : index
    %swap3A_445 = tpu.vector_load %arg6[%swap3A_444] {strides = array<i32>} : memref<4096xi32, #tpu.memory_space<vmem>>, vector<16xi32>,
    %swap3A_446 = vector.shape_cast %swap3A_445 : vector<16xi32> to vector<16xi32>
    %swap3A_447 = vector.shape_cast %add3A_443 : vector<16xi32> to vector<16xi32>
    tpu.vector_store %arg6[%swap3A_444], %swap3A_447 {strides = array<i32>} : memref<4096xi32, #tpu.memory_space<vmem>>, vector<16xi32>,
    %add3A_448 = arith.constant 6 : i32
    %add3A_449 = arith.addi %mul3A_387, %add3A_448 : i32
    %mul3A_450 = arith.constant 65536 : i32
    %mul3A_451 = arith.muli %add3A_449, %mul3A_450 : i32
    %add3A_452 = vector.broadcast %mul3A_451 : i32 to vector<16xi32>
    %add3A_453 = arith.addi %add3A_452, %add3A_383 : vector<16xi32>
    %swap3A_454 = arith.constant 816 : index
    %swap3A_455 = tpu.vector_load %arg6[%swap3A_454] {strides = array<i32>} : memref<4096xi32, #tpu.memory_space<vmem>>, vector<16xi32>,
    %swap3A_456 = vector.shape_cast %swap3A_455 : vector<16xi32> to vector<16xi32>
    %swap3A_457 = vector.shape_cast %add3A_453 : vector<16xi32> to vector<16xi32>
    tpu.vector_store %arg6[%swap3A_454], %swap3A_457 {strides = array<i32>} : memref<4096xi32, #tpu.memory_space<vmem>>, vector<16xi32>,
    %add3A_458 = arith.constant 7 : i32
    %add3A_459 = arith.addi %mul3A_387, %add3A_458 : i32
    %mul3A_460 = arith.constant 65536 : i32
    %mul3A_461 = arith.muli %add3A_459, %mul3A_460 : i32
    %add3A_462 = vector.broadcast %mul3A_461 : i32 to vector<16xi32>
    %add3A_463 = arith.addi %add3A_462, %add3A_383 : vector<16xi32>
    %swap3A_464 = arith.constant 944 : index
    %swap3A_465 = tpu.vector_load %arg6[%swap3A_464] {strides = array<i32>} : memref<4096xi32, #tpu.memory_space<vmem>>, vector<16xi32>,
    %swap3A_466 = vector.shape_cast %swap3A_465 : vector<16xi32> to vector<16xi32>
    %swap3A_467 = vector.shape_cast %add3A_463 : vector<16xi32> to vector<16xi32>
    tpu.vector_store %arg6[%swap3A_464], %swap3A_467 {strides = array<i32>} : memref<4096xi32, #tpu.memory_space<vmem>>, vector<16xi32>,
    %get3A_468 = arith.constant 64 : index
    %get3A_469 = tpu.vector_load %arg5[%get3A_468] {strides = array<i32>} : memref<512xi32, #tpu.memory_space<vmem>>, vector<16xi32>,
    %get3A_470 = vector.shape_cast %get3A_469 : vector<16xi32> to vector<16xi32>
    %shift_right_arithmetic3A_471 = arith.constant 8 : i32
    %shift_right_arithmetic3A_472 = vector.broadcast %shift_right_arithmetic3A_471 : i32 to vector<16xi32>
    %shift_right_arithmetic3A_473 = arith.shrsi %get3A_470, %shift_right_arithmetic3A_472 : vector<16xi32>
    %and3A_474 = arith.constant 255 : i32
    %and3A_475 = vector.broadcast %and3A_474 : i32 to vector<16xi32>
    %and3A_476 = arith.andi %get3A_470, %and3A_475 : vector<16xi32>
    %shift_right_arithmetic3A_477 = arith.constant 3 : i32
    %shift_right_arithmetic3A_478 = vector.broadcast %shift_right_arithmetic3A_477 : i32 to vector<16xi32>
    %shift_right_arithmetic3A_479 = arith.shrsi %shift_right_arithmetic3A_473, %shift_right_arithmetic3A_478 : vector<16xi32>
    %shift_left3A_480 = arith.constant 11 : i32
    %shift_left3A_481 = vector.broadcast %shift_left3A_480 : i32 to vector<16xi32>
    %shift_left3A_482 = arith.shli %shift_right_arithmetic3A_479, %shift_left3A_481 : vector<16xi32>
    %shift_right_arithmetic3A_483 = arith.constant 7 : i32
    %shift_right_arithmetic3A_484 = vector.broadcast %shift_right_arithmetic3A_483 : i32 to vector<16xi32>
    %shift_right_arithmetic3A_485 = arith.shrsi %and3A_476, %shift_right_arithmetic3A_484 : vector<16xi32>
    %shift_left3A_486 = arith.constant 10 : i32
    %shift_left3A_487 = vector.broadcast %shift_left3A_486 : i32 to vector<16xi32>
    %shift_left3A_488 = arith.shli %shift_right_arithmetic3A_485, %shift_left3A_487 : vector<16xi32>
    %add3A_489 = arith.addi %shift_left3A_482, %shift_left3A_488 : vector<16xi32>
    %and3A_490 = arith.constant 7 : i32
    %and3A_491 = vector.broadcast %and3A_490 : i32 to vector<16xi32>
    %and3A_492 = arith.andi %shift_right_arithmetic3A_473, %and3A_491 : vector<16xi32>
    %shift_left3A_493 = arith.constant 7 : i32
    %shift_left3A_494 = vector.broadcast %shift_left3A_493 : i32 to vector<16xi32>
    %shift_left3A_495 = arith.shli %and3A_492, %shift_left3A_494 : vector<16xi32>
    %add3A_496 = arith.addi %add3A_489, %shift_left3A_495 : vector<16xi32>
    %and3A_497 = arith.constant 127 : i32
    %and3A_498 = vector.broadcast %and3A_497 : i32 to vector<16xi32>
    %and3A_499 = arith.andi %and3A_476, %and3A_498 : vector<16xi32>
    %add3A_500 = arith.addi %add3A_496, %and3A_499 : vector<16xi32>
    %add3A_501 = arith.constant 0 : i32
    %add3A_502 = arith.addi %mul3A_2, %add3A_501 : i32
    %mul3A_503 = arith.constant 8 : i32
    %mul3A_504 = arith.muli %add3A_502, %mul3A_503 : i32
    %add3A_505 = arith.constant 0 : i32
    %add3A_506 = arith.addi %mul3A_504, %add3A_505 : i32
    %mul3A_507 = arith.constant 65536 : i32
    %mul3A_508 = arith.muli %add3A_506, %mul3A_507 : i32
    %add3A_509 = vector.broadcast %mul3A_508 : i32 to vector<16xi32>
    %add3A_510 = arith.addi %add3A_509, %add3A_500 : vector<16xi32>
    %swap3A_511 = arith.constant 64 : index
    %swap3A_512 = tpu.vector_load %arg6[%swap3A_511] {strides = array<i32>} : memref<4096xi32, #tpu.memory_space<vmem>>, vector<16xi32>,
    %swap3A_513 = vector.shape_cast %swap3A_512 : vector<16xi32> to vector<16xi32>
    %swap3A_514 = vector.shape_cast %add3A_510 : vector<16xi32> to vector<16xi32>
    tpu.vector_store %arg6[%swap3A_511], %swap3A_514 {strides = array<i32>} : memref<4096xi32, #tpu.memory_space<vmem>>, vector<16xi32>,
    %add3A_515 = arith.constant 1 : i32
    %add3A_516 = arith.addi %mul3A_504, %add3A_515 : i32
    %mul3A_517 = arith.constant 65536 : i32
    %mul3A_518 = arith.muli %add3A_516, %mul3A_517 : i32
    %add3A_519 = vector.broadcast %mul3A_518 : i32 to vector<16xi32>
    %add3A_520 = arith.addi %add3A_519, %add3A_500 : vector<16xi32>
    %swap3A_521 = arith.constant 192 : index
    %swap3A_522 = tpu.vector_load %arg6[%swap3A_521] {strides = array<i32>} : memref<4096xi32, #tpu.memory_space<vmem>>, vector<16xi32>,
    %swap3A_523 = vector.shape_cast %swap3A_522 : vector<16xi32> to vector<16xi32>
    %swap3A_524 = vector.shape_cast %add3A_520 : vector<16xi32> to vector<16xi32>
    tpu.vector_store %arg6[%swap3A_521], %swap3A_524 {strides = array<i32>} : memref<4096xi32, #tpu.memory_space<vmem>>, vector<16xi32>,
    %add3A_525 = arith.constant 2 : i32
    %add3A_526 = arith.addi %mul3A_504, %add3A_525 : i32
    %mul3A_527 = arith.constant 65536 : i32
    %mul3A_528 = arith.muli %add3A_526, %mul3A_527 : i32
    %add3A_529 = vector.broadcast %mul3A_528 : i32 to vector<16xi32>
    %add3A_530 = arith.addi %add3A_529, %add3A_500 : vector<16xi32>
    %swap3A_531 = arith.constant 320 : index
    %swap3A_532 = tpu.vector_load %arg6[%swap3A_531] {strides = array<i32>} : memref<4096xi32, #tpu.memory_space<vmem>>, vector<16xi32>,
    %swap3A_533 = vector.shape_cast %swap3A_532 : vector<16xi32> to vector<16xi32>
    %swap3A_534 = vector.shape_cast %add3A_530 : vector<16xi32> to vector<16xi32>
    tpu.vector_store %arg6[%swap3A_531], %swap3A_534 {strides = array<i32>} : memref<4096xi32, #tpu.memory_space<vmem>>, vector<16xi32>,
    %add3A_535 = arith.constant 3 : i32
    %add3A_536 = arith.addi %mul3A_504, %add3A_535 : i32
    %mul3A_537 = arith.constant 65536 : i32
    %mul3A_538 = arith.muli %add3A_536, %mul3A_537 : i32
    %add3A_539 = vector.broadcast %mul3A_538 : i32 to vector<16xi32>
    %add3A_540 = arith.addi %add3A_539, %add3A_500 : vector<16xi32>
    %swap3A_541 = arith.constant 448 : index
    %swap3A_542 = tpu.vector_load %arg6[%swap3A_541] {strides = array<i32>} : memref<4096xi32, #tpu.memory_space<vmem>>, vector<16xi32>,
    %swap3A_543 = vector.shape_cast %swap3A_542 : vector<16xi32> to vector<16xi32>
    %swap3A_544 = vector.shape_cast %add3A_540 : vector<16xi32> to vector<16xi32>
    tpu.vector_store %arg6[%swap3A_541], %swap3A_544 {strides = array<i32>} : memref<4096xi32, #tpu.memory_space<vmem>>, vector<16xi32>,
    %add3A_545 = arith.constant 4 : i32
    %add3A_546 = arith.addi %mul3A_504, %add3A_545 : i32
    %mul3A_547 = arith.constant 65536 : i32
    %mul3A_548 = arith.muli %add3A_546, %mul3A_547 : i32
    %add3A_549 = vector.broadcast %mul3A_548 : i32 to vector<16xi32>
    %add3A_550 = arith.addi %add3A_549, %add3A_500 : vector<16xi32>
    %swap3A_551 = arith.constant 576 : index
    %swap3A_552 = tpu.vector_load %arg6[%swap3A_551] {strides = array<i32>} : memref<4096xi32, #tpu.memory_space<vmem>>, vector<16xi32>,
    %swap3A_553 = vector.shape_cast %swap3A_552 : vector<16xi32> to vector<16xi32>
    %swap3A_554 = vector.shape_cast %add3A_550 : vector<16xi32> to vector<16xi32>
    tpu.vector_store %arg6[%swap3A_551], %swap3A_554 {strides = array<i32>} : memref<4096xi32, #tpu.memory_space<vmem>>, vector<16xi32>,
    %add3A_555 = arith.constant 5 : i32
    %add3A_556 = arith.addi %mul3A_504, %add3A_555 : i32
    %mul3A_557 = arith.constant 65536 : i32
    %mul3A_558 = arith.muli %add3A_556, %mul3A_557 : i32
    %add3A_559 = vector.broadcast %mul3A_558 : i32 to vector<16xi32>
    %add3A_560 = arith.addi %add3A_559, %add3A_500 : vector<16xi32>
    %swap3A_561 = arith.constant 704 : index
    %swap3A_562 = tpu.vector_load %arg6[%swap3A_561] {strides = array<i32>} : memref<4096xi32, #tpu.memory_space<vmem>>, vector<16xi32>,
    %swap3A_563 = vector.shape_cast %swap3A_562 : vector<16xi32> to vector<16xi32>
    %swap3A_564 = vector.shape_cast %add3A_560 : vector<16xi32> to vector<16xi32>
    tpu.vector_store %arg6[%swap3A_561], %swap3A_564 {strides = array<i32>} : memref<4096xi32, #tpu.memory_space<vmem>>, vector<16xi32>,
    %add3A_565 = arith.constant 6 : i32
    %add3A_566 = arith.addi %mul3A_504, %add3A_565 : i32
    %mul3A_567 = arith.constant 65536 : i32
    %mul3A_568 = arith.muli %add3A_566, %mul3A_567 : i32
    %add3A_569 = vector.broadcast %mul3A_568 : i32 to vector<16xi32>
    %add3A_570 = arith.addi %add3A_569, %add3A_500 : vector<16xi32>
    %swap3A_571 = arith.constant 832 : index
    %swap3A_572 = tpu.vector_load %arg6[%swap3A_571] {strides = array<i32>} : memref<4096xi32, #tpu.memory_space<vmem>>, vector<16xi32>,
    %swap3A_573 = vector.shape_cast %swap3A_572 : vector<16xi32> to vector<16xi32>
    %swap3A_574 = vector.shape_cast %add3A_570 : vector<16xi32> to vector<16xi32>
    tpu.vector_store %arg6[%swap3A_571], %swap3A_574 {strides = array<i32>} : memref<4096xi32, #tpu.memory_space<vmem>>, vector<16xi32>,
    %add3A_575 = arith.constant 7 : i32
    %add3A_576 = arith.addi %mul3A_504, %add3A_575 : i32
    %mul3A_577 = arith.constant 65536 : i32
    %mul3A_578 = arith.muli %add3A_576, %mul3A_577 : i32
    %add3A_579 = vector.broadcast %mul3A_578 : i32 to vector<16xi32>
    %add3A_580 = arith.addi %add3A_579, %add3A_500 : vector<16xi32>
    %swap3A_581 = arith.constant 960 : index
    %swap3A_582 = tpu.vector_load %arg6[%swap3A_581] {strides = array<i32>} : memref<4096xi32, #tpu.memory_space<vmem>>, vector<16xi32>,
    %swap3A_583 = vector.shape_cast %swap3A_582 : vector<16xi32> to vector<16xi32>
    %swap3A_584 = vector.shape_cast %add3A_580 : vector<16xi32> to vector<16xi32>
    tpu.vector_store %arg6[%swap3A_581], %swap3A_584 {strides = array<i32>} : memref<4096xi32, #tpu.memory_space<vmem>>, vector<16xi32>,
    %get3A_585 = arith.constant 80 : index
    %get3A_586 = tpu.vector_load %arg5[%get3A_585] {strides = array<i32>} : memref<512xi32, #tpu.memory_space<vmem>>, vector<16xi32>,
    %get3A_587 = vector.shape_cast %get3A_586 : vector<16xi32> to vector<16xi32>
    %shift_right_arithmetic3A_588 = arith.constant 8 : i32
    %shift_right_arithmetic3A_589 = vector.broadcast %shift_right_arithmetic3A_588 : i32 to vector<16xi32>
    %shift_right_arithmetic3A_590 = arith.shrsi %get3A_587, %shift_right_arithmetic3A_589 : vector<16xi32>
    %and3A_591 = arith.constant 255 : i32
    %and3A_592 = vector.broadcast %and3A_591 : i32 to vector<16xi32>
    %and3A_593 = arith.andi %get3A_587, %and3A_592 : vector<16xi32>
    %shift_right_arithmetic3A_594 = arith.constant 3 : i32
    %shift_right_arithmetic3A_595 = vector.broadcast %shift_right_arithmetic3A_594 : i32 to vector<16xi32>
    %shift_right_arithmetic3A_596 = arith.shrsi %shift_right_arithmetic3A_590, %shift_right_arithmetic3A_595 : vector<16xi32>
    %shift_left3A_597 = arith.constant 11 : i32
    %shift_left3A_598 = vector.broadcast %shift_left3A_597 : i32 to vector<16xi32>
    %shift_left3A_599 = arith.shli %shift_right_arithmetic3A_596, %shift_left3A_598 : vector<16xi32>
    %shift_right_arithmetic3A_600 = arith.constant 7 : i32
    %shift_right_arithmetic3A_601 = vector.broadcast %shift_right_arithmetic3A_600 : i32 to vector<16xi32>
    %shift_right_arithmetic3A_602 = arith.shrsi %and3A_593, %shift_right_arithmetic3A_601 : vector<16xi32>
    %shift_left3A_603 = arith.constant 10 : i32
    %shift_left3A_604 = vector.broadcast %shift_left3A_603 : i32 to vector<16xi32>
    %shift_left3A_605 = arith.shli %shift_right_arithmetic3A_602, %shift_left3A_604 : vector<16xi32>
    %add3A_606 = arith.addi %shift_left3A_599, %shift_left3A_605 : vector<16xi32>
    %and3A_607 = arith.constant 7 : i32
    %and3A_608 = vector.broadcast %and3A_607 : i32 to vector<16xi32>
    %and3A_609 = arith.andi %shift_right_arithmetic3A_590, %and3A_608 : vector<16xi32>
    %shift_left3A_610 = arith.constant 7 : i32
    %shift_left3A_611 = vector.broadcast %shift_left3A_610 : i32 to vector<16xi32>
    %shift_left3A_612 = arith.shli %and3A_609, %shift_left3A_611 : vector<16xi32>
    %add3A_613 = arith.addi %add3A_606, %shift_left3A_612 : vector<16xi32>
    %and3A_614 = arith.constant 127 : i32
    %and3A_615 = vector.broadcast %and3A_614 : i32 to vector<16xi32>
    %and3A_616 = arith.andi %and3A_593, %and3A_615 : vector<16xi32>
    %add3A_617 = arith.addi %add3A_613, %and3A_616 : vector<16xi32>
    %add3A_618 = arith.constant 0 : i32
    %add3A_619 = arith.addi %mul3A_2, %add3A_618 : i32
    %mul3A_620 = arith.constant 8 : i32
    %mul3A_621 = arith.muli %add3A_619, %mul3A_620 : i32
    %add3A_622 = arith.constant 0 : i32
    %add3A_623 = arith.addi %mul3A_621, %add3A_622 : i32
    %mul3A_624 = arith.constant 65536 : i32
    %mul3A_625 = arith.muli %add3A_623, %mul3A_624 : i32
    %add3A_626 = vector.broadcast %mul3A_625 : i32 to vector<16xi32>
    %add3A_627 = arith.addi %add3A_626, %add3A_617 : vector<16xi32>
    %swap3A_628 = arith.constant 80 : index
    %swap3A_629 = tpu.vector_load %arg6[%swap3A_628] {strides = array<i32>} : memref<4096xi32, #tpu.memory_space<vmem>>, vector<16xi32>,
    %swap3A_630 = vector.shape_cast %swap3A_629 : vector<16xi32> to vector<16xi32>
    %swap3A_631 = vector.shape_cast %add3A_627 : vector<16xi32> to vector<16xi32>
    tpu.vector_store %arg6[%swap3A_628], %swap3A_631 {strides = array<i32>} : memref<4096xi32, #tpu.memory_space<vmem>>, vector<16xi32>,
    %add3A_632 = arith.constant 1 : i32
    %add3A_633 = arith.addi %mul3A_621, %add3A_632 : i32
    %mul3A_634 = arith.constant 65536 : i32
    %mul3A_635 = arith.muli %add3A_633, %mul3A_634 : i32
    %add3A_636 = vector.broadcast %mul3A_635 : i32 to vector<16xi32>
    %add3A_637 = arith.addi %add3A_636, %add3A_617 : vector<16xi32>
    %swap3A_638 = arith.constant 208 : index
    %swap3A_639 = tpu.vector_load %arg6[%swap3A_638] {strides = array<i32>} : memref<4096xi32, #tpu.memory_space<vmem>>, vector<16xi32>,
    %swap3A_640 = vector.shape_cast %swap3A_639 : vector<16xi32> to vector<16xi32>
    %swap3A_641 = vector.shape_cast %add3A_637 : vector<16xi32> to vector<16xi32>
    tpu.vector_store %arg6[%swap3A_638], %swap3A_641 {strides = array<i32>} : memref<4096xi32, #tpu.memory_space<vmem>>, vector<16xi32>,
    %add3A_642 = arith.constant 2 : i32
    %add3A_643 = arith.addi %mul3A_621, %add3A_642 : i32
    %mul3A_644 = arith.constant 65536 : i32
    %mul3A_645 = arith.muli %add3A_643, %mul3A_644 : i32
    %add3A_646 = vector.broadcast %mul3A_645 : i32 to vector<16xi32>
    %add3A_647 = arith.addi %add3A_646, %add3A_617 : vector<16xi32>
    %swap3A_648 = arith.constant 336 : index
    %swap3A_649 = tpu.vector_load %arg6[%swap3A_648] {strides = array<i32>} : memref<4096xi32, #tpu.memory_space<vmem>>, vector<16xi32>,
    %swap3A_650 = vector.shape_cast %swap3A_649 : vector<16xi32> to vector<16xi32>
    %swap3A_651 = vector.shape_cast %add3A_647 : vector<16xi32> to vector<16xi32>
    tpu.vector_store %arg6[%swap3A_648], %swap3A_651 {strides = array<i32>} : memref<4096xi32, #tpu.memory_space<vmem>>, vector<16xi32>,
    %add3A_652 = arith.constant 3 : i32
    %add3A_653 = arith.addi %mul3A_621, %add3A_652 : i32
    %mul3A_654 = arith.constant 65536 : i32
    %mul3A_655 = arith.muli %add3A_653, %mul3A_654 : i32
    %add3A_656 = vector.broadcast %mul3A_655 : i32 to vector<16xi32>
    %add3A_657 = arith.addi %add3A_656, %add3A_617 : vector<16xi32>
    %swap3A_658 = arith.constant 464 : index
    %swap3A_659 = tpu.vector_load %arg6[%swap3A_658] {strides = array<i32>} : memref<4096xi32, #tpu.memory_space<vmem>>, vector<16xi32>,
    %swap3A_660 = vector.shape_cast %swap3A_659 : vector<16xi32> to vector<16xi32>
    %swap3A_661 = vector.shape_cast %add3A_657 : vector<16xi32> to vector<16xi32>
    tpu.vector_store %arg6[%swap3A_658], %swap3A_661 {strides = array<i32>} : memref<4096xi32, #tpu.memory_space<vmem>>, vector<16xi32>,
    %add3A_662 = arith.constant 4 : i32
    %add3A_663 = arith.addi %mul3A_621, %add3A_662 : i32
    %mul3A_664 = arith.constant 65536 : i32
    %mul3A_665 = arith.muli %add3A_663, %mul3A_664 : i32
    %add3A_666 = vector.broadcast %mul3A_665 : i32 to vector<16xi32>
    %add3A_667 = arith.addi %add3A_666, %add3A_617 : vector<16xi32>
    %swap3A_668 = arith.constant 592 : index
    %swap3A_669 = tpu.vector_load %arg6[%swap3A_668] {strides = array<i32>} : memref<4096xi32, #tpu.memory_space<vmem>>, vector<16xi32>,
    %swap3A_670 = vector.shape_cast %swap3A_669 : vector<16xi32> to vector<16xi32>
    %swap3A_671 = vector.shape_cast %add3A_667 : vector<16xi32> to vector<16xi32>
    tpu.vector_store %arg6[%swap3A_668], %swap3A_671 {strides = array<i32>} : memref<4096xi32, #tpu.memory_space<vmem>>, vector<16xi32>,
    %add3A_672 = arith.constant 5 : i32
    %add3A_673 = arith.addi %mul3A_621, %add3A_672 : i32
    %mul3A_674 = arith.constant 65536 : i32
    %mul3A_675 = arith.muli %add3A_673, %mul3A_674 : i32
    %add3A_676 = vector.broadcast %mul3A_675 : i32 to vector<16xi32>
    %add3A_677 = arith.addi %add3A_676, %add3A_617 : vector<16xi32>
    %swap3A_678 = arith.constant 720 : index
    %swap3A_679 = tpu.vector_load %arg6[%swap3A_678] {strides = array<i32>} : memref<4096xi32, #tpu.memory_space<vmem>>, vector<16xi32>,
    %swap3A_680 = vector.shape_cast %swap3A_679 : vector<16xi32> to vector<16xi32>
    %swap3A_681 = vector.shape_cast %add3A_677 : vector<16xi32> to vector<16xi32>
    tpu.vector_store %arg6[%swap3A_678], %swap3A_681 {strides = array<i32>} : memref<4096xi32, #tpu.memory_space<vmem>>, vector<16xi32>,
    %add3A_682 = arith.constant 6 : i32
    %add3A_683 = arith.addi %mul3A_621, %add3A_682 : i32
    %mul3A_684 = arith.constant 65536 : i32
    %mul3A_685 = arith.muli %add3A_683, %mul3A_684 : i32
    %add3A_686 = vector.broadcast %mul3A_685 : i32 to vector<16xi32>
    %add3A_687 = arith.addi %add3A_686, %add3A_617 : vector<16xi32>
    %swap3A_688 = arith.constant 848 : index
    %swap3A_689 = tpu.vector_load %arg6[%swap3A_688] {strides = array<i32>} : memref<4096xi32, #tpu.memory_space<vmem>>, vector<16xi32>,
    %swap3A_690 = vector.shape_cast %swap3A_689 : vector<16xi32> to vector<16xi32>
    %swap3A_691 = vector.shape_cast %add3A_687 : vector<16xi32> to vector<16xi32>
    tpu.vector_store %arg6[%swap3A_688], %swap3A_691 {strides = array<i32>} : memref<4096xi32, #tpu.memory_space<vmem>>, vector<16xi32>,
    %add3A_692 = arith.constant 7 : i32
    %add3A_693 = arith.addi %mul3A_621, %add3A_692 : i32
    %mul3A_694 = arith.constant 65536 : i32
    %mul3A_695 = arith.muli %add3A_693, %mul3A_694 : i32
    %add3A_696 = vector.broadcast %mul3A_695 : i32 to vector<16xi32>
    %add3A_697 = arith.addi %add3A_696, %add3A_617 : vector<16xi32>
    %swap3A_698 = arith.constant 976 : index
    %swap3A_699 = tpu.vector_load %arg6[%swap3A_698] {strides = array<i32>} : memref<4096xi32, #tpu.memory_space<vmem>>, vector<16xi32>,
    %swap3A_700 = vector.shape_cast %swap3A_699 : vector<16xi32> to vector<16xi32>
    %swap3A_701 = vector.shape_cast %add3A_697 : vector<16xi32> to vector<16xi32>
    tpu.vector_store %arg6[%swap3A_698], %swap3A_701 {strides = array<i32>} : memref<4096xi32, #tpu.memory_space<vmem>>, vector<16xi32>,
    %get3A_702 = arith.constant 96 : index
    %get3A_703 = tpu.vector_load %arg5[%get3A_702] {strides = array<i32>} : memref<512xi32, #tpu.memory_space<vmem>>, vector<16xi32>,
    %get3A_704 = vector.shape_cast %get3A_703 : vector<16xi32> to vector<16xi32>
    %shift_right_arithmetic3A_705 = arith.constant 8 : i32
    %shift_right_arithmetic3A_706 = vector.broadcast %shift_right_arithmetic3A_705 : i32 to vector<16xi32>
    %shift_right_arithmetic3A_707 = arith.shrsi %get3A_704, %shift_right_arithmetic3A_706 : vector<16xi32>
    %and3A_708 = arith.constant 255 : i32
    %and3A_709 = vector.broadcast %and3A_708 : i32 to vector<16xi32>
    %and3A_710 = arith.andi %get3A_704, %and3A_709 : vector<16xi32>
    %shift_right_arithmetic3A_711 = arith.constant 3 : i32
    %shift_right_arithmetic3A_712 = vector.broadcast %shift_right_arithmetic3A_711 : i32 to vector<16xi32>
    %shift_right_arithmetic3A_713 = arith.shrsi %shift_right_arithmetic3A_707, %shift_right_arithmetic3A_712 : vector<16xi32>
    %shift_left3A_714 = arith.constant 11 : i32
    %shift_left3A_715 = vector.broadcast %shift_left3A_714 : i32 to vector<16xi32>
    %shift_left3A_716 = arith.shli %shift_right_arithmetic3A_713, %shift_left3A_715 : vector<16xi32>
    %shift_right_arithmetic3A_717 = arith.constant 7 : i32
    %shift_right_arithmetic3A_718 = vector.broadcast %shift_right_arithmetic3A_717 : i32 to vector<16xi32>
    %shift_right_arithmetic3A_719 = arith.shrsi %and3A_710, %shift_right_arithmetic3A_718 : vector<16xi32>
    %shift_left3A_720 = arith.constant 10 : i32
    %shift_left3A_721 = vector.broadcast %shift_left3A_720 : i32 to vector<16xi32>
    %shift_left3A_722 = arith.shli %shift_right_arithmetic3A_719, %shift_left3A_721 : vector<16xi32>
    %add3A_723 = arith.addi %shift_left3A_716, %shift_left3A_722 : vector<16xi32>
    %and3A_724 = arith.constant 7 : i32
    %and3A_725 = vector.broadcast %and3A_724 : i32 to vector<16xi32>
    %and3A_726 = arith.andi %shift_right_arithmetic3A_707, %and3A_725 : vector<16xi32>
    %shift_left3A_727 = arith.constant 7 : i32
    %shift_left3A_728 = vector.broadcast %shift_left3A_727 : i32 to vector<16xi32>
    %shift_left3A_729 = arith.shli %and3A_726, %shift_left3A_728 : vector<16xi32>
    %add3A_730 = arith.addi %add3A_723, %shift_left3A_729 : vector<16xi32>
    %and3A_731 = arith.constant 127 : i32
    %and3A_732 = vector.broadcast %and3A_731 : i32 to vector<16xi32>
    %and3A_733 = arith.andi %and3A_710, %and3A_732 : vector<16xi32>
    %add3A_734 = arith.addi %add3A_730, %and3A_733 : vector<16xi32>
    %add3A_735 = arith.constant 0 : i32
    %add3A_736 = arith.addi %mul3A_2, %add3A_735 : i32
    %mul3A_737 = arith.constant 8 : i32
    %mul3A_738 = arith.muli %add3A_736, %mul3A_737 : i32
    %add3A_739 = arith.constant 0 : i32
    %add3A_740 = arith.addi %mul3A_738, %add3A_739 : i32
    %mul3A_741 = arith.constant 65536 : i32
    %mul3A_742 = arith.muli %add3A_740, %mul3A_741 : i32
    %add3A_743 = vector.broadcast %mul3A_742 : i32 to vector<16xi32>
    %add3A_744 = arith.addi %add3A_743, %add3A_734 : vector<16xi32>
    %swap3A_745 = arith.constant 96 : index
    %swap3A_746 = tpu.vector_load %arg6[%swap3A_745] {strides = array<i32>} : memref<4096xi32, #tpu.memory_space<vmem>>, vector<16xi32>,
    %swap3A_747 = vector.shape_cast %swap3A_746 : vector<16xi32> to vector<16xi32>
    %swap3A_748 = vector.shape_cast %add3A_744 : vector<16xi32> to vector<16xi32>
    tpu.vector_store %arg6[%swap3A_745], %swap3A_748 {strides = array<i32>} : memref<4096xi32, #tpu.memory_space<vmem>>, vector<16xi32>,
    %add3A_749 = arith.constant 1 : i32
    %add3A_750 = arith.addi %mul3A_738, %add3A_749 : i32
    %mul3A_751 = arith.constant 65536 : i32
    %mul3A_752 = arith.muli %add3A_750, %mul3A_751 : i32
    %add3A_753 = vector.broadcast %mul3A_752 : i32 to vector<16xi32>
    %add3A_754 = arith.addi %add3A_753, %add3A_734 : vector<16xi32>
    %swap3A_755 = arith.constant 224 : index
    %swap3A_756 = tpu.vector_load %arg6[%swap3A_755] {strides = array<i32>} : memref<4096xi32, #tpu.memory_space<vmem>>, vector<16xi32>,
    %swap3A_757 = vector.shape_cast %swap3A_756 : vector<16xi32> to vector<16xi32>
    %swap3A_758 = vector.shape_cast %add3A_754 : vector<16xi32> to vector<16xi32>
    tpu.vector_store %arg6[%swap3A_755], %swap3A_758 {strides = array<i32>} : memref<4096xi32, #tpu.memory_space<vmem>>, vector<16xi32>,
    %add3A_759 = arith.constant 2 : i32
    %add3A_760 = arith.addi %mul3A_738, %add3A_759 : i32
    %mul3A_761 = arith.constant 65536 : i32
    %mul3A_762 = arith.muli %add3A_760, %mul3A_761 : i32
    %add3A_763 = vector.broadcast %mul3A_762 : i32 to vector<16xi32>
    %add3A_764 = arith.addi %add3A_763, %add3A_734 : vector<16xi32>
    %swap3A_765 = arith.constant 352 : index
    %swap3A_766 = tpu.vector_load %arg6[%swap3A_765] {strides = array<i32>} : memref<4096xi32, #tpu.memory_space<vmem>>, vector<16xi32>,
    %swap3A_767 = vector.shape_cast %swap3A_766 : vector<16xi32> to vector<16xi32>
    %swap3A_768 = vector.shape_cast %add3A_764 : vector<16xi32> to vector<16xi32>
    tpu.vector_store %arg6[%swap3A_765], %swap3A_768 {strides = array<i32>} : memref<4096xi32, #tpu.memory_space<vmem>>, vector<16xi32>,
    %add3A_769 = arith.constant 3 : i32
    %add3A_770 = arith.addi %mul3A_738, %add3A_769 : i32
    %mul3A_771 = arith.constant 65536 : i32
    %mul3A_772 = arith.muli %add3A_770, %mul3A_771 : i32
    %add3A_773 = vector.broadcast %mul3A_772 : i32 to vector<16xi32>
    %add3A_774 = arith.addi %add3A_773, %add3A_734 : vector<16xi32>
    %swap3A_775 = arith.constant 480 : index
    %swap3A_776 = tpu.vector_load %arg6[%swap3A_775] {strides = array<i32>} : memref<4096xi32, #tpu.memory_space<vmem>>, vector<16xi32>,
    %swap3A_777 = vector.shape_cast %swap3A_776 : vector<16xi32> to vector<16xi32>
    %swap3A_778 = vector.shape_cast %add3A_774 : vector<16xi32> to vector<16xi32>
    tpu.vector_store %arg6[%swap3A_775], %swap3A_778 {strides = array<i32>} : memref<4096xi32, #tpu.memory_space<vmem>>, vector<16xi32>,
    %add3A_779 = arith.constant 4 : i32
    %add3A_780 = arith.addi %mul3A_738, %add3A_779 : i32
    %mul3A_781 = arith.constant 65536 : i32
    %mul3A_782 = arith.muli %add3A_780, %mul3A_781 : i32
    %add3A_783 = vector.broadcast %mul3A_782 : i32 to vector<16xi32>
    %add3A_784 = arith.addi %add3A_783, %add3A_734 : vector<16xi32>
    %swap3A_785 = arith.constant 608 : index
    %swap3A_786 = tpu.vector_load %arg6[%swap3A_785] {strides = array<i32>} : memref<4096xi32, #tpu.memory_space<vmem>>, vector<16xi32>,
    %swap3A_787 = vector.shape_cast %swap3A_786 : vector<16xi32> to vector<16xi32>
    %swap3A_788 = vector.shape_cast %add3A_784 : vector<16xi32> to vector<16xi32>
    tpu.vector_store %arg6[%swap3A_785], %swap3A_788 {strides = array<i32>} : memref<4096xi32, #tpu.memory_space<vmem>>, vector<16xi32>,
    %add3A_789 = arith.constant 5 : i32
    %add3A_790 = arith.addi %mul3A_738, %add3A_789 : i32
    %mul3A_791 = arith.constant 65536 : i32
    %mul3A_792 = arith.muli %add3A_790, %mul3A_791 : i32
    %add3A_793 = vector.broadcast %mul3A_792 : i32 to vector<16xi32>
    %add3A_794 = arith.addi %add3A_793, %add3A_734 : vector<16xi32>
    %swap3A_795 = arith.constant 736 : index
    %swap3A_796 = tpu.vector_load %arg6[%swap3A_795] {strides = array<i32>} : memref<4096xi32, #tpu.memory_space<vmem>>, vector<16xi32>,
    %swap3A_797 = vector.shape_cast %swap3A_796 : vector<16xi32> to vector<16xi32>
    %swap3A_798 = vector.shape_cast %add3A_794 : vector<16xi32> to vector<16xi32>
    tpu.vector_store %arg6[%swap3A_795], %swap3A_798 {strides = array<i32>} : memref<4096xi32, #tpu.memory_space<vmem>>, vector<16xi32>,
    %add3A_799 = arith.constant 6 : i32
    %add3A_800 = arith.addi %mul3A_738, %add3A_799 : i32
    %mul3A_801 = arith.constant 65536 : i32
    %mul3A_802 = arith.muli %add3A_800, %mul3A_801 : i32
    %add3A_803 = vector.broadcast %mul3A_802 : i32 to vector<16xi32>
    %add3A_804 = arith.addi %add3A_803, %add3A_734 : vector<16xi32>
    %swap3A_805 = arith.constant 864 : index
    %swap3A_806 = tpu.vector_load %arg6[%swap3A_805] {strides = array<i32>} : memref<4096xi32, #tpu.memory_space<vmem>>, vector<16xi32>,
    %swap3A_807 = vector.shape_cast %swap3A_806 : vector<16xi32> to vector<16xi32>
    %swap3A_808 = vector.shape_cast %add3A_804 : vector<16xi32> to vector<16xi32>
    tpu.vector_store %arg6[%swap3A_805], %swap3A_808 {strides = array<i32>} : memref<4096xi32, #tpu.memory_space<vmem>>, vector<16xi32>,
    %add3A_809 = arith.constant 7 : i32
    %add3A_810 = arith.addi %mul3A_738, %add3A_809 : i32
    %mul3A_811 = arith.constant 65536 : i32
    %mul3A_812 = arith.muli %add3A_810, %mul3A_811 : i32
    %add3A_813 = vector.broadcast %mul3A_812 : i32 to vector<16xi32>
    %add3A_814 = arith.addi %add3A_813, %add3A_734 : vector<16xi32>
    %swap3A_815 = arith.constant 992 : index
    %swap3A_816 = tpu.vector_load %arg6[%swap3A_815] {strides = array<i32>} : memref<4096xi32, #tpu.memory_space<vmem>>, vector<16xi32>,
    %swap3A_817 = vector.shape_cast %swap3A_816 : vector<16xi32> to vector<16xi32>
    %swap3A_818 = vector.shape_cast %add3A_814 : vector<16xi32> to vector<16xi32>
    tpu.vector_store %arg6[%swap3A_815], %swap3A_818 {strides = array<i32>} : memref<4096xi32, #tpu.memory_space<vmem>>, vector<16xi32>,
    %get3A_819 = arith.constant 112 : index
    %get3A_820 = tpu.vector_load %arg5[%get3A_819] {strides = array<i32>} : memref<512xi32, #tpu.memory_space<vmem>>, vector<16xi32>,
    %get3A_821 = vector.shape_cast %get3A_820 : vector<16xi32> to vector<16xi32>
    %shift_right_arithmetic3A_822 = arith.constant 8 : i32
    %shift_right_arithmetic3A_823 = vector.broadcast %shift_right_arithmetic3A_822 : i32 to vector<16xi32>
    %shift_right_arithmetic3A_824 = arith.shrsi %get3A_821, %shift_right_arithmetic3A_823 : vector<16xi32>
    %and3A_825 = arith.constant 255 : i32
    %and3A_826 = vector.broadcast %and3A_825 : i32 to vector<16xi32>
    %and3A_827 = arith.andi %get3A_821, %and3A_826 : vector<16xi32>
    %shift_right_arithmetic3A_828 = arith.constant 3 : i32
    %shift_right_arithmetic3A_829 = vector.broadcast %shift_right_arithmetic3A_828 : i32 to vector<16xi32>
    %shift_right_arithmetic3A_830 = arith.shrsi %shift_right_arithmetic3A_824, %shift_right_arithmetic3A_829 : vector<16xi32>
    %shift_left3A_831 = arith.constant 11 : i32
    %shift_left3A_832 = vector.broadcast %shift_left3A_831 : i32 to vector<16xi32>
    %shift_left3A_833 = arith.shli %shift_right_arithmetic3A_830, %shift_left3A_832 : vector<16xi32>
    %shift_right_arithmetic3A_834 = arith.constant 7 : i32
    %shift_right_arithmetic3A_835 = vector.broadcast %shift_right_arithmetic3A_834 : i32 to vector<16xi32>
    %shift_right_arithmetic3A_836 = arith.shrsi %and3A_827, %shift_right_arithmetic3A_835 : vector<16xi32>
    %shift_left3A_837 = arith.constant 10 : i32
    %shift_left3A_838 = vector.broadcast %shift_left3A_837 : i32 to vector<16xi32>
    %shift_left3A_839 = arith.shli %shift_right_arithmetic3A_836, %shift_left3A_838 : vector<16xi32>
    %add3A_840 = arith.addi %shift_left3A_833, %shift_left3A_839 : vector<16xi32>
    %and3A_841 = arith.constant 7 : i32
    %and3A_842 = vector.broadcast %and3A_841 : i32 to vector<16xi32>
    %and3A_843 = arith.andi %shift_right_arithmetic3A_824, %and3A_842 : vector<16xi32>
    %shift_left3A_844 = arith.constant 7 : i32
    %shift_left3A_845 = vector.broadcast %shift_left3A_844 : i32 to vector<16xi32>
    %shift_left3A_846 = arith.shli %and3A_843, %shift_left3A_845 : vector<16xi32>
    %add3A_847 = arith.addi %add3A_840, %shift_left3A_846 : vector<16xi32>
    %and3A_848 = arith.constant 127 : i32
    %and3A_849 = vector.broadcast %and3A_848 : i32 to vector<16xi32>
    %and3A_850 = arith.andi %and3A_827, %and3A_849 : vector<16xi32>
    %add3A_851 = arith.addi %add3A_847, %and3A_850 : vector<16xi32>
    %add3A_852 = arith.constant 0 : i32
    %add3A_853 = arith.addi %mul3A_2, %add3A_852 : i32
    %mul3A_854 = arith.constant 8 : i32
    %mul3A_855 = arith.muli %add3A_853, %mul3A_854 : i32
    %add3A_856 = arith.constant 0 : i32
    %add3A_857 = arith.addi %mul3A_855, %add3A_856 : i32
    %mul3A_858 = arith.constant 65536 : i32
    %mul3A_859 = arith.muli %add3A_857, %mul3A_858 : i32
    %add3A_860 = vector.broadcast %mul3A_859 : i32 to vector<16xi32>
    %add3A_861 = arith.addi %add3A_860, %add3A_851 : vector<16xi32>
    %swap3A_862 = arith.constant 112 : index
    %swap3A_863 = tpu.vector_load %arg6[%swap3A_862] {strides = array<i32>} : memref<4096xi32, #tpu.memory_space<vmem>>, vector<16xi32>,
    %swap3A_864 = vector.shape_cast %swap3A_863 : vector<16xi32> to vector<16xi32>
    %swap3A_865 = vector.shape_cast %add3A_861 : vector<16xi32> to vector<16xi32>
    tpu.vector_store %arg6[%swap3A_862], %swap3A_865 {strides = array<i32>} : memref<4096xi32, #tpu.memory_space<vmem>>, vector<16xi32>,
    %add3A_866 = arith.constant 1 : i32
    %add3A_867 = arith.addi %mul3A_855, %add3A_866 : i32
    %mul3A_868 = arith.constant 65536 : i32
    %mul3A_869 = arith.muli %add3A_867, %mul3A_868 : i32
    %add3A_870 = vector.broadcast %mul3A_869 : i32 to vector<16xi32>
    %add3A_871 = arith.addi %add3A_870, %add3A_851 : vector<16xi32>
    %swap3A_872 = arith.constant 240 : index
    %swap3A_873 = tpu.vector_load %arg6[%swap3A_872] {strides = array<i32>} : memref<4096xi32, #tpu.memory_space<vmem>>, vector<16xi32>,
    %swap3A_874 = vector.shape_cast %swap3A_873 : vector<16xi32> to vector<16xi32>
    %swap3A_875 = vector.shape_cast %add3A_871 : vector<16xi32> to vector<16xi32>
    tpu.vector_store %arg6[%swap3A_872], %swap3A_875 {strides = array<i32>} : memref<4096xi32, #tpu.memory_space<vmem>>, vector<16xi32>,
    %add3A_876 = arith.constant 2 : i32
    %add3A_877 = arith.addi %mul3A_855, %add3A_876 : i32
    %mul3A_878 = arith.constant 65536 : i32
    %mul3A_879 = arith.muli %add3A_877, %mul3A_878 : i32
    %add3A_880 = vector.broadcast %mul3A_879 : i32 to vector<16xi32>
    %add3A_881 = arith.addi %add3A_880, %add3A_851 : vector<16xi32>
    %swap3A_882 = arith.constant 368 : index
    %swap3A_883 = tpu.vector_load %arg6[%swap3A_882] {strides = array<i32>} : memref<4096xi32, #tpu.memory_space<vmem>>, vector<16xi32>,
    %swap3A_884 = vector.shape_cast %swap3A_883 : vector<16xi32> to vector<16xi32>
    %swap3A_885 = vector.shape_cast %add3A_881 : vector<16xi32> to vector<16xi32>
    tpu.vector_store %arg6[%swap3A_882], %swap3A_885 {strides = array<i32>} : memref<4096xi32, #tpu.memory_space<vmem>>, vector<16xi32>,
    %add3A_886 = arith.constant 3 : i32
    %add3A_887 = arith.addi %mul3A_855, %add3A_886 : i32
    %mul3A_888 = arith.constant 65536 : i32
    %mul3A_889 = arith.muli %add3A_887, %mul3A_888 : i32
    %add3A_890 = vector.broadcast %mul3A_889 : i32 to vector<16xi32>
    %add3A_891 = arith.addi %add3A_890, %add3A_851 : vector<16xi32>
    %swap3A_892 = arith.constant 496 : index
    %swap3A_893 = tpu.vector_load %arg6[%swap3A_892] {strides = array<i32>} : memref<4096xi32, #tpu.memory_space<vmem>>, vector<16xi32>,
    %swap3A_894 = vector.shape_cast %swap3A_893 : vector<16xi32> to vector<16xi32>
    %swap3A_895 = vector.shape_cast %add3A_891 : vector<16xi32> to vector<16xi32>
    tpu.vector_store %arg6[%swap3A_892], %swap3A_895 {strides = array<i32>} : memref<4096xi32, #tpu.memory_space<vmem>>, vector<16xi32>,
    %add3A_896 = arith.constant 4 : i32
    %add3A_897 = arith.addi %mul3A_855, %add3A_896 : i32
    %mul3A_898 = arith.constant 65536 : i32
    %mul3A_899 = arith.muli %add3A_897, %mul3A_898 : i32
    %add3A_900 = vector.broadcast %mul3A_899 : i32 to vector<16xi32>
    %add3A_901 = arith.addi %add3A_900, %add3A_851 : vector<16xi32>
    %swap3A_902 = arith.constant 624 : index
    %swap3A_903 = tpu.vector_load %arg6[%swap3A_902] {strides = array<i32>} : memref<4096xi32, #tpu.memory_space<vmem>>, vector<16xi32>,
    %swap3A_904 = vector.shape_cast %swap3A_903 : vector<16xi32> to vector<16xi32>
    %swap3A_905 = vector.shape_cast %add3A_901 : vector<16xi32> to vector<16xi32>
    tpu.vector_store %arg6[%swap3A_902], %swap3A_905 {strides = array<i32>} : memref<4096xi32, #tpu.memory_space<vmem>>, vector<16xi32>,
    %add3A_906 = arith.constant 5 : i32
    %add3A_907 = arith.addi %mul3A_855, %add3A_906 : i32
    %mul3A_908 = arith.constant 65536 : i32
    %mul3A_909 = arith.muli %add3A_907, %mul3A_908 : i32
    %add3A_910 = vector.broadcast %mul3A_909 : i32 to vector<16xi32>
    %add3A_911 = arith.addi %add3A_910, %add3A_851 : vector<16xi32>
    %swap3A_912 = arith.constant 752 : index
    %swap3A_913 = tpu.vector_load %arg6[%swap3A_912] {strides = array<i32>} : memref<4096xi32, #tpu.memory_space<vmem>>, vector<16xi32>,
    %swap3A_914 = vector.shape_cast %swap3A_913 : vector<16xi32> to vector<16xi32>
    %swap3A_915 = vector.shape_cast %add3A_911 : vector<16xi32> to vector<16xi32>
    tpu.vector_store %arg6[%swap3A_912], %swap3A_915 {strides = array<i32>} : memref<4096xi32, #tpu.memory_space<vmem>>, vector<16xi32>,
    %add3A_916 = arith.constant 6 : i32
    %add3A_917 = arith.addi %mul3A_855, %add3A_916 : i32
    %mul3A_918 = arith.constant 65536 : i32
    %mul3A_919 = arith.muli %add3A_917, %mul3A_918 : i32
    %add3A_920 = vector.broadcast %mul3A_919 : i32 to vector<16xi32>
    %add3A_921 = arith.addi %add3A_920, %add3A_851 : vector<16xi32>
    %swap3A_922 = arith.constant 880 : index
    %swap3A_923 = tpu.vector_load %arg6[%swap3A_922] {strides = array<i32>} : memref<4096xi32, #tpu.memory_space<vmem>>, vector<16xi32>,
    %swap3A_924 = vector.shape_cast %swap3A_923 : vector<16xi32> to vector<16xi32>
    %swap3A_925 = vector.shape_cast %add3A_921 : vector<16xi32> to vector<16xi32>
    tpu.vector_store %arg6[%swap3A_922], %swap3A_925 {strides = array<i32>} : memref<4096xi32, #tpu.memory_space<vmem>>, vector<16xi32>,
    %add3A_926 = arith.constant 7 : i32
    %add3A_927 = arith.addi %mul3A_855, %add3A_926 : i32
    %mul3A_928 = arith.constant 65536 : i32
    %mul3A_929 = arith.muli %add3A_927, %mul3A_928 : i32
    %add3A_930 = vector.broadcast %mul3A_929 : i32 to vector<16xi32>
    %add3A_931 = arith.addi %add3A_930, %add3A_851 : vector<16xi32>
    %swap3A_932 = arith.constant 1008 : index
    %swap3A_933 = tpu.vector_load %arg6[%swap3A_932] {strides = array<i32>} : memref<4096xi32, #tpu.memory_space<vmem>>, vector<16xi32>,
    %swap3A_934 = vector.shape_cast %swap3A_933 : vector<16xi32> to vector<16xi32>
    %swap3A_935 = vector.shape_cast %add3A_931 : vector<16xi32> to vector<16xi32>
    tpu.vector_store %arg6[%swap3A_932], %swap3A_935 {strides = array<i32>} : memref<4096xi32, #tpu.memory_space<vmem>>, vector<16xi32>,
    %dma_start3A = arith.constant 0 : i32
    %dma_start3A_936 = tpu.memref_slice %arg7[%dma_start3A] : memref<4096xf32, #tpu.memory_space<vmem>> -> memref<1024xf32, #tpu.memory_space<vmem>>
    %dma_start3A_937 = arith.constant 0 : i32
    %dma_start3A_938 = tpu.memref_slice %arg6[%dma_start3A_937] : memref<4096xi32, #tpu.memory_space<vmem>> -> memref<1024xi32, #tpu.memory_space<vmem>>
    %dma_start3A_939 = arith.constant 0 : i32
    %dma_start3A_940 = tpu.memref_slice %arg2[%dma_start3A_939] : memref<33554432xf32, #tpu.memory_space<hbm>> -> memref<33554432xf32, #tpu.memory_space<hbm>>
    tpu.enqueue_indirect_dma source(%dma_start3A_940 : memref<33554432xf32, #tpu.memory_space<hbm>>) target(%dma_start3A_936 : memref<1024xf32, #tpu.memory_space<vmem>>) offsets(%dma_start3A_938 : memref<1024xi32, #tpu.memory_space<vmem>>) semaphore(%arg8 : memref<!tpu.dma_semaphore, #tpu.memory_space<semaphore_mem>>)
    %get3A_941 = arith.constant 128 : index
    %get3A_942 = tpu.vector_load %arg5[%get3A_941] {strides = array<i32>} : memref<512xi32, #tpu.memory_space<vmem>>, vector<16xi32>,
    %get3A_943 = vector.shape_cast %get3A_942 : vector<16xi32> to vector<16xi32>
    %shift_right_arithmetic3A_944 = arith.constant 8 : i32
    %shift_right_arithmetic3A_945 = vector.broadcast %shift_right_arithmetic3A_944 : i32 to vector<16xi32>
    %shift_right_arithmetic3A_946 = arith.shrsi %get3A_943, %shift_right_arithmetic3A_945 : vector<16xi32>
    %and3A_947 = arith.constant 255 : i32
    %and3A_948 = vector.broadcast %and3A_947 : i32 to vector<16xi32>
    %and3A_949 = arith.andi %get3A_943, %and3A_948 : vector<16xi32>
    %shift_right_arithmetic3A_950 = arith.constant 3 : i32
    %shift_right_arithmetic3A_951 = vector.broadcast %shift_right_arithmetic3A_950 : i32 to vector<16xi32>
    %shift_right_arithmetic3A_952 = arith.shrsi %shift_right_arithmetic3A_946, %shift_right_arithmetic3A_951 : vector<16xi32>
    %shift_left3A_953 = arith.constant 11 : i32
    %shift_left3A_954 = vector.broadcast %shift_left3A_953 : i32 to vector<16xi32>
    %shift_left3A_955 = arith.shli %shift_right_arithmetic3A_952, %shift_left3A_954 : vector<16xi32>
    %shift_right_arithmetic3A_956 = arith.constant 7 : i32
    %shift_right_arithmetic3A_957 = vector.broadcast %shift_right_arithmetic3A_956 : i32 to vector<16xi32>
    %shift_right_arithmetic3A_958 = arith.shrsi %and3A_949, %shift_right_arithmetic3A_957 : vector<16xi32>
    %shift_left3A_959 = arith.constant 10 : i32
    %shift_left3A_960 = vector.broadcast %shift_left3A_959 : i32 to vector<16xi32>
    %shift_left3A_961 = arith.shli %shift_right_arithmetic3A_958, %shift_left3A_960 : vector<16xi32>
    %add3A_962 = arith.addi %shift_left3A_955, %shift_left3A_961 : vector<16xi32>
    %and3A_963 = arith.constant 7 : i32
    %and3A_964 = vector.broadcast %and3A_963 : i32 to vector<16xi32>
    %and3A_965 = arith.andi %shift_right_arithmetic3A_946, %and3A_964 : vector<16xi32>
    %shift_left3A_966 = arith.constant 7 : i32
    %shift_left3A_967 = vector.broadcast %shift_left3A_966 : i32 to vector<16xi32>
    %shift_left3A_968 = arith.shli %and3A_965, %shift_left3A_967 : vector<16xi32>
    %add3A_969 = arith.addi %add3A_962, %shift_left3A_968 : vector<16xi32>
    %and3A_970 = arith.constant 127 : i32
    %and3A_971 = vector.broadcast %and3A_970 : i32 to vector<16xi32>
    %and3A_972 = arith.andi %and3A_949, %and3A_971 : vector<16xi32>
    %add3A_973 = arith.addi %add3A_969, %and3A_972 : vector<16xi32>
    %add3A_974 = arith.constant 0 : i32
    %add3A_975 = arith.addi %mul3A_2, %add3A_974 : i32
    %mul3A_976 = arith.constant 8 : i32
    %mul3A_977 = arith.muli %add3A_975, %mul3A_976 : i32
    %add3A_978 = arith.constant 0 : i32
    %add3A_979 = arith.addi %mul3A_977, %add3A_978 : i32
    %mul3A_980 = arith.constant 65536 : i32
    %mul3A_981 = arith.muli %add3A_979, %mul3A_980 : i32
    %add3A_982 = vector.broadcast %mul3A_981 : i32 to vector<16xi32>
    %add3A_983 = arith.addi %add3A_982, %add3A_973 : vector<16xi32>
    %swap3A_984 = arith.constant 1024 : index
    %swap3A_985 = tpu.vector_load %arg6[%swap3A_984] {strides = array<i32>} : memref<4096xi32, #tpu.memory_space<vmem>>, vector<16xi32>,
    %swap3A_986 = vector.shape_cast %swap3A_985 : vector<16xi32> to vector<16xi32>
    %swap3A_987 = vector.shape_cast %add3A_983 : vector<16xi32> to vector<16xi32>
    tpu.vector_store %arg6[%swap3A_984], %swap3A_987 {strides = array<i32>} : memref<4096xi32, #tpu.memory_space<vmem>>, vector<16xi32>,
    %add3A_988 = arith.constant 1 : i32
    %add3A_989 = arith.addi %mul3A_977, %add3A_988 : i32
    %mul3A_990 = arith.constant 65536 : i32
    %mul3A_991 = arith.muli %add3A_989, %mul3A_990 : i32
    %add3A_992 = vector.broadcast %mul3A_991 : i32 to vector<16xi32>
    %add3A_993 = arith.addi %add3A_992, %add3A_973 : vector<16xi32>
    %swap3A_994 = arith.constant 1152 : index
    %swap3A_995 = tpu.vector_load %arg6[%swap3A_994] {strides = array<i32>} : memref<4096xi32, #tpu.memory_space<vmem>>, vector<16xi32>,
    %swap3A_996 = vector.shape_cast %swap3A_995 : vector<16xi32> to vector<16xi32>
    %swap3A_997 = vector.shape_cast %add3A_993 : vector<16xi32> to vector<16xi32>
    tpu.vector_store %arg6[%swap3A_994], %swap3A_997 {strides = array<i32>} : memref<4096xi32, #tpu.memory_space<vmem>>, vector<16xi32>,
    %add3A_998 = arith.constant 2 : i32
    %add3A_999 = arith.addi %mul3A_977, %add3A_998 : i32
    %mul3A_1000 = arith.constant 65536 : i32
    %mul3A_1001 = arith.muli %add3A_999, %mul3A_1000 : i32
    %add3A_1002 = vector.broadcast %mul3A_1001 : i32 to vector<16xi32>
    %add3A_1003 = arith.addi %add3A_1002, %add3A_973 : vector<16xi32>
    %swap3A_1004 = arith.constant 1280 : index
    %swap3A_1005 = tpu.vector_load %arg6[%swap3A_1004] {strides = array<i32>} : memref<4096xi32, #tpu.memory_space<vmem>>, vector<16xi32>,
    %swap3A_1006 = vector.shape_cast %swap3A_1005 : vector<16xi32> to vector<16xi32>
    %swap3A_1007 = vector.shape_cast %add3A_1003 : vector<16xi32> to vector<16xi32>
    tpu.vector_store %arg6[%swap3A_1004], %swap3A_1007 {strides = array<i32>} : memref<4096xi32, #tpu.memory_space<vmem>>, vector<16xi32>,
    %add3A_1008 = arith.constant 3 : i32
    %add3A_1009 = arith.addi %mul3A_977, %add3A_1008 : i32
    %mul3A_1010 = arith.constant 65536 : i32
    %mul3A_1011 = arith.muli %add3A_1009, %mul3A_1010 : i32
    %add3A_1012 = vector.broadcast %mul3A_1011 : i32 to vector<16xi32>
    %add3A_1013 = arith.addi %add3A_1012, %add3A_973 : vector<16xi32>
    %swap3A_1014 = arith.constant 1408 : index
    %swap3A_1015 = tpu.vector_load %arg6[%swap3A_1014] {strides = array<i32>} : memref<4096xi32, #tpu.memory_space<vmem>>, vector<16xi32>,
    %swap3A_1016 = vector.shape_cast %swap3A_1015 : vector<16xi32> to vector<16xi32>
    %swap3A_1017 = vector.shape_cast %add3A_1013 : vector<16xi32> to vector<16xi32>
    tpu.vector_store %arg6[%swap3A_1014], %swap3A_1017 {strides = array<i32>} : memref<4096xi32, #tpu.memory_space<vmem>>, vector<16xi32>,
    %add3A_1018 = arith.constant 4 : i32
    %add3A_1019 = arith.addi %mul3A_977, %add3A_1018 : i32
    %mul3A_1020 = arith.constant 65536 : i32
    %mul3A_1021 = arith.muli %add3A_1019, %mul3A_1020 : i32
    %add3A_1022 = vector.broadcast %mul3A_1021 : i32 to vector<16xi32>
    %add3A_1023 = arith.addi %add3A_1022, %add3A_973 : vector<16xi32>
    %swap3A_1024 = arith.constant 1536 : index
    %swap3A_1025 = tpu.vector_load %arg6[%swap3A_1024] {strides = array<i32>} : memref<4096xi32, #tpu.memory_space<vmem>>, vector<16xi32>,
    %swap3A_1026 = vector.shape_cast %swap3A_1025 : vector<16xi32> to vector<16xi32>
    %swap3A_1027 = vector.shape_cast %add3A_1023 : vector<16xi32> to vector<16xi32>
    tpu.vector_store %arg6[%swap3A_1024], %swap3A_1027 {strides = array<i32>} : memref<4096xi32, #tpu.memory_space<vmem>>, vector<16xi32>,
    %add3A_1028 = arith.constant 5 : i32
    %add3A_1029 = arith.addi %mul3A_977, %add3A_1028 : i32
    %mul3A_1030 = arith.constant 65536 : i32
    %mul3A_1031 = arith.muli %add3A_1029, %mul3A_1030 : i32
    %add3A_1032 = vector.broadcast %mul3A_1031 : i32 to vector<16xi32>
    %add3A_1033 = arith.addi %add3A_1032, %add3A_973 : vector<16xi32>
    %swap3A_1034 = arith.constant 1664 : index
    %swap3A_1035 = tpu.vector_load %arg6[%swap3A_1034] {strides = array<i32>} : memref<4096xi32, #tpu.memory_space<vmem>>, vector<16xi32>,
    %swap3A_1036 = vector.shape_cast %swap3A_1035 : vector<16xi32> to vector<16xi32>
    %swap3A_1037 = vector.shape_cast %add3A_1033 : vector<16xi32> to vector<16xi32>
    tpu.vector_store %arg6[%swap3A_1034], %swap3A_1037 {strides = array<i32>} : memref<4096xi32, #tpu.memory_space<vmem>>, vector<16xi32>,
    %add3A_1038 = arith.constant 6 : i32
    %add3A_1039 = arith.addi %mul3A_977, %add3A_1038 : i32
    %mul3A_1040 = arith.constant 65536 : i32
    %mul3A_1041 = arith.muli %add3A_1039, %mul3A_1040 : i32
    %add3A_1042 = vector.broadcast %mul3A_1041 : i32 to vector<16xi32>
    %add3A_1043 = arith.addi %add3A_1042, %add3A_973 : vector<16xi32>
    %swap3A_1044 = arith.constant 1792 : index
    %swap3A_1045 = tpu.vector_load %arg6[%swap3A_1044] {strides = array<i32>} : memref<4096xi32, #tpu.memory_space<vmem>>, vector<16xi32>,
    %swap3A_1046 = vector.shape_cast %swap3A_1045 : vector<16xi32> to vector<16xi32>
    %swap3A_1047 = vector.shape_cast %add3A_1043 : vector<16xi32> to vector<16xi32>
    tpu.vector_store %arg6[%swap3A_1044], %swap3A_1047 {strides = array<i32>} : memref<4096xi32, #tpu.memory_space<vmem>>, vector<16xi32>,
    %add3A_1048 = arith.constant 7 : i32
    %add3A_1049 = arith.addi %mul3A_977, %add3A_1048 : i32
    %mul3A_1050 = arith.constant 65536 : i32
    %mul3A_1051 = arith.muli %add3A_1049, %mul3A_1050 : i32
    %add3A_1052 = vector.broadcast %mul3A_1051 : i32 to vector<16xi32>
    %add3A_1053 = arith.addi %add3A_1052, %add3A_973 : vector<16xi32>
    %swap3A_1054 = arith.constant 1920 : index
    %swap3A_1055 = tpu.vector_load %arg6[%swap3A_1054] {strides = array<i32>} : memref<4096xi32, #tpu.memory_space<vmem>>, vector<16xi32>,
    %swap3A_1056 = vector.shape_cast %swap3A_1055 : vector<16xi32> to vector<16xi32>
    %swap3A_1057 = vector.shape_cast %add3A_1053 : vector<16xi32> to vector<16xi32>
    tpu.vector_store %arg6[%swap3A_1054], %swap3A_1057 {strides = array<i32>} : memref<4096xi32, #tpu.memory_space<vmem>>, vector<16xi32>,
    %get3A_1058 = arith.constant 144 : index
    %get3A_1059 = tpu.vector_load %arg5[%get3A_1058] {strides = array<i32>} : memref<512xi32, #tpu.memory_space<vmem>>, vector<16xi32>,
    %get3A_1060 = vector.shape_cast %get3A_1059 : vector<16xi32> to vector<16xi32>
    %shift_right_arithmetic3A_1061 = arith.constant 8 : i32
    %shift_right_arithmetic3A_1062 = vector.broadcast %shift_right_arithmetic3A_1061 : i32 to vector<16xi32>
    %shift_right_arithmetic3A_1063 = arith.shrsi %get3A_1060, %shift_right_arithmetic3A_1062 : vector<16xi32>
    %and3A_1064 = arith.constant 255 : i32
    %and3A_1065 = vector.broadcast %and3A_1064 : i32 to vector<16xi32>
    %and3A_1066 = arith.andi %get3A_1060, %and3A_1065 : vector<16xi32>
    %shift_right_arithmetic3A_1067 = arith.constant 3 : i32
    %shift_right_arithmetic3A_1068 = vector.broadcast %shift_right_arithmetic3A_1067 : i32 to vector<16xi32>
    %shift_right_arithmetic3A_1069 = arith.shrsi %shift_right_arithmetic3A_1063, %shift_right_arithmetic3A_1068 : vector<16xi32>
    %shift_left3A_1070 = arith.constant 11 : i32
    %shift_left3A_1071 = vector.broadcast %shift_left3A_1070 : i32 to vector<16xi32>
    %shift_left3A_1072 = arith.shli %shift_right_arithmetic3A_1069, %shift_left3A_1071 : vector<16xi32>
    %shift_right_arithmetic3A_1073 = arith.constant 7 : i32
    %shift_right_arithmetic3A_1074 = vector.broadcast %shift_right_arithmetic3A_1073 : i32 to vector<16xi32>
    %shift_right_arithmetic3A_1075 = arith.shrsi %and3A_1066, %shift_right_arithmetic3A_1074 : vector<16xi32>
    %shift_left3A_1076 = arith.constant 10 : i32
    %shift_left3A_1077 = vector.broadcast %shift_left3A_1076 : i32 to vector<16xi32>
    %shift_left3A_1078 = arith.shli %shift_right_arithmetic3A_1075, %shift_left3A_1077 : vector<16xi32>
    %add3A_1079 = arith.addi %shift_left3A_1072, %shift_left3A_1078 : vector<16xi32>
    %and3A_1080 = arith.constant 7 : i32
    %and3A_1081 = vector.broadcast %and3A_1080 : i32 to vector<16xi32>
    %and3A_1082 = arith.andi %shift_right_arithmetic3A_1063, %and3A_1081 : vector<16xi32>
    %shift_left3A_1083 = arith.constant 7 : i32
    %shift_left3A_1084 = vector.broadcast %shift_left3A_1083 : i32 to vector<16xi32>
    %shift_left3A_1085 = arith.shli %and3A_1082, %shift_left3A_1084 : vector<16xi32>
    %add3A_1086 = arith.addi %add3A_1079, %shift_left3A_1085 : vector<16xi32>
    %and3A_1087 = arith.constant 127 : i32
    %and3A_1088 = vector.broadcast %and3A_1087 : i32 to vector<16xi32>
    %and3A_1089 = arith.andi %and3A_1066, %and3A_1088 : vector<16xi32>
    %add3A_1090 = arith.addi %add3A_1086, %and3A_1089 : vector<16xi32>
    %add3A_1091 = arith.constant 0 : i32
    %add3A_1092 = arith.addi %mul3A_2, %add3A_1091 : i32
    %mul3A_1093 = arith.constant 8 : i32
    %mul3A_1094 = arith.muli %add3A_1092, %mul3A_1093 : i32
    %add3A_1095 = arith.constant 0 : i32
    %add3A_1096 = arith.addi %mul3A_1094, %add3A_1095 : i32
    %mul3A_1097 = arith.constant 65536 : i32
    %mul3A_1098 = arith.muli %add3A_1096, %mul3A_1097 : i32
    %add3A_1099 = vector.broadcast %mul3A_1098 : i32 to vector<16xi32>
    %add3A_1100 = arith.addi %add3A_1099, %add3A_1090 : vector<16xi32>
    %swap3A_1101 = arith.constant 1040 : index
    %swap3A_1102 = tpu.vector_load %arg6[%swap3A_1101] {strides = array<i32>} : memref<4096xi32, #tpu.memory_space<vmem>>, vector<16xi32>,
    %swap3A_1103 = vector.shape_cast %swap3A_1102 : vector<16xi32> to vector<16xi32>
    %swap3A_1104 = vector.shape_cast %add3A_1100 : vector<16xi32> to vector<16xi32>
    tpu.vector_store %arg6[%swap3A_1101], %swap3A_1104 {strides = array<i32>} : memref<4096xi32, #tpu.memory_space<vmem>>, vector<16xi32>,
    %add3A_1105 = arith.constant 1 : i32
    %add3A_1106 = arith.addi %mul3A_1094, %add3A_1105 : i32
    %mul3A_1107 = arith.constant 65536 : i32
    %mul3A_1108 = arith.muli %add3A_1106, %mul3A_1107 : i32
    %add3A_1109 = vector.broadcast %mul3A_1108 : i32 to vector<16xi32>
    %add3A_1110 = arith.addi %add3A_1109, %add3A_1090 : vector<16xi32>
    %swap3A_1111 = arith.constant 1168 : index
    %swap3A_1112 = tpu.vector_load %arg6[%swap3A_1111] {strides = array<i32>} : memref<4096xi32, #tpu.memory_space<vmem>>, vector<16xi32>,
    %swap3A_1113 = vector.shape_cast %swap3A_1112 : vector<16xi32> to vector<16xi32>
    %swap3A_1114 = vector.shape_cast %add3A_1110 : vector<16xi32> to vector<16xi32>
    tpu.vector_store %arg6[%swap3A_1111], %swap3A_1114 {strides = array<i32>} : memref<4096xi32, #tpu.memory_space<vmem>>, vector<16xi32>,
    %add3A_1115 = arith.constant 2 : i32
    %add3A_1116 = arith.addi %mul3A_1094, %add3A_1115 : i32
    %mul3A_1117 = arith.constant 65536 : i32
    %mul3A_1118 = arith.muli %add3A_1116, %mul3A_1117 : i32
    %add3A_1119 = vector.broadcast %mul3A_1118 : i32 to vector<16xi32>
    %add3A_1120 = arith.addi %add3A_1119, %add3A_1090 : vector<16xi32>
    %swap3A_1121 = arith.constant 1296 : index
    %swap3A_1122 = tpu.vector_load %arg6[%swap3A_1121] {strides = array<i32>} : memref<4096xi32, #tpu.memory_space<vmem>>, vector<16xi32>,
    %swap3A_1123 = vector.shape_cast %swap3A_1122 : vector<16xi32> to vector<16xi32>
    %swap3A_1124 = vector.shape_cast %add3A_1120 : vector<16xi32> to vector<16xi32>
    tpu.vector_store %arg6[%swap3A_1121], %swap3A_1124 {strides = array<i32>} : memref<4096xi32, #tpu.memory_space<vmem>>, vector<16xi32>,
    %add3A_1125 = arith.constant 3 : i32
    %add3A_1126 = arith.addi %mul3A_1094, %add3A_1125 : i32
    %mul3A_1127 = arith.constant 65536 : i32
    %mul3A_1128 = arith.muli %add3A_1126, %mul3A_1127 : i32
    %add3A_1129 = vector.broadcast %mul3A_1128 : i32 to vector<16xi32>
    %add3A_1130 = arith.addi %add3A_1129, %add3A_1090 : vector<16xi32>
    %swap3A_1131 = arith.constant 1424 : index
    %swap3A_1132 = tpu.vector_load %arg6[%swap3A_1131] {strides = array<i32>} : memref<4096xi32, #tpu.memory_space<vmem>>, vector<16xi32>,
    %swap3A_1133 = vector.shape_cast %swap3A_1132 : vector<16xi32> to vector<16xi32>
    %swap3A_1134 = vector.shape_cast %add3A_1130 : vector<16xi32> to vector<16xi32>
    tpu.vector_store %arg6[%swap3A_1131], %swap3A_1134 {strides = array<i32>} : memref<4096xi32, #tpu.memory_space<vmem>>, vector<16xi32>,
    %add3A_1135 = arith.constant 4 : i32
    %add3A_1136 = arith.addi %mul3A_1094, %add3A_1135 : i32
    %mul3A_1137 = arith.constant 65536 : i32
    %mul3A_1138 = arith.muli %add3A_1136, %mul3A_1137 : i32
    %add3A_1139 = vector.broadcast %mul3A_1138 : i32 to vector<16xi32>
    %add3A_1140 = arith.addi %add3A_1139, %add3A_1090 : vector<16xi32>
    %swap3A_1141 = arith.constant 1552 : index
    %swap3A_1142 = tpu.vector_load %arg6[%swap3A_1141] {strides = array<i32>} : memref<4096xi32, #tpu.memory_space<vmem>>, vector<16xi32>,
    %swap3A_1143 = vector.shape_cast %swap3A_1142 : vector<16xi32> to vector<16xi32>
    %swap3A_1144 = vector.shape_cast %add3A_1140 : vector<16xi32> to vector<16xi32>
    tpu.vector_store %arg6[%swap3A_1141], %swap3A_1144 {strides = array<i32>} : memref<4096xi32, #tpu.memory_space<vmem>>, vector<16xi32>,
    %add3A_1145 = arith.constant 5 : i32
    %add3A_1146 = arith.addi %mul3A_1094, %add3A_1145 : i32
    %mul3A_1147 = arith.constant 65536 : i32
    %mul3A_1148 = arith.muli %add3A_1146, %mul3A_1147 : i32
    %add3A_1149 = vector.broadcast %mul3A_1148 : i32 to vector<16xi32>
    %add3A_1150 = arith.addi %add3A_1149, %add3A_1090 : vector<16xi32>
    %swap3A_1151 = arith.constant 1680 : index
    %swap3A_1152 = tpu.vector_load %arg6[%swap3A_1151] {strides = array<i32>} : memref<4096xi32, #tpu.memory_space<vmem>>, vector<16xi32>,
    %swap3A_1153 = vector.shape_cast %swap3A_1152 : vector<16xi32> to vector<16xi32>
    %swap3A_1154 = vector.shape_cast %add3A_1150 : vector<16xi32> to vector<16xi32>
    tpu.vector_store %arg6[%swap3A_1151], %swap3A_1154 {strides = array<i32>} : memref<4096xi32, #tpu.memory_space<vmem>>, vector<16xi32>,
    %add3A_1155 = arith.constant 6 : i32
    %add3A_1156 = arith.addi %mul3A_1094, %add3A_1155 : i32
    %mul3A_1157 = arith.constant 65536 : i32
    %mul3A_1158 = arith.muli %add3A_1156, %mul3A_1157 : i32
    %add3A_1159 = vector.broadcast %mul3A_1158 : i32 to vector<16xi32>
    %add3A_1160 = arith.addi %add3A_1159, %add3A_1090 : vector<16xi32>
    %swap3A_1161 = arith.constant 1808 : index
    %swap3A_1162 = tpu.vector_load %arg6[%swap3A_1161] {strides = array<i32>} : memref<4096xi32, #tpu.memory_space<vmem>>, vector<16xi32>,
    %swap3A_1163 = vector.shape_cast %swap3A_1162 : vector<16xi32> to vector<16xi32>
    %swap3A_1164 = vector.shape_cast %add3A_1160 : vector<16xi32> to vector<16xi32>
    tpu.vector_store %arg6[%swap3A_1161], %swap3A_1164 {strides = array<i32>} : memref<4096xi32, #tpu.memory_space<vmem>>, vector<16xi32>,
    %add3A_1165 = arith.constant 7 : i32
    %add3A_1166 = arith.addi %mul3A_1094, %add3A_1165 : i32
    %mul3A_1167 = arith.constant 65536 : i32
    %mul3A_1168 = arith.muli %add3A_1166, %mul3A_1167 : i32
    %add3A_1169 = vector.broadcast %mul3A_1168 : i32 to vector<16xi32>
    %add3A_1170 = arith.addi %add3A_1169, %add3A_1090 : vector<16xi32>
    %swap3A_1171 = arith.constant 1936 : index
    %swap3A_1172 = tpu.vector_load %arg6[%swap3A_1171] {strides = array<i32>} : memref<4096xi32, #tpu.memory_space<vmem>>, vector<16xi32>,
    %swap3A_1173 = vector.shape_cast %swap3A_1172 : vector<16xi32> to vector<16xi32>
    %swap3A_1174 = vector.shape_cast %add3A_1170 : vector<16xi32> to vector<16xi32>
    tpu.vector_store %arg6[%swap3A_1171], %swap3A_1174 {strides = array<i32>} : memref<4096xi32, #tpu.memory_space<vmem>>, vector<16xi32>,
    %get3A_1175 = arith.constant 160 : index
    %get3A_1176 = tpu.vector_load %arg5[%get3A_1175] {strides = array<i32>} : memref<512xi32, #tpu.memory_space<vmem>>, vector<16xi32>,
    %get3A_1177 = vector.shape_cast %get3A_1176 : vector<16xi32> to vector<16xi32>
    %shift_right_arithmetic3A_1178 = arith.constant 8 : i32
    %shift_right_arithmetic3A_1179 = vector.broadcast %shift_right_arithmetic3A_1178 : i32 to vector<16xi32>
    %shift_right_arithmetic3A_1180 = arith.shrsi %get3A_1177, %shift_right_arithmetic3A_1179 : vector<16xi32>
    %and3A_1181 = arith.constant 255 : i32
    %and3A_1182 = vector.broadcast %and3A_1181 : i32 to vector<16xi32>
    %and3A_1183 = arith.andi %get3A_1177, %and3A_1182 : vector<16xi32>
    %shift_right_arithmetic3A_1184 = arith.constant 3 : i32
    %shift_right_arithmetic3A_1185 = vector.broadcast %shift_right_arithmetic3A_1184 : i32 to vector<16xi32>
    %shift_right_arithmetic3A_1186 = arith.shrsi %shift_right_arithmetic3A_1180, %shift_right_arithmetic3A_1185 : vector<16xi32>
    %shift_left3A_1187 = arith.constant 11 : i32
    %shift_left3A_1188 = vector.broadcast %shift_left3A_1187 : i32 to vector<16xi32>
    %shift_left3A_1189 = arith.shli %shift_right_arithmetic3A_1186, %shift_left3A_1188 : vector<16xi32>
    %shift_right_arithmetic3A_1190 = arith.constant 7 : i32
    %shift_right_arithmetic3A_1191 = vector.broadcast %shift_right_arithmetic3A_1190 : i32 to vector<16xi32>
    %shift_right_arithmetic3A_1192 = arith.shrsi %and3A_1183, %shift_right_arithmetic3A_1191 : vector<16xi32>
    %shift_left3A_1193 = arith.constant 10 : i32
    %shift_left3A_1194 = vector.broadcast %shift_left3A_1193 : i32 to vector<16xi32>
    %shift_left3A_1195 = arith.shli %shift_right_arithmetic3A_1192, %shift_left3A_1194 : vector<16xi32>
    %add3A_1196 = arith.addi %shift_left3A_1189, %shift_left3A_1195 : vector<16xi32>
    %and3A_1197 = arith.constant 7 : i32
    %and3A_1198 = vector.broadcast %and3A_1197 : i32 to vector<16xi32>
    %and3A_1199 = arith.andi %shift_right_arithmetic3A_1180, %and3A_1198 : vector<16xi32>
    %shift_left3A_1200 = arith.constant 7 : i32
    %shift_left3A_1201 = vector.broadcast %shift_left3A_1200 : i32 to vector<16xi32>
    %shift_left3A_1202 = arith.shli %and3A_1199, %shift_left3A_1201 : vector<16xi32>
    %add3A_1203 = arith.addi %add3A_1196, %shift_left3A_1202 : vector<16xi32>
    %and3A_1204 = arith.constant 127 : i32
    %and3A_1205 = vector.broadcast %and3A_1204 : i32 to vector<16xi32>
    %and3A_1206 = arith.andi %and3A_1183, %and3A_1205 : vector<16xi32>
    %add3A_1207 = arith.addi %add3A_1203, %and3A_1206 : vector<16xi32>
    %add3A_1208 = arith.constant 0 : i32
    %add3A_1209 = arith.addi %mul3A_2, %add3A_1208 : i32
    %mul3A_1210 = arith.constant 8 : i32
    %mul3A_1211 = arith.muli %add3A_1209, %mul3A_1210 : i32
    %add3A_1212 = arith.constant 0 : i32
    %add3A_1213 = arith.addi %mul3A_1211, %add3A_1212 : i32
    %mul3A_1214 = arith.constant 65536 : i32
    %mul3A_1215 = arith.muli %add3A_1213, %mul3A_1214 : i32
    %add3A_1216 = vector.broadcast %mul3A_1215 : i32 to vector<16xi32>
    %add3A_1217 = arith.addi %add3A_1216, %add3A_1207 : vector<16xi32>
    %swap3A_1218 = arith.constant 1056 : index
    %swap3A_1219 = tpu.vector_load %arg6[%swap3A_1218] {strides = array<i32>} : memref<4096xi32, #tpu.memory_space<vmem>>, vector<16xi32>,
    %swap3A_1220 = vector.shape_cast %swap3A_1219 : vector<16xi32> to vector<16xi32>
    %swap3A_1221 = vector.shape_cast %add3A_1217 : vector<16xi32> to vector<16xi32>
    tpu.vector_store %arg6[%swap3A_1218], %swap3A_1221 {strides = array<i32>} : memref<4096xi32, #tpu.memory_space<vmem>>, vector<16xi32>,
    %add3A_1222 = arith.constant 1 : i32
    %add3A_1223 = arith.addi %mul3A_1211, %add3A_1222 : i32
    %mul3A_1224 = arith.constant 65536 : i32
    %mul3A_1225 = arith.muli %add3A_1223, %mul3A_1224 : i32
    %add3A_1226 = vector.broadcast %mul3A_1225 : i32 to vector<16xi32>
    %add3A_1227 = arith.addi %add3A_1226, %add3A_1207 : vector<16xi32>
    %swap3A_1228 = arith.constant 1184 : index
    %swap3A_1229 = tpu.vector_load %arg6[%swap3A_1228] {strides = array<i32>} : memref<4096xi32, #tpu.memory_space<vmem>>, vector<16xi32>,
    %swap3A_1230 = vector.shape_cast %swap3A_1229 : vector<16xi32> to vector<16xi32>
    %swap3A_1231 = vector.shape_cast %add3A_1227 : vector<16xi32> to vector<16xi32>
    tpu.vector_store %arg6[%swap3A_1228], %swap3A_1231 {strides = array<i32>} : memref<4096xi32, #tpu.memory_space<vmem>>, vector<16xi32>,
    %add3A_1232 = arith.constant 2 : i32
    %add3A_1233 = arith.addi %mul3A_1211, %add3A_1232 : i32
    %mul3A_1234 = arith.constant 65536 : i32
    %mul3A_1235 = arith.muli %add3A_1233, %mul3A_1234 : i32
    %add3A_1236 = vector.broadcast %mul3A_1235 : i32 to vector<16xi32>
    %add3A_1237 = arith.addi %add3A_1236, %add3A_1207 : vector<16xi32>
    %swap3A_1238 = arith.constant 1312 : index
    %swap3A_1239 = tpu.vector_load %arg6[%swap3A_1238] {strides = array<i32>} : memref<4096xi32, #tpu.memory_space<vmem>>, vector<16xi32>,
    %swap3A_1240 = vector.shape_cast %swap3A_1239 : vector<16xi32> to vector<16xi32>
    %swap3A_1241 = vector.shape_cast %add3A_1237 : vector<16xi32> to vector<16xi32>
    tpu.vector_store %arg6[%swap3A_1238], %swap3A_1241 {strides = array<i32>} : memref<4096xi32, #tpu.memory_space<vmem>>, vector<16xi32>,
    %add3A_1242 = arith.constant 3 : i32
    %add3A_1243 = arith.addi %mul3A_1211, %add3A_1242 : i32
    %mul3A_1244 = arith.constant 65536 : i32
    %mul3A_1245 = arith.muli %add3A_1243, %mul3A_1244 : i32
    %add3A_1246 = vector.broadcast %mul3A_1245 : i32 to vector<16xi32>
    %add3A_1247 = arith.addi %add3A_1246, %add3A_1207 : vector<16xi32>
    %swap3A_1248 = arith.constant 1440 : index
    %swap3A_1249 = tpu.vector_load %arg6[%swap3A_1248] {strides = array<i32>} : memref<4096xi32, #tpu.memory_space<vmem>>, vector<16xi32>,
    %swap3A_1250 = vector.shape_cast %swap3A_1249 : vector<16xi32> to vector<16xi32>
    %swap3A_1251 = vector.shape_cast %add3A_1247 : vector<16xi32> to vector<16xi32>
    tpu.vector_store %arg6[%swap3A_1248], %swap3A_1251 {strides = array<i32>} : memref<4096xi32, #tpu.memory_space<vmem>>, vector<16xi32>,
    %add3A_1252 = arith.constant 4 : i32
    %add3A_1253 = arith.addi %mul3A_1211, %add3A_1252 : i32
    %mul3A_1254 = arith.constant 65536 : i32
    %mul3A_1255 = arith.muli %add3A_1253, %mul3A_1254 : i32
    %add3A_1256 = vector.broadcast %mul3A_1255 : i32 to vector<16xi32>
    %add3A_1257 = arith.addi %add3A_1256, %add3A_1207 : vector<16xi32>
    %swap3A_1258 = arith.constant 1568 : index
    %swap3A_1259 = tpu.vector_load %arg6[%swap3A_1258] {strides = array<i32>} : memref<4096xi32, #tpu.memory_space<vmem>>, vector<16xi32>,
    %swap3A_1260 = vector.shape_cast %swap3A_1259 : vector<16xi32> to vector<16xi32>
    %swap3A_1261 = vector.shape_cast %add3A_1257 : vector<16xi32> to vector<16xi32>
    tpu.vector_store %arg6[%swap3A_1258], %swap3A_1261 {strides = array<i32>} : memref<4096xi32, #tpu.memory_space<vmem>>, vector<16xi32>,
    %add3A_1262 = arith.constant 5 : i32
    %add3A_1263 = arith.addi %mul3A_1211, %add3A_1262 : i32
    %mul3A_1264 = arith.constant 65536 : i32
    %mul3A_1265 = arith.muli %add3A_1263, %mul3A_1264 : i32
    %add3A_1266 = vector.broadcast %mul3A_1265 : i32 to vector<16xi32>
    %add3A_1267 = arith.addi %add3A_1266, %add3A_1207 : vector<16xi32>
    %swap3A_1268 = arith.constant 1696 : index
    %swap3A_1269 = tpu.vector_load %arg6[%swap3A_1268] {strides = array<i32>} : memref<4096xi32, #tpu.memory_space<vmem>>, vector<16xi32>,
    %swap3A_1270 = vector.shape_cast %swap3A_1269 : vector<16xi32> to vector<16xi32>
    %swap3A_1271 = vector.shape_cast %add3A_1267 : vector<16xi32> to vector<16xi32>
    tpu.vector_store %arg6[%swap3A_1268], %swap3A_1271 {strides = array<i32>} : memref<4096xi32, #tpu.memory_space<vmem>>, vector<16xi32>,
    %add3A_1272 = arith.constant 6 : i32
    %add3A_1273 = arith.addi %mul3A_1211, %add3A_1272 : i32
    %mul3A_1274 = arith.constant 65536 : i32
    %mul3A_1275 = arith.muli %add3A_1273, %mul3A_1274 : i32
    %add3A_1276 = vector.broadcast %mul3A_1275 : i32 to vector<16xi32>
    %add3A_1277 = arith.addi %add3A_1276, %add3A_1207 : vector<16xi32>
    %swap3A_1278 = arith.constant 1824 : index
    %swap3A_1279 = tpu.vector_load %arg6[%swap3A_1278] {strides = array<i32>} : memref<4096xi32, #tpu.memory_space<vmem>>, vector<16xi32>,
    %swap3A_1280 = vector.shape_cast %swap3A_1279 : vector<16xi32> to vector<16xi32>
    %swap3A_1281 = vector.shape_cast %add3A_1277 : vector<16xi32> to vector<16xi32>
    tpu.vector_store %arg6[%swap3A_1278], %swap3A_1281 {strides = array<i32>} : memref<4096xi32, #tpu.memory_space<vmem>>, vector<16xi32>,
    %add3A_1282 = arith.constant 7 : i32
    %add3A_1283 = arith.addi %mul3A_1211, %add3A_1282 : i32
    %mul3A_1284 = arith.constant 65536 : i32
    %mul3A_1285 = arith.muli %add3A_1283, %mul3A_1284 : i32
    %add3A_1286 = vector.broadcast %mul3A_1285 : i32 to vector<16xi32>
    %add3A_1287 = arith.addi %add3A_1286, %add3A_1207 : vector<16xi32>
    %swap3A_1288 = arith.constant 1952 : index
    %swap3A_1289 = tpu.vector_load %arg6[%swap3A_1288] {strides = array<i32>} : memref<4096xi32, #tpu.memory_space<vmem>>, vector<16xi32>,
    %swap3A_1290 = vector.shape_cast %swap3A_1289 : vector<16xi32> to vector<16xi32>
    %swap3A_1291 = vector.shape_cast %add3A_1287 : vector<16xi32> to vector<16xi32>
    tpu.vector_store %arg6[%swap3A_1288], %swap3A_1291 {strides = array<i32>} : memref<4096xi32, #tpu.memory_space<vmem>>, vector<16xi32>,
    %get3A_1292 = arith.constant 176 : index
    %get3A_1293 = tpu.vector_load %arg5[%get3A_1292] {strides = array<i32>} : memref<512xi32, #tpu.memory_space<vmem>>, vector<16xi32>,
    %get3A_1294 = vector.shape_cast %get3A_1293 : vector<16xi32> to vector<16xi32>
    %shift_right_arithmetic3A_1295 = arith.constant 8 : i32
    %shift_right_arithmetic3A_1296 = vector.broadcast %shift_right_arithmetic3A_1295 : i32 to vector<16xi32>
    %shift_right_arithmetic3A_1297 = arith.shrsi %get3A_1294, %shift_right_arithmetic3A_1296 : vector<16xi32>
    %and3A_1298 = arith.constant 255 : i32
    %and3A_1299 = vector.broadcast %and3A_1298 : i32 to vector<16xi32>
    %and3A_1300 = arith.andi %get3A_1294, %and3A_1299 : vector<16xi32>
    %shift_right_arithmetic3A_1301 = arith.constant 3 : i32
    %shift_right_arithmetic3A_1302 = vector.broadcast %shift_right_arithmetic3A_1301 : i32 to vector<16xi32>
    %shift_right_arithmetic3A_1303 = arith.shrsi %shift_right_arithmetic3A_1297, %shift_right_arithmetic3A_1302 : vector<16xi32>
    %shift_left3A_1304 = arith.constant 11 : i32
    %shift_left3A_1305 = vector.broadcast %shift_left3A_1304 : i32 to vector<16xi32>
    %shift_left3A_1306 = arith.shli %shift_right_arithmetic3A_1303, %shift_left3A_1305 : vector<16xi32>
    %shift_right_arithmetic3A_1307 = arith.constant 7 : i32
    %shift_right_arithmetic3A_1308 = vector.broadcast %shift_right_arithmetic3A_1307 : i32 to vector<16xi32>
    %shift_right_arithmetic3A_1309 = arith.shrsi %and3A_1300, %shift_right_arithmetic3A_1308 : vector<16xi32>
    %shift_left3A_1310 = arith.constant 10 : i32
    %shift_left3A_1311 = vector.broadcast %shift_left3A_1310 : i32 to vector<16xi32>
    %shift_left3A_1312 = arith.shli %shift_right_arithmetic3A_1309, %shift_left3A_1311 : vector<16xi32>
    %add3A_1313 = arith.addi %shift_left3A_1306, %shift_left3A_1312 : vector<16xi32>
    %and3A_1314 = arith.constant 7 : i32
    %and3A_1315 = vector.broadcast %and3A_1314 : i32 to vector<16xi32>
    %and3A_1316 = arith.andi %shift_right_arithmetic3A_1297, %and3A_1315 : vector<16xi32>
    %shift_left3A_1317 = arith.constant 7 : i32
    %shift_left3A_1318 = vector.broadcast %shift_left3A_1317 : i32 to vector<16xi32>
    %shift_left3A_1319 = arith.shli %and3A_1316, %shift_left3A_1318 : vector<16xi32>
    %add3A_1320 = arith.addi %add3A_1313, %shift_left3A_1319 : vector<16xi32>
    %and3A_1321 = arith.constant 127 : i32
    %and3A_1322 = vector.broadcast %and3A_1321 : i32 to vector<16xi32>
    %and3A_1323 = arith.andi %and3A_1300, %and3A_1322 : vector<16xi32>
    %add3A_1324 = arith.addi %add3A_1320, %and3A_1323 : vector<16xi32>
    %add3A_1325 = arith.constant 0 : i32
    %add3A_1326 = arith.addi %mul3A_2, %add3A_1325 : i32
    %mul3A_1327 = arith.constant 8 : i32
    %mul3A_1328 = arith.muli %add3A_1326, %mul3A_1327 : i32
    %add3A_1329 = arith.constant 0 : i32
    %add3A_1330 = arith.addi %mul3A_1328, %add3A_1329 : i32
    %mul3A_1331 = arith.constant 65536 : i32
    %mul3A_1332 = arith.muli %add3A_1330, %mul3A_1331 : i32
    %add3A_1333 = vector.broadcast %mul3A_1332 : i32 to vector<16xi32>
    %add3A_1334 = arith.addi %add3A_1333, %add3A_1324 : vector<16xi32>
    %swap3A_1335 = arith.constant 1072 : index
    %swap3A_1336 = tpu.vector_load %arg6[%swap3A_1335] {strides = array<i32>} : memref<4096xi32, #tpu.memory_space<vmem>>, vector<16xi32>,
    %swap3A_1337 = vector.shape_cast %swap3A_1336 : vector<16xi32> to vector<16xi32>
    %swap3A_1338 = vector.shape_cast %add3A_1334 : vector<16xi32> to vector<16xi32>
    tpu.vector_store %arg6[%swap3A_1335], %swap3A_1338 {strides = array<i32>} : memref<4096xi32, #tpu.memory_space<vmem>>, vector<16xi32>,
    %add3A_1339 = arith.constant 1 : i32
    %add3A_1340 = arith.addi %mul3A_1328, %add3A_1339 : i32
    %mul3A_1341 = arith.constant 65536 : i32
    %mul3A_1342 = arith.muli %add3A_1340, %mul3A_1341 : i32
    %add3A_1343 = vector.broadcast %mul3A_1342 : i32 to vector<16xi32>
    %add3A_1344 = arith.addi %add3A_1343, %add3A_1324 : vector<16xi32>
    %swap3A_1345 = arith.constant 1200 : index
    %swap3A_1346 = tpu.vector_load %arg6[%swap3A_1345] {strides = array<i32>} : memref<4096xi32, #tpu.memory_space<vmem>>, vector<16xi32>,
    %swap3A_1347 = vector.shape_cast %swap3A_1346 : vector<16xi32> to vector<16xi32>
    %swap3A_1348 = vector.shape_cast %add3A_1344 : vector<16xi32> to vector<16xi32>
    tpu.vector_store %arg6[%swap3A_1345], %swap3A_1348 {strides = array<i32>} : memref<4096xi32, #tpu.memory_space<vmem>>, vector<16xi32>,
    %add3A_1349 = arith.constant 2 : i32
    %add3A_1350 = arith.addi %mul3A_1328, %add3A_1349 : i32
    %mul3A_1351 = arith.constant 65536 : i32
    %mul3A_1352 = arith.muli %add3A_1350, %mul3A_1351 : i32
    %add3A_1353 = vector.broadcast %mul3A_1352 : i32 to vector<16xi32>
    %add3A_1354 = arith.addi %add3A_1353, %add3A_1324 : vector<16xi32>
    %swap3A_1355 = arith.constant 1328 : index
    %swap3A_1356 = tpu.vector_load %arg6[%swap3A_1355] {strides = array<i32>} : memref<4096xi32, #tpu.memory_space<vmem>>, vector<16xi32>,
    %swap3A_1357 = vector.shape_cast %swap3A_1356 : vector<16xi32> to vector<16xi32>
    %swap3A_1358 = vector.shape_cast %add3A_1354 : vector<16xi32> to vector<16xi32>
    tpu.vector_store %arg6[%swap3A_1355], %swap3A_1358 {strides = array<i32>} : memref<4096xi32, #tpu.memory_space<vmem>>, vector<16xi32>,
    %add3A_1359 = arith.constant 3 : i32
    %add3A_1360 = arith.addi %mul3A_1328, %add3A_1359 : i32
    %mul3A_1361 = arith.constant 65536 : i32
    %mul3A_1362 = arith.muli %add3A_1360, %mul3A_1361 : i32
    %add3A_1363 = vector.broadcast %mul3A_1362 : i32 to vector<16xi32>
    %add3A_1364 = arith.addi %add3A_1363, %add3A_1324 : vector<16xi32>
    %swap3A_1365 = arith.constant 1456 : index
    %swap3A_1366 = tpu.vector_load %arg6[%swap3A_1365] {strides = array<i32>} : memref<4096xi32, #tpu.memory_space<vmem>>, vector<16xi32>,
    %swap3A_1367 = vector.shape_cast %swap3A_1366 : vector<16xi32> to vector<16xi32>
    %swap3A_1368 = vector.shape_cast %add3A_1364 : vector<16xi32> to vector<16xi32>
    tpu.vector_store %arg6[%swap3A_1365], %swap3A_1368 {strides = array<i32>} : memref<4096xi32, #tpu.memory_space<vmem>>, vector<16xi32>,
    %add3A_1369 = arith.constant 4 : i32
    %add3A_1370 = arith.addi %mul3A_1328, %add3A_1369 : i32
    %mul3A_1371 = arith.constant 65536 : i32
    %mul3A_1372 = arith.muli %add3A_1370, %mul3A_1371 : i32
    %add3A_1373 = vector.broadcast %mul3A_1372 : i32 to vector<16xi32>
    %add3A_1374 = arith.addi %add3A_1373, %add3A_1324 : vector<16xi32>
    %swap3A_1375 = arith.constant 1584 : index
    %swap3A_1376 = tpu.vector_load %arg6[%swap3A_1375] {strides = array<i32>} : memref<4096xi32, #tpu.memory_space<vmem>>, vector<16xi32>,
    %swap3A_1377 = vector.shape_cast %swap3A_1376 : vector<16xi32> to vector<16xi32>
    %swap3A_1378 = vector.shape_cast %add3A_1374 : vector<16xi32> to vector<16xi32>
    tpu.vector_store %arg6[%swap3A_1375], %swap3A_1378 {strides = array<i32>} : memref<4096xi32, #tpu.memory_space<vmem>>, vector<16xi32>,
    %add3A_1379 = arith.constant 5 : i32
    %add3A_1380 = arith.addi %mul3A_1328, %add3A_1379 : i32
    %mul3A_1381 = arith.constant 65536 : i32
    %mul3A_1382 = arith.muli %add3A_1380, %mul3A_1381 : i32
    %add3A_1383 = vector.broadcast %mul3A_1382 : i32 to vector<16xi32>
    %add3A_1384 = arith.addi %add3A_1383, %add3A_1324 : vector<16xi32>
    %swap3A_1385 = arith.constant 1712 : index
    %swap3A_1386 = tpu.vector_load %arg6[%swap3A_1385] {strides = array<i32>} : memref<4096xi32, #tpu.memory_space<vmem>>, vector<16xi32>,
    %swap3A_1387 = vector.shape_cast %swap3A_1386 : vector<16xi32> to vector<16xi32>
    %swap3A_1388 = vector.shape_cast %add3A_1384 : vector<16xi32> to vector<16xi32>
    tpu.vector_store %arg6[%swap3A_1385], %swap3A_1388 {strides = array<i32>} : memref<4096xi32, #tpu.memory_space<vmem>>, vector<16xi32>,
    %add3A_1389 = arith.constant 6 : i32
    %add3A_1390 = arith.addi %mul3A_1328, %add3A_1389 : i32
    %mul3A_1391 = arith.constant 65536 : i32
    %mul3A_1392 = arith.muli %add3A_1390, %mul3A_1391 : i32
    %add3A_1393 = vector.broadcast %mul3A_1392 : i32 to vector<16xi32>
    %add3A_1394 = arith.addi %add3A_1393, %add3A_1324 : vector<16xi32>
    %swap3A_1395 = arith.constant 1840 : index
    %swap3A_1396 = tpu.vector_load %arg6[%swap3A_1395] {strides = array<i32>} : memref<4096xi32, #tpu.memory_space<vmem>>, vector<16xi32>,
    %swap3A_1397 = vector.shape_cast %swap3A_1396 : vector<16xi32> to vector<16xi32>
    %swap3A_1398 = vector.shape_cast %add3A_1394 : vector<16xi32> to vector<16xi32>
    tpu.vector_store %arg6[%swap3A_1395], %swap3A_1398 {strides = array<i32>} : memref<4096xi32, #tpu.memory_space<vmem>>, vector<16xi32>,
    %add3A_1399 = arith.constant 7 : i32
    %add3A_1400 = arith.addi %mul3A_1328, %add3A_1399 : i32
    %mul3A_1401 = arith.constant 65536 : i32
    %mul3A_1402 = arith.muli %add3A_1400, %mul3A_1401 : i32
    %add3A_1403 = vector.broadcast %mul3A_1402 : i32 to vector<16xi32>
    %add3A_1404 = arith.addi %add3A_1403, %add3A_1324 : vector<16xi32>
    %swap3A_1405 = arith.constant 1968 : index
    %swap3A_1406 = tpu.vector_load %arg6[%swap3A_1405] {strides = array<i32>} : memref<4096xi32, #tpu.memory_space<vmem>>, vector<16xi32>,
    %swap3A_1407 = vector.shape_cast %swap3A_1406 : vector<16xi32> to vector<16xi32>
    %swap3A_1408 = vector.shape_cast %add3A_1404 : vector<16xi32> to vector<16xi32>
    tpu.vector_store %arg6[%swap3A_1405], %swap3A_1408 {strides = array<i32>} : memref<4096xi32, #tpu.memory_space<vmem>>, vector<16xi32>,
    %get3A_1409 = arith.constant 192 : index
    %get3A_1410 = tpu.vector_load %arg5[%get3A_1409] {strides = array<i32>} : memref<512xi32, #tpu.memory_space<vmem>>, vector<16xi32>,
    %get3A_1411 = vector.shape_cast %get3A_1410 : vector<16xi32> to vector<16xi32>
    %shift_right_arithmetic3A_1412 = arith.constant 8 : i32
    %shift_right_arithmetic3A_1413 = vector.broadcast %shift_right_arithmetic3A_1412 : i32 to vector<16xi32>
    %shift_right_arithmetic3A_1414 = arith.shrsi %get3A_1411, %shift_right_arithmetic3A_1413 : vector<16xi32>
    %and3A_1415 = arith.constant 255 : i32
    %and3A_1416 = vector.broadcast %and3A_1415 : i32 to vector<16xi32>
    %and3A_1417 = arith.andi %get3A_1411, %and3A_1416 : vector<16xi32>
    %shift_right_arithmetic3A_1418 = arith.constant 3 : i32
    %shift_right_arithmetic3A_1419 = vector.broadcast %shift_right_arithmetic3A_1418 : i32 to vector<16xi32>
    %shift_right_arithmetic3A_1420 = arith.shrsi %shift_right_arithmetic3A_1414, %shift_right_arithmetic3A_1419 : vector<16xi32>
    %shift_left3A_1421 = arith.constant 11 : i32
    %shift_left3A_1422 = vector.broadcast %shift_left3A_1421 : i32 to vector<16xi32>
    %shift_left3A_1423 = arith.shli %shift_right_arithmetic3A_1420, %shift_left3A_1422 : vector<16xi32>
    %shift_right_arithmetic3A_1424 = arith.constant 7 : i32
    %shift_right_arithmetic3A_1425 = vector.broadcast %shift_right_arithmetic3A_1424 : i32 to vector<16xi32>
    %shift_right_arithmetic3A_1426 = arith.shrsi %and3A_1417, %shift_right_arithmetic3A_1425 : vector<16xi32>
    %shift_left3A_1427 = arith.constant 10 : i32
    %shift_left3A_1428 = vector.broadcast %shift_left3A_1427 : i32 to vector<16xi32>
    %shift_left3A_1429 = arith.shli %shift_right_arithmetic3A_1426, %shift_left3A_1428 : vector<16xi32>
    %add3A_1430 = arith.addi %shift_left3A_1423, %shift_left3A_1429 : vector<16xi32>
    %and3A_1431 = arith.constant 7 : i32
    %and3A_1432 = vector.broadcast %and3A_1431 : i32 to vector<16xi32>
    %and3A_1433 = arith.andi %shift_right_arithmetic3A_1414, %and3A_1432 : vector<16xi32>
    %shift_left3A_1434 = arith.constant 7 : i32
    %shift_left3A_1435 = vector.broadcast %shift_left3A_1434 : i32 to vector<16xi32>
    %shift_left3A_1436 = arith.shli %and3A_1433, %shift_left3A_1435 : vector<16xi32>
    %add3A_1437 = arith.addi %add3A_1430, %shift_left3A_1436 : vector<16xi32>
    %and3A_1438 = arith.constant 127 : i32
    %and3A_1439 = vector.broadcast %and3A_1438 : i32 to vector<16xi32>
    %and3A_1440 = arith.andi %and3A_1417, %and3A_1439 : vector<16xi32>
    %add3A_1441 = arith.addi %add3A_1437, %and3A_1440 : vector<16xi32>
    %add3A_1442 = arith.constant 0 : i32
    %add3A_1443 = arith.addi %mul3A_2, %add3A_1442 : i32
    %mul3A_1444 = arith.constant 8 : i32
    %mul3A_1445 = arith.muli %add3A_1443, %mul3A_1444 : i32
    %add3A_1446 = arith.constant 0 : i32
    %add3A_1447 = arith.addi %mul3A_1445, %add3A_1446 : i32
    %mul3A_1448 = arith.constant 65536 : i32
    %mul3A_1449 = arith.muli %add3A_1447, %mul3A_1448 : i32
    %add3A_1450 = vector.broadcast %mul3A_1449 : i32 to vector<16xi32>
    %add3A_1451 = arith.addi %add3A_1450, %add3A_1441 : vector<16xi32>
    %swap3A_1452 = arith.constant 1088 : index
    %swap3A_1453 = tpu.vector_load %arg6[%swap3A_1452] {strides = array<i32>} : memref<4096xi32, #tpu.memory_space<vmem>>, vector<16xi32>,
    %swap3A_1454 = vector.shape_cast %swap3A_1453 : vector<16xi32> to vector<16xi32>
    %swap3A_1455 = vector.shape_cast %add3A_1451 : vector<16xi32> to vector<16xi32>
    tpu.vector_store %arg6[%swap3A_1452], %swap3A_1455 {strides = array<i32>} : memref<4096xi32, #tpu.memory_space<vmem>>, vector<16xi32>,
    %add3A_1456 = arith.constant 1 : i32
    %add3A_1457 = arith.addi %mul3A_1445, %add3A_1456 : i32
    %mul3A_1458 = arith.constant 65536 : i32
    %mul3A_1459 = arith.muli %add3A_1457, %mul3A_1458 : i32
    %add3A_1460 = vector.broadcast %mul3A_1459 : i32 to vector<16xi32>
    %add3A_1461 = arith.addi %add3A_1460, %add3A_1441 : vector<16xi32>
    %swap3A_1462 = arith.constant 1216 : index
    %swap3A_1463 = tpu.vector_load %arg6[%swap3A_1462] {strides = array<i32>} : memref<4096xi32, #tpu.memory_space<vmem>>, vector<16xi32>,
    %swap3A_1464 = vector.shape_cast %swap3A_1463 : vector<16xi32> to vector<16xi32>
    %swap3A_1465 = vector.shape_cast %add3A_1461 : vector<16xi32> to vector<16xi32>
    tpu.vector_store %arg6[%swap3A_1462], %swap3A_1465 {strides = array<i32>} : memref<4096xi32, #tpu.memory_space<vmem>>, vector<16xi32>,
    %add3A_1466 = arith.constant 2 : i32
    %add3A_1467 = arith.addi %mul3A_1445, %add3A_1466 : i32
    %mul3A_1468 = arith.constant 65536 : i32
    %mul3A_1469 = arith.muli %add3A_1467, %mul3A_1468 : i32
    %add3A_1470 = vector.broadcast %mul3A_1469 : i32 to vector<16xi32>
    %add3A_1471 = arith.addi %add3A_1470, %add3A_1441 : vector<16xi32>
    %swap3A_1472 = arith.constant 1344 : index
    %swap3A_1473 = tpu.vector_load %arg6[%swap3A_1472] {strides = array<i32>} : memref<4096xi32, #tpu.memory_space<vmem>>, vector<16xi32>,
    %swap3A_1474 = vector.shape_cast %swap3A_1473 : vector<16xi32> to vector<16xi32>
    %swap3A_1475 = vector.shape_cast %add3A_1471 : vector<16xi32> to vector<16xi32>
    tpu.vector_store %arg6[%swap3A_1472], %swap3A_1475 {strides = array<i32>} : memref<4096xi32, #tpu.memory_space<vmem>>, vector<16xi32>,
    %add3A_1476 = arith.constant 3 : i32
    %add3A_1477 = arith.addi %mul3A_1445, %add3A_1476 : i32
    %mul3A_1478 = arith.constant 65536 : i32
    %mul3A_1479 = arith.muli %add3A_1477, %mul3A_1478 : i32
    %add3A_1480 = vector.broadcast %mul3A_1479 : i32 to vector<16xi32>
    %add3A_1481 = arith.addi %add3A_1480, %add3A_1441 : vector<16xi32>
    %swap3A_1482 = arith.constant 1472 : index
    %swap3A_1483 = tpu.vector_load %arg6[%swap3A_1482] {strides = array<i32>} : memref<4096xi32, #tpu.memory_space<vmem>>, vector<16xi32>,
    %swap3A_1484 = vector.shape_cast %swap3A_1483 : vector<16xi32> to vector<16xi32>
    %swap3A_1485 = vector.shape_cast %add3A_1481 : vector<16xi32> to vector<16xi32>
    tpu.vector_store %arg6[%swap3A_1482], %swap3A_1485 {strides = array<i32>} : memref<4096xi32, #tpu.memory_space<vmem>>, vector<16xi32>,
    %add3A_1486 = arith.constant 4 : i32
    %add3A_1487 = arith.addi %mul3A_1445, %add3A_1486 : i32
    %mul3A_1488 = arith.constant 65536 : i32
    %mul3A_1489 = arith.muli %add3A_1487, %mul3A_1488 : i32
    %add3A_1490 = vector.broadcast %mul3A_1489 : i32 to vector<16xi32>
    %add3A_1491 = arith.addi %add3A_1490, %add3A_1441 : vector<16xi32>
    %swap3A_1492 = arith.constant 1600 : index
    %swap3A_1493 = tpu.vector_load %arg6[%swap3A_1492] {strides = array<i32>} : memref<4096xi32, #tpu.memory_space<vmem>>, vector<16xi32>,
    %swap3A_1494 = vector.shape_cast %swap3A_1493 : vector<16xi32> to vector<16xi32>
    %swap3A_1495 = vector.shape_cast %add3A_1491 : vector<16xi32> to vector<16xi32>
    tpu.vector_store %arg6[%swap3A_1492], %swap3A_1495 {strides = array<i32>} : memref<4096xi32, #tpu.memory_space<vmem>>, vector<16xi32>,
    %add3A_1496 = arith.constant 5 : i32
    %add3A_1497 = arith.addi %mul3A_1445, %add3A_1496 : i32
    %mul3A_1498 = arith.constant 65536 : i32
    %mul3A_1499 = arith.muli %add3A_1497, %mul3A_1498 : i32
    %add3A_1500 = vector.broadcast %mul3A_1499 : i32 to vector<16xi32>
    %add3A_1501 = arith.addi %add3A_1500, %add3A_1441 : vector<16xi32>
    %swap3A_1502 = arith.constant 1728 : index
    %swap3A_1503 = tpu.vector_load %arg6[%swap3A_1502] {strides = array<i32>} : memref<4096xi32, #tpu.memory_space<vmem>>, vector<16xi32>,
    %swap3A_1504 = vector.shape_cast %swap3A_1503 : vector<16xi32> to vector<16xi32>
    %swap3A_1505 = vector.shape_cast %add3A_1501 : vector<16xi32> to vector<16xi32>
    tpu.vector_store %arg6[%swap3A_1502], %swap3A_1505 {strides = array<i32>} : memref<4096xi32, #tpu.memory_space<vmem>>, vector<16xi32>,
    %add3A_1506 = arith.constant 6 : i32
    %add3A_1507 = arith.addi %mul3A_1445, %add3A_1506 : i32
    %mul3A_1508 = arith.constant 65536 : i32
    %mul3A_1509 = arith.muli %add3A_1507, %mul3A_1508 : i32
    %add3A_1510 = vector.broadcast %mul3A_1509 : i32 to vector<16xi32>
    %add3A_1511 = arith.addi %add3A_1510, %add3A_1441 : vector<16xi32>
    %swap3A_1512 = arith.constant 1856 : index
    %swap3A_1513 = tpu.vector_load %arg6[%swap3A_1512] {strides = array<i32>} : memref<4096xi32, #tpu.memory_space<vmem>>, vector<16xi32>,
    %swap3A_1514 = vector.shape_cast %swap3A_1513 : vector<16xi32> to vector<16xi32>
    %swap3A_1515 = vector.shape_cast %add3A_1511 : vector<16xi32> to vector<16xi32>
    tpu.vector_store %arg6[%swap3A_1512], %swap3A_1515 {strides = array<i32>} : memref<4096xi32, #tpu.memory_space<vmem>>, vector<16xi32>,
    %add3A_1516 = arith.constant 7 : i32
    %add3A_1517 = arith.addi %mul3A_1445, %add3A_1516 : i32
    %mul3A_1518 = arith.constant 65536 : i32
    %mul3A_1519 = arith.muli %add3A_1517, %mul3A_1518 : i32
    %add3A_1520 = vector.broadcast %mul3A_1519 : i32 to vector<16xi32>
    %add3A_1521 = arith.addi %add3A_1520, %add3A_1441 : vector<16xi32>
    %swap3A_1522 = arith.constant 1984 : index
    %swap3A_1523 = tpu.vector_load %arg6[%swap3A_1522] {strides = array<i32>} : memref<4096xi32, #tpu.memory_space<vmem>>, vector<16xi32>,
    %swap3A_1524 = vector.shape_cast %swap3A_1523 : vector<16xi32> to vector<16xi32>
    %swap3A_1525 = vector.shape_cast %add3A_1521 : vector<16xi32> to vector<16xi32>
    tpu.vector_store %arg6[%swap3A_1522], %swap3A_1525 {strides = array<i32>} : memref<4096xi32, #tpu.memory_space<vmem>>, vector<16xi32>,
    %get3A_1526 = arith.constant 208 : index
    %get3A_1527 = tpu.vector_load %arg5[%get3A_1526] {strides = array<i32>} : memref<512xi32, #tpu.memory_space<vmem>>, vector<16xi32>,
    %get3A_1528 = vector.shape_cast %get3A_1527 : vector<16xi32> to vector<16xi32>
    %shift_right_arithmetic3A_1529 = arith.constant 8 : i32
    %shift_right_arithmetic3A_1530 = vector.broadcast %shift_right_arithmetic3A_1529 : i32 to vector<16xi32>
    %shift_right_arithmetic3A_1531 = arith.shrsi %get3A_1528, %shift_right_arithmetic3A_1530 : vector<16xi32>
    %and3A_1532 = arith.constant 255 : i32
    %and3A_1533 = vector.broadcast %and3A_1532 : i32 to vector<16xi32>
    %and3A_1534 = arith.andi %get3A_1528, %and3A_1533 : vector<16xi32>
    %shift_right_arithmetic3A_1535 = arith.constant 3 : i32
    %shift_right_arithmetic3A_1536 = vector.broadcast %shift_right_arithmetic3A_1535 : i32 to vector<16xi32>
    %shift_right_arithmetic3A_1537 = arith.shrsi %shift_right_arithmetic3A_1531, %shift_right_arithmetic3A_1536 : vector<16xi32>
    %shift_left3A_1538 = arith.constant 11 : i32
    %shift_left3A_1539 = vector.broadcast %shift_left3A_1538 : i32 to vector<16xi32>
    %shift_left3A_1540 = arith.shli %shift_right_arithmetic3A_1537, %shift_left3A_1539 : vector<16xi32>
    %shift_right_arithmetic3A_1541 = arith.constant 7 : i32
    %shift_right_arithmetic3A_1542 = vector.broadcast %shift_right_arithmetic3A_1541 : i32 to vector<16xi32>
    %shift_right_arithmetic3A_1543 = arith.shrsi %and3A_1534, %shift_right_arithmetic3A_1542 : vector<16xi32>
    %shift_left3A_1544 = arith.constant 10 : i32
    %shift_left3A_1545 = vector.broadcast %shift_left3A_1544 : i32 to vector<16xi32>
    %shift_left3A_1546 = arith.shli %shift_right_arithmetic3A_1543, %shift_left3A_1545 : vector<16xi32>
    %add3A_1547 = arith.addi %shift_left3A_1540, %shift_left3A_1546 : vector<16xi32>
    %and3A_1548 = arith.constant 7 : i32
    %and3A_1549 = vector.broadcast %and3A_1548 : i32 to vector<16xi32>
    %and3A_1550 = arith.andi %shift_right_arithmetic3A_1531, %and3A_1549 : vector<16xi32>
    %shift_left3A_1551 = arith.constant 7 : i32
    %shift_left3A_1552 = vector.broadcast %shift_left3A_1551 : i32 to vector<16xi32>
    %shift_left3A_1553 = arith.shli %and3A_1550, %shift_left3A_1552 : vector<16xi32>
    %add3A_1554 = arith.addi %add3A_1547, %shift_left3A_1553 : vector<16xi32>
    %and3A_1555 = arith.constant 127 : i32
    %and3A_1556 = vector.broadcast %and3A_1555 : i32 to vector<16xi32>
    %and3A_1557 = arith.andi %and3A_1534, %and3A_1556 : vector<16xi32>
    %add3A_1558 = arith.addi %add3A_1554, %and3A_1557 : vector<16xi32>
    %add3A_1559 = arith.constant 0 : i32
    %add3A_1560 = arith.addi %mul3A_2, %add3A_1559 : i32
    %mul3A_1561 = arith.constant 8 : i32
    %mul3A_1562 = arith.muli %add3A_1560, %mul3A_1561 : i32
    %add3A_1563 = arith.constant 0 : i32
    %add3A_1564 = arith.addi %mul3A_1562, %add3A_1563 : i32
    %mul3A_1565 = arith.constant 65536 : i32
    %mul3A_1566 = arith.muli %add3A_1564, %mul3A_1565 : i32
    %add3A_1567 = vector.broadcast %mul3A_1566 : i32 to vector<16xi32>
    %add3A_1568 = arith.addi %add3A_1567, %add3A_1558 : vector<16xi32>
    %swap3A_1569 = arith.constant 1104 : index
    %swap3A_1570 = tpu.vector_load %arg6[%swap3A_1569] {strides = array<i32>} : memref<4096xi32, #tpu.memory_space<vmem>>, vector<16xi32>,
    %swap3A_1571 = vector.shape_cast %swap3A_1570 : vector<16xi32> to vector<16xi32>
    %swap3A_1572 = vector.shape_cast %add3A_1568 : vector<16xi32> to vector<16xi32>
    tpu.vector_store %arg6[%swap3A_1569], %swap3A_1572 {strides = array<i32>} : memref<4096xi32, #tpu.memory_space<vmem>>, vector<16xi32>,
    %add3A_1573 = arith.constant 1 : i32
    %add3A_1574 = arith.addi %mul3A_1562, %add3A_1573 : i32
    %mul3A_1575 = arith.constant 65536 : i32
    %mul3A_1576 = arith.muli %add3A_1574, %mul3A_1575 : i32
    %add3A_1577 = vector.broadcast %mul3A_1576 : i32 to vector<16xi32>
    %add3A_1578 = arith.addi %add3A_1577, %add3A_1558 : vector<16xi32>
    %swap3A_1579 = arith.constant 1232 : index
    %swap3A_1580 = tpu.vector_load %arg6[%swap3A_1579] {strides = array<i32>} : memref<4096xi32, #tpu.memory_space<vmem>>, vector<16xi32>,
    %swap3A_1581 = vector.shape_cast %swap3A_1580 : vector<16xi32> to vector<16xi32>
    %swap3A_1582 = vector.shape_cast %add3A_1578 : vector<16xi32> to vector<16xi32>
    tpu.vector_store %arg6[%swap3A_1579], %swap3A_1582 {strides = array<i32>} : memref<4096xi32, #tpu.memory_space<vmem>>, vector<16xi32>,
    %add3A_1583 = arith.constant 2 : i32
    %add3A_1584 = arith.addi %mul3A_1562, %add3A_1583 : i32
    %mul3A_1585 = arith.constant 65536 : i32
    %mul3A_1586 = arith.muli %add3A_1584, %mul3A_1585 : i32
    %add3A_1587 = vector.broadcast %mul3A_1586 : i32 to vector<16xi32>
    %add3A_1588 = arith.addi %add3A_1587, %add3A_1558 : vector<16xi32>
    %swap3A_1589 = arith.constant 1360 : index
    %swap3A_1590 = tpu.vector_load %arg6[%swap3A_1589] {strides = array<i32>} : memref<4096xi32, #tpu.memory_space<vmem>>, vector<16xi32>,
    %swap3A_1591 = vector.shape_cast %swap3A_1590 : vector<16xi32> to vector<16xi32>
    %swap3A_1592 = vector.shape_cast %add3A_1588 : vector<16xi32> to vector<16xi32>
    tpu.vector_store %arg6[%swap3A_1589], %swap3A_1592 {strides = array<i32>} : memref<4096xi32, #tpu.memory_space<vmem>>, vector<16xi32>,
    %add3A_1593 = arith.constant 3 : i32
    %add3A_1594 = arith.addi %mul3A_1562, %add3A_1593 : i32
    %mul3A_1595 = arith.constant 65536 : i32
    %mul3A_1596 = arith.muli %add3A_1594, %mul3A_1595 : i32
    %add3A_1597 = vector.broadcast %mul3A_1596 : i32 to vector<16xi32>
    %add3A_1598 = arith.addi %add3A_1597, %add3A_1558 : vector<16xi32>
    %swap3A_1599 = arith.constant 1488 : index
    %swap3A_1600 = tpu.vector_load %arg6[%swap3A_1599] {strides = array<i32>} : memref<4096xi32, #tpu.memory_space<vmem>>, vector<16xi32>,
    %swap3A_1601 = vector.shape_cast %swap3A_1600 : vector<16xi32> to vector<16xi32>
    %swap3A_1602 = vector.shape_cast %add3A_1598 : vector<16xi32> to vector<16xi32>
    tpu.vector_store %arg6[%swap3A_1599], %swap3A_1602 {strides = array<i32>} : memref<4096xi32, #tpu.memory_space<vmem>>, vector<16xi32>,
    %add3A_1603 = arith.constant 4 : i32
    %add3A_1604 = arith.addi %mul3A_1562, %add3A_1603 : i32
    %mul3A_1605 = arith.constant 65536 : i32
    %mul3A_1606 = arith.muli %add3A_1604, %mul3A_1605 : i32
    %add3A_1607 = vector.broadcast %mul3A_1606 : i32 to vector<16xi32>
    %add3A_1608 = arith.addi %add3A_1607, %add3A_1558 : vector<16xi32>
    %swap3A_1609 = arith.constant 1616 : index
    %swap3A_1610 = tpu.vector_load %arg6[%swap3A_1609] {strides = array<i32>} : memref<4096xi32, #tpu.memory_space<vmem>>, vector<16xi32>,
    %swap3A_1611 = vector.shape_cast %swap3A_1610 : vector<16xi32> to vector<16xi32>
    %swap3A_1612 = vector.shape_cast %add3A_1608 : vector<16xi32> to vector<16xi32>
    tpu.vector_store %arg6[%swap3A_1609], %swap3A_1612 {strides = array<i32>} : memref<4096xi32, #tpu.memory_space<vmem>>, vector<16xi32>,
    %add3A_1613 = arith.constant 5 : i32
    %add3A_1614 = arith.addi %mul3A_1562, %add3A_1613 : i32
    %mul3A_1615 = arith.constant 65536 : i32
    %mul3A_1616 = arith.muli %add3A_1614, %mul3A_1615 : i32
    %add3A_1617 = vector.broadcast %mul3A_1616 : i32 to vector<16xi32>
    %add3A_1618 = arith.addi %add3A_1617, %add3A_1558 : vector<16xi32>
    %swap3A_1619 = arith.constant 1744 : index
    %swap3A_1620 = tpu.vector_load %arg6[%swap3A_1619] {strides = array<i32>} : memref<4096xi32, #tpu.memory_space<vmem>>, vector<16xi32>,
    %swap3A_1621 = vector.shape_cast %swap3A_1620 : vector<16xi32> to vector<16xi32>
    %swap3A_1622 = vector.shape_cast %add3A_1618 : vector<16xi32> to vector<16xi32>
    tpu.vector_store %arg6[%swap3A_1619], %swap3A_1622 {strides = array<i32>} : memref<4096xi32, #tpu.memory_space<vmem>>, vector<16xi32>,
    %add3A_1623 = arith.constant 6 : i32
    %add3A_1624 = arith.addi %mul3A_1562, %add3A_1623 : i32
    %mul3A_1625 = arith.constant 65536 : i32
    %mul3A_1626 = arith.muli %add3A_1624, %mul3A_1625 : i32
    %add3A_1627 = vector.broadcast %mul3A_1626 : i32 to vector<16xi32>
    %add3A_1628 = arith.addi %add3A_1627, %add3A_1558 : vector<16xi32>
    %swap3A_1629 = arith.constant 1872 : index
    %swap3A_1630 = tpu.vector_load %arg6[%swap3A_1629] {strides = array<i32>} : memref<4096xi32, #tpu.memory_space<vmem>>, vector<16xi32>,
    %swap3A_1631 = vector.shape_cast %swap3A_1630 : vector<16xi32> to vector<16xi32>
    %swap3A_1632 = vector.shape_cast %add3A_1628 : vector<16xi32> to vector<16xi32>
    tpu.vector_store %arg6[%swap3A_1629], %swap3A_1632 {strides = array<i32>} : memref<4096xi32, #tpu.memory_space<vmem>>, vector<16xi32>,
    %add3A_1633 = arith.constant 7 : i32
    %add3A_1634 = arith.addi %mul3A_1562, %add3A_1633 : i32
    %mul3A_1635 = arith.constant 65536 : i32
    %mul3A_1636 = arith.muli %add3A_1634, %mul3A_1635 : i32
    %add3A_1637 = vector.broadcast %mul3A_1636 : i32 to vector<16xi32>
    %add3A_1638 = arith.addi %add3A_1637, %add3A_1558 : vector<16xi32>
    %swap3A_1639 = arith.constant 2000 : index
    %swap3A_1640 = tpu.vector_load %arg6[%swap3A_1639] {strides = array<i32>} : memref<4096xi32, #tpu.memory_space<vmem>>, vector<16xi32>,
    %swap3A_1641 = vector.shape_cast %swap3A_1640 : vector<16xi32> to vector<16xi32>
    %swap3A_1642 = vector.shape_cast %add3A_1638 : vector<16xi32> to vector<16xi32>
    tpu.vector_store %arg6[%swap3A_1639], %swap3A_1642 {strides = array<i32>} : memref<4096xi32, #tpu.memory_space<vmem>>, vector<16xi32>,
    %get3A_1643 = arith.constant 224 : index
    %get3A_1644 = tpu.vector_load %arg5[%get3A_1643] {strides = array<i32>} : memref<512xi32, #tpu.memory_space<vmem>>, vector<16xi32>,
    %get3A_1645 = vector.shape_cast %get3A_1644 : vector<16xi32> to vector<16xi32>
    %shift_right_arithmetic3A_1646 = arith.constant 8 : i32
    %shift_right_arithmetic3A_1647 = vector.broadcast %shift_right_arithmetic3A_1646 : i32 to vector<16xi32>
    %shift_right_arithmetic3A_1648 = arith.shrsi %get3A_1645, %shift_right_arithmetic3A_1647 : vector<16xi32>
    %and3A_1649 = arith.constant 255 : i32
    %and3A_1650 = vector.broadcast %and3A_1649 : i32 to vector<16xi32>
    %and3A_1651 = arith.andi %get3A_1645, %and3A_1650 : vector<16xi32>
    %shift_right_arithmetic3A_1652 = arith.constant 3 : i32
    %shift_right_arithmetic3A_1653 = vector.broadcast %shift_right_arithmetic3A_1652 : i32 to vector<16xi32>
    %shift_right_arithmetic3A_1654 = arith.shrsi %shift_right_arithmetic3A_1648, %shift_right_arithmetic3A_1653 : vector<16xi32>
    %shift_left3A_1655 = arith.constant 11 : i32
    %shift_left3A_1656 = vector.broadcast %shift_left3A_1655 : i32 to vector<16xi32>
    %shift_left3A_1657 = arith.shli %shift_right_arithmetic3A_1654, %shift_left3A_1656 : vector<16xi32>
    %shift_right_arithmetic3A_1658 = arith.constant 7 : i32
    %shift_right_arithmetic3A_1659 = vector.broadcast %shift_right_arithmetic3A_1658 : i32 to vector<16xi32>
    %shift_right_arithmetic3A_1660 = arith.shrsi %and3A_1651, %shift_right_arithmetic3A_1659 : vector<16xi32>
    %shift_left3A_1661 = arith.constant 10 : i32
    %shift_left3A_1662 = vector.broadcast %shift_left3A_1661 : i32 to vector<16xi32>
    %shift_left3A_1663 = arith.shli %shift_right_arithmetic3A_1660, %shift_left3A_1662 : vector<16xi32>
    %add3A_1664 = arith.addi %shift_left3A_1657, %shift_left3A_1663 : vector<16xi32>
    %and3A_1665 = arith.constant 7 : i32
    %and3A_1666 = vector.broadcast %and3A_1665 : i32 to vector<16xi32>
    %and3A_1667 = arith.andi %shift_right_arithmetic3A_1648, %and3A_1666 : vector<16xi32>
    %shift_left3A_1668 = arith.constant 7 : i32
    %shift_left3A_1669 = vector.broadcast %shift_left3A_1668 : i32 to vector<16xi32>
    %shift_left3A_1670 = arith.shli %and3A_1667, %shift_left3A_1669 : vector<16xi32>
    %add3A_1671 = arith.addi %add3A_1664, %shift_left3A_1670 : vector<16xi32>
    %and3A_1672 = arith.constant 127 : i32
    %and3A_1673 = vector.broadcast %and3A_1672 : i32 to vector<16xi32>
    %and3A_1674 = arith.andi %and3A_1651, %and3A_1673 : vector<16xi32>
    %add3A_1675 = arith.addi %add3A_1671, %and3A_1674 : vector<16xi32>
    %add3A_1676 = arith.constant 0 : i32
    %add3A_1677 = arith.addi %mul3A_2, %add3A_1676 : i32
    %mul3A_1678 = arith.constant 8 : i32
    %mul3A_1679 = arith.muli %add3A_1677, %mul3A_1678 : i32
    %add3A_1680 = arith.constant 0 : i32
    %add3A_1681 = arith.addi %mul3A_1679, %add3A_1680 : i32
    %mul3A_1682 = arith.constant 65536 : i32
    %mul3A_1683 = arith.muli %add3A_1681, %mul3A_1682 : i32
    %add3A_1684 = vector.broadcast %mul3A_1683 : i32 to vector<16xi32>
    %add3A_1685 = arith.addi %add3A_1684, %add3A_1675 : vector<16xi32>
    %swap3A_1686 = arith.constant 1120 : index
    %swap3A_1687 = tpu.vector_load %arg6[%swap3A_1686] {strides = array<i32>} : memref<4096xi32, #tpu.memory_space<vmem>>, vector<16xi32>,
    %swap3A_1688 = vector.shape_cast %swap3A_1687 : vector<16xi32> to vector<16xi32>
    %swap3A_1689 = vector.shape_cast %add3A_1685 : vector<16xi32> to vector<16xi32>
    tpu.vector_store %arg6[%swap3A_1686], %swap3A_1689 {strides = array<i32>} : memref<4096xi32, #tpu.memory_space<vmem>>, vector<16xi32>,
    %add3A_1690 = arith.constant 1 : i32
    %add3A_1691 = arith.addi %mul3A_1679, %add3A_1690 : i32
    %mul3A_1692 = arith.constant 65536 : i32
    %mul3A_1693 = arith.muli %add3A_1691, %mul3A_1692 : i32
    %add3A_1694 = vector.broadcast %mul3A_1693 : i32 to vector<16xi32>
    %add3A_1695 = arith.addi %add3A_1694, %add3A_1675 : vector<16xi32>
    %swap3A_1696 = arith.constant 1248 : index
    %swap3A_1697 = tpu.vector_load %arg6[%swap3A_1696] {strides = array<i32>} : memref<4096xi32, #tpu.memory_space<vmem>>, vector<16xi32>,
    %swap3A_1698 = vector.shape_cast %swap3A_1697 : vector<16xi32> to vector<16xi32>
    %swap3A_1699 = vector.shape_cast %add3A_1695 : vector<16xi32> to vector<16xi32>
    tpu.vector_store %arg6[%swap3A_1696], %swap3A_1699 {strides = array<i32>} : memref<4096xi32, #tpu.memory_space<vmem>>, vector<16xi32>,
    %add3A_1700 = arith.constant 2 : i32
    %add3A_1701 = arith.addi %mul3A_1679, %add3A_1700 : i32
    %mul3A_1702 = arith.constant 65536 : i32
    %mul3A_1703 = arith.muli %add3A_1701, %mul3A_1702 : i32
    %add3A_1704 = vector.broadcast %mul3A_1703 : i32 to vector<16xi32>
    %add3A_1705 = arith.addi %add3A_1704, %add3A_1675 : vector<16xi32>
    %swap3A_1706 = arith.constant 1376 : index
    %swap3A_1707 = tpu.vector_load %arg6[%swap3A_1706] {strides = array<i32>} : memref<4096xi32, #tpu.memory_space<vmem>>, vector<16xi32>,
    %swap3A_1708 = vector.shape_cast %swap3A_1707 : vector<16xi32> to vector<16xi32>
    %swap3A_1709 = vector.shape_cast %add3A_1705 : vector<16xi32> to vector<16xi32>
    tpu.vector_store %arg6[%swap3A_1706], %swap3A_1709 {strides = array<i32>} : memref<4096xi32, #tpu.memory_space<vmem>>, vector<16xi32>,
    %add3A_1710 = arith.constant 3 : i32
    %add3A_1711 = arith.addi %mul3A_1679, %add3A_1710 : i32
    %mul3A_1712 = arith.constant 65536 : i32
    %mul3A_1713 = arith.muli %add3A_1711, %mul3A_1712 : i32
    %add3A_1714 = vector.broadcast %mul3A_1713 : i32 to vector<16xi32>
    %add3A_1715 = arith.addi %add3A_1714, %add3A_1675 : vector<16xi32>
    %swap3A_1716 = arith.constant 1504 : index
    %swap3A_1717 = tpu.vector_load %arg6[%swap3A_1716] {strides = array<i32>} : memref<4096xi32, #tpu.memory_space<vmem>>, vector<16xi32>,
    %swap3A_1718 = vector.shape_cast %swap3A_1717 : vector<16xi32> to vector<16xi32>
    %swap3A_1719 = vector.shape_cast %add3A_1715 : vector<16xi32> to vector<16xi32>
    tpu.vector_store %arg6[%swap3A_1716], %swap3A_1719 {strides = array<i32>} : memref<4096xi32, #tpu.memory_space<vmem>>, vector<16xi32>,
    %add3A_1720 = arith.constant 4 : i32
    %add3A_1721 = arith.addi %mul3A_1679, %add3A_1720 : i32
    %mul3A_1722 = arith.constant 65536 : i32
    %mul3A_1723 = arith.muli %add3A_1721, %mul3A_1722 : i32
    %add3A_1724 = vector.broadcast %mul3A_1723 : i32 to vector<16xi32>
    %add3A_1725 = arith.addi %add3A_1724, %add3A_1675 : vector<16xi32>
    %swap3A_1726 = arith.constant 1632 : index
    %swap3A_1727 = tpu.vector_load %arg6[%swap3A_1726] {strides = array<i32>} : memref<4096xi32, #tpu.memory_space<vmem>>, vector<16xi32>,
    %swap3A_1728 = vector.shape_cast %swap3A_1727 : vector<16xi32> to vector<16xi32>
    %swap3A_1729 = vector.shape_cast %add3A_1725 : vector<16xi32> to vector<16xi32>
    tpu.vector_store %arg6[%swap3A_1726], %swap3A_1729 {strides = array<i32>} : memref<4096xi32, #tpu.memory_space<vmem>>, vector<16xi32>,
    %add3A_1730 = arith.constant 5 : i32
    %add3A_1731 = arith.addi %mul3A_1679, %add3A_1730 : i32
    %mul3A_1732 = arith.constant 65536 : i32
    %mul3A_1733 = arith.muli %add3A_1731, %mul3A_1732 : i32
    %add3A_1734 = vector.broadcast %mul3A_1733 : i32 to vector<16xi32>
    %add3A_1735 = arith.addi %add3A_1734, %add3A_1675 : vector<16xi32>
    %swap3A_1736 = arith.constant 1760 : index
    %swap3A_1737 = tpu.vector_load %arg6[%swap3A_1736] {strides = array<i32>} : memref<4096xi32, #tpu.memory_space<vmem>>, vector<16xi32>,
    %swap3A_1738 = vector.shape_cast %swap3A_1737 : vector<16xi32> to vector<16xi32>
    %swap3A_1739 = vector.shape_cast %add3A_1735 : vector<16xi32> to vector<16xi32>
    tpu.vector_store %arg6[%swap3A_1736], %swap3A_1739 {strides = array<i32>} : memref<4096xi32, #tpu.memory_space<vmem>>, vector<16xi32>,
    %add3A_1740 = arith.constant 6 : i32
    %add3A_1741 = arith.addi %mul3A_1679, %add3A_1740 : i32
    %mul3A_1742 = arith.constant 65536 : i32
    %mul3A_1743 = arith.muli %add3A_1741, %mul3A_1742 : i32
    %add3A_1744 = vector.broadcast %mul3A_1743 : i32 to vector<16xi32>
    %add3A_1745 = arith.addi %add3A_1744, %add3A_1675 : vector<16xi32>
    %swap3A_1746 = arith.constant 1888 : index
    %swap3A_1747 = tpu.vector_load %arg6[%swap3A_1746] {strides = array<i32>} : memref<4096xi32, #tpu.memory_space<vmem>>, vector<16xi32>,
    %swap3A_1748 = vector.shape_cast %swap3A_1747 : vector<16xi32> to vector<16xi32>
    %swap3A_1749 = vector.shape_cast %add3A_1745 : vector<16xi32> to vector<16xi32>
    tpu.vector_store %arg6[%swap3A_1746], %swap3A_1749 {strides = array<i32>} : memref<4096xi32, #tpu.memory_space<vmem>>, vector<16xi32>,
    %add3A_1750 = arith.constant 7 : i32
    %add3A_1751 = arith.addi %mul3A_1679, %add3A_1750 : i32
    %mul3A_1752 = arith.constant 65536 : i32
    %mul3A_1753 = arith.muli %add3A_1751, %mul3A_1752 : i32
    %add3A_1754 = vector.broadcast %mul3A_1753 : i32 to vector<16xi32>
    %add3A_1755 = arith.addi %add3A_1754, %add3A_1675 : vector<16xi32>
    %swap3A_1756 = arith.constant 2016 : index
    %swap3A_1757 = tpu.vector_load %arg6[%swap3A_1756] {strides = array<i32>} : memref<4096xi32, #tpu.memory_space<vmem>>, vector<16xi32>,
    %swap3A_1758 = vector.shape_cast %swap3A_1757 : vector<16xi32> to vector<16xi32>
    %swap3A_1759 = vector.shape_cast %add3A_1755 : vector<16xi32> to vector<16xi32>
    tpu.vector_store %arg6[%swap3A_1756], %swap3A_1759 {strides = array<i32>} : memref<4096xi32, #tpu.memory_space<vmem>>, vector<16xi32>,
    %get3A_1760 = arith.constant 240 : index
    %get3A_1761 = tpu.vector_load %arg5[%get3A_1760] {strides = array<i32>} : memref<512xi32, #tpu.memory_space<vmem>>, vector<16xi32>,
    %get3A_1762 = vector.shape_cast %get3A_1761 : vector<16xi32> to vector<16xi32>
    %shift_right_arithmetic3A_1763 = arith.constant 8 : i32
    %shift_right_arithmetic3A_1764 = vector.broadcast %shift_right_arithmetic3A_1763 : i32 to vector<16xi32>
    %shift_right_arithmetic3A_1765 = arith.shrsi %get3A_1762, %shift_right_arithmetic3A_1764 : vector<16xi32>
    %and3A_1766 = arith.constant 255 : i32
    %and3A_1767 = vector.broadcast %and3A_1766 : i32 to vector<16xi32>
    %and3A_1768 = arith.andi %get3A_1762, %and3A_1767 : vector<16xi32>
    %shift_right_arithmetic3A_1769 = arith.constant 3 : i32
    %shift_right_arithmetic3A_1770 = vector.broadcast %shift_right_arithmetic3A_1769 : i32 to vector<16xi32>
    %shift_right_arithmetic3A_1771 = arith.shrsi %shift_right_arithmetic3A_1765, %shift_right_arithmetic3A_1770 : vector<16xi32>
    %shift_left3A_1772 = arith.constant 11 : i32
    %shift_left3A_1773 = vector.broadcast %shift_left3A_1772 : i32 to vector<16xi32>
    %shift_left3A_1774 = arith.shli %shift_right_arithmetic3A_1771, %shift_left3A_1773 : vector<16xi32>
    %shift_right_arithmetic3A_1775 = arith.constant 7 : i32
    %shift_right_arithmetic3A_1776 = vector.broadcast %shift_right_arithmetic3A_1775 : i32 to vector<16xi32>
    %shift_right_arithmetic3A_1777 = arith.shrsi %and3A_1768, %shift_right_arithmetic3A_1776 : vector<16xi32>
    %shift_left3A_1778 = arith.constant 10 : i32
    %shift_left3A_1779 = vector.broadcast %shift_left3A_1778 : i32 to vector<16xi32>
    %shift_left3A_1780 = arith.shli %shift_right_arithmetic3A_1777, %shift_left3A_1779 : vector<16xi32>
    %add3A_1781 = arith.addi %shift_left3A_1774, %shift_left3A_1780 : vector<16xi32>
    %and3A_1782 = arith.constant 7 : i32
    %and3A_1783 = vector.broadcast %and3A_1782 : i32 to vector<16xi32>
    %and3A_1784 = arith.andi %shift_right_arithmetic3A_1765, %and3A_1783 : vector<16xi32>
    %shift_left3A_1785 = arith.constant 7 : i32
    %shift_left3A_1786 = vector.broadcast %shift_left3A_1785 : i32 to vector<16xi32>
    %shift_left3A_1787 = arith.shli %and3A_1784, %shift_left3A_1786 : vector<16xi32>
    %add3A_1788 = arith.addi %add3A_1781, %shift_left3A_1787 : vector<16xi32>
    %and3A_1789 = arith.constant 127 : i32
    %and3A_1790 = vector.broadcast %and3A_1789 : i32 to vector<16xi32>
    %and3A_1791 = arith.andi %and3A_1768, %and3A_1790 : vector<16xi32>
    %add3A_1792 = arith.addi %add3A_1788, %and3A_1791 : vector<16xi32>
    %add3A_1793 = arith.constant 0 : i32
    %add3A_1794 = arith.addi %mul3A_2, %add3A_1793 : i32
    %mul3A_1795 = arith.constant 8 : i32
    %mul3A_1796 = arith.muli %add3A_1794, %mul3A_1795 : i32
    %add3A_1797 = arith.constant 0 : i32
    %add3A_1798 = arith.addi %mul3A_1796, %add3A_1797 : i32
    %mul3A_1799 = arith.constant 65536 : i32
    %mul3A_1800 = arith.muli %add3A_1798, %mul3A_1799 : i32
    %add3A_1801 = vector.broadcast %mul3A_1800 : i32 to vector<16xi32>
    %add3A_1802 = arith.addi %add3A_1801, %add3A_1792 : vector<16xi32>
    %swap3A_1803 = arith.constant 1136 : index
    %swap3A_1804 = tpu.vector_load %arg6[%swap3A_1803] {strides = array<i32>} : memref<4096xi32, #tpu.memory_space<vmem>>, vector<16xi32>,
    %swap3A_1805 = vector.shape_cast %swap3A_1804 : vector<16xi32> to vector<16xi32>
    %swap3A_1806 = vector.shape_cast %add3A_1802 : vector<16xi32> to vector<16xi32>
    tpu.vector_store %arg6[%swap3A_1803], %swap3A_1806 {strides = array<i32>} : memref<4096xi32, #tpu.memory_space<vmem>>, vector<16xi32>,
    %add3A_1807 = arith.constant 1 : i32
    %add3A_1808 = arith.addi %mul3A_1796, %add3A_1807 : i32
    %mul3A_1809 = arith.constant 65536 : i32
    %mul3A_1810 = arith.muli %add3A_1808, %mul3A_1809 : i32
    %add3A_1811 = vector.broadcast %mul3A_1810 : i32 to vector<16xi32>
    %add3A_1812 = arith.addi %add3A_1811, %add3A_1792 : vector<16xi32>
    %swap3A_1813 = arith.constant 1264 : index
    %swap3A_1814 = tpu.vector_load %arg6[%swap3A_1813] {strides = array<i32>} : memref<4096xi32, #tpu.memory_space<vmem>>, vector<16xi32>,
    %swap3A_1815 = vector.shape_cast %swap3A_1814 : vector<16xi32> to vector<16xi32>
    %swap3A_1816 = vector.shape_cast %add3A_1812 : vector<16xi32> to vector<16xi32>
    tpu.vector_store %arg6[%swap3A_1813], %swap3A_1816 {strides = array<i32>} : memref<4096xi32, #tpu.memory_space<vmem>>, vector<16xi32>,
    %add3A_1817 = arith.constant 2 : i32
    %add3A_1818 = arith.addi %mul3A_1796, %add3A_1817 : i32
    %mul3A_1819 = arith.constant 65536 : i32
    %mul3A_1820 = arith.muli %add3A_1818, %mul3A_1819 : i32
    %add3A_1821 = vector.broadcast %mul3A_1820 : i32 to vector<16xi32>
    %add3A_1822 = arith.addi %add3A_1821, %add3A_1792 : vector<16xi32>
    %swap3A_1823 = arith.constant 1392 : index
    %swap3A_1824 = tpu.vector_load %arg6[%swap3A_1823] {strides = array<i32>} : memref<4096xi32, #tpu.memory_space<vmem>>, vector<16xi32>,
    %swap3A_1825 = vector.shape_cast %swap3A_1824 : vector<16xi32> to vector<16xi32>
    %swap3A_1826 = vector.shape_cast %add3A_1822 : vector<16xi32> to vector<16xi32>
    tpu.vector_store %arg6[%swap3A_1823], %swap3A_1826 {strides = array<i32>} : memref<4096xi32, #tpu.memory_space<vmem>>, vector<16xi32>,
    %add3A_1827 = arith.constant 3 : i32
    %add3A_1828 = arith.addi %mul3A_1796, %add3A_1827 : i32
    %mul3A_1829 = arith.constant 65536 : i32
    %mul3A_1830 = arith.muli %add3A_1828, %mul3A_1829 : i32
    %add3A_1831 = vector.broadcast %mul3A_1830 : i32 to vector<16xi32>
    %add3A_1832 = arith.addi %add3A_1831, %add3A_1792 : vector<16xi32>
    %swap3A_1833 = arith.constant 1520 : index
    %swap3A_1834 = tpu.vector_load %arg6[%swap3A_1833] {strides = array<i32>} : memref<4096xi32, #tpu.memory_space<vmem>>, vector<16xi32>,
    %swap3A_1835 = vector.shape_cast %swap3A_1834 : vector<16xi32> to vector<16xi32>
    %swap3A_1836 = vector.shape_cast %add3A_1832 : vector<16xi32> to vector<16xi32>
    tpu.vector_store %arg6[%swap3A_1833], %swap3A_1836 {strides = array<i32>} : memref<4096xi32, #tpu.memory_space<vmem>>, vector<16xi32>,
    %add3A_1837 = arith.constant 4 : i32
    %add3A_1838 = arith.addi %mul3A_1796, %add3A_1837 : i32
    %mul3A_1839 = arith.constant 65536 : i32
    %mul3A_1840 = arith.muli %add3A_1838, %mul3A_1839 : i32
    %add3A_1841 = vector.broadcast %mul3A_1840 : i32 to vector<16xi32>
    %add3A_1842 = arith.addi %add3A_1841, %add3A_1792 : vector<16xi32>
    %swap3A_1843 = arith.constant 1648 : index
    %swap3A_1844 = tpu.vector_load %arg6[%swap3A_1843] {strides = array<i32>} : memref<4096xi32, #tpu.memory_space<vmem>>, vector<16xi32>,
    %swap3A_1845 = vector.shape_cast %swap3A_1844 : vector<16xi32> to vector<16xi32>
    %swap3A_1846 = vector.shape_cast %add3A_1842 : vector<16xi32> to vector<16xi32>
    tpu.vector_store %arg6[%swap3A_1843], %swap3A_1846 {strides = array<i32>} : memref<4096xi32, #tpu.memory_space<vmem>>, vector<16xi32>,
    %add3A_1847 = arith.constant 5 : i32
    %add3A_1848 = arith.addi %mul3A_1796, %add3A_1847 : i32
    %mul3A_1849 = arith.constant 65536 : i32
    %mul3A_1850 = arith.muli %add3A_1848, %mul3A_1849 : i32
    %add3A_1851 = vector.broadcast %mul3A_1850 : i32 to vector<16xi32>
    %add3A_1852 = arith.addi %add3A_1851, %add3A_1792 : vector<16xi32>
    %swap3A_1853 = arith.constant 1776 : index
    %swap3A_1854 = tpu.vector_load %arg6[%swap3A_1853] {strides = array<i32>} : memref<4096xi32, #tpu.memory_space<vmem>>, vector<16xi32>,
    %swap3A_1855 = vector.shape_cast %swap3A_1854 : vector<16xi32> to vector<16xi32>
    %swap3A_1856 = vector.shape_cast %add3A_1852 : vector<16xi32> to vector<16xi32>
    tpu.vector_store %arg6[%swap3A_1853], %swap3A_1856 {strides = array<i32>} : memref<4096xi32, #tpu.memory_space<vmem>>, vector<16xi32>,
    %add3A_1857 = arith.constant 6 : i32
    %add3A_1858 = arith.addi %mul3A_1796, %add3A_1857 : i32
    %mul3A_1859 = arith.constant 65536 : i32
    %mul3A_1860 = arith.muli %add3A_1858, %mul3A_1859 : i32
    %add3A_1861 = vector.broadcast %mul3A_1860 : i32 to vector<16xi32>
    %add3A_1862 = arith.addi %add3A_1861, %add3A_1792 : vector<16xi32>
    %swap3A_1863 = arith.constant 1904 : index
    %swap3A_1864 = tpu.vector_load %arg6[%swap3A_1863] {strides = array<i32>} : memref<4096xi32, #tpu.memory_space<vmem>>, vector<16xi32>,
    %swap3A_1865 = vector.shape_cast %swap3A_1864 : vector<16xi32> to vector<16xi32>
    %swap3A_1866 = vector.shape_cast %add3A_1862 : vector<16xi32> to vector<16xi32>
    tpu.vector_store %arg6[%swap3A_1863], %swap3A_1866 {strides = array<i32>} : memref<4096xi32, #tpu.memory_space<vmem>>, vector<16xi32>,
    %add3A_1867 = arith.constant 7 : i32
    %add3A_1868 = arith.addi %mul3A_1796, %add3A_1867 : i32
    %mul3A_1869 = arith.constant 65536 : i32
    %mul3A_1870 = arith.muli %add3A_1868, %mul3A_1869 : i32
    %add3A_1871 = vector.broadcast %mul3A_1870 : i32 to vector<16xi32>
    %add3A_1872 = arith.addi %add3A_1871, %add3A_1792 : vector<16xi32>
    %swap3A_1873 = arith.constant 2032 : index
    %swap3A_1874 = tpu.vector_load %arg6[%swap3A_1873] {strides = array<i32>} : memref<4096xi32, #tpu.memory_space<vmem>>, vector<16xi32>,
    %swap3A_1875 = vector.shape_cast %swap3A_1874 : vector<16xi32> to vector<16xi32>
    %swap3A_1876 = vector.shape_cast %add3A_1872 : vector<16xi32> to vector<16xi32>
    tpu.vector_store %arg6[%swap3A_1873], %swap3A_1876 {strides = array<i32>} : memref<4096xi32, #tpu.memory_space<vmem>>, vector<16xi32>,
    %dma_start3A_1877 = arith.constant 1024 : i32
    %dma_start3A_1878 = tpu.memref_slice %arg7[%dma_start3A_1877] : memref<4096xf32, #tpu.memory_space<vmem>> -> memref<1024xf32, #tpu.memory_space<vmem>>
    %dma_start3A_1879 = arith.constant 1024 : i32
    %dma_start3A_1880 = tpu.memref_slice %arg6[%dma_start3A_1879] : memref<4096xi32, #tpu.memory_space<vmem>> -> memref<1024xi32, #tpu.memory_space<vmem>>
    %dma_start3A_1881 = arith.constant 0 : i32
    %dma_start3A_1882 = tpu.memref_slice %arg2[%dma_start3A_1881] : memref<33554432xf32, #tpu.memory_space<hbm>> -> memref<33554432xf32, #tpu.memory_space<hbm>>
    tpu.enqueue_indirect_dma source(%dma_start3A_1882 : memref<33554432xf32, #tpu.memory_space<hbm>>) target(%dma_start3A_1878 : memref<1024xf32, #tpu.memory_space<vmem>>) offsets(%dma_start3A_1880 : memref<1024xi32, #tpu.memory_space<vmem>>) semaphore(%arg8 : memref<!tpu.dma_semaphore, #tpu.memory_space<semaphore_mem>>)
    %get3A_1883 = arith.constant 256 : index
    %get3A_1884 = tpu.vector_load %arg5[%get3A_1883] {strides = array<i32>} : memref<512xi32, #tpu.memory_space<vmem>>, vector<16xi32>,
    %get3A_1885 = vector.shape_cast %get3A_1884 : vector<16xi32> to vector<16xi32>
    %shift_right_arithmetic3A_1886 = arith.constant 8 : i32
    %shift_right_arithmetic3A_1887 = vector.broadcast %shift_right_arithmetic3A_1886 : i32 to vector<16xi32>
    %shift_right_arithmetic3A_1888 = arith.shrsi %get3A_1885, %shift_right_arithmetic3A_1887 : vector<16xi32>
    %and3A_1889 = arith.constant 255 : i32
    %and3A_1890 = vector.broadcast %and3A_1889 : i32 to vector<16xi32>
    %and3A_1891 = arith.andi %get3A_1885, %and3A_1890 : vector<16xi32>
    %shift_right_arithmetic3A_1892 = arith.constant 3 : i32
    %shift_right_arithmetic3A_1893 = vector.broadcast %shift_right_arithmetic3A_1892 : i32 to vector<16xi32>
    %shift_right_arithmetic3A_1894 = arith.shrsi %shift_right_arithmetic3A_1888, %shift_right_arithmetic3A_1893 : vector<16xi32>
    %shift_left3A_1895 = arith.constant 11 : i32
    %shift_left3A_1896 = vector.broadcast %shift_left3A_1895 : i32 to vector<16xi32>
    %shift_left3A_1897 = arith.shli %shift_right_arithmetic3A_1894, %shift_left3A_1896 : vector<16xi32>
    %shift_right_arithmetic3A_1898 = arith.constant 7 : i32
    %shift_right_arithmetic3A_1899 = vector.broadcast %shift_right_arithmetic3A_1898 : i32 to vector<16xi32>
    %shift_right_arithmetic3A_1900 = arith.shrsi %and3A_1891, %shift_right_arithmetic3A_1899 : vector<16xi32>
    %shift_left3A_1901 = arith.constant 10 : i32
    %shift_left3A_1902 = vector.broadcast %shift_left3A_1901 : i32 to vector<16xi32>
    %shift_left3A_1903 = arith.shli %shift_right_arithmetic3A_1900, %shift_left3A_1902 : vector<16xi32>
    %add3A_1904 = arith.addi %shift_left3A_1897, %shift_left3A_1903 : vector<16xi32>
    %and3A_1905 = arith.constant 7 : i32
    %and3A_1906 = vector.broadcast %and3A_1905 : i32 to vector<16xi32>
    %and3A_1907 = arith.andi %shift_right_arithmetic3A_1888, %and3A_1906 : vector<16xi32>
    %shift_left3A_1908 = arith.constant 7 : i32
    %shift_left3A_1909 = vector.broadcast %shift_left3A_1908 : i32 to vector<16xi32>
    %shift_left3A_1910 = arith.shli %and3A_1907, %shift_left3A_1909 : vector<16xi32>
    %add3A_1911 = arith.addi %add3A_1904, %shift_left3A_1910 : vector<16xi32>
    %and3A_1912 = arith.constant 127 : i32
    %and3A_1913 = vector.broadcast %and3A_1912 : i32 to vector<16xi32>
    %and3A_1914 = arith.andi %and3A_1891, %and3A_1913 : vector<16xi32>
    %add3A_1915 = arith.addi %add3A_1911, %and3A_1914 : vector<16xi32>
    %add3A_1916 = arith.constant 1 : i32
    %add3A_1917 = arith.addi %mul3A_2, %add3A_1916 : i32
    %mul3A_1918 = arith.constant 8 : i32
    %mul3A_1919 = arith.muli %add3A_1917, %mul3A_1918 : i32
    %add3A_1920 = arith.constant 0 : i32
    %add3A_1921 = arith.addi %mul3A_1919, %add3A_1920 : i32
    %mul3A_1922 = arith.constant 65536 : i32
    %mul3A_1923 = arith.muli %add3A_1921, %mul3A_1922 : i32
    %add3A_1924 = vector.broadcast %mul3A_1923 : i32 to vector<16xi32>
    %add3A_1925 = arith.addi %add3A_1924, %add3A_1915 : vector<16xi32>
    %swap3A_1926 = arith.constant 2048 : index
    %swap3A_1927 = tpu.vector_load %arg6[%swap3A_1926] {strides = array<i32>} : memref<4096xi32, #tpu.memory_space<vmem>>, vector<16xi32>,
    %swap3A_1928 = vector.shape_cast %swap3A_1927 : vector<16xi32> to vector<16xi32>
    %swap3A_1929 = vector.shape_cast %add3A_1925 : vector<16xi32> to vector<16xi32>
    tpu.vector_store %arg6[%swap3A_1926], %swap3A_1929 {strides = array<i32>} : memref<4096xi32, #tpu.memory_space<vmem>>, vector<16xi32>,
    %add3A_1930 = arith.constant 1 : i32
    %add3A_1931 = arith.addi %mul3A_1919, %add3A_1930 : i32
    %mul3A_1932 = arith.constant 65536 : i32
    %mul3A_1933 = arith.muli %add3A_1931, %mul3A_1932 : i32
    %add3A_1934 = vector.broadcast %mul3A_1933 : i32 to vector<16xi32>
    %add3A_1935 = arith.addi %add3A_1934, %add3A_1915 : vector<16xi32>
    %swap3A_1936 = arith.constant 2176 : index
    %swap3A_1937 = tpu.vector_load %arg6[%swap3A_1936] {strides = array<i32>} : memref<4096xi32, #tpu.memory_space<vmem>>, vector<16xi32>,
    %swap3A_1938 = vector.shape_cast %swap3A_1937 : vector<16xi32> to vector<16xi32>
    %swap3A_1939 = vector.shape_cast %add3A_1935 : vector<16xi32> to vector<16xi32>
    tpu.vector_store %arg6[%swap3A_1936], %swap3A_1939 {strides = array<i32>} : memref<4096xi32, #tpu.memory_space<vmem>>, vector<16xi32>,
    %add3A_1940 = arith.constant 2 : i32
    %add3A_1941 = arith.addi %mul3A_1919, %add3A_1940 : i32
    %mul3A_1942 = arith.constant 65536 : i32
    %mul3A_1943 = arith.muli %add3A_1941, %mul3A_1942 : i32
    %add3A_1944 = vector.broadcast %mul3A_1943 : i32 to vector<16xi32>
    %add3A_1945 = arith.addi %add3A_1944, %add3A_1915 : vector<16xi32>
    %swap3A_1946 = arith.constant 2304 : index
    %swap3A_1947 = tpu.vector_load %arg6[%swap3A_1946] {strides = array<i32>} : memref<4096xi32, #tpu.memory_space<vmem>>, vector<16xi32>,
    %swap3A_1948 = vector.shape_cast %swap3A_1947 : vector<16xi32> to vector<16xi32>
    %swap3A_1949 = vector.shape_cast %add3A_1945 : vector<16xi32> to vector<16xi32>
    tpu.vector_store %arg6[%swap3A_1946], %swap3A_1949 {strides = array<i32>} : memref<4096xi32, #tpu.memory_space<vmem>>, vector<16xi32>,
    %add3A_1950 = arith.constant 3 : i32
    %add3A_1951 = arith.addi %mul3A_1919, %add3A_1950 : i32
    %mul3A_1952 = arith.constant 65536 : i32
    %mul3A_1953 = arith.muli %add3A_1951, %mul3A_1952 : i32
    %add3A_1954 = vector.broadcast %mul3A_1953 : i32 to vector<16xi32>
    %add3A_1955 = arith.addi %add3A_1954, %add3A_1915 : vector<16xi32>
    %swap3A_1956 = arith.constant 2432 : index
    %swap3A_1957 = tpu.vector_load %arg6[%swap3A_1956] {strides = array<i32>} : memref<4096xi32, #tpu.memory_space<vmem>>, vector<16xi32>,
    %swap3A_1958 = vector.shape_cast %swap3A_1957 : vector<16xi32> to vector<16xi32>
    %swap3A_1959 = vector.shape_cast %add3A_1955 : vector<16xi32> to vector<16xi32>
    tpu.vector_store %arg6[%swap3A_1956], %swap3A_1959 {strides = array<i32>} : memref<4096xi32, #tpu.memory_space<vmem>>, vector<16xi32>,
    %add3A_1960 = arith.constant 4 : i32
    %add3A_1961 = arith.addi %mul3A_1919, %add3A_1960 : i32
    %mul3A_1962 = arith.constant 65536 : i32
    %mul3A_1963 = arith.muli %add3A_1961, %mul3A_1962 : i32
    %add3A_1964 = vector.broadcast %mul3A_1963 : i32 to vector<16xi32>
    %add3A_1965 = arith.addi %add3A_1964, %add3A_1915 : vector<16xi32>
    %swap3A_1966 = arith.constant 2560 : index
    %swap3A_1967 = tpu.vector_load %arg6[%swap3A_1966] {strides = array<i32>} : memref<4096xi32, #tpu.memory_space<vmem>>, vector<16xi32>,
    %swap3A_1968 = vector.shape_cast %swap3A_1967 : vector<16xi32> to vector<16xi32>
    %swap3A_1969 = vector.shape_cast %add3A_1965 : vector<16xi32> to vector<16xi32>
    tpu.vector_store %arg6[%swap3A_1966], %swap3A_1969 {strides = array<i32>} : memref<4096xi32, #tpu.memory_space<vmem>>, vector<16xi32>,
    %add3A_1970 = arith.constant 5 : i32
    %add3A_1971 = arith.addi %mul3A_1919, %add3A_1970 : i32
    %mul3A_1972 = arith.constant 65536 : i32
    %mul3A_1973 = arith.muli %add3A_1971, %mul3A_1972 : i32
    %add3A_1974 = vector.broadcast %mul3A_1973 : i32 to vector<16xi32>
    %add3A_1975 = arith.addi %add3A_1974, %add3A_1915 : vector<16xi32>
    %swap3A_1976 = arith.constant 2688 : index
    %swap3A_1977 = tpu.vector_load %arg6[%swap3A_1976] {strides = array<i32>} : memref<4096xi32, #tpu.memory_space<vmem>>, vector<16xi32>,
    %swap3A_1978 = vector.shape_cast %swap3A_1977 : vector<16xi32> to vector<16xi32>
    %swap3A_1979 = vector.shape_cast %add3A_1975 : vector<16xi32> to vector<16xi32>
    tpu.vector_store %arg6[%swap3A_1976], %swap3A_1979 {strides = array<i32>} : memref<4096xi32, #tpu.memory_space<vmem>>, vector<16xi32>,
    %add3A_1980 = arith.constant 6 : i32
    %add3A_1981 = arith.addi %mul3A_1919, %add3A_1980 : i32
    %mul3A_1982 = arith.constant 65536 : i32
    %mul3A_1983 = arith.muli %add3A_1981, %mul3A_1982 : i32
    %add3A_1984 = vector.broadcast %mul3A_1983 : i32 to vector<16xi32>
    %add3A_1985 = arith.addi %add3A_1984, %add3A_1915 : vector<16xi32>
    %swap3A_1986 = arith.constant 2816 : index
    %swap3A_1987 = tpu.vector_load %arg6[%swap3A_1986] {strides = array<i32>} : memref<4096xi32, #tpu.memory_space<vmem>>, vector<16xi32>,
    %swap3A_1988 = vector.shape_cast %swap3A_1987 : vector<16xi32> to vector<16xi32>
    %swap3A_1989 = vector.shape_cast %add3A_1985 : vector<16xi32> to vector<16xi32>
    tpu.vector_store %arg6[%swap3A_1986], %swap3A_1989 {strides = array<i32>} : memref<4096xi32, #tpu.memory_space<vmem>>, vector<16xi32>,
    %add3A_1990 = arith.constant 7 : i32
    %add3A_1991 = arith.addi %mul3A_1919, %add3A_1990 : i32
    %mul3A_1992 = arith.constant 65536 : i32
    %mul3A_1993 = arith.muli %add3A_1991, %mul3A_1992 : i32
    %add3A_1994 = vector.broadcast %mul3A_1993 : i32 to vector<16xi32>
    %add3A_1995 = arith.addi %add3A_1994, %add3A_1915 : vector<16xi32>
    %swap3A_1996 = arith.constant 2944 : index
    %swap3A_1997 = tpu.vector_load %arg6[%swap3A_1996] {strides = array<i32>} : memref<4096xi32, #tpu.memory_space<vmem>>, vector<16xi32>,
    %swap3A_1998 = vector.shape_cast %swap3A_1997 : vector<16xi32> to vector<16xi32>
    %swap3A_1999 = vector.shape_cast %add3A_1995 : vector<16xi32> to vector<16xi32>
    tpu.vector_store %arg6[%swap3A_1996], %swap3A_1999 {strides = array<i32>} : memref<4096xi32, #tpu.memory_space<vmem>>, vector<16xi32>,
    %get3A_2000 = arith.constant 272 : index
    %get3A_2001 = tpu.vector_load %arg5[%get3A_2000] {strides = array<i32>} : memref<512xi32, #tpu.memory_space<vmem>>, vector<16xi32>,
    %get3A_2002 = vector.shape_cast %get3A_2001 : vector<16xi32> to vector<16xi32>
    %shift_right_arithmetic3A_2003 = arith.constant 8 : i32
    %shift_right_arithmetic3A_2004 = vector.broadcast %shift_right_arithmetic3A_2003 : i32 to vector<16xi32>
    %shift_right_arithmetic3A_2005 = arith.shrsi %get3A_2002, %shift_right_arithmetic3A_2004 : vector<16xi32>
    %and3A_2006 = arith.constant 255 : i32
    %and3A_2007 = vector.broadcast %and3A_2006 : i32 to vector<16xi32>
    %and3A_2008 = arith.andi %get3A_2002, %and3A_2007 : vector<16xi32>
    %shift_right_arithmetic3A_2009 = arith.constant 3 : i32
    %shift_right_arithmetic3A_2010 = vector.broadcast %shift_right_arithmetic3A_2009 : i32 to vector<16xi32>
    %shift_right_arithmetic3A_2011 = arith.shrsi %shift_right_arithmetic3A_2005, %shift_right_arithmetic3A_2010 : vector<16xi32>
    %shift_left3A_2012 = arith.constant 11 : i32
    %shift_left3A_2013 = vector.broadcast %shift_left3A_2012 : i32 to vector<16xi32>
    %shift_left3A_2014 = arith.shli %shift_right_arithmetic3A_2011, %shift_left3A_2013 : vector<16xi32>
    %shift_right_arithmetic3A_2015 = arith.constant 7 : i32
    %shift_right_arithmetic3A_2016 = vector.broadcast %shift_right_arithmetic3A_2015 : i32 to vector<16xi32>
    %shift_right_arithmetic3A_2017 = arith.shrsi %and3A_2008, %shift_right_arithmetic3A_2016 : vector<16xi32>
    %shift_left3A_2018 = arith.constant 10 : i32
    %shift_left3A_2019 = vector.broadcast %shift_left3A_2018 : i32 to vector<16xi32>
    %shift_left3A_2020 = arith.shli %shift_right_arithmetic3A_2017, %shift_left3A_2019 : vector<16xi32>
    %add3A_2021 = arith.addi %shift_left3A_2014, %shift_left3A_2020 : vector<16xi32>
    %and3A_2022 = arith.constant 7 : i32
    %and3A_2023 = vector.broadcast %and3A_2022 : i32 to vector<16xi32>
    %and3A_2024 = arith.andi %shift_right_arithmetic3A_2005, %and3A_2023 : vector<16xi32>
    %shift_left3A_2025 = arith.constant 7 : i32
    %shift_left3A_2026 = vector.broadcast %shift_left3A_2025 : i32 to vector<16xi32>
    %shift_left3A_2027 = arith.shli %and3A_2024, %shift_left3A_2026 : vector<16xi32>
    %add3A_2028 = arith.addi %add3A_2021, %shift_left3A_2027 : vector<16xi32>
    %and3A_2029 = arith.constant 127 : i32
    %and3A_2030 = vector.broadcast %and3A_2029 : i32 to vector<16xi32>
    %and3A_2031 = arith.andi %and3A_2008, %and3A_2030 : vector<16xi32>
    %add3A_2032 = arith.addi %add3A_2028, %and3A_2031 : vector<16xi32>
    %add3A_2033 = arith.constant 1 : i32
    %add3A_2034 = arith.addi %mul3A_2, %add3A_2033 : i32
    %mul3A_2035 = arith.constant 8 : i32
    %mul3A_2036 = arith.muli %add3A_2034, %mul3A_2035 : i32
    %add3A_2037 = arith.constant 0 : i32
    %add3A_2038 = arith.addi %mul3A_2036, %add3A_2037 : i32
    %mul3A_2039 = arith.constant 65536 : i32
    %mul3A_2040 = arith.muli %add3A_2038, %mul3A_2039 : i32
    %add3A_2041 = vector.broadcast %mul3A_2040 : i32 to vector<16xi32>
    %add3A_2042 = arith.addi %add3A_2041, %add3A_2032 : vector<16xi32>
    %swap3A_2043 = arith.constant 2064 : index
    %swap3A_2044 = tpu.vector_load %arg6[%swap3A_2043] {strides = array<i32>} : memref<4096xi32, #tpu.memory_space<vmem>>, vector<16xi32>,
    %swap3A_2045 = vector.shape_cast %swap3A_2044 : vector<16xi32> to vector<16xi32>
    %swap3A_2046 = vector.shape_cast %add3A_2042 : vector<16xi32> to vector<16xi32>
    tpu.vector_store %arg6[%swap3A_2043], %swap3A_2046 {strides = array<i32>} : memref<4096xi32, #tpu.memory_space<vmem>>, vector<16xi32>,
    %add3A_2047 = arith.constant 1 : i32
    %add3A_2048 = arith.addi %mul3A_2036, %add3A_2047 : i32
    %mul3A_2049 = arith.constant 65536 : i32
    %mul3A_2050 = arith.muli %add3A_2048, %mul3A_2049 : i32
    %add3A_2051 = vector.broadcast %mul3A_2050 : i32 to vector<16xi32>
    %add3A_2052 = arith.addi %add3A_2051, %add3A_2032 : vector<16xi32>
    %swap3A_2053 = arith.constant 2192 : index
    %swap3A_2054 = tpu.vector_load %arg6[%swap3A_2053] {strides = array<i32>} : memref<4096xi32, #tpu.memory_space<vmem>>, vector<16xi32>,
    %swap3A_2055 = vector.shape_cast %swap3A_2054 : vector<16xi32> to vector<16xi32>
    %swap3A_2056 = vector.shape_cast %add3A_2052 : vector<16xi32> to vector<16xi32>
    tpu.vector_store %arg6[%swap3A_2053], %swap3A_2056 {strides = array<i32>} : memref<4096xi32, #tpu.memory_space<vmem>>, vector<16xi32>,
    %add3A_2057 = arith.constant 2 : i32
    %add3A_2058 = arith.addi %mul3A_2036, %add3A_2057 : i32
    %mul3A_2059 = arith.constant 65536 : i32
    %mul3A_2060 = arith.muli %add3A_2058, %mul3A_2059 : i32
    %add3A_2061 = vector.broadcast %mul3A_2060 : i32 to vector<16xi32>
    %add3A_2062 = arith.addi %add3A_2061, %add3A_2032 : vector<16xi32>
    %swap3A_2063 = arith.constant 2320 : index
    %swap3A_2064 = tpu.vector_load %arg6[%swap3A_2063] {strides = array<i32>} : memref<4096xi32, #tpu.memory_space<vmem>>, vector<16xi32>,
    %swap3A_2065 = vector.shape_cast %swap3A_2064 : vector<16xi32> to vector<16xi32>
    %swap3A_2066 = vector.shape_cast %add3A_2062 : vector<16xi32> to vector<16xi32>
    tpu.vector_store %arg6[%swap3A_2063], %swap3A_2066 {strides = array<i32>} : memref<4096xi32, #tpu.memory_space<vmem>>, vector<16xi32>,
    %add3A_2067 = arith.constant 3 : i32
    %add3A_2068 = arith.addi %mul3A_2036, %add3A_2067 : i32
    %mul3A_2069 = arith.constant 65536 : i32
    %mul3A_2070 = arith.muli %add3A_2068, %mul3A_2069 : i32
    %add3A_2071 = vector.broadcast %mul3A_2070 : i32 to vector<16xi32>
    %add3A_2072 = arith.addi %add3A_2071, %add3A_2032 : vector<16xi32>
    %swap3A_2073 = arith.constant 2448 : index
    %swap3A_2074 = tpu.vector_load %arg6[%swap3A_2073] {strides = array<i32>} : memref<4096xi32, #tpu.memory_space<vmem>>, vector<16xi32>,
    %swap3A_2075 = vector.shape_cast %swap3A_2074 : vector<16xi32> to vector<16xi32>
    %swap3A_2076 = vector.shape_cast %add3A_2072 : vector<16xi32> to vector<16xi32>
    tpu.vector_store %arg6[%swap3A_2073], %swap3A_2076 {strides = array<i32>} : memref<4096xi32, #tpu.memory_space<vmem>>, vector<16xi32>,
    %add3A_2077 = arith.constant 4 : i32
    %add3A_2078 = arith.addi %mul3A_2036, %add3A_2077 : i32
    %mul3A_2079 = arith.constant 65536 : i32
    %mul3A_2080 = arith.muli %add3A_2078, %mul3A_2079 : i32
    %add3A_2081 = vector.broadcast %mul3A_2080 : i32 to vector<16xi32>
    %add3A_2082 = arith.addi %add3A_2081, %add3A_2032 : vector<16xi32>
    %swap3A_2083 = arith.constant 2576 : index
    %swap3A_2084 = tpu.vector_load %arg6[%swap3A_2083] {strides = array<i32>} : memref<4096xi32, #tpu.memory_space<vmem>>, vector<16xi32>,
    %swap3A_2085 = vector.shape_cast %swap3A_2084 : vector<16xi32> to vector<16xi32>
    %swap3A_2086 = vector.shape_cast %add3A_2082 : vector<16xi32> to vector<16xi32>
    tpu.vector_store %arg6[%swap3A_2083], %swap3A_2086 {strides = array<i32>} : memref<4096xi32, #tpu.memory_space<vmem>>, vector<16xi32>,
    %add3A_2087 = arith.constant 5 : i32
    %add3A_2088 = arith.addi %mul3A_2036, %add3A_2087 : i32
    %mul3A_2089 = arith.constant 65536 : i32
    %mul3A_2090 = arith.muli %add3A_2088, %mul3A_2089 : i32
    %add3A_2091 = vector.broadcast %mul3A_2090 : i32 to vector<16xi32>
    %add3A_2092 = arith.addi %add3A_2091, %add3A_2032 : vector<16xi32>
    %swap3A_2093 = arith.constant 2704 : index
    %swap3A_2094 = tpu.vector_load %arg6[%swap3A_2093] {strides = array<i32>} : memref<4096xi32, #tpu.memory_space<vmem>>, vector<16xi32>,
    %swap3A_2095 = vector.shape_cast %swap3A_2094 : vector<16xi32> to vector<16xi32>
    %swap3A_2096 = vector.shape_cast %add3A_2092 : vector<16xi32> to vector<16xi32>
    tpu.vector_store %arg6[%swap3A_2093], %swap3A_2096 {strides = array<i32>} : memref<4096xi32, #tpu.memory_space<vmem>>, vector<16xi32>,
    %add3A_2097 = arith.constant 6 : i32
    %add3A_2098 = arith.addi %mul3A_2036, %add3A_2097 : i32
    %mul3A_2099 = arith.constant 65536 : i32
    %mul3A_2100 = arith.muli %add3A_2098, %mul3A_2099 : i32
    %add3A_2101 = vector.broadcast %mul3A_2100 : i32 to vector<16xi32>
    %add3A_2102 = arith.addi %add3A_2101, %add3A_2032 : vector<16xi32>
    %swap3A_2103 = arith.constant 2832 : index
    %swap3A_2104 = tpu.vector_load %arg6[%swap3A_2103] {strides = array<i32>} : memref<4096xi32, #tpu.memory_space<vmem>>, vector<16xi32>,
    %swap3A_2105 = vector.shape_cast %swap3A_2104 : vector<16xi32> to vector<16xi32>
    %swap3A_2106 = vector.shape_cast %add3A_2102 : vector<16xi32> to vector<16xi32>
    tpu.vector_store %arg6[%swap3A_2103], %swap3A_2106 {strides = array<i32>} : memref<4096xi32, #tpu.memory_space<vmem>>, vector<16xi32>,
    %add3A_2107 = arith.constant 7 : i32
    %add3A_2108 = arith.addi %mul3A_2036, %add3A_2107 : i32
    %mul3A_2109 = arith.constant 65536 : i32
    %mul3A_2110 = arith.muli %add3A_2108, %mul3A_2109 : i32
    %add3A_2111 = vector.broadcast %mul3A_2110 : i32 to vector<16xi32>
    %add3A_2112 = arith.addi %add3A_2111, %add3A_2032 : vector<16xi32>
    %swap3A_2113 = arith.constant 2960 : index
    %swap3A_2114 = tpu.vector_load %arg6[%swap3A_2113] {strides = array<i32>} : memref<4096xi32, #tpu.memory_space<vmem>>, vector<16xi32>,
    %swap3A_2115 = vector.shape_cast %swap3A_2114 : vector<16xi32> to vector<16xi32>
    %swap3A_2116 = vector.shape_cast %add3A_2112 : vector<16xi32> to vector<16xi32>
    tpu.vector_store %arg6[%swap3A_2113], %swap3A_2116 {strides = array<i32>} : memref<4096xi32, #tpu.memory_space<vmem>>, vector<16xi32>,
    %get3A_2117 = arith.constant 288 : index
    %get3A_2118 = tpu.vector_load %arg5[%get3A_2117] {strides = array<i32>} : memref<512xi32, #tpu.memory_space<vmem>>, vector<16xi32>,
    %get3A_2119 = vector.shape_cast %get3A_2118 : vector<16xi32> to vector<16xi32>
    %shift_right_arithmetic3A_2120 = arith.constant 8 : i32
    %shift_right_arithmetic3A_2121 = vector.broadcast %shift_right_arithmetic3A_2120 : i32 to vector<16xi32>
    %shift_right_arithmetic3A_2122 = arith.shrsi %get3A_2119, %shift_right_arithmetic3A_2121 : vector<16xi32>
    %and3A_2123 = arith.constant 255 : i32
    %and3A_2124 = vector.broadcast %and3A_2123 : i32 to vector<16xi32>
    %and3A_2125 = arith.andi %get3A_2119, %and3A_2124 : vector<16xi32>
    %shift_right_arithmetic3A_2126 = arith.constant 3 : i32
    %shift_right_arithmetic3A_2127 = vector.broadcast %shift_right_arithmetic3A_2126 : i32 to vector<16xi32>
    %shift_right_arithmetic3A_2128 = arith.shrsi %shift_right_arithmetic3A_2122, %shift_right_arithmetic3A_2127 : vector<16xi32>
    %shift_left3A_2129 = arith.constant 11 : i32
    %shift_left3A_2130 = vector.broadcast %shift_left3A_2129 : i32 to vector<16xi32>
    %shift_left3A_2131 = arith.shli %shift_right_arithmetic3A_2128, %shift_left3A_2130 : vector<16xi32>
    %shift_right_arithmetic3A_2132 = arith.constant 7 : i32
    %shift_right_arithmetic3A_2133 = vector.broadcast %shift_right_arithmetic3A_2132 : i32 to vector<16xi32>
    %shift_right_arithmetic3A_2134 = arith.shrsi %and3A_2125, %shift_right_arithmetic3A_2133 : vector<16xi32>
    %shift_left3A_2135 = arith.constant 10 : i32
    %shift_left3A_2136 = vector.broadcast %shift_left3A_2135 : i32 to vector<16xi32>
    %shift_left3A_2137 = arith.shli %shift_right_arithmetic3A_2134, %shift_left3A_2136 : vector<16xi32>
    %add3A_2138 = arith.addi %shift_left3A_2131, %shift_left3A_2137 : vector<16xi32>
    %and3A_2139 = arith.constant 7 : i32
    %and3A_2140 = vector.broadcast %and3A_2139 : i32 to vector<16xi32>
    %and3A_2141 = arith.andi %shift_right_arithmetic3A_2122, %and3A_2140 : vector<16xi32>
    %shift_left3A_2142 = arith.constant 7 : i32
    %shift_left3A_2143 = vector.broadcast %shift_left3A_2142 : i32 to vector<16xi32>
    %shift_left3A_2144 = arith.shli %and3A_2141, %shift_left3A_2143 : vector<16xi32>
    %add3A_2145 = arith.addi %add3A_2138, %shift_left3A_2144 : vector<16xi32>
    %and3A_2146 = arith.constant 127 : i32
    %and3A_2147 = vector.broadcast %and3A_2146 : i32 to vector<16xi32>
    %and3A_2148 = arith.andi %and3A_2125, %and3A_2147 : vector<16xi32>
    %add3A_2149 = arith.addi %add3A_2145, %and3A_2148 : vector<16xi32>
    %add3A_2150 = arith.constant 1 : i32
    %add3A_2151 = arith.addi %mul3A_2, %add3A_2150 : i32
    %mul3A_2152 = arith.constant 8 : i32
    %mul3A_2153 = arith.muli %add3A_2151, %mul3A_2152 : i32
    %add3A_2154 = arith.constant 0 : i32
    %add3A_2155 = arith.addi %mul3A_2153, %add3A_2154 : i32
    %mul3A_2156 = arith.constant 65536 : i32
    %mul3A_2157 = arith.muli %add3A_2155, %mul3A_2156 : i32
    %add3A_2158 = vector.broadcast %mul3A_2157 : i32 to vector<16xi32>
    %add3A_2159 = arith.addi %add3A_2158, %add3A_2149 : vector<16xi32>
    %swap3A_2160 = arith.constant 2080 : index
    %swap3A_2161 = tpu.vector_load %arg6[%swap3A_2160] {strides = array<i32>} : memref<4096xi32, #tpu.memory_space<vmem>>, vector<16xi32>,
    %swap3A_2162 = vector.shape_cast %swap3A_2161 : vector<16xi32> to vector<16xi32>
    %swap3A_2163 = vector.shape_cast %add3A_2159 : vector<16xi32> to vector<16xi32>
    tpu.vector_store %arg6[%swap3A_2160], %swap3A_2163 {strides = array<i32>} : memref<4096xi32, #tpu.memory_space<vmem>>, vector<16xi32>,
    %add3A_2164 = arith.constant 1 : i32
    %add3A_2165 = arith.addi %mul3A_2153, %add3A_2164 : i32
    %mul3A_2166 = arith.constant 65536 : i32
    %mul3A_2167 = arith.muli %add3A_2165, %mul3A_2166 : i32
    %add3A_2168 = vector.broadcast %mul3A_2167 : i32 to vector<16xi32>
    %add3A_2169 = arith.addi %add3A_2168, %add3A_2149 : vector<16xi32>
    %swap3A_2170 = arith.constant 2208 : index
    %swap3A_2171 = tpu.vector_load %arg6[%swap3A_2170] {strides = array<i32>} : memref<4096xi32, #tpu.memory_space<vmem>>, vector<16xi32>,
    %swap3A_2172 = vector.shape_cast %swap3A_2171 : vector<16xi32> to vector<16xi32>
    %swap3A_2173 = vector.shape_cast %add3A_2169 : vector<16xi32> to vector<16xi32>
    tpu.vector_store %arg6[%swap3A_2170], %swap3A_2173 {strides = array<i32>} : memref<4096xi32, #tpu.memory_space<vmem>>, vector<16xi32>,
    %add3A_2174 = arith.constant 2 : i32
    %add3A_2175 = arith.addi %mul3A_2153, %add3A_2174 : i32
    %mul3A_2176 = arith.constant 65536 : i32
    %mul3A_2177 = arith.muli %add3A_2175, %mul3A_2176 : i32
    %add3A_2178 = vector.broadcast %mul3A_2177 : i32 to vector<16xi32>
    %add3A_2179 = arith.addi %add3A_2178, %add3A_2149 : vector<16xi32>
    %swap3A_2180 = arith.constant 2336 : index
    %swap3A_2181 = tpu.vector_load %arg6[%swap3A_2180] {strides = array<i32>} : memref<4096xi32, #tpu.memory_space<vmem>>, vector<16xi32>,
    %swap3A_2182 = vector.shape_cast %swap3A_2181 : vector<16xi32> to vector<16xi32>
    %swap3A_2183 = vector.shape_cast %add3A_2179 : vector<16xi32> to vector<16xi32>
    tpu.vector_store %arg6[%swap3A_2180], %swap3A_2183 {strides = array<i32>} : memref<4096xi32, #tpu.memory_space<vmem>>, vector<16xi32>,
    %add3A_2184 = arith.constant 3 : i32
    %add3A_2185 = arith.addi %mul3A_2153, %add3A_2184 : i32
    %mul3A_2186 = arith.constant 65536 : i32
    %mul3A_2187 = arith.muli %add3A_2185, %mul3A_2186 : i32
    %add3A_2188 = vector.broadcast %mul3A_2187 : i32 to vector<16xi32>
    %add3A_2189 = arith.addi %add3A_2188, %add3A_2149 : vector<16xi32>
    %swap3A_2190 = arith.constant 2464 : index
    %swap3A_2191 = tpu.vector_load %arg6[%swap3A_2190] {strides = array<i32>} : memref<4096xi32, #tpu.memory_space<vmem>>, vector<16xi32>,
    %swap3A_2192 = vector.shape_cast %swap3A_2191 : vector<16xi32> to vector<16xi32>
    %swap3A_2193 = vector.shape_cast %add3A_2189 : vector<16xi32> to vector<16xi32>
    tpu.vector_store %arg6[%swap3A_2190], %swap3A_2193 {strides = array<i32>} : memref<4096xi32, #tpu.memory_space<vmem>>, vector<16xi32>,
    %add3A_2194 = arith.constant 4 : i32
    %add3A_2195 = arith.addi %mul3A_2153, %add3A_2194 : i32
    %mul3A_2196 = arith.constant 65536 : i32
    %mul3A_2197 = arith.muli %add3A_2195, %mul3A_2196 : i32
    %add3A_2198 = vector.broadcast %mul3A_2197 : i32 to vector<16xi32>
    %add3A_2199 = arith.addi %add3A_2198, %add3A_2149 : vector<16xi32>
    %swap3A_2200 = arith.constant 2592 : index
    %swap3A_2201 = tpu.vector_load %arg6[%swap3A_2200] {strides = array<i32>} : memref<4096xi32, #tpu.memory_space<vmem>>, vector<16xi32>,
    %swap3A_2202 = vector.shape_cast %swap3A_2201 : vector<16xi32> to vector<16xi32>
    %swap3A_2203 = vector.shape_cast %add3A_2199 : vector<16xi32> to vector<16xi32>
    tpu.vector_store %arg6[%swap3A_2200], %swap3A_2203 {strides = array<i32>} : memref<4096xi32, #tpu.memory_space<vmem>>, vector<16xi32>,
    %add3A_2204 = arith.constant 5 : i32
    %add3A_2205 = arith.addi %mul3A_2153, %add3A_2204 : i32
    %mul3A_2206 = arith.constant 65536 : i32
    %mul3A_2207 = arith.muli %add3A_2205, %mul3A_2206 : i32
    %add3A_2208 = vector.broadcast %mul3A_2207 : i32 to vector<16xi32>
    %add3A_2209 = arith.addi %add3A_2208, %add3A_2149 : vector<16xi32>
    %swap3A_2210 = arith.constant 2720 : index
    %swap3A_2211 = tpu.vector_load %arg6[%swap3A_2210] {strides = array<i32>} : memref<4096xi32, #tpu.memory_space<vmem>>, vector<16xi32>,
    %swap3A_2212 = vector.shape_cast %swap3A_2211 : vector<16xi32> to vector<16xi32>
    %swap3A_2213 = vector.shape_cast %add3A_2209 : vector<16xi32> to vector<16xi32>
    tpu.vector_store %arg6[%swap3A_2210], %swap3A_2213 {strides = array<i32>} : memref<4096xi32, #tpu.memory_space<vmem>>, vector<16xi32>,
    %add3A_2214 = arith.constant 6 : i32
    %add3A_2215 = arith.addi %mul3A_2153, %add3A_2214 : i32
    %mul3A_2216 = arith.constant 65536 : i32
    %mul3A_2217 = arith.muli %add3A_2215, %mul3A_2216 : i32
    %add3A_2218 = vector.broadcast %mul3A_2217 : i32 to vector<16xi32>
    %add3A_2219 = arith.addi %add3A_2218, %add3A_2149 : vector<16xi32>
    %swap3A_2220 = arith.constant 2848 : index
    %swap3A_2221 = tpu.vector_load %arg6[%swap3A_2220] {strides = array<i32>} : memref<4096xi32, #tpu.memory_space<vmem>>, vector<16xi32>,
    %swap3A_2222 = vector.shape_cast %swap3A_2221 : vector<16xi32> to vector<16xi32>
    %swap3A_2223 = vector.shape_cast %add3A_2219 : vector<16xi32> to vector<16xi32>
    tpu.vector_store %arg6[%swap3A_2220], %swap3A_2223 {strides = array<i32>} : memref<4096xi32, #tpu.memory_space<vmem>>, vector<16xi32>,
    %add3A_2224 = arith.constant 7 : i32
    %add3A_2225 = arith.addi %mul3A_2153, %add3A_2224 : i32
    %mul3A_2226 = arith.constant 65536 : i32
    %mul3A_2227 = arith.muli %add3A_2225, %mul3A_2226 : i32
    %add3A_2228 = vector.broadcast %mul3A_2227 : i32 to vector<16xi32>
    %add3A_2229 = arith.addi %add3A_2228, %add3A_2149 : vector<16xi32>
    %swap3A_2230 = arith.constant 2976 : index
    %swap3A_2231 = tpu.vector_load %arg6[%swap3A_2230] {strides = array<i32>} : memref<4096xi32, #tpu.memory_space<vmem>>, vector<16xi32>,
    %swap3A_2232 = vector.shape_cast %swap3A_2231 : vector<16xi32> to vector<16xi32>
    %swap3A_2233 = vector.shape_cast %add3A_2229 : vector<16xi32> to vector<16xi32>
    tpu.vector_store %arg6[%swap3A_2230], %swap3A_2233 {strides = array<i32>} : memref<4096xi32, #tpu.memory_space<vmem>>, vector<16xi32>,
    %get3A_2234 = arith.constant 304 : index
    %get3A_2235 = tpu.vector_load %arg5[%get3A_2234] {strides = array<i32>} : memref<512xi32, #tpu.memory_space<vmem>>, vector<16xi32>,
    %get3A_2236 = vector.shape_cast %get3A_2235 : vector<16xi32> to vector<16xi32>
    %shift_right_arithmetic3A_2237 = arith.constant 8 : i32
    %shift_right_arithmetic3A_2238 = vector.broadcast %shift_right_arithmetic3A_2237 : i32 to vector<16xi32>
    %shift_right_arithmetic3A_2239 = arith.shrsi %get3A_2236, %shift_right_arithmetic3A_2238 : vector<16xi32>
    %and3A_2240 = arith.constant 255 : i32
    %and3A_2241 = vector.broadcast %and3A_2240 : i32 to vector<16xi32>
    %and3A_2242 = arith.andi %get3A_2236, %and3A_2241 : vector<16xi32>
    %shift_right_arithmetic3A_2243 = arith.constant 3 : i32
    %shift_right_arithmetic3A_2244 = vector.broadcast %shift_right_arithmetic3A_2243 : i32 to vector<16xi32>
    %shift_right_arithmetic3A_2245 = arith.shrsi %shift_right_arithmetic3A_2239, %shift_right_arithmetic3A_2244 : vector<16xi32>
    %shift_left3A_2246 = arith.constant 11 : i32
    %shift_left3A_2247 = vector.broadcast %shift_left3A_2246 : i32 to vector<16xi32>
    %shift_left3A_2248 = arith.shli %shift_right_arithmetic3A_2245, %shift_left3A_2247 : vector<16xi32>
    %shift_right_arithmetic3A_2249 = arith.constant 7 : i32
    %shift_right_arithmetic3A_2250 = vector.broadcast %shift_right_arithmetic3A_2249 : i32 to vector<16xi32>
    %shift_right_arithmetic3A_2251 = arith.shrsi %and3A_2242, %shift_right_arithmetic3A_2250 : vector<16xi32>
    %shift_left3A_2252 = arith.constant 10 : i32
    %shift_left3A_2253 = vector.broadcast %shift_left3A_2252 : i32 to vector<16xi32>
    %shift_left3A_2254 = arith.shli %shift_right_arithmetic3A_2251, %shift_left3A_2253 : vector<16xi32>
    %add3A_2255 = arith.addi %shift_left3A_2248, %shift_left3A_2254 : vector<16xi32>
    %and3A_2256 = arith.constant 7 : i32
    %and3A_2257 = vector.broadcast %and3A_2256 : i32 to vector<16xi32>
    %and3A_2258 = arith.andi %shift_right_arithmetic3A_2239, %and3A_2257 : vector<16xi32>
    %shift_left3A_2259 = arith.constant 7 : i32
    %shift_left3A_2260 = vector.broadcast %shift_left3A_2259 : i32 to vector<16xi32>
    %shift_left3A_2261 = arith.shli %and3A_2258, %shift_left3A_2260 : vector<16xi32>
    %add3A_2262 = arith.addi %add3A_2255, %shift_left3A_2261 : vector<16xi32>
    %and3A_2263 = arith.constant 127 : i32
    %and3A_2264 = vector.broadcast %and3A_2263 : i32 to vector<16xi32>
    %and3A_2265 = arith.andi %and3A_2242, %and3A_2264 : vector<16xi32>
    %add3A_2266 = arith.addi %add3A_2262, %and3A_2265 : vector<16xi32>
    %add3A_2267 = arith.constant 1 : i32
    %add3A_2268 = arith.addi %mul3A_2, %add3A_2267 : i32
    %mul3A_2269 = arith.constant 8 : i32
    %mul3A_2270 = arith.muli %add3A_2268, %mul3A_2269 : i32
    %add3A_2271 = arith.constant 0 : i32
    %add3A_2272 = arith.addi %mul3A_2270, %add3A_2271 : i32
    %mul3A_2273 = arith.constant 65536 : i32
    %mul3A_2274 = arith.muli %add3A_2272, %mul3A_2273 : i32
    %add3A_2275 = vector.broadcast %mul3A_2274 : i32 to vector<16xi32>
    %add3A_2276 = arith.addi %add3A_2275, %add3A_2266 : vector<16xi32>
    %swap3A_2277 = arith.constant 2096 : index
    %swap3A_2278 = tpu.vector_load %arg6[%swap3A_2277] {strides = array<i32>} : memref<4096xi32, #tpu.memory_space<vmem>>, vector<16xi32>,
    %swap3A_2279 = vector.shape_cast %swap3A_2278 : vector<16xi32> to vector<16xi32>
    %swap3A_2280 = vector.shape_cast %add3A_2276 : vector<16xi32> to vector<16xi32>
    tpu.vector_store %arg6[%swap3A_2277], %swap3A_2280 {strides = array<i32>} : memref<4096xi32, #tpu.memory_space<vmem>>, vector<16xi32>,
    %add3A_2281 = arith.constant 1 : i32
    %add3A_2282 = arith.addi %mul3A_2270, %add3A_2281 : i32
    %mul3A_2283 = arith.constant 65536 : i32
    %mul3A_2284 = arith.muli %add3A_2282, %mul3A_2283 : i32
    %add3A_2285 = vector.broadcast %mul3A_2284 : i32 to vector<16xi32>
    %add3A_2286 = arith.addi %add3A_2285, %add3A_2266 : vector<16xi32>
    %swap3A_2287 = arith.constant 2224 : index
    %swap3A_2288 = tpu.vector_load %arg6[%swap3A_2287] {strides = array<i32>} : memref<4096xi32, #tpu.memory_space<vmem>>, vector<16xi32>,
    %swap3A_2289 = vector.shape_cast %swap3A_2288 : vector<16xi32> to vector<16xi32>
    %swap3A_2290 = vector.shape_cast %add3A_2286 : vector<16xi32> to vector<16xi32>
    tpu.vector_store %arg6[%swap3A_2287], %swap3A_2290 {strides = array<i32>} : memref<4096xi32, #tpu.memory_space<vmem>>, vector<16xi32>,
    %add3A_2291 = arith.constant 2 : i32
    %add3A_2292 = arith.addi %mul3A_2270, %add3A_2291 : i32
    %mul3A_2293 = arith.constant 65536 : i32
    %mul3A_2294 = arith.muli %add3A_2292, %mul3A_2293 : i32
    %add3A_2295 = vector.broadcast %mul3A_2294 : i32 to vector<16xi32>
    %add3A_2296 = arith.addi %add3A_2295, %add3A_2266 : vector<16xi32>
    %swap3A_2297 = arith.constant 2352 : index
    %swap3A_2298 = tpu.vector_load %arg6[%swap3A_2297] {strides = array<i32>} : memref<4096xi32, #tpu.memory_space<vmem>>, vector<16xi32>,
    %swap3A_2299 = vector.shape_cast %swap3A_2298 : vector<16xi32> to vector<16xi32>
    %swap3A_2300 = vector.shape_cast %add3A_2296 : vector<16xi32> to vector<16xi32>
    tpu.vector_store %arg6[%swap3A_2297], %swap3A_2300 {strides = array<i32>} : memref<4096xi32, #tpu.memory_space<vmem>>, vector<16xi32>,
    %add3A_2301 = arith.constant 3 : i32
    %add3A_2302 = arith.addi %mul3A_2270, %add3A_2301 : i32
    %mul3A_2303 = arith.constant 65536 : i32
    %mul3A_2304 = arith.muli %add3A_2302, %mul3A_2303 : i32
    %add3A_2305 = vector.broadcast %mul3A_2304 : i32 to vector<16xi32>
    %add3A_2306 = arith.addi %add3A_2305, %add3A_2266 : vector<16xi32>
    %swap3A_2307 = arith.constant 2480 : index
    %swap3A_2308 = tpu.vector_load %arg6[%swap3A_2307] {strides = array<i32>} : memref<4096xi32, #tpu.memory_space<vmem>>, vector<16xi32>,
    %swap3A_2309 = vector.shape_cast %swap3A_2308 : vector<16xi32> to vector<16xi32>
    %swap3A_2310 = vector.shape_cast %add3A_2306 : vector<16xi32> to vector<16xi32>
    tpu.vector_store %arg6[%swap3A_2307], %swap3A_2310 {strides = array<i32>} : memref<4096xi32, #tpu.memory_space<vmem>>, vector<16xi32>,
    %add3A_2311 = arith.constant 4 : i32
    %add3A_2312 = arith.addi %mul3A_2270, %add3A_2311 : i32
    %mul3A_2313 = arith.constant 65536 : i32
    %mul3A_2314 = arith.muli %add3A_2312, %mul3A_2313 : i32
    %add3A_2315 = vector.broadcast %mul3A_2314 : i32 to vector<16xi32>
    %add3A_2316 = arith.addi %add3A_2315, %add3A_2266 : vector<16xi32>
    %swap3A_2317 = arith.constant 2608 : index
    %swap3A_2318 = tpu.vector_load %arg6[%swap3A_2317] {strides = array<i32>} : memref<4096xi32, #tpu.memory_space<vmem>>, vector<16xi32>,
    %swap3A_2319 = vector.shape_cast %swap3A_2318 : vector<16xi32> to vector<16xi32>
    %swap3A_2320 = vector.shape_cast %add3A_2316 : vector<16xi32> to vector<16xi32>
    tpu.vector_store %arg6[%swap3A_2317], %swap3A_2320 {strides = array<i32>} : memref<4096xi32, #tpu.memory_space<vmem>>, vector<16xi32>,
    %add3A_2321 = arith.constant 5 : i32
    %add3A_2322 = arith.addi %mul3A_2270, %add3A_2321 : i32
    %mul3A_2323 = arith.constant 65536 : i32
    %mul3A_2324 = arith.muli %add3A_2322, %mul3A_2323 : i32
    %add3A_2325 = vector.broadcast %mul3A_2324 : i32 to vector<16xi32>
    %add3A_2326 = arith.addi %add3A_2325, %add3A_2266 : vector<16xi32>
    %swap3A_2327 = arith.constant 2736 : index
    %swap3A_2328 = tpu.vector_load %arg6[%swap3A_2327] {strides = array<i32>} : memref<4096xi32, #tpu.memory_space<vmem>>, vector<16xi32>,
    %swap3A_2329 = vector.shape_cast %swap3A_2328 : vector<16xi32> to vector<16xi32>
    %swap3A_2330 = vector.shape_cast %add3A_2326 : vector<16xi32> to vector<16xi32>
    tpu.vector_store %arg6[%swap3A_2327], %swap3A_2330 {strides = array<i32>} : memref<4096xi32, #tpu.memory_space<vmem>>, vector<16xi32>,
    %add3A_2331 = arith.constant 6 : i32
    %add3A_2332 = arith.addi %mul3A_2270, %add3A_2331 : i32
    %mul3A_2333 = arith.constant 65536 : i32
    %mul3A_2334 = arith.muli %add3A_2332, %mul3A_2333 : i32
    %add3A_2335 = vector.broadcast %mul3A_2334 : i32 to vector<16xi32>
    %add3A_2336 = arith.addi %add3A_2335, %add3A_2266 : vector<16xi32>
    %swap3A_2337 = arith.constant 2864 : index
    %swap3A_2338 = tpu.vector_load %arg6[%swap3A_2337] {strides = array<i32>} : memref<4096xi32, #tpu.memory_space<vmem>>, vector<16xi32>,
    %swap3A_2339 = vector.shape_cast %swap3A_2338 : vector<16xi32> to vector<16xi32>
    %swap3A_2340 = vector.shape_cast %add3A_2336 : vector<16xi32> to vector<16xi32>
    tpu.vector_store %arg6[%swap3A_2337], %swap3A_2340 {strides = array<i32>} : memref<4096xi32, #tpu.memory_space<vmem>>, vector<16xi32>,
    %add3A_2341 = arith.constant 7 : i32
    %add3A_2342 = arith.addi %mul3A_2270, %add3A_2341 : i32
    %mul3A_2343 = arith.constant 65536 : i32
    %mul3A_2344 = arith.muli %add3A_2342, %mul3A_2343 : i32
    %add3A_2345 = vector.broadcast %mul3A_2344 : i32 to vector<16xi32>
    %add3A_2346 = arith.addi %add3A_2345, %add3A_2266 : vector<16xi32>
    %swap3A_2347 = arith.constant 2992 : index
    %swap3A_2348 = tpu.vector_load %arg6[%swap3A_2347] {strides = array<i32>} : memref<4096xi32, #tpu.memory_space<vmem>>, vector<16xi32>,
    %swap3A_2349 = vector.shape_cast %swap3A_2348 : vector<16xi32> to vector<16xi32>
    %swap3A_2350 = vector.shape_cast %add3A_2346 : vector<16xi32> to vector<16xi32>
    tpu.vector_store %arg6[%swap3A_2347], %swap3A_2350 {strides = array<i32>} : memref<4096xi32, #tpu.memory_space<vmem>>, vector<16xi32>,
    %get3A_2351 = arith.constant 320 : index
    %get3A_2352 = tpu.vector_load %arg5[%get3A_2351] {strides = array<i32>} : memref<512xi32, #tpu.memory_space<vmem>>, vector<16xi32>,
    %get3A_2353 = vector.shape_cast %get3A_2352 : vector<16xi32> to vector<16xi32>
    %shift_right_arithmetic3A_2354 = arith.constant 8 : i32
    %shift_right_arithmetic3A_2355 = vector.broadcast %shift_right_arithmetic3A_2354 : i32 to vector<16xi32>
    %shift_right_arithmetic3A_2356 = arith.shrsi %get3A_2353, %shift_right_arithmetic3A_2355 : vector<16xi32>
    %and3A_2357 = arith.constant 255 : i32
    %and3A_2358 = vector.broadcast %and3A_2357 : i32 to vector<16xi32>
    %and3A_2359 = arith.andi %get3A_2353, %and3A_2358 : vector<16xi32>
    %shift_right_arithmetic3A_2360 = arith.constant 3 : i32
    %shift_right_arithmetic3A_2361 = vector.broadcast %shift_right_arithmetic3A_2360 : i32 to vector<16xi32>
    %shift_right_arithmetic3A_2362 = arith.shrsi %shift_right_arithmetic3A_2356, %shift_right_arithmetic3A_2361 : vector<16xi32>
    %shift_left3A_2363 = arith.constant 11 : i32
    %shift_left3A_2364 = vector.broadcast %shift_left3A_2363 : i32 to vector<16xi32>
    %shift_left3A_2365 = arith.shli %shift_right_arithmetic3A_2362, %shift_left3A_2364 : vector<16xi32>
    %shift_right_arithmetic3A_2366 = arith.constant 7 : i32
    %shift_right_arithmetic3A_2367 = vector.broadcast %shift_right_arithmetic3A_2366 : i32 to vector<16xi32>
    %shift_right_arithmetic3A_2368 = arith.shrsi %and3A_2359, %shift_right_arithmetic3A_2367 : vector<16xi32>
    %shift_left3A_2369 = arith.constant 10 : i32
    %shift_left3A_2370 = vector.broadcast %shift_left3A_2369 : i32 to vector<16xi32>
    %shift_left3A_2371 = arith.shli %shift_right_arithmetic3A_2368, %shift_left3A_2370 : vector<16xi32>
    %add3A_2372 = arith.addi %shift_left3A_2365, %shift_left3A_2371 : vector<16xi32>
    %and3A_2373 = arith.constant 7 : i32
    %and3A_2374 = vector.broadcast %and3A_2373 : i32 to vector<16xi32>
    %and3A_2375 = arith.andi %shift_right_arithmetic3A_2356, %and3A_2374 : vector<16xi32>
    %shift_left3A_2376 = arith.constant 7 : i32
    %shift_left3A_2377 = vector.broadcast %shift_left3A_2376 : i32 to vector<16xi32>
    %shift_left3A_2378 = arith.shli %and3A_2375, %shift_left3A_2377 : vector<16xi32>
    %add3A_2379 = arith.addi %add3A_2372, %shift_left3A_2378 : vector<16xi32>
    %and3A_2380 = arith.constant 127 : i32
    %and3A_2381 = vector.broadcast %and3A_2380 : i32 to vector<16xi32>
    %and3A_2382 = arith.andi %and3A_2359, %and3A_2381 : vector<16xi32>
    %add3A_2383 = arith.addi %add3A_2379, %and3A_2382 : vector<16xi32>
    %add3A_2384 = arith.constant 1 : i32
    %add3A_2385 = arith.addi %mul3A_2, %add3A_2384 : i32
    %mul3A_2386 = arith.constant 8 : i32
    %mul3A_2387 = arith.muli %add3A_2385, %mul3A_2386 : i32
    %add3A_2388 = arith.constant 0 : i32
    %add3A_2389 = arith.addi %mul3A_2387, %add3A_2388 : i32
    %mul3A_2390 = arith.constant 65536 : i32
    %mul3A_2391 = arith.muli %add3A_2389, %mul3A_2390 : i32
    %add3A_2392 = vector.broadcast %mul3A_2391 : i32 to vector<16xi32>
    %add3A_2393 = arith.addi %add3A_2392, %add3A_2383 : vector<16xi32>
    %swap3A_2394 = arith.constant 2112 : index
    %swap3A_2395 = tpu.vector_load %arg6[%swap3A_2394] {strides = array<i32>} : memref<4096xi32, #tpu.memory_space<vmem>>, vector<16xi32>,
    %swap3A_2396 = vector.shape_cast %swap3A_2395 : vector<16xi32> to vector<16xi32>
    %swap3A_2397 = vector.shape_cast %add3A_2393 : vector<16xi32> to vector<16xi32>
    tpu.vector_store %arg6[%swap3A_2394], %swap3A_2397 {strides = array<i32>} : memref<4096xi32, #tpu.memory_space<vmem>>, vector<16xi32>,
    %add3A_2398 = arith.constant 1 : i32
    %add3A_2399 = arith.addi %mul3A_2387, %add3A_2398 : i32
    %mul3A_2400 = arith.constant 65536 : i32
    %mul3A_2401 = arith.muli %add3A_2399, %mul3A_2400 : i32
    %add3A_2402 = vector.broadcast %mul3A_2401 : i32 to vector<16xi32>
    %add3A_2403 = arith.addi %add3A_2402, %add3A_2383 : vector<16xi32>
    %swap3A_2404 = arith.constant 2240 : index
    %swap3A_2405 = tpu.vector_load %arg6[%swap3A_2404] {strides = array<i32>} : memref<4096xi32, #tpu.memory_space<vmem>>, vector<16xi32>,
    %swap3A_2406 = vector.shape_cast %swap3A_2405 : vector<16xi32> to vector<16xi32>
    %swap3A_2407 = vector.shape_cast %add3A_2403 : vector<16xi32> to vector<16xi32>
    tpu.vector_store %arg6[%swap3A_2404], %swap3A_2407 {strides = array<i32>} : memref<4096xi32, #tpu.memory_space<vmem>>, vector<16xi32>,
    %add3A_2408 = arith.constant 2 : i32
    %add3A_2409 = arith.addi %mul3A_2387, %add3A_2408 : i32
    %mul3A_2410 = arith.constant 65536 : i32
    %mul3A_2411 = arith.muli %add3A_2409, %mul3A_2410 : i32
    %add3A_2412 = vector.broadcast %mul3A_2411 : i32 to vector<16xi32>
    %add3A_2413 = arith.addi %add3A_2412, %add3A_2383 : vector<16xi32>
    %swap3A_2414 = arith.constant 2368 : index
    %swap3A_2415 = tpu.vector_load %arg6[%swap3A_2414] {strides = array<i32>} : memref<4096xi32, #tpu.memory_space<vmem>>, vector<16xi32>,
    %swap3A_2416 = vector.shape_cast %swap3A_2415 : vector<16xi32> to vector<16xi32>
    %swap3A_2417 = vector.shape_cast %add3A_2413 : vector<16xi32> to vector<16xi32>
    tpu.vector_store %arg6[%swap3A_2414], %swap3A_2417 {strides = array<i32>} : memref<4096xi32, #tpu.memory_space<vmem>>, vector<16xi32>,
    %add3A_2418 = arith.constant 3 : i32
    %add3A_2419 = arith.addi %mul3A_2387, %add3A_2418 : i32
    %mul3A_2420 = arith.constant 65536 : i32
    %mul3A_2421 = arith.muli %add3A_2419, %mul3A_2420 : i32
    %add3A_2422 = vector.broadcast %mul3A_2421 : i32 to vector<16xi32>
    %add3A_2423 = arith.addi %add3A_2422, %add3A_2383 : vector<16xi32>
    %swap3A_2424 = arith.constant 2496 : index
    %swap3A_2425 = tpu.vector_load %arg6[%swap3A_2424] {strides = array<i32>} : memref<4096xi32, #tpu.memory_space<vmem>>, vector<16xi32>,
    %swap3A_2426 = vector.shape_cast %swap3A_2425 : vector<16xi32> to vector<16xi32>
    %swap3A_2427 = vector.shape_cast %add3A_2423 : vector<16xi32> to vector<16xi32>
    tpu.vector_store %arg6[%swap3A_2424], %swap3A_2427 {strides = array<i32>} : memref<4096xi32, #tpu.memory_space<vmem>>, vector<16xi32>,
    %add3A_2428 = arith.constant 4 : i32
    %add3A_2429 = arith.addi %mul3A_2387, %add3A_2428 : i32
    %mul3A_2430 = arith.constant 65536 : i32
    %mul3A_2431 = arith.muli %add3A_2429, %mul3A_2430 : i32
    %add3A_2432 = vector.broadcast %mul3A_2431 : i32 to vector<16xi32>
    %add3A_2433 = arith.addi %add3A_2432, %add3A_2383 : vector<16xi32>
    %swap3A_2434 = arith.constant 2624 : index
    %swap3A_2435 = tpu.vector_load %arg6[%swap3A_2434] {strides = array<i32>} : memref<4096xi32, #tpu.memory_space<vmem>>, vector<16xi32>,
    %swap3A_2436 = vector.shape_cast %swap3A_2435 : vector<16xi32> to vector<16xi32>
    %swap3A_2437 = vector.shape_cast %add3A_2433 : vector<16xi32> to vector<16xi32>
    tpu.vector_store %arg6[%swap3A_2434], %swap3A_2437 {strides = array<i32>} : memref<4096xi32, #tpu.memory_space<vmem>>, vector<16xi32>,
    %add3A_2438 = arith.constant 5 : i32
    %add3A_2439 = arith.addi %mul3A_2387, %add3A_2438 : i32
    %mul3A_2440 = arith.constant 65536 : i32
    %mul3A_2441 = arith.muli %add3A_2439, %mul3A_2440 : i32
    %add3A_2442 = vector.broadcast %mul3A_2441 : i32 to vector<16xi32>
    %add3A_2443 = arith.addi %add3A_2442, %add3A_2383 : vector<16xi32>
    %swap3A_2444 = arith.constant 2752 : index
    %swap3A_2445 = tpu.vector_load %arg6[%swap3A_2444] {strides = array<i32>} : memref<4096xi32, #tpu.memory_space<vmem>>, vector<16xi32>,
    %swap3A_2446 = vector.shape_cast %swap3A_2445 : vector<16xi32> to vector<16xi32>
    %swap3A_2447 = vector.shape_cast %add3A_2443 : vector<16xi32> to vector<16xi32>
    tpu.vector_store %arg6[%swap3A_2444], %swap3A_2447 {strides = array<i32>} : memref<4096xi32, #tpu.memory_space<vmem>>, vector<16xi32>,
    %add3A_2448 = arith.constant 6 : i32
    %add3A_2449 = arith.addi %mul3A_2387, %add3A_2448 : i32
    %mul3A_2450 = arith.constant 65536 : i32
    %mul3A_2451 = arith.muli %add3A_2449, %mul3A_2450 : i32
    %add3A_2452 = vector.broadcast %mul3A_2451 : i32 to vector<16xi32>
    %add3A_2453 = arith.addi %add3A_2452, %add3A_2383 : vector<16xi32>
    %swap3A_2454 = arith.constant 2880 : index
    %swap3A_2455 = tpu.vector_load %arg6[%swap3A_2454] {strides = array<i32>} : memref<4096xi32, #tpu.memory_space<vmem>>, vector<16xi32>,
    %swap3A_2456 = vector.shape_cast %swap3A_2455 : vector<16xi32> to vector<16xi32>
    %swap3A_2457 = vector.shape_cast %add3A_2453 : vector<16xi32> to vector<16xi32>
    tpu.vector_store %arg6[%swap3A_2454], %swap3A_2457 {strides = array<i32>} : memref<4096xi32, #tpu.memory_space<vmem>>, vector<16xi32>,
    %add3A_2458 = arith.constant 7 : i32
    %add3A_2459 = arith.addi %mul3A_2387, %add3A_2458 : i32
    %mul3A_2460 = arith.constant 65536 : i32
    %mul3A_2461 = arith.muli %add3A_2459, %mul3A_2460 : i32
    %add3A_2462 = vector.broadcast %mul3A_2461 : i32 to vector<16xi32>
    %add3A_2463 = arith.addi %add3A_2462, %add3A_2383 : vector<16xi32>
    %swap3A_2464 = arith.constant 3008 : index
    %swap3A_2465 = tpu.vector_load %arg6[%swap3A_2464] {strides = array<i32>} : memref<4096xi32, #tpu.memory_space<vmem>>, vector<16xi32>,
    %swap3A_2466 = vector.shape_cast %swap3A_2465 : vector<16xi32> to vector<16xi32>
    %swap3A_2467 = vector.shape_cast %add3A_2463 : vector<16xi32> to vector<16xi32>
    tpu.vector_store %arg6[%swap3A_2464], %swap3A_2467 {strides = array<i32>} : memref<4096xi32, #tpu.memory_space<vmem>>, vector<16xi32>,
    %get3A_2468 = arith.constant 336 : index
    %get3A_2469 = tpu.vector_load %arg5[%get3A_2468] {strides = array<i32>} : memref<512xi32, #tpu.memory_space<vmem>>, vector<16xi32>,
    %get3A_2470 = vector.shape_cast %get3A_2469 : vector<16xi32> to vector<16xi32>
    %shift_right_arithmetic3A_2471 = arith.constant 8 : i32
    %shift_right_arithmetic3A_2472 = vector.broadcast %shift_right_arithmetic3A_2471 : i32 to vector<16xi32>
    %shift_right_arithmetic3A_2473 = arith.shrsi %get3A_2470, %shift_right_arithmetic3A_2472 : vector<16xi32>
    %and3A_2474 = arith.constant 255 : i32
    %and3A_2475 = vector.broadcast %and3A_2474 : i32 to vector<16xi32>
    %and3A_2476 = arith.andi %get3A_2470, %and3A_2475 : vector<16xi32>
    %shift_right_arithmetic3A_2477 = arith.constant 3 : i32
    %shift_right_arithmetic3A_2478 = vector.broadcast %shift_right_arithmetic3A_2477 : i32 to vector<16xi32>
    %shift_right_arithmetic3A_2479 = arith.shrsi %shift_right_arithmetic3A_2473, %shift_right_arithmetic3A_2478 : vector<16xi32>
    %shift_left3A_2480 = arith.constant 11 : i32
    %shift_left3A_2481 = vector.broadcast %shift_left3A_2480 : i32 to vector<16xi32>
    %shift_left3A_2482 = arith.shli %shift_right_arithmetic3A_2479, %shift_left3A_2481 : vector<16xi32>
    %shift_right_arithmetic3A_2483 = arith.constant 7 : i32
    %shift_right_arithmetic3A_2484 = vector.broadcast %shift_right_arithmetic3A_2483 : i32 to vector<16xi32>
    %shift_right_arithmetic3A_2485 = arith.shrsi %and3A_2476, %shift_right_arithmetic3A_2484 : vector<16xi32>
    %shift_left3A_2486 = arith.constant 10 : i32
    %shift_left3A_2487 = vector.broadcast %shift_left3A_2486 : i32 to vector<16xi32>
    %shift_left3A_2488 = arith.shli %shift_right_arithmetic3A_2485, %shift_left3A_2487 : vector<16xi32>
    %add3A_2489 = arith.addi %shift_left3A_2482, %shift_left3A_2488 : vector<16xi32>
    %and3A_2490 = arith.constant 7 : i32
    %and3A_2491 = vector.broadcast %and3A_2490 : i32 to vector<16xi32>
    %and3A_2492 = arith.andi %shift_right_arithmetic3A_2473, %and3A_2491 : vector<16xi32>
    %shift_left3A_2493 = arith.constant 7 : i32
    %shift_left3A_2494 = vector.broadcast %shift_left3A_2493 : i32 to vector<16xi32>
    %shift_left3A_2495 = arith.shli %and3A_2492, %shift_left3A_2494 : vector<16xi32>
    %add3A_2496 = arith.addi %add3A_2489, %shift_left3A_2495 : vector<16xi32>
    %and3A_2497 = arith.constant 127 : i32
    %and3A_2498 = vector.broadcast %and3A_2497 : i32 to vector<16xi32>
    %and3A_2499 = arith.andi %and3A_2476, %and3A_2498 : vector<16xi32>
    %add3A_2500 = arith.addi %add3A_2496, %and3A_2499 : vector<16xi32>
    %add3A_2501 = arith.constant 1 : i32
    %add3A_2502 = arith.addi %mul3A_2, %add3A_2501 : i32
    %mul3A_2503 = arith.constant 8 : i32
    %mul3A_2504 = arith.muli %add3A_2502, %mul3A_2503 : i32
    %add3A_2505 = arith.constant 0 : i32
    %add3A_2506 = arith.addi %mul3A_2504, %add3A_2505 : i32
    %mul3A_2507 = arith.constant 65536 : i32
    %mul3A_2508 = arith.muli %add3A_2506, %mul3A_2507 : i32
    %add3A_2509 = vector.broadcast %mul3A_2508 : i32 to vector<16xi32>
    %add3A_2510 = arith.addi %add3A_2509, %add3A_2500 : vector<16xi32>
    %swap3A_2511 = arith.constant 2128 : index
    %swap3A_2512 = tpu.vector_load %arg6[%swap3A_2511] {strides = array<i32>} : memref<4096xi32, #tpu.memory_space<vmem>>, vector<16xi32>,
    %swap3A_2513 = vector.shape_cast %swap3A_2512 : vector<16xi32> to vector<16xi32>
    %swap3A_2514 = vector.shape_cast %add3A_2510 : vector<16xi32> to vector<16xi32>
    tpu.vector_store %arg6[%swap3A_2511], %swap3A_2514 {strides = array<i32>} : memref<4096xi32, #tpu.memory_space<vmem>>, vector<16xi32>,
    %add3A_2515 = arith.constant 1 : i32
    %add3A_2516 = arith.addi %mul3A_2504, %add3A_2515 : i32
    %mul3A_2517 = arith.constant 65536 : i32
    %mul3A_2518 = arith.muli %add3A_2516, %mul3A_2517 : i32
    %add3A_2519 = vector.broadcast %mul3A_2518 : i32 to vector<16xi32>
    %add3A_2520 = arith.addi %add3A_2519, %add3A_2500 : vector<16xi32>
    %swap3A_2521 = arith.constant 2256 : index
    %swap3A_2522 = tpu.vector_load %arg6[%swap3A_2521] {strides = array<i32>} : memref<4096xi32, #tpu.memory_space<vmem>>, vector<16xi32>,
    %swap3A_2523 = vector.shape_cast %swap3A_2522 : vector<16xi32> to vector<16xi32>
    %swap3A_2524 = vector.shape_cast %add3A_2520 : vector<16xi32> to vector<16xi32>
    tpu.vector_store %arg6[%swap3A_2521], %swap3A_2524 {strides = array<i32>} : memref<4096xi32, #tpu.memory_space<vmem>>, vector<16xi32>,
    %add3A_2525 = arith.constant 2 : i32
    %add3A_2526 = arith.addi %mul3A_2504, %add3A_2525 : i32
    %mul3A_2527 = arith.constant 65536 : i32
    %mul3A_2528 = arith.muli %add3A_2526, %mul3A_2527 : i32
    %add3A_2529 = vector.broadcast %mul3A_2528 : i32 to vector<16xi32>
    %add3A_2530 = arith.addi %add3A_2529, %add3A_2500 : vector<16xi32>
    %swap3A_2531 = arith.constant 2384 : index
    %swap3A_2532 = tpu.vector_load %arg6[%swap3A_2531] {strides = array<i32>} : memref<4096xi32, #tpu.memory_space<vmem>>, vector<16xi32>,
    %swap3A_2533 = vector.shape_cast %swap3A_2532 : vector<16xi32> to vector<16xi32>
    %swap3A_2534 = vector.shape_cast %add3A_2530 : vector<16xi32> to vector<16xi32>
    tpu.vector_store %arg6[%swap3A_2531], %swap3A_2534 {strides = array<i32>} : memref<4096xi32, #tpu.memory_space<vmem>>, vector<16xi32>,
    %add3A_2535 = arith.constant 3 : i32
    %add3A_2536 = arith.addi %mul3A_2504, %add3A_2535 : i32
    %mul3A_2537 = arith.constant 65536 : i32
    %mul3A_2538 = arith.muli %add3A_2536, %mul3A_2537 : i32
    %add3A_2539 = vector.broadcast %mul3A_2538 : i32 to vector<16xi32>
    %add3A_2540 = arith.addi %add3A_2539, %add3A_2500 : vector<16xi32>
    %swap3A_2541 = arith.constant 2512 : index
    %swap3A_2542 = tpu.vector_load %arg6[%swap3A_2541] {strides = array<i32>} : memref<4096xi32, #tpu.memory_space<vmem>>, vector<16xi32>,
    %swap3A_2543 = vector.shape_cast %swap3A_2542 : vector<16xi32> to vector<16xi32>
    %swap3A_2544 = vector.shape_cast %add3A_2540 : vector<16xi32> to vector<16xi32>
    tpu.vector_store %arg6[%swap3A_2541], %swap3A_2544 {strides = array<i32>} : memref<4096xi32, #tpu.memory_space<vmem>>, vector<16xi32>,
    %add3A_2545 = arith.constant 4 : i32
    %add3A_2546 = arith.addi %mul3A_2504, %add3A_2545 : i32
    %mul3A_2547 = arith.constant 65536 : i32
    %mul3A_2548 = arith.muli %add3A_2546, %mul3A_2547 : i32
    %add3A_2549 = vector.broadcast %mul3A_2548 : i32 to vector<16xi32>
    %add3A_2550 = arith.addi %add3A_2549, %add3A_2500 : vector<16xi32>
    %swap3A_2551 = arith.constant 2640 : index
    %swap3A_2552 = tpu.vector_load %arg6[%swap3A_2551] {strides = array<i32>} : memref<4096xi32, #tpu.memory_space<vmem>>, vector<16xi32>,
    %swap3A_2553 = vector.shape_cast %swap3A_2552 : vector<16xi32> to vector<16xi32>
    %swap3A_2554 = vector.shape_cast %add3A_2550 : vector<16xi32> to vector<16xi32>
    tpu.vector_store %arg6[%swap3A_2551], %swap3A_2554 {strides = array<i32>} : memref<4096xi32, #tpu.memory_space<vmem>>, vector<16xi32>,
    %add3A_2555 = arith.constant 5 : i32
    %add3A_2556 = arith.addi %mul3A_2504, %add3A_2555 : i32
    %mul3A_2557 = arith.constant 65536 : i32
    %mul3A_2558 = arith.muli %add3A_2556, %mul3A_2557 : i32
    %add3A_2559 = vector.broadcast %mul3A_2558 : i32 to vector<16xi32>
    %add3A_2560 = arith.addi %add3A_2559, %add3A_2500 : vector<16xi32>
    %swap3A_2561 = arith.constant 2768 : index
    %swap3A_2562 = tpu.vector_load %arg6[%swap3A_2561] {strides = array<i32>} : memref<4096xi32, #tpu.memory_space<vmem>>, vector<16xi32>,
    %swap3A_2563 = vector.shape_cast %swap3A_2562 : vector<16xi32> to vector<16xi32>
    %swap3A_2564 = vector.shape_cast %add3A_2560 : vector<16xi32> to vector<16xi32>
    tpu.vector_store %arg6[%swap3A_2561], %swap3A_2564 {strides = array<i32>} : memref<4096xi32, #tpu.memory_space<vmem>>, vector<16xi32>,
    %add3A_2565 = arith.constant 6 : i32
    %add3A_2566 = arith.addi %mul3A_2504, %add3A_2565 : i32
    %mul3A_2567 = arith.constant 65536 : i32
    %mul3A_2568 = arith.muli %add3A_2566, %mul3A_2567 : i32
    %add3A_2569 = vector.broadcast %mul3A_2568 : i32 to vector<16xi32>
    %add3A_2570 = arith.addi %add3A_2569, %add3A_2500 : vector<16xi32>
    %swap3A_2571 = arith.constant 2896 : index
    %swap3A_2572 = tpu.vector_load %arg6[%swap3A_2571] {strides = array<i32>} : memref<4096xi32, #tpu.memory_space<vmem>>, vector<16xi32>,
    %swap3A_2573 = vector.shape_cast %swap3A_2572 : vector<16xi32> to vector<16xi32>
    %swap3A_2574 = vector.shape_cast %add3A_2570 : vector<16xi32> to vector<16xi32>
    tpu.vector_store %arg6[%swap3A_2571], %swap3A_2574 {strides = array<i32>} : memref<4096xi32, #tpu.memory_space<vmem>>, vector<16xi32>,
    %add3A_2575 = arith.constant 7 : i32
    %add3A_2576 = arith.addi %mul3A_2504, %add3A_2575 : i32
    %mul3A_2577 = arith.constant 65536 : i32
    %mul3A_2578 = arith.muli %add3A_2576, %mul3A_2577 : i32
    %add3A_2579 = vector.broadcast %mul3A_2578 : i32 to vector<16xi32>
    %add3A_2580 = arith.addi %add3A_2579, %add3A_2500 : vector<16xi32>
    %swap3A_2581 = arith.constant 3024 : index
    %swap3A_2582 = tpu.vector_load %arg6[%swap3A_2581] {strides = array<i32>} : memref<4096xi32, #tpu.memory_space<vmem>>, vector<16xi32>,
    %swap3A_2583 = vector.shape_cast %swap3A_2582 : vector<16xi32> to vector<16xi32>
    %swap3A_2584 = vector.shape_cast %add3A_2580 : vector<16xi32> to vector<16xi32>
    tpu.vector_store %arg6[%swap3A_2581], %swap3A_2584 {strides = array<i32>} : memref<4096xi32, #tpu.memory_space<vmem>>, vector<16xi32>,
    %get3A_2585 = arith.constant 352 : index
    %get3A_2586 = tpu.vector_load %arg5[%get3A_2585] {strides = array<i32>} : memref<512xi32, #tpu.memory_space<vmem>>, vector<16xi32>,
    %get3A_2587 = vector.shape_cast %get3A_2586 : vector<16xi32> to vector<16xi32>
    %shift_right_arithmetic3A_2588 = arith.constant 8 : i32
    %shift_right_arithmetic3A_2589 = vector.broadcast %shift_right_arithmetic3A_2588 : i32 to vector<16xi32>
    %shift_right_arithmetic3A_2590 = arith.shrsi %get3A_2587, %shift_right_arithmetic3A_2589 : vector<16xi32>
    %and3A_2591 = arith.constant 255 : i32
    %and3A_2592 = vector.broadcast %and3A_2591 : i32 to vector<16xi32>
    %and3A_2593 = arith.andi %get3A_2587, %and3A_2592 : vector<16xi32>
    %shift_right_arithmetic3A_2594 = arith.constant 3 : i32
    %shift_right_arithmetic3A_2595 = vector.broadcast %shift_right_arithmetic3A_2594 : i32 to vector<16xi32>
    %shift_right_arithmetic3A_2596 = arith.shrsi %shift_right_arithmetic3A_2590, %shift_right_arithmetic3A_2595 : vector<16xi32>
    %shift_left3A_2597 = arith.constant 11 : i32
    %shift_left3A_2598 = vector.broadcast %shift_left3A_2597 : i32 to vector<16xi32>
    %shift_left3A_2599 = arith.shli %shift_right_arithmetic3A_2596, %shift_left3A_2598 : vector<16xi32>
    %shift_right_arithmetic3A_2600 = arith.constant 7 : i32
    %shift_right_arithmetic3A_2601 = vector.broadcast %shift_right_arithmetic3A_2600 : i32 to vector<16xi32>
    %shift_right_arithmetic3A_2602 = arith.shrsi %and3A_2593, %shift_right_arithmetic3A_2601 : vector<16xi32>
    %shift_left3A_2603 = arith.constant 10 : i32
    %shift_left3A_2604 = vector.broadcast %shift_left3A_2603 : i32 to vector<16xi32>
    %shift_left3A_2605 = arith.shli %shift_right_arithmetic3A_2602, %shift_left3A_2604 : vector<16xi32>
    %add3A_2606 = arith.addi %shift_left3A_2599, %shift_left3A_2605 : vector<16xi32>
    %and3A_2607 = arith.constant 7 : i32
    %and3A_2608 = vector.broadcast %and3A_2607 : i32 to vector<16xi32>
    %and3A_2609 = arith.andi %shift_right_arithmetic3A_2590, %and3A_2608 : vector<16xi32>
    %shift_left3A_2610 = arith.constant 7 : i32
    %shift_left3A_2611 = vector.broadcast %shift_left3A_2610 : i32 to vector<16xi32>
    %shift_left3A_2612 = arith.shli %and3A_2609, %shift_left3A_2611 : vector<16xi32>
    %add3A_2613 = arith.addi %add3A_2606, %shift_left3A_2612 : vector<16xi32>
    %and3A_2614 = arith.constant 127 : i32
    %and3A_2615 = vector.broadcast %and3A_2614 : i32 to vector<16xi32>
    %and3A_2616 = arith.andi %and3A_2593, %and3A_2615 : vector<16xi32>
    %add3A_2617 = arith.addi %add3A_2613, %and3A_2616 : vector<16xi32>
    %add3A_2618 = arith.constant 1 : i32
    %add3A_2619 = arith.addi %mul3A_2, %add3A_2618 : i32
    %mul3A_2620 = arith.constant 8 : i32
    %mul3A_2621 = arith.muli %add3A_2619, %mul3A_2620 : i32
    %add3A_2622 = arith.constant 0 : i32
    %add3A_2623 = arith.addi %mul3A_2621, %add3A_2622 : i32
    %mul3A_2624 = arith.constant 65536 : i32
    %mul3A_2625 = arith.muli %add3A_2623, %mul3A_2624 : i32
    %add3A_2626 = vector.broadcast %mul3A_2625 : i32 to vector<16xi32>
    %add3A_2627 = arith.addi %add3A_2626, %add3A_2617 : vector<16xi32>
    %swap3A_2628 = arith.constant 2144 : index
    %swap3A_2629 = tpu.vector_load %arg6[%swap3A_2628] {strides = array<i32>} : memref<4096xi32, #tpu.memory_space<vmem>>, vector<16xi32>,
    %swap3A_2630 = vector.shape_cast %swap3A_2629 : vector<16xi32> to vector<16xi32>
    %swap3A_2631 = vector.shape_cast %add3A_2627 : vector<16xi32> to vector<16xi32>
    tpu.vector_store %arg6[%swap3A_2628], %swap3A_2631 {strides = array<i32>} : memref<4096xi32, #tpu.memory_space<vmem>>, vector<16xi32>,
    %add3A_2632 = arith.constant 1 : i32
    %add3A_2633 = arith.addi %mul3A_2621, %add3A_2632 : i32
    %mul3A_2634 = arith.constant 65536 : i32
    %mul3A_2635 = arith.muli %add3A_2633, %mul3A_2634 : i32
    %add3A_2636 = vector.broadcast %mul3A_2635 : i32 to vector<16xi32>
    %add3A_2637 = arith.addi %add3A_2636, %add3A_2617 : vector<16xi32>
    %swap3A_2638 = arith.constant 2272 : index
    %swap3A_2639 = tpu.vector_load %arg6[%swap3A_2638] {strides = array<i32>} : memref<4096xi32, #tpu.memory_space<vmem>>, vector<16xi32>,
    %swap3A_2640 = vector.shape_cast %swap3A_2639 : vector<16xi32> to vector<16xi32>
    %swap3A_2641 = vector.shape_cast %add3A_2637 : vector<16xi32> to vector<16xi32>
    tpu.vector_store %arg6[%swap3A_2638], %swap3A_2641 {strides = array<i32>} : memref<4096xi32, #tpu.memory_space<vmem>>, vector<16xi32>,
    %add3A_2642 = arith.constant 2 : i32
    %add3A_2643 = arith.addi %mul3A_2621, %add3A_2642 : i32
    %mul3A_2644 = arith.constant 65536 : i32
    %mul3A_2645 = arith.muli %add3A_2643, %mul3A_2644 : i32
    %add3A_2646 = vector.broadcast %mul3A_2645 : i32 to vector<16xi32>
    %add3A_2647 = arith.addi %add3A_2646, %add3A_2617 : vector<16xi32>
    %swap3A_2648 = arith.constant 2400 : index
    %swap3A_2649 = tpu.vector_load %arg6[%swap3A_2648] {strides = array<i32>} : memref<4096xi32, #tpu.memory_space<vmem>>, vector<16xi32>,
    %swap3A_2650 = vector.shape_cast %swap3A_2649 : vector<16xi32> to vector<16xi32>
    %swap3A_2651 = vector.shape_cast %add3A_2647 : vector<16xi32> to vector<16xi32>
    tpu.vector_store %arg6[%swap3A_2648], %swap3A_2651 {strides = array<i32>} : memref<4096xi32, #tpu.memory_space<vmem>>, vector<16xi32>,
    %add3A_2652 = arith.constant 3 : i32
    %add3A_2653 = arith.addi %mul3A_2621, %add3A_2652 : i32
    %mul3A_2654 = arith.constant 65536 : i32
    %mul3A_2655 = arith.muli %add3A_2653, %mul3A_2654 : i32
    %add3A_2656 = vector.broadcast %mul3A_2655 : i32 to vector<16xi32>
    %add3A_2657 = arith.addi %add3A_2656, %add3A_2617 : vector<16xi32>
    %swap3A_2658 = arith.constant 2528 : index
    %swap3A_2659 = tpu.vector_load %arg6[%swap3A_2658] {strides = array<i32>} : memref<4096xi32, #tpu.memory_space<vmem>>, vector<16xi32>,
    %swap3A_2660 = vector.shape_cast %swap3A_2659 : vector<16xi32> to vector<16xi32>
    %swap3A_2661 = vector.shape_cast %add3A_2657 : vector<16xi32> to vector<16xi32>
    tpu.vector_store %arg6[%swap3A_2658], %swap3A_2661 {strides = array<i32>} : memref<4096xi32, #tpu.memory_space<vmem>>, vector<16xi32>,
    %add3A_2662 = arith.constant 4 : i32
    %add3A_2663 = arith.addi %mul3A_2621, %add3A_2662 : i32
    %mul3A_2664 = arith.constant 65536 : i32
    %mul3A_2665 = arith.muli %add3A_2663, %mul3A_2664 : i32
    %add3A_2666 = vector.broadcast %mul3A_2665 : i32 to vector<16xi32>
    %add3A_2667 = arith.addi %add3A_2666, %add3A_2617 : vector<16xi32>
    %swap3A_2668 = arith.constant 2656 : index
    %swap3A_2669 = tpu.vector_load %arg6[%swap3A_2668] {strides = array<i32>} : memref<4096xi32, #tpu.memory_space<vmem>>, vector<16xi32>,
    %swap3A_2670 = vector.shape_cast %swap3A_2669 : vector<16xi32> to vector<16xi32>
    %swap3A_2671 = vector.shape_cast %add3A_2667 : vector<16xi32> to vector<16xi32>
    tpu.vector_store %arg6[%swap3A_2668], %swap3A_2671 {strides = array<i32>} : memref<4096xi32, #tpu.memory_space<vmem>>, vector<16xi32>,
    %add3A_2672 = arith.constant 5 : i32
    %add3A_2673 = arith.addi %mul3A_2621, %add3A_2672 : i32
    %mul3A_2674 = arith.constant 65536 : i32
    %mul3A_2675 = arith.muli %add3A_2673, %mul3A_2674 : i32
    %add3A_2676 = vector.broadcast %mul3A_2675 : i32 to vector<16xi32>
    %add3A_2677 = arith.addi %add3A_2676, %add3A_2617 : vector<16xi32>
    %swap3A_2678 = arith.constant 2784 : index
    %swap3A_2679 = tpu.vector_load %arg6[%swap3A_2678] {strides = array<i32>} : memref<4096xi32, #tpu.memory_space<vmem>>, vector<16xi32>,
    %swap3A_2680 = vector.shape_cast %swap3A_2679 : vector<16xi32> to vector<16xi32>
    %swap3A_2681 = vector.shape_cast %add3A_2677 : vector<16xi32> to vector<16xi32>
    tpu.vector_store %arg6[%swap3A_2678], %swap3A_2681 {strides = array<i32>} : memref<4096xi32, #tpu.memory_space<vmem>>, vector<16xi32>,
    %add3A_2682 = arith.constant 6 : i32
    %add3A_2683 = arith.addi %mul3A_2621, %add3A_2682 : i32
    %mul3A_2684 = arith.constant 65536 : i32
    %mul3A_2685 = arith.muli %add3A_2683, %mul3A_2684 : i32
    %add3A_2686 = vector.broadcast %mul3A_2685 : i32 to vector<16xi32>
    %add3A_2687 = arith.addi %add3A_2686, %add3A_2617 : vector<16xi32>
    %swap3A_2688 = arith.constant 2912 : index
    %swap3A_2689 = tpu.vector_load %arg6[%swap3A_2688] {strides = array<i32>} : memref<4096xi32, #tpu.memory_space<vmem>>, vector<16xi32>,
    %swap3A_2690 = vector.shape_cast %swap3A_2689 : vector<16xi32> to vector<16xi32>
    %swap3A_2691 = vector.shape_cast %add3A_2687 : vector<16xi32> to vector<16xi32>
    tpu.vector_store %arg6[%swap3A_2688], %swap3A_2691 {strides = array<i32>} : memref<4096xi32, #tpu.memory_space<vmem>>, vector<16xi32>,
    %add3A_2692 = arith.constant 7 : i32
    %add3A_2693 = arith.addi %mul3A_2621, %add3A_2692 : i32
    %mul3A_2694 = arith.constant 65536 : i32
    %mul3A_2695 = arith.muli %add3A_2693, %mul3A_2694 : i32
    %add3A_2696 = vector.broadcast %mul3A_2695 : i32 to vector<16xi32>
    %add3A_2697 = arith.addi %add3A_2696, %add3A_2617 : vector<16xi32>
    %swap3A_2698 = arith.constant 3040 : index
    %swap3A_2699 = tpu.vector_load %arg6[%swap3A_2698] {strides = array<i32>} : memref<4096xi32, #tpu.memory_space<vmem>>, vector<16xi32>,
    %swap3A_2700 = vector.shape_cast %swap3A_2699 : vector<16xi32> to vector<16xi32>
    %swap3A_2701 = vector.shape_cast %add3A_2697 : vector<16xi32> to vector<16xi32>
    tpu.vector_store %arg6[%swap3A_2698], %swap3A_2701 {strides = array<i32>} : memref<4096xi32, #tpu.memory_space<vmem>>, vector<16xi32>,
    %get3A_2702 = arith.constant 368 : index
    %get3A_2703 = tpu.vector_load %arg5[%get3A_2702] {strides = array<i32>} : memref<512xi32, #tpu.memory_space<vmem>>, vector<16xi32>,
    %get3A_2704 = vector.shape_cast %get3A_2703 : vector<16xi32> to vector<16xi32>
    %shift_right_arithmetic3A_2705 = arith.constant 8 : i32
    %shift_right_arithmetic3A_2706 = vector.broadcast %shift_right_arithmetic3A_2705 : i32 to vector<16xi32>
    %shift_right_arithmetic3A_2707 = arith.shrsi %get3A_2704, %shift_right_arithmetic3A_2706 : vector<16xi32>
    %and3A_2708 = arith.constant 255 : i32
    %and3A_2709 = vector.broadcast %and3A_2708 : i32 to vector<16xi32>
    %and3A_2710 = arith.andi %get3A_2704, %and3A_2709 : vector<16xi32>
    %shift_right_arithmetic3A_2711 = arith.constant 3 : i32
    %shift_right_arithmetic3A_2712 = vector.broadcast %shift_right_arithmetic3A_2711 : i32 to vector<16xi32>
    %shift_right_arithmetic3A_2713 = arith.shrsi %shift_right_arithmetic3A_2707, %shift_right_arithmetic3A_2712 : vector<16xi32>
    %shift_left3A_2714 = arith.constant 11 : i32
    %shift_left3A_2715 = vector.broadcast %shift_left3A_2714 : i32 to vector<16xi32>
    %shift_left3A_2716 = arith.shli %shift_right_arithmetic3A_2713, %shift_left3A_2715 : vector<16xi32>
    %shift_right_arithmetic3A_2717 = arith.constant 7 : i32
    %shift_right_arithmetic3A_2718 = vector.broadcast %shift_right_arithmetic3A_2717 : i32 to vector<16xi32>
    %shift_right_arithmetic3A_2719 = arith.shrsi %and3A_2710, %shift_right_arithmetic3A_2718 : vector<16xi32>
    %shift_left3A_2720 = arith.constant 10 : i32
    %shift_left3A_2721 = vector.broadcast %shift_left3A_2720 : i32 to vector<16xi32>
    %shift_left3A_2722 = arith.shli %shift_right_arithmetic3A_2719, %shift_left3A_2721 : vector<16xi32>
    %add3A_2723 = arith.addi %shift_left3A_2716, %shift_left3A_2722 : vector<16xi32>
    %and3A_2724 = arith.constant 7 : i32
    %and3A_2725 = vector.broadcast %and3A_2724 : i32 to vector<16xi32>
    %and3A_2726 = arith.andi %shift_right_arithmetic3A_2707, %and3A_2725 : vector<16xi32>
    %shift_left3A_2727 = arith.constant 7 : i32
    %shift_left3A_2728 = vector.broadcast %shift_left3A_2727 : i32 to vector<16xi32>
    %shift_left3A_2729 = arith.shli %and3A_2726, %shift_left3A_2728 : vector<16xi32>
    %add3A_2730 = arith.addi %add3A_2723, %shift_left3A_2729 : vector<16xi32>
    %and3A_2731 = arith.constant 127 : i32
    %and3A_2732 = vector.broadcast %and3A_2731 : i32 to vector<16xi32>
    %and3A_2733 = arith.andi %and3A_2710, %and3A_2732 : vector<16xi32>
    %add3A_2734 = arith.addi %add3A_2730, %and3A_2733 : vector<16xi32>
    %add3A_2735 = arith.constant 1 : i32
    %add3A_2736 = arith.addi %mul3A_2, %add3A_2735 : i32
    %mul3A_2737 = arith.constant 8 : i32
    %mul3A_2738 = arith.muli %add3A_2736, %mul3A_2737 : i32
    %add3A_2739 = arith.constant 0 : i32
    %add3A_2740 = arith.addi %mul3A_2738, %add3A_2739 : i32
    %mul3A_2741 = arith.constant 65536 : i32
    %mul3A_2742 = arith.muli %add3A_2740, %mul3A_2741 : i32
    %add3A_2743 = vector.broadcast %mul3A_2742 : i32 to vector<16xi32>
    %add3A_2744 = arith.addi %add3A_2743, %add3A_2734 : vector<16xi32>
    %swap3A_2745 = arith.constant 2160 : index
    %swap3A_2746 = tpu.vector_load %arg6[%swap3A_2745] {strides = array<i32>} : memref<4096xi32, #tpu.memory_space<vmem>>, vector<16xi32>,
    %swap3A_2747 = vector.shape_cast %swap3A_2746 : vector<16xi32> to vector<16xi32>
    %swap3A_2748 = vector.shape_cast %add3A_2744 : vector<16xi32> to vector<16xi32>
    tpu.vector_store %arg6[%swap3A_2745], %swap3A_2748 {strides = array<i32>} : memref<4096xi32, #tpu.memory_space<vmem>>, vector<16xi32>,
    %add3A_2749 = arith.constant 1 : i32
    %add3A_2750 = arith.addi %mul3A_2738, %add3A_2749 : i32
    %mul3A_2751 = arith.constant 65536 : i32
    %mul3A_2752 = arith.muli %add3A_2750, %mul3A_2751 : i32
    %add3A_2753 = vector.broadcast %mul3A_2752 : i32 to vector<16xi32>
    %add3A_2754 = arith.addi %add3A_2753, %add3A_2734 : vector<16xi32>
    %swap3A_2755 = arith.constant 2288 : index
    %swap3A_2756 = tpu.vector_load %arg6[%swap3A_2755] {strides = array<i32>} : memref<4096xi32, #tpu.memory_space<vmem>>, vector<16xi32>,
    %swap3A_2757 = vector.shape_cast %swap3A_2756 : vector<16xi32> to vector<16xi32>
    %swap3A_2758 = vector.shape_cast %add3A_2754 : vector<16xi32> to vector<16xi32>
    tpu.vector_store %arg6[%swap3A_2755], %swap3A_2758 {strides = array<i32>} : memref<4096xi32, #tpu.memory_space<vmem>>, vector<16xi32>,
    %add3A_2759 = arith.constant 2 : i32
    %add3A_2760 = arith.addi %mul3A_2738, %add3A_2759 : i32
    %mul3A_2761 = arith.constant 65536 : i32
    %mul3A_2762 = arith.muli %add3A_2760, %mul3A_2761 : i32
    %add3A_2763 = vector.broadcast %mul3A_2762 : i32 to vector<16xi32>
    %add3A_2764 = arith.addi %add3A_2763, %add3A_2734 : vector<16xi32>
    %swap3A_2765 = arith.constant 2416 : index
    %swap3A_2766 = tpu.vector_load %arg6[%swap3A_2765] {strides = array<i32>} : memref<4096xi32, #tpu.memory_space<vmem>>, vector<16xi32>,
    %swap3A_2767 = vector.shape_cast %swap3A_2766 : vector<16xi32> to vector<16xi32>
    %swap3A_2768 = vector.shape_cast %add3A_2764 : vector<16xi32> to vector<16xi32>
    tpu.vector_store %arg6[%swap3A_2765], %swap3A_2768 {strides = array<i32>} : memref<4096xi32, #tpu.memory_space<vmem>>, vector<16xi32>,
    %add3A_2769 = arith.constant 3 : i32
    %add3A_2770 = arith.addi %mul3A_2738, %add3A_2769 : i32
    %mul3A_2771 = arith.constant 65536 : i32
    %mul3A_2772 = arith.muli %add3A_2770, %mul3A_2771 : i32
    %add3A_2773 = vector.broadcast %mul3A_2772 : i32 to vector<16xi32>
    %add3A_2774 = arith.addi %add3A_2773, %add3A_2734 : vector<16xi32>
    %swap3A_2775 = arith.constant 2544 : index
    %swap3A_2776 = tpu.vector_load %arg6[%swap3A_2775] {strides = array<i32>} : memref<4096xi32, #tpu.memory_space<vmem>>, vector<16xi32>,
    %swap3A_2777 = vector.shape_cast %swap3A_2776 : vector<16xi32> to vector<16xi32>
    %swap3A_2778 = vector.shape_cast %add3A_2774 : vector<16xi32> to vector<16xi32>
    tpu.vector_store %arg6[%swap3A_2775], %swap3A_2778 {strides = array<i32>} : memref<4096xi32, #tpu.memory_space<vmem>>, vector<16xi32>,
    %add3A_2779 = arith.constant 4 : i32
    %add3A_2780 = arith.addi %mul3A_2738, %add3A_2779 : i32
    %mul3A_2781 = arith.constant 65536 : i32
    %mul3A_2782 = arith.muli %add3A_2780, %mul3A_2781 : i32
    %add3A_2783 = vector.broadcast %mul3A_2782 : i32 to vector<16xi32>
    %add3A_2784 = arith.addi %add3A_2783, %add3A_2734 : vector<16xi32>
    %swap3A_2785 = arith.constant 2672 : index
    %swap3A_2786 = tpu.vector_load %arg6[%swap3A_2785] {strides = array<i32>} : memref<4096xi32, #tpu.memory_space<vmem>>, vector<16xi32>,
    %swap3A_2787 = vector.shape_cast %swap3A_2786 : vector<16xi32> to vector<16xi32>
    %swap3A_2788 = vector.shape_cast %add3A_2784 : vector<16xi32> to vector<16xi32>
    tpu.vector_store %arg6[%swap3A_2785], %swap3A_2788 {strides = array<i32>} : memref<4096xi32, #tpu.memory_space<vmem>>, vector<16xi32>,
    %add3A_2789 = arith.constant 5 : i32
    %add3A_2790 = arith.addi %mul3A_2738, %add3A_2789 : i32
    %mul3A_2791 = arith.constant 65536 : i32
    %mul3A_2792 = arith.muli %add3A_2790, %mul3A_2791 : i32
    %add3A_2793 = vector.broadcast %mul3A_2792 : i32 to vector<16xi32>
    %add3A_2794 = arith.addi %add3A_2793, %add3A_2734 : vector<16xi32>
    %swap3A_2795 = arith.constant 2800 : index
    %swap3A_2796 = tpu.vector_load %arg6[%swap3A_2795] {strides = array<i32>} : memref<4096xi32, #tpu.memory_space<vmem>>, vector<16xi32>,
    %swap3A_2797 = vector.shape_cast %swap3A_2796 : vector<16xi32> to vector<16xi32>
    %swap3A_2798 = vector.shape_cast %add3A_2794 : vector<16xi32> to vector<16xi32>
    tpu.vector_store %arg6[%swap3A_2795], %swap3A_2798 {strides = array<i32>} : memref<4096xi32, #tpu.memory_space<vmem>>, vector<16xi32>,
    %add3A_2799 = arith.constant 6 : i32
    %add3A_2800 = arith.addi %mul3A_2738, %add3A_2799 : i32
    %mul3A_2801 = arith.constant 65536 : i32
    %mul3A_2802 = arith.muli %add3A_2800, %mul3A_2801 : i32
    %add3A_2803 = vector.broadcast %mul3A_2802 : i32 to vector<16xi32>
    %add3A_2804 = arith.addi %add3A_2803, %add3A_2734 : vector<16xi32>
    %swap3A_2805 = arith.constant 2928 : index
    %swap3A_2806 = tpu.vector_load %arg6[%swap3A_2805] {strides = array<i32>} : memref<4096xi32, #tpu.memory_space<vmem>>, vector<16xi32>,
    %swap3A_2807 = vector.shape_cast %swap3A_2806 : vector<16xi32> to vector<16xi32>
    %swap3A_2808 = vector.shape_cast %add3A_2804 : vector<16xi32> to vector<16xi32>
    tpu.vector_store %arg6[%swap3A_2805], %swap3A_2808 {strides = array<i32>} : memref<4096xi32, #tpu.memory_space<vmem>>, vector<16xi32>,
    %add3A_2809 = arith.constant 7 : i32
    %add3A_2810 = arith.addi %mul3A_2738, %add3A_2809 : i32
    %mul3A_2811 = arith.constant 65536 : i32
    %mul3A_2812 = arith.muli %add3A_2810, %mul3A_2811 : i32
    %add3A_2813 = vector.broadcast %mul3A_2812 : i32 to vector<16xi32>
    %add3A_2814 = arith.addi %add3A_2813, %add3A_2734 : vector<16xi32>
    %swap3A_2815 = arith.constant 3056 : index
    %swap3A_2816 = tpu.vector_load %arg6[%swap3A_2815] {strides = array<i32>} : memref<4096xi32, #tpu.memory_space<vmem>>, vector<16xi32>,
    %swap3A_2817 = vector.shape_cast %swap3A_2816 : vector<16xi32> to vector<16xi32>
    %swap3A_2818 = vector.shape_cast %add3A_2814 : vector<16xi32> to vector<16xi32>
    tpu.vector_store %arg6[%swap3A_2815], %swap3A_2818 {strides = array<i32>} : memref<4096xi32, #tpu.memory_space<vmem>>, vector<16xi32>,
    %dma_start3A_2819 = arith.constant 2048 : i32
    %dma_start3A_2820 = tpu.memref_slice %arg7[%dma_start3A_2819] : memref<4096xf32, #tpu.memory_space<vmem>> -> memref<1024xf32, #tpu.memory_space<vmem>>
    %dma_start3A_2821 = arith.constant 2048 : i32
    %dma_start3A_2822 = tpu.memref_slice %arg6[%dma_start3A_2821] : memref<4096xi32, #tpu.memory_space<vmem>> -> memref<1024xi32, #tpu.memory_space<vmem>>
    %dma_start3A_2823 = arith.constant 0 : i32
    %dma_start3A_2824 = tpu.memref_slice %arg2[%dma_start3A_2823] : memref<33554432xf32, #tpu.memory_space<hbm>> -> memref<33554432xf32, #tpu.memory_space<hbm>>
    tpu.enqueue_indirect_dma source(%dma_start3A_2824 : memref<33554432xf32, #tpu.memory_space<hbm>>) target(%dma_start3A_2820 : memref<1024xf32, #tpu.memory_space<vmem>>) offsets(%dma_start3A_2822 : memref<1024xi32, #tpu.memory_space<vmem>>) semaphore(%arg8 : memref<!tpu.dma_semaphore, #tpu.memory_space<semaphore_mem>>)
    %get3A_2825 = arith.constant 384 : index
    %get3A_2826 = tpu.vector_load %arg5[%get3A_2825] {strides = array<i32>} : memref<512xi32, #tpu.memory_space<vmem>>, vector<16xi32>,
    %get3A_2827 = vector.shape_cast %get3A_2826 : vector<16xi32> to vector<16xi32>
    %shift_right_arithmetic3A_2828 = arith.constant 8 : i32
    %shift_right_arithmetic3A_2829 = vector.broadcast %shift_right_arithmetic3A_2828 : i32 to vector<16xi32>
    %shift_right_arithmetic3A_2830 = arith.shrsi %get3A_2827, %shift_right_arithmetic3A_2829 : vector<16xi32>
    %and3A_2831 = arith.constant 255 : i32
    %and3A_2832 = vector.broadcast %and3A_2831 : i32 to vector<16xi32>
    %and3A_2833 = arith.andi %get3A_2827, %and3A_2832 : vector<16xi32>
    %shift_right_arithmetic3A_2834 = arith.constant 3 : i32
    %shift_right_arithmetic3A_2835 = vector.broadcast %shift_right_arithmetic3A_2834 : i32 to vector<16xi32>
    %shift_right_arithmetic3A_2836 = arith.shrsi %shift_right_arithmetic3A_2830, %shift_right_arithmetic3A_2835 : vector<16xi32>
    %shift_left3A_2837 = arith.constant 11 : i32
    %shift_left3A_2838 = vector.broadcast %shift_left3A_2837 : i32 to vector<16xi32>
    %shift_left3A_2839 = arith.shli %shift_right_arithmetic3A_2836, %shift_left3A_2838 : vector<16xi32>
    %shift_right_arithmetic3A_2840 = arith.constant 7 : i32
    %shift_right_arithmetic3A_2841 = vector.broadcast %shift_right_arithmetic3A_2840 : i32 to vector<16xi32>
    %shift_right_arithmetic3A_2842 = arith.shrsi %and3A_2833, %shift_right_arithmetic3A_2841 : vector<16xi32>
    %shift_left3A_2843 = arith.constant 10 : i32
    %shift_left3A_2844 = vector.broadcast %shift_left3A_2843 : i32 to vector<16xi32>
    %shift_left3A_2845 = arith.shli %shift_right_arithmetic3A_2842, %shift_left3A_2844 : vector<16xi32>
    %add3A_2846 = arith.addi %shift_left3A_2839, %shift_left3A_2845 : vector<16xi32>
    %and3A_2847 = arith.constant 7 : i32
    %and3A_2848 = vector.broadcast %and3A_2847 : i32 to vector<16xi32>
    %and3A_2849 = arith.andi %shift_right_arithmetic3A_2830, %and3A_2848 : vector<16xi32>
    %shift_left3A_2850 = arith.constant 7 : i32
    %shift_left3A_2851 = vector.broadcast %shift_left3A_2850 : i32 to vector<16xi32>
    %shift_left3A_2852 = arith.shli %and3A_2849, %shift_left3A_2851 : vector<16xi32>
    %add3A_2853 = arith.addi %add3A_2846, %shift_left3A_2852 : vector<16xi32>
    %and3A_2854 = arith.constant 127 : i32
    %and3A_2855 = vector.broadcast %and3A_2854 : i32 to vector<16xi32>
    %and3A_2856 = arith.andi %and3A_2833, %and3A_2855 : vector<16xi32>
    %add3A_2857 = arith.addi %add3A_2853, %and3A_2856 : vector<16xi32>
    %add3A_2858 = arith.constant 1 : i32
    %add3A_2859 = arith.addi %mul3A_2, %add3A_2858 : i32
    %mul3A_2860 = arith.constant 8 : i32
    %mul3A_2861 = arith.muli %add3A_2859, %mul3A_2860 : i32
    %add3A_2862 = arith.constant 0 : i32
    %add3A_2863 = arith.addi %mul3A_2861, %add3A_2862 : i32
    %mul3A_2864 = arith.constant 65536 : i32
    %mul3A_2865 = arith.muli %add3A_2863, %mul3A_2864 : i32
    %add3A_2866 = vector.broadcast %mul3A_2865 : i32 to vector<16xi32>
    %add3A_2867 = arith.addi %add3A_2866, %add3A_2857 : vector<16xi32>
    %swap3A_2868 = arith.constant 3072 : index
    %swap3A_2869 = tpu.vector_load %arg6[%swap3A_2868] {strides = array<i32>} : memref<4096xi32, #tpu.memory_space<vmem>>, vector<16xi32>,
    %swap3A_2870 = vector.shape_cast %swap3A_2869 : vector<16xi32> to vector<16xi32>
    %swap3A_2871 = vector.shape_cast %add3A_2867 : vector<16xi32> to vector<16xi32>
    tpu.vector_store %arg6[%swap3A_2868], %swap3A_2871 {strides = array<i32>} : memref<4096xi32, #tpu.memory_space<vmem>>, vector<16xi32>,
    %add3A_2872 = arith.constant 1 : i32
    %add3A_2873 = arith.addi %mul3A_2861, %add3A_2872 : i32
    %mul3A_2874 = arith.constant 65536 : i32
    %mul3A_2875 = arith.muli %add3A_2873, %mul3A_2874 : i32
    %add3A_2876 = vector.broadcast %mul3A_2875 : i32 to vector<16xi32>
    %add3A_2877 = arith.addi %add3A_2876, %add3A_2857 : vector<16xi32>
    %swap3A_2878 = arith.constant 3200 : index
    %swap3A_2879 = tpu.vector_load %arg6[%swap3A_2878] {strides = array<i32>} : memref<4096xi32, #tpu.memory_space<vmem>>, vector<16xi32>,
    %swap3A_2880 = vector.shape_cast %swap3A_2879 : vector<16xi32> to vector<16xi32>
    %swap3A_2881 = vector.shape_cast %add3A_2877 : vector<16xi32> to vector<16xi32>
    tpu.vector_store %arg6[%swap3A_2878], %swap3A_2881 {strides = array<i32>} : memref<4096xi32, #tpu.memory_space<vmem>>, vector<16xi32>,
    %add3A_2882 = arith.constant 2 : i32
    %add3A_2883 = arith.addi %mul3A_2861, %add3A_2882 : i32
    %mul3A_2884 = arith.constant 65536 : i32
    %mul3A_2885 = arith.muli %add3A_2883, %mul3A_2884 : i32
    %add3A_2886 = vector.broadcast %mul3A_2885 : i32 to vector<16xi32>
    %add3A_2887 = arith.addi %add3A_2886, %add3A_2857 : vector<16xi32>
    %swap3A_2888 = arith.constant 3328 : index
    %swap3A_2889 = tpu.vector_load %arg6[%swap3A_2888] {strides = array<i32>} : memref<4096xi32, #tpu.memory_space<vmem>>, vector<16xi32>,
    %swap3A_2890 = vector.shape_cast %swap3A_2889 : vector<16xi32> to vector<16xi32>
    %swap3A_2891 = vector.shape_cast %add3A_2887 : vector<16xi32> to vector<16xi32>
    tpu.vector_store %arg6[%swap3A_2888], %swap3A_2891 {strides = array<i32>} : memref<4096xi32, #tpu.memory_space<vmem>>, vector<16xi32>,
    %add3A_2892 = arith.constant 3 : i32
    %add3A_2893 = arith.addi %mul3A_2861, %add3A_2892 : i32
    %mul3A_2894 = arith.constant 65536 : i32
    %mul3A_2895 = arith.muli %add3A_2893, %mul3A_2894 : i32
    %add3A_2896 = vector.broadcast %mul3A_2895 : i32 to vector<16xi32>
    %add3A_2897 = arith.addi %add3A_2896, %add3A_2857 : vector<16xi32>
    %swap3A_2898 = arith.constant 3456 : index
    %swap3A_2899 = tpu.vector_load %arg6[%swap3A_2898] {strides = array<i32>} : memref<4096xi32, #tpu.memory_space<vmem>>, vector<16xi32>,
    %swap3A_2900 = vector.shape_cast %swap3A_2899 : vector<16xi32> to vector<16xi32>
    %swap3A_2901 = vector.shape_cast %add3A_2897 : vector<16xi32> to vector<16xi32>
    tpu.vector_store %arg6[%swap3A_2898], %swap3A_2901 {strides = array<i32>} : memref<4096xi32, #tpu.memory_space<vmem>>, vector<16xi32>,
    %add3A_2902 = arith.constant 4 : i32
    %add3A_2903 = arith.addi %mul3A_2861, %add3A_2902 : i32
    %mul3A_2904 = arith.constant 65536 : i32
    %mul3A_2905 = arith.muli %add3A_2903, %mul3A_2904 : i32
    %add3A_2906 = vector.broadcast %mul3A_2905 : i32 to vector<16xi32>
    %add3A_2907 = arith.addi %add3A_2906, %add3A_2857 : vector<16xi32>
    %swap3A_2908 = arith.constant 3584 : index
    %swap3A_2909 = tpu.vector_load %arg6[%swap3A_2908] {strides = array<i32>} : memref<4096xi32, #tpu.memory_space<vmem>>, vector<16xi32>,
    %swap3A_2910 = vector.shape_cast %swap3A_2909 : vector<16xi32> to vector<16xi32>
    %swap3A_2911 = vector.shape_cast %add3A_2907 : vector<16xi32> to vector<16xi32>
    tpu.vector_store %arg6[%swap3A_2908], %swap3A_2911 {strides = array<i32>} : memref<4096xi32, #tpu.memory_space<vmem>>, vector<16xi32>,
    %add3A_2912 = arith.constant 5 : i32
    %add3A_2913 = arith.addi %mul3A_2861, %add3A_2912 : i32
    %mul3A_2914 = arith.constant 65536 : i32
    %mul3A_2915 = arith.muli %add3A_2913, %mul3A_2914 : i32
    %add3A_2916 = vector.broadcast %mul3A_2915 : i32 to vector<16xi32>
    %add3A_2917 = arith.addi %add3A_2916, %add3A_2857 : vector<16xi32>
    %swap3A_2918 = arith.constant 3712 : index
    %swap3A_2919 = tpu.vector_load %arg6[%swap3A_2918] {strides = array<i32>} : memref<4096xi32, #tpu.memory_space<vmem>>, vector<16xi32>,
    %swap3A_2920 = vector.shape_cast %swap3A_2919 : vector<16xi32> to vector<16xi32>
    %swap3A_2921 = vector.shape_cast %add3A_2917 : vector<16xi32> to vector<16xi32>
    tpu.vector_store %arg6[%swap3A_2918], %swap3A_2921 {strides = array<i32>} : memref<4096xi32, #tpu.memory_space<vmem>>, vector<16xi32>,
    %add3A_2922 = arith.constant 6 : i32
    %add3A_2923 = arith.addi %mul3A_2861, %add3A_2922 : i32
    %mul3A_2924 = arith.constant 65536 : i32
    %mul3A_2925 = arith.muli %add3A_2923, %mul3A_2924 : i32
    %add3A_2926 = vector.broadcast %mul3A_2925 : i32 to vector<16xi32>
    %add3A_2927 = arith.addi %add3A_2926, %add3A_2857 : vector<16xi32>
    %swap3A_2928 = arith.constant 3840 : index
    %swap3A_2929 = tpu.vector_load %arg6[%swap3A_2928] {strides = array<i32>} : memref<4096xi32, #tpu.memory_space<vmem>>, vector<16xi32>,
    %swap3A_2930 = vector.shape_cast %swap3A_2929 : vector<16xi32> to vector<16xi32>
    %swap3A_2931 = vector.shape_cast %add3A_2927 : vector<16xi32> to vector<16xi32>
    tpu.vector_store %arg6[%swap3A_2928], %swap3A_2931 {strides = array<i32>} : memref<4096xi32, #tpu.memory_space<vmem>>, vector<16xi32>,
    %add3A_2932 = arith.constant 7 : i32
    %add3A_2933 = arith.addi %mul3A_2861, %add3A_2932 : i32
    %mul3A_2934 = arith.constant 65536 : i32
    %mul3A_2935 = arith.muli %add3A_2933, %mul3A_2934 : i32
    %add3A_2936 = vector.broadcast %mul3A_2935 : i32 to vector<16xi32>
    %add3A_2937 = arith.addi %add3A_2936, %add3A_2857 : vector<16xi32>
    %swap3A_2938 = arith.constant 3968 : index
    %swap3A_2939 = tpu.vector_load %arg6[%swap3A_2938] {strides = array<i32>} : memref<4096xi32, #tpu.memory_space<vmem>>, vector<16xi32>,
    %swap3A_2940 = vector.shape_cast %swap3A_2939 : vector<16xi32> to vector<16xi32>
    %swap3A_2941 = vector.shape_cast %add3A_2937 : vector<16xi32> to vector<16xi32>
    tpu.vector_store %arg6[%swap3A_2938], %swap3A_2941 {strides = array<i32>} : memref<4096xi32, #tpu.memory_space<vmem>>, vector<16xi32>,
    %get3A_2942 = arith.constant 400 : index
    %get3A_2943 = tpu.vector_load %arg5[%get3A_2942] {strides = array<i32>} : memref<512xi32, #tpu.memory_space<vmem>>, vector<16xi32>,
    %get3A_2944 = vector.shape_cast %get3A_2943 : vector<16xi32> to vector<16xi32>
    %shift_right_arithmetic3A_2945 = arith.constant 8 : i32
    %shift_right_arithmetic3A_2946 = vector.broadcast %shift_right_arithmetic3A_2945 : i32 to vector<16xi32>
    %shift_right_arithmetic3A_2947 = arith.shrsi %get3A_2944, %shift_right_arithmetic3A_2946 : vector<16xi32>
    %and3A_2948 = arith.constant 255 : i32
    %and3A_2949 = vector.broadcast %and3A_2948 : i32 to vector<16xi32>
    %and3A_2950 = arith.andi %get3A_2944, %and3A_2949 : vector<16xi32>
    %shift_right_arithmetic3A_2951 = arith.constant 3 : i32
    %shift_right_arithmetic3A_2952 = vector.broadcast %shift_right_arithmetic3A_2951 : i32 to vector<16xi32>
    %shift_right_arithmetic3A_2953 = arith.shrsi %shift_right_arithmetic3A_2947, %shift_right_arithmetic3A_2952 : vector<16xi32>
    %shift_left3A_2954 = arith.constant 11 : i32
    %shift_left3A_2955 = vector.broadcast %shift_left3A_2954 : i32 to vector<16xi32>
    %shift_left3A_2956 = arith.shli %shift_right_arithmetic3A_2953, %shift_left3A_2955 : vector<16xi32>
    %shift_right_arithmetic3A_2957 = arith.constant 7 : i32
    %shift_right_arithmetic3A_2958 = vector.broadcast %shift_right_arithmetic3A_2957 : i32 to vector<16xi32>
    %shift_right_arithmetic3A_2959 = arith.shrsi %and3A_2950, %shift_right_arithmetic3A_2958 : vector<16xi32>
    %shift_left3A_2960 = arith.constant 10 : i32
    %shift_left3A_2961 = vector.broadcast %shift_left3A_2960 : i32 to vector<16xi32>
    %shift_left3A_2962 = arith.shli %shift_right_arithmetic3A_2959, %shift_left3A_2961 : vector<16xi32>
    %add3A_2963 = arith.addi %shift_left3A_2956, %shift_left3A_2962 : vector<16xi32>
    %and3A_2964 = arith.constant 7 : i32
    %and3A_2965 = vector.broadcast %and3A_2964 : i32 to vector<16xi32>
    %and3A_2966 = arith.andi %shift_right_arithmetic3A_2947, %and3A_2965 : vector<16xi32>
    %shift_left3A_2967 = arith.constant 7 : i32
    %shift_left3A_2968 = vector.broadcast %shift_left3A_2967 : i32 to vector<16xi32>
    %shift_left3A_2969 = arith.shli %and3A_2966, %shift_left3A_2968 : vector<16xi32>
    %add3A_2970 = arith.addi %add3A_2963, %shift_left3A_2969 : vector<16xi32>
    %and3A_2971 = arith.constant 127 : i32
    %and3A_2972 = vector.broadcast %and3A_2971 : i32 to vector<16xi32>
    %and3A_2973 = arith.andi %and3A_2950, %and3A_2972 : vector<16xi32>
    %add3A_2974 = arith.addi %add3A_2970, %and3A_2973 : vector<16xi32>
    %add3A_2975 = arith.constant 1 : i32
    %add3A_2976 = arith.addi %mul3A_2, %add3A_2975 : i32
    %mul3A_2977 = arith.constant 8 : i32
    %mul3A_2978 = arith.muli %add3A_2976, %mul3A_2977 : i32
    %add3A_2979 = arith.constant 0 : i32
    %add3A_2980 = arith.addi %mul3A_2978, %add3A_2979 : i32
    %mul3A_2981 = arith.constant 65536 : i32
    %mul3A_2982 = arith.muli %add3A_2980, %mul3A_2981 : i32
    %add3A_2983 = vector.broadcast %mul3A_2982 : i32 to vector<16xi32>
    %add3A_2984 = arith.addi %add3A_2983, %add3A_2974 : vector<16xi32>
    %swap3A_2985 = arith.constant 3088 : index
    %swap3A_2986 = tpu.vector_load %arg6[%swap3A_2985] {strides = array<i32>} : memref<4096xi32, #tpu.memory_space<vmem>>, vector<16xi32>,
    %swap3A_2987 = vector.shape_cast %swap3A_2986 : vector<16xi32> to vector<16xi32>
    %swap3A_2988 = vector.shape_cast %add3A_2984 : vector<16xi32> to vector<16xi32>
    tpu.vector_store %arg6[%swap3A_2985], %swap3A_2988 {strides = array<i32>} : memref<4096xi32, #tpu.memory_space<vmem>>, vector<16xi32>,
    %add3A_2989 = arith.constant 1 : i32
    %add3A_2990 = arith.addi %mul3A_2978, %add3A_2989 : i32
    %mul3A_2991 = arith.constant 65536 : i32
    %mul3A_2992 = arith.muli %add3A_2990, %mul3A_2991 : i32
    %add3A_2993 = vector.broadcast %mul3A_2992 : i32 to vector<16xi32>
    %add3A_2994 = arith.addi %add3A_2993, %add3A_2974 : vector<16xi32>
    %swap3A_2995 = arith.constant 3216 : index
    %swap3A_2996 = tpu.vector_load %arg6[%swap3A_2995] {strides = array<i32>} : memref<4096xi32, #tpu.memory_space<vmem>>, vector<16xi32>,
    %swap3A_2997 = vector.shape_cast %swap3A_2996 : vector<16xi32> to vector<16xi32>
    %swap3A_2998 = vector.shape_cast %add3A_2994 : vector<16xi32> to vector<16xi32>
    tpu.vector_store %arg6[%swap3A_2995], %swap3A_2998 {strides = array<i32>} : memref<4096xi32, #tpu.memory_space<vmem>>, vector<16xi32>,
    %add3A_2999 = arith.constant 2 : i32
    %add3A_3000 = arith.addi %mul3A_2978, %add3A_2999 : i32
    %mul3A_3001 = arith.constant 65536 : i32
    %mul3A_3002 = arith.muli %add3A_3000, %mul3A_3001 : i32
    %add3A_3003 = vector.broadcast %mul3A_3002 : i32 to vector<16xi32>
    %add3A_3004 = arith.addi %add3A_3003, %add3A_2974 : vector<16xi32>
    %swap3A_3005 = arith.constant 3344 : index
    %swap3A_3006 = tpu.vector_load %arg6[%swap3A_3005] {strides = array<i32>} : memref<4096xi32, #tpu.memory_space<vmem>>, vector<16xi32>,
    %swap3A_3007 = vector.shape_cast %swap3A_3006 : vector<16xi32> to vector<16xi32>
    %swap3A_3008 = vector.shape_cast %add3A_3004 : vector<16xi32> to vector<16xi32>
    tpu.vector_store %arg6[%swap3A_3005], %swap3A_3008 {strides = array<i32>} : memref<4096xi32, #tpu.memory_space<vmem>>, vector<16xi32>,
    %add3A_3009 = arith.constant 3 : i32
    %add3A_3010 = arith.addi %mul3A_2978, %add3A_3009 : i32
    %mul3A_3011 = arith.constant 65536 : i32
    %mul3A_3012 = arith.muli %add3A_3010, %mul3A_3011 : i32
    %add3A_3013 = vector.broadcast %mul3A_3012 : i32 to vector<16xi32>
    %add3A_3014 = arith.addi %add3A_3013, %add3A_2974 : vector<16xi32>
    %swap3A_3015 = arith.constant 3472 : index
    %swap3A_3016 = tpu.vector_load %arg6[%swap3A_3015] {strides = array<i32>} : memref<4096xi32, #tpu.memory_space<vmem>>, vector<16xi32>,
    %swap3A_3017 = vector.shape_cast %swap3A_3016 : vector<16xi32> to vector<16xi32>
    %swap3A_3018 = vector.shape_cast %add3A_3014 : vector<16xi32> to vector<16xi32>
    tpu.vector_store %arg6[%swap3A_3015], %swap3A_3018 {strides = array<i32>} : memref<4096xi32, #tpu.memory_space<vmem>>, vector<16xi32>,
    %add3A_3019 = arith.constant 4 : i32
    %add3A_3020 = arith.addi %mul3A_2978, %add3A_3019 : i32
    %mul3A_3021 = arith.constant 65536 : i32
    %mul3A_3022 = arith.muli %add3A_3020, %mul3A_3021 : i32
    %add3A_3023 = vector.broadcast %mul3A_3022 : i32 to vector<16xi32>
    %add3A_3024 = arith.addi %add3A_3023, %add3A_2974 : vector<16xi32>
    %swap3A_3025 = arith.constant 3600 : index
    %swap3A_3026 = tpu.vector_load %arg6[%swap3A_3025] {strides = array<i32>} : memref<4096xi32, #tpu.memory_space<vmem>>, vector<16xi32>,
    %swap3A_3027 = vector.shape_cast %swap3A_3026 : vector<16xi32> to vector<16xi32>
    %swap3A_3028 = vector.shape_cast %add3A_3024 : vector<16xi32> to vector<16xi32>
    tpu.vector_store %arg6[%swap3A_3025], %swap3A_3028 {strides = array<i32>} : memref<4096xi32, #tpu.memory_space<vmem>>, vector<16xi32>,
    %add3A_3029 = arith.constant 5 : i32
    %add3A_3030 = arith.addi %mul3A_2978, %add3A_3029 : i32
    %mul3A_3031 = arith.constant 65536 : i32
    %mul3A_3032 = arith.muli %add3A_3030, %mul3A_3031 : i32
    %add3A_3033 = vector.broadcast %mul3A_3032 : i32 to vector<16xi32>
    %add3A_3034 = arith.addi %add3A_3033, %add3A_2974 : vector<16xi32>
    %swap3A_3035 = arith.constant 3728 : index
    %swap3A_3036 = tpu.vector_load %arg6[%swap3A_3035] {strides = array<i32>} : memref<4096xi32, #tpu.memory_space<vmem>>, vector<16xi32>,
    %swap3A_3037 = vector.shape_cast %swap3A_3036 : vector<16xi32> to vector<16xi32>
    %swap3A_3038 = vector.shape_cast %add3A_3034 : vector<16xi32> to vector<16xi32>
    tpu.vector_store %arg6[%swap3A_3035], %swap3A_3038 {strides = array<i32>} : memref<4096xi32, #tpu.memory_space<vmem>>, vector<16xi32>,
    %add3A_3039 = arith.constant 6 : i32
    %add3A_3040 = arith.addi %mul3A_2978, %add3A_3039 : i32
    %mul3A_3041 = arith.constant 65536 : i32
    %mul3A_3042 = arith.muli %add3A_3040, %mul3A_3041 : i32
    %add3A_3043 = vector.broadcast %mul3A_3042 : i32 to vector<16xi32>
    %add3A_3044 = arith.addi %add3A_3043, %add3A_2974 : vector<16xi32>
    %swap3A_3045 = arith.constant 3856 : index
    %swap3A_3046 = tpu.vector_load %arg6[%swap3A_3045] {strides = array<i32>} : memref<4096xi32, #tpu.memory_space<vmem>>, vector<16xi32>,
    %swap3A_3047 = vector.shape_cast %swap3A_3046 : vector<16xi32> to vector<16xi32>
    %swap3A_3048 = vector.shape_cast %add3A_3044 : vector<16xi32> to vector<16xi32>
    tpu.vector_store %arg6[%swap3A_3045], %swap3A_3048 {strides = array<i32>} : memref<4096xi32, #tpu.memory_space<vmem>>, vector<16xi32>,
    %add3A_3049 = arith.constant 7 : i32
    %add3A_3050 = arith.addi %mul3A_2978, %add3A_3049 : i32
    %mul3A_3051 = arith.constant 65536 : i32
    %mul3A_3052 = arith.muli %add3A_3050, %mul3A_3051 : i32
    %add3A_3053 = vector.broadcast %mul3A_3052 : i32 to vector<16xi32>
    %add3A_3054 = arith.addi %add3A_3053, %add3A_2974 : vector<16xi32>
    %swap3A_3055 = arith.constant 3984 : index
    %swap3A_3056 = tpu.vector_load %arg6[%swap3A_3055] {strides = array<i32>} : memref<4096xi32, #tpu.memory_space<vmem>>, vector<16xi32>,
    %swap3A_3057 = vector.shape_cast %swap3A_3056 : vector<16xi32> to vector<16xi32>
    %swap3A_3058 = vector.shape_cast %add3A_3054 : vector<16xi32> to vector<16xi32>
    tpu.vector_store %arg6[%swap3A_3055], %swap3A_3058 {strides = array<i32>} : memref<4096xi32, #tpu.memory_space<vmem>>, vector<16xi32>,
    %get3A_3059 = arith.constant 416 : index
    %get3A_3060 = tpu.vector_load %arg5[%get3A_3059] {strides = array<i32>} : memref<512xi32, #tpu.memory_space<vmem>>, vector<16xi32>,
    %get3A_3061 = vector.shape_cast %get3A_3060 : vector<16xi32> to vector<16xi32>
    %shift_right_arithmetic3A_3062 = arith.constant 8 : i32
    %shift_right_arithmetic3A_3063 = vector.broadcast %shift_right_arithmetic3A_3062 : i32 to vector<16xi32>
    %shift_right_arithmetic3A_3064 = arith.shrsi %get3A_3061, %shift_right_arithmetic3A_3063 : vector<16xi32>
    %and3A_3065 = arith.constant 255 : i32
    %and3A_3066 = vector.broadcast %and3A_3065 : i32 to vector<16xi32>
    %and3A_3067 = arith.andi %get3A_3061, %and3A_3066 : vector<16xi32>
    %shift_right_arithmetic3A_3068 = arith.constant 3 : i32
    %shift_right_arithmetic3A_3069 = vector.broadcast %shift_right_arithmetic3A_3068 : i32 to vector<16xi32>
    %shift_right_arithmetic3A_3070 = arith.shrsi %shift_right_arithmetic3A_3064, %shift_right_arithmetic3A_3069 : vector<16xi32>
    %shift_left3A_3071 = arith.constant 11 : i32
    %shift_left3A_3072 = vector.broadcast %shift_left3A_3071 : i32 to vector<16xi32>
    %shift_left3A_3073 = arith.shli %shift_right_arithmetic3A_3070, %shift_left3A_3072 : vector<16xi32>
    %shift_right_arithmetic3A_3074 = arith.constant 7 : i32
    %shift_right_arithmetic3A_3075 = vector.broadcast %shift_right_arithmetic3A_3074 : i32 to vector<16xi32>
    %shift_right_arithmetic3A_3076 = arith.shrsi %and3A_3067, %shift_right_arithmetic3A_3075 : vector<16xi32>
    %shift_left3A_3077 = arith.constant 10 : i32
    %shift_left3A_3078 = vector.broadcast %shift_left3A_3077 : i32 to vector<16xi32>
    %shift_left3A_3079 = arith.shli %shift_right_arithmetic3A_3076, %shift_left3A_3078 : vector<16xi32>
    %add3A_3080 = arith.addi %shift_left3A_3073, %shift_left3A_3079 : vector<16xi32>
    %and3A_3081 = arith.constant 7 : i32
    %and3A_3082 = vector.broadcast %and3A_3081 : i32 to vector<16xi32>
    %and3A_3083 = arith.andi %shift_right_arithmetic3A_3064, %and3A_3082 : vector<16xi32>
    %shift_left3A_3084 = arith.constant 7 : i32
    %shift_left3A_3085 = vector.broadcast %shift_left3A_3084 : i32 to vector<16xi32>
    %shift_left3A_3086 = arith.shli %and3A_3083, %shift_left3A_3085 : vector<16xi32>
    %add3A_3087 = arith.addi %add3A_3080, %shift_left3A_3086 : vector<16xi32>
    %and3A_3088 = arith.constant 127 : i32
    %and3A_3089 = vector.broadcast %and3A_3088 : i32 to vector<16xi32>
    %and3A_3090 = arith.andi %and3A_3067, %and3A_3089 : vector<16xi32>
    %add3A_3091 = arith.addi %add3A_3087, %and3A_3090 : vector<16xi32>
    %add3A_3092 = arith.constant 1 : i32
    %add3A_3093 = arith.addi %mul3A_2, %add3A_3092 : i32
    %mul3A_3094 = arith.constant 8 : i32
    %mul3A_3095 = arith.muli %add3A_3093, %mul3A_3094 : i32
    %add3A_3096 = arith.constant 0 : i32
    %add3A_3097 = arith.addi %mul3A_3095, %add3A_3096 : i32
    %mul3A_3098 = arith.constant 65536 : i32
    %mul3A_3099 = arith.muli %add3A_3097, %mul3A_3098 : i32
    %add3A_3100 = vector.broadcast %mul3A_3099 : i32 to vector<16xi32>
    %add3A_3101 = arith.addi %add3A_3100, %add3A_3091 : vector<16xi32>
    %swap3A_3102 = arith.constant 3104 : index
    %swap3A_3103 = tpu.vector_load %arg6[%swap3A_3102] {strides = array<i32>} : memref<4096xi32, #tpu.memory_space<vmem>>, vector<16xi32>,
    %swap3A_3104 = vector.shape_cast %swap3A_3103 : vector<16xi32> to vector<16xi32>
    %swap3A_3105 = vector.shape_cast %add3A_3101 : vector<16xi32> to vector<16xi32>
    tpu.vector_store %arg6[%swap3A_3102], %swap3A_3105 {strides = array<i32>} : memref<4096xi32, #tpu.memory_space<vmem>>, vector<16xi32>,
    %add3A_3106 = arith.constant 1 : i32
    %add3A_3107 = arith.addi %mul3A_3095, %add3A_3106 : i32
    %mul3A_3108 = arith.constant 65536 : i32
    %mul3A_3109 = arith.muli %add3A_3107, %mul3A_3108 : i32
    %add3A_3110 = vector.broadcast %mul3A_3109 : i32 to vector<16xi32>
    %add3A_3111 = arith.addi %add3A_3110, %add3A_3091 : vector<16xi32>
    %swap3A_3112 = arith.constant 3232 : index
    %swap3A_3113 = tpu.vector_load %arg6[%swap3A_3112] {strides = array<i32>} : memref<4096xi32, #tpu.memory_space<vmem>>, vector<16xi32>,
    %swap3A_3114 = vector.shape_cast %swap3A_3113 : vector<16xi32> to vector<16xi32>
    %swap3A_3115 = vector.shape_cast %add3A_3111 : vector<16xi32> to vector<16xi32>
    tpu.vector_store %arg6[%swap3A_3112], %swap3A_3115 {strides = array<i32>} : memref<4096xi32, #tpu.memory_space<vmem>>, vector<16xi32>,
    %add3A_3116 = arith.constant 2 : i32
    %add3A_3117 = arith.addi %mul3A_3095, %add3A_3116 : i32
    %mul3A_3118 = arith.constant 65536 : i32
    %mul3A_3119 = arith.muli %add3A_3117, %mul3A_3118 : i32
    %add3A_3120 = vector.broadcast %mul3A_3119 : i32 to vector<16xi32>
    %add3A_3121 = arith.addi %add3A_3120, %add3A_3091 : vector<16xi32>
    %swap3A_3122 = arith.constant 3360 : index
    %swap3A_3123 = tpu.vector_load %arg6[%swap3A_3122] {strides = array<i32>} : memref<4096xi32, #tpu.memory_space<vmem>>, vector<16xi32>,
    %swap3A_3124 = vector.shape_cast %swap3A_3123 : vector<16xi32> to vector<16xi32>
    %swap3A_3125 = vector.shape_cast %add3A_3121 : vector<16xi32> to vector<16xi32>
    tpu.vector_store %arg6[%swap3A_3122], %swap3A_3125 {strides = array<i32>} : memref<4096xi32, #tpu.memory_space<vmem>>, vector<16xi32>,
    %add3A_3126 = arith.constant 3 : i32
    %add3A_3127 = arith.addi %mul3A_3095, %add3A_3126 : i32
    %mul3A_3128 = arith.constant 65536 : i32
    %mul3A_3129 = arith.muli %add3A_3127, %mul3A_3128 : i32
    %add3A_3130 = vector.broadcast %mul3A_3129 : i32 to vector<16xi32>
    %add3A_3131 = arith.addi %add3A_3130, %add3A_3091 : vector<16xi32>
    %swap3A_3132 = arith.constant 3488 : index
    %swap3A_3133 = tpu.vector_load %arg6[%swap3A_3132] {strides = array<i32>} : memref<4096xi32, #tpu.memory_space<vmem>>, vector<16xi32>,
    %swap3A_3134 = vector.shape_cast %swap3A_3133 : vector<16xi32> to vector<16xi32>
    %swap3A_3135 = vector.shape_cast %add3A_3131 : vector<16xi32> to vector<16xi32>
    tpu.vector_store %arg6[%swap3A_3132], %swap3A_3135 {strides = array<i32>} : memref<4096xi32, #tpu.memory_space<vmem>>, vector<16xi32>,
    %add3A_3136 = arith.constant 4 : i32
    %add3A_3137 = arith.addi %mul3A_3095, %add3A_3136 : i32
    %mul3A_3138 = arith.constant 65536 : i32
    %mul3A_3139 = arith.muli %add3A_3137, %mul3A_3138 : i32
    %add3A_3140 = vector.broadcast %mul3A_3139 : i32 to vector<16xi32>
    %add3A_3141 = arith.addi %add3A_3140, %add3A_3091 : vector<16xi32>
    %swap3A_3142 = arith.constant 3616 : index
    %swap3A_3143 = tpu.vector_load %arg6[%swap3A_3142] {strides = array<i32>} : memref<4096xi32, #tpu.memory_space<vmem>>, vector<16xi32>,
    %swap3A_3144 = vector.shape_cast %swap3A_3143 : vector<16xi32> to vector<16xi32>
    %swap3A_3145 = vector.shape_cast %add3A_3141 : vector<16xi32> to vector<16xi32>
    tpu.vector_store %arg6[%swap3A_3142], %swap3A_3145 {strides = array<i32>} : memref<4096xi32, #tpu.memory_space<vmem>>, vector<16xi32>,
    %add3A_3146 = arith.constant 5 : i32
    %add3A_3147 = arith.addi %mul3A_3095, %add3A_3146 : i32
    %mul3A_3148 = arith.constant 65536 : i32
    %mul3A_3149 = arith.muli %add3A_3147, %mul3A_3148 : i32
    %add3A_3150 = vector.broadcast %mul3A_3149 : i32 to vector<16xi32>
    %add3A_3151 = arith.addi %add3A_3150, %add3A_3091 : vector<16xi32>
    %swap3A_3152 = arith.constant 3744 : index
    %swap3A_3153 = tpu.vector_load %arg6[%swap3A_3152] {strides = array<i32>} : memref<4096xi32, #tpu.memory_space<vmem>>, vector<16xi32>,
    %swap3A_3154 = vector.shape_cast %swap3A_3153 : vector<16xi32> to vector<16xi32>
    %swap3A_3155 = vector.shape_cast %add3A_3151 : vector<16xi32> to vector<16xi32>
    tpu.vector_store %arg6[%swap3A_3152], %swap3A_3155 {strides = array<i32>} : memref<4096xi32, #tpu.memory_space<vmem>>, vector<16xi32>,
    %add3A_3156 = arith.constant 6 : i32
    %add3A_3157 = arith.addi %mul3A_3095, %add3A_3156 : i32
    %mul3A_3158 = arith.constant 65536 : i32
    %mul3A_3159 = arith.muli %add3A_3157, %mul3A_3158 : i32
    %add3A_3160 = vector.broadcast %mul3A_3159 : i32 to vector<16xi32>
    %add3A_3161 = arith.addi %add3A_3160, %add3A_3091 : vector<16xi32>
    %swap3A_3162 = arith.constant 3872 : index
    %swap3A_3163 = tpu.vector_load %arg6[%swap3A_3162] {strides = array<i32>} : memref<4096xi32, #tpu.memory_space<vmem>>, vector<16xi32>,
    %swap3A_3164 = vector.shape_cast %swap3A_3163 : vector<16xi32> to vector<16xi32>
    %swap3A_3165 = vector.shape_cast %add3A_3161 : vector<16xi32> to vector<16xi32>
    tpu.vector_store %arg6[%swap3A_3162], %swap3A_3165 {strides = array<i32>} : memref<4096xi32, #tpu.memory_space<vmem>>, vector<16xi32>,
    %add3A_3166 = arith.constant 7 : i32
    %add3A_3167 = arith.addi %mul3A_3095, %add3A_3166 : i32
    %mul3A_3168 = arith.constant 65536 : i32
    %mul3A_3169 = arith.muli %add3A_3167, %mul3A_3168 : i32
    %add3A_3170 = vector.broadcast %mul3A_3169 : i32 to vector<16xi32>
    %add3A_3171 = arith.addi %add3A_3170, %add3A_3091 : vector<16xi32>
    %swap3A_3172 = arith.constant 4000 : index
    %swap3A_3173 = tpu.vector_load %arg6[%swap3A_3172] {strides = array<i32>} : memref<4096xi32, #tpu.memory_space<vmem>>, vector<16xi32>,
    %swap3A_3174 = vector.shape_cast %swap3A_3173 : vector<16xi32> to vector<16xi32>
    %swap3A_3175 = vector.shape_cast %add3A_3171 : vector<16xi32> to vector<16xi32>
    tpu.vector_store %arg6[%swap3A_3172], %swap3A_3175 {strides = array<i32>} : memref<4096xi32, #tpu.memory_space<vmem>>, vector<16xi32>,
    %get3A_3176 = arith.constant 432 : index
    %get3A_3177 = tpu.vector_load %arg5[%get3A_3176] {strides = array<i32>} : memref<512xi32, #tpu.memory_space<vmem>>, vector<16xi32>,
    %get3A_3178 = vector.shape_cast %get3A_3177 : vector<16xi32> to vector<16xi32>
    %shift_right_arithmetic3A_3179 = arith.constant 8 : i32
    %shift_right_arithmetic3A_3180 = vector.broadcast %shift_right_arithmetic3A_3179 : i32 to vector<16xi32>
    %shift_right_arithmetic3A_3181 = arith.shrsi %get3A_3178, %shift_right_arithmetic3A_3180 : vector<16xi32>
    %and3A_3182 = arith.constant 255 : i32
    %and3A_3183 = vector.broadcast %and3A_3182 : i32 to vector<16xi32>
    %and3A_3184 = arith.andi %get3A_3178, %and3A_3183 : vector<16xi32>
    %shift_right_arithmetic3A_3185 = arith.constant 3 : i32
    %shift_right_arithmetic3A_3186 = vector.broadcast %shift_right_arithmetic3A_3185 : i32 to vector<16xi32>
    %shift_right_arithmetic3A_3187 = arith.shrsi %shift_right_arithmetic3A_3181, %shift_right_arithmetic3A_3186 : vector<16xi32>
    %shift_left3A_3188 = arith.constant 11 : i32
    %shift_left3A_3189 = vector.broadcast %shift_left3A_3188 : i32 to vector<16xi32>
    %shift_left3A_3190 = arith.shli %shift_right_arithmetic3A_3187, %shift_left3A_3189 : vector<16xi32>
    %shift_right_arithmetic3A_3191 = arith.constant 7 : i32
    %shift_right_arithmetic3A_3192 = vector.broadcast %shift_right_arithmetic3A_3191 : i32 to vector<16xi32>
    %shift_right_arithmetic3A_3193 = arith.shrsi %and3A_3184, %shift_right_arithmetic3A_3192 : vector<16xi32>
    %shift_left3A_3194 = arith.constant 10 : i32
    %shift_left3A_3195 = vector.broadcast %shift_left3A_3194 : i32 to vector<16xi32>
    %shift_left3A_3196 = arith.shli %shift_right_arithmetic3A_3193, %shift_left3A_3195 : vector<16xi32>
    %add3A_3197 = arith.addi %shift_left3A_3190, %shift_left3A_3196 : vector<16xi32>
    %and3A_3198 = arith.constant 7 : i32
    %and3A_3199 = vector.broadcast %and3A_3198 : i32 to vector<16xi32>
    %and3A_3200 = arith.andi %shift_right_arithmetic3A_3181, %and3A_3199 : vector<16xi32>
    %shift_left3A_3201 = arith.constant 7 : i32
    %shift_left3A_3202 = vector.broadcast %shift_left3A_3201 : i32 to vector<16xi32>
    %shift_left3A_3203 = arith.shli %and3A_3200, %shift_left3A_3202 : vector<16xi32>
    %add3A_3204 = arith.addi %add3A_3197, %shift_left3A_3203 : vector<16xi32>
    %and3A_3205 = arith.constant 127 : i32
    %and3A_3206 = vector.broadcast %and3A_3205 : i32 to vector<16xi32>
    %and3A_3207 = arith.andi %and3A_3184, %and3A_3206 : vector<16xi32>
    %add3A_3208 = arith.addi %add3A_3204, %and3A_3207 : vector<16xi32>
    %add3A_3209 = arith.constant 1 : i32
    %add3A_3210 = arith.addi %mul3A_2, %add3A_3209 : i32
    %mul3A_3211 = arith.constant 8 : i32
    %mul3A_3212 = arith.muli %add3A_3210, %mul3A_3211 : i32
    %add3A_3213 = arith.constant 0 : i32
    %add3A_3214 = arith.addi %mul3A_3212, %add3A_3213 : i32
    %mul3A_3215 = arith.constant 65536 : i32
    %mul3A_3216 = arith.muli %add3A_3214, %mul3A_3215 : i32
    %add3A_3217 = vector.broadcast %mul3A_3216 : i32 to vector<16xi32>
    %add3A_3218 = arith.addi %add3A_3217, %add3A_3208 : vector<16xi32>
    %swap3A_3219 = arith.constant 3120 : index
    %swap3A_3220 = tpu.vector_load %arg6[%swap3A_3219] {strides = array<i32>} : memref<4096xi32, #tpu.memory_space<vmem>>, vector<16xi32>,
    %swap3A_3221 = vector.shape_cast %swap3A_3220 : vector<16xi32> to vector<16xi32>
    %swap3A_3222 = vector.shape_cast %add3A_3218 : vector<16xi32> to vector<16xi32>
    tpu.vector_store %arg6[%swap3A_3219], %swap3A_3222 {strides = array<i32>} : memref<4096xi32, #tpu.memory_space<vmem>>, vector<16xi32>,
    %add3A_3223 = arith.constant 1 : i32
    %add3A_3224 = arith.addi %mul3A_3212, %add3A_3223 : i32
    %mul3A_3225 = arith.constant 65536 : i32
    %mul3A_3226 = arith.muli %add3A_3224, %mul3A_3225 : i32
    %add3A_3227 = vector.broadcast %mul3A_3226 : i32 to vector<16xi32>
    %add3A_3228 = arith.addi %add3A_3227, %add3A_3208 : vector<16xi32>
    %swap3A_3229 = arith.constant 3248 : index
    %swap3A_3230 = tpu.vector_load %arg6[%swap3A_3229] {strides = array<i32>} : memref<4096xi32, #tpu.memory_space<vmem>>, vector<16xi32>,
    %swap3A_3231 = vector.shape_cast %swap3A_3230 : vector<16xi32> to vector<16xi32>
    %swap3A_3232 = vector.shape_cast %add3A_3228 : vector<16xi32> to vector<16xi32>
    tpu.vector_store %arg6[%swap3A_3229], %swap3A_3232 {strides = array<i32>} : memref<4096xi32, #tpu.memory_space<vmem>>, vector<16xi32>,
    %add3A_3233 = arith.constant 2 : i32
    %add3A_3234 = arith.addi %mul3A_3212, %add3A_3233 : i32
    %mul3A_3235 = arith.constant 65536 : i32
    %mul3A_3236 = arith.muli %add3A_3234, %mul3A_3235 : i32
    %add3A_3237 = vector.broadcast %mul3A_3236 : i32 to vector<16xi32>
    %add3A_3238 = arith.addi %add3A_3237, %add3A_3208 : vector<16xi32>
    %swap3A_3239 = arith.constant 3376 : index
    %swap3A_3240 = tpu.vector_load %arg6[%swap3A_3239] {strides = array<i32>} : memref<4096xi32, #tpu.memory_space<vmem>>, vector<16xi32>,
    %swap3A_3241 = vector.shape_cast %swap3A_3240 : vector<16xi32> to vector<16xi32>
    %swap3A_3242 = vector.shape_cast %add3A_3238 : vector<16xi32> to vector<16xi32>
    tpu.vector_store %arg6[%swap3A_3239], %swap3A_3242 {strides = array<i32>} : memref<4096xi32, #tpu.memory_space<vmem>>, vector<16xi32>,
    %add3A_3243 = arith.constant 3 : i32
    %add3A_3244 = arith.addi %mul3A_3212, %add3A_3243 : i32
    %mul3A_3245 = arith.constant 65536 : i32
    %mul3A_3246 = arith.muli %add3A_3244, %mul3A_3245 : i32
    %add3A_3247 = vector.broadcast %mul3A_3246 : i32 to vector<16xi32>
    %add3A_3248 = arith.addi %add3A_3247, %add3A_3208 : vector<16xi32>
    %swap3A_3249 = arith.constant 3504 : index
    %swap3A_3250 = tpu.vector_load %arg6[%swap3A_3249] {strides = array<i32>} : memref<4096xi32, #tpu.memory_space<vmem>>, vector<16xi32>,
    %swap3A_3251 = vector.shape_cast %swap3A_3250 : vector<16xi32> to vector<16xi32>
    %swap3A_3252 = vector.shape_cast %add3A_3248 : vector<16xi32> to vector<16xi32>
    tpu.vector_store %arg6[%swap3A_3249], %swap3A_3252 {strides = array<i32>} : memref<4096xi32, #tpu.memory_space<vmem>>, vector<16xi32>,
    %add3A_3253 = arith.constant 4 : i32
    %add3A_3254 = arith.addi %mul3A_3212, %add3A_3253 : i32
    %mul3A_3255 = arith.constant 65536 : i32
    %mul3A_3256 = arith.muli %add3A_3254, %mul3A_3255 : i32
    %add3A_3257 = vector.broadcast %mul3A_3256 : i32 to vector<16xi32>
    %add3A_3258 = arith.addi %add3A_3257, %add3A_3208 : vector<16xi32>
    %swap3A_3259 = arith.constant 3632 : index
    %swap3A_3260 = tpu.vector_load %arg6[%swap3A_3259] {strides = array<i32>} : memref<4096xi32, #tpu.memory_space<vmem>>, vector<16xi32>,
    %swap3A_3261 = vector.shape_cast %swap3A_3260 : vector<16xi32> to vector<16xi32>
    %swap3A_3262 = vector.shape_cast %add3A_3258 : vector<16xi32> to vector<16xi32>
    tpu.vector_store %arg6[%swap3A_3259], %swap3A_3262 {strides = array<i32>} : memref<4096xi32, #tpu.memory_space<vmem>>, vector<16xi32>,
    %add3A_3263 = arith.constant 5 : i32
    %add3A_3264 = arith.addi %mul3A_3212, %add3A_3263 : i32
    %mul3A_3265 = arith.constant 65536 : i32
    %mul3A_3266 = arith.muli %add3A_3264, %mul3A_3265 : i32
    %add3A_3267 = vector.broadcast %mul3A_3266 : i32 to vector<16xi32>
    %add3A_3268 = arith.addi %add3A_3267, %add3A_3208 : vector<16xi32>
    %swap3A_3269 = arith.constant 3760 : index
    %swap3A_3270 = tpu.vector_load %arg6[%swap3A_3269] {strides = array<i32>} : memref<4096xi32, #tpu.memory_space<vmem>>, vector<16xi32>,
    %swap3A_3271 = vector.shape_cast %swap3A_3270 : vector<16xi32> to vector<16xi32>
    %swap3A_3272 = vector.shape_cast %add3A_3268 : vector<16xi32> to vector<16xi32>
    tpu.vector_store %arg6[%swap3A_3269], %swap3A_3272 {strides = array<i32>} : memref<4096xi32, #tpu.memory_space<vmem>>, vector<16xi32>,
    %add3A_3273 = arith.constant 6 : i32
    %add3A_3274 = arith.addi %mul3A_3212, %add3A_3273 : i32
    %mul3A_3275 = arith.constant 65536 : i32
    %mul3A_3276 = arith.muli %add3A_3274, %mul3A_3275 : i32
    %add3A_3277 = vector.broadcast %mul3A_3276 : i32 to vector<16xi32>
    %add3A_3278 = arith.addi %add3A_3277, %add3A_3208 : vector<16xi32>
    %swap3A_3279 = arith.constant 3888 : index
    %swap3A_3280 = tpu.vector_load %arg6[%swap3A_3279] {strides = array<i32>} : memref<4096xi32, #tpu.memory_space<vmem>>, vector<16xi32>,
    %swap3A_3281 = vector.shape_cast %swap3A_3280 : vector<16xi32> to vector<16xi32>
    %swap3A_3282 = vector.shape_cast %add3A_3278 : vector<16xi32> to vector<16xi32>
    tpu.vector_store %arg6[%swap3A_3279], %swap3A_3282 {strides = array<i32>} : memref<4096xi32, #tpu.memory_space<vmem>>, vector<16xi32>,
    %add3A_3283 = arith.constant 7 : i32
    %add3A_3284 = arith.addi %mul3A_3212, %add3A_3283 : i32
    %mul3A_3285 = arith.constant 65536 : i32
    %mul3A_3286 = arith.muli %add3A_3284, %mul3A_3285 : i32
    %add3A_3287 = vector.broadcast %mul3A_3286 : i32 to vector<16xi32>
    %add3A_3288 = arith.addi %add3A_3287, %add3A_3208 : vector<16xi32>
    %swap3A_3289 = arith.constant 4016 : index
    %swap3A_3290 = tpu.vector_load %arg6[%swap3A_3289] {strides = array<i32>} : memref<4096xi32, #tpu.memory_space<vmem>>, vector<16xi32>,
    %swap3A_3291 = vector.shape_cast %swap3A_3290 : vector<16xi32> to vector<16xi32>
    %swap3A_3292 = vector.shape_cast %add3A_3288 : vector<16xi32> to vector<16xi32>
    tpu.vector_store %arg6[%swap3A_3289], %swap3A_3292 {strides = array<i32>} : memref<4096xi32, #tpu.memory_space<vmem>>, vector<16xi32>,
    %get3A_3293 = arith.constant 448 : index
    %get3A_3294 = tpu.vector_load %arg5[%get3A_3293] {strides = array<i32>} : memref<512xi32, #tpu.memory_space<vmem>>, vector<16xi32>,
    %get3A_3295 = vector.shape_cast %get3A_3294 : vector<16xi32> to vector<16xi32>
    %shift_right_arithmetic3A_3296 = arith.constant 8 : i32
    %shift_right_arithmetic3A_3297 = vector.broadcast %shift_right_arithmetic3A_3296 : i32 to vector<16xi32>
    %shift_right_arithmetic3A_3298 = arith.shrsi %get3A_3295, %shift_right_arithmetic3A_3297 : vector<16xi32>
    %and3A_3299 = arith.constant 255 : i32
    %and3A_3300 = vector.broadcast %and3A_3299 : i32 to vector<16xi32>
    %and3A_3301 = arith.andi %get3A_3295, %and3A_3300 : vector<16xi32>
    %shift_right_arithmetic3A_3302 = arith.constant 3 : i32
    %shift_right_arithmetic3A_3303 = vector.broadcast %shift_right_arithmetic3A_3302 : i32 to vector<16xi32>
    %shift_right_arithmetic3A_3304 = arith.shrsi %shift_right_arithmetic3A_3298, %shift_right_arithmetic3A_3303 : vector<16xi32>
    %shift_left3A_3305 = arith.constant 11 : i32
    %shift_left3A_3306 = vector.broadcast %shift_left3A_3305 : i32 to vector<16xi32>
    %shift_left3A_3307 = arith.shli %shift_right_arithmetic3A_3304, %shift_left3A_3306 : vector<16xi32>
    %shift_right_arithmetic3A_3308 = arith.constant 7 : i32
    %shift_right_arithmetic3A_3309 = vector.broadcast %shift_right_arithmetic3A_3308 : i32 to vector<16xi32>
    %shift_right_arithmetic3A_3310 = arith.shrsi %and3A_3301, %shift_right_arithmetic3A_3309 : vector<16xi32>
    %shift_left3A_3311 = arith.constant 10 : i32
    %shift_left3A_3312 = vector.broadcast %shift_left3A_3311 : i32 to vector<16xi32>
    %shift_left3A_3313 = arith.shli %shift_right_arithmetic3A_3310, %shift_left3A_3312 : vector<16xi32>
    %add3A_3314 = arith.addi %shift_left3A_3307, %shift_left3A_3313 : vector<16xi32>
    %and3A_3315 = arith.constant 7 : i32
    %and3A_3316 = vector.broadcast %and3A_3315 : i32 to vector<16xi32>
    %and3A_3317 = arith.andi %shift_right_arithmetic3A_3298, %and3A_3316 : vector<16xi32>
    %shift_left3A_3318 = arith.constant 7 : i32
    %shift_left3A_3319 = vector.broadcast %shift_left3A_3318 : i32 to vector<16xi32>
    %shift_left3A_3320 = arith.shli %and3A_3317, %shift_left3A_3319 : vector<16xi32>
    %add3A_3321 = arith.addi %add3A_3314, %shift_left3A_3320 : vector<16xi32>
    %and3A_3322 = arith.constant 127 : i32
    %and3A_3323 = vector.broadcast %and3A_3322 : i32 to vector<16xi32>
    %and3A_3324 = arith.andi %and3A_3301, %and3A_3323 : vector<16xi32>
    %add3A_3325 = arith.addi %add3A_3321, %and3A_3324 : vector<16xi32>
    %add3A_3326 = arith.constant 1 : i32
    %add3A_3327 = arith.addi %mul3A_2, %add3A_3326 : i32
    %mul3A_3328 = arith.constant 8 : i32
    %mul3A_3329 = arith.muli %add3A_3327, %mul3A_3328 : i32
    %add3A_3330 = arith.constant 0 : i32
    %add3A_3331 = arith.addi %mul3A_3329, %add3A_3330 : i32
    %mul3A_3332 = arith.constant 65536 : i32
    %mul3A_3333 = arith.muli %add3A_3331, %mul3A_3332 : i32
    %add3A_3334 = vector.broadcast %mul3A_3333 : i32 to vector<16xi32>
    %add3A_3335 = arith.addi %add3A_3334, %add3A_3325 : vector<16xi32>
    %swap3A_3336 = arith.constant 3136 : index
    %swap3A_3337 = tpu.vector_load %arg6[%swap3A_3336] {strides = array<i32>} : memref<4096xi32, #tpu.memory_space<vmem>>, vector<16xi32>,
    %swap3A_3338 = vector.shape_cast %swap3A_3337 : vector<16xi32> to vector<16xi32>
    %swap3A_3339 = vector.shape_cast %add3A_3335 : vector<16xi32> to vector<16xi32>
    tpu.vector_store %arg6[%swap3A_3336], %swap3A_3339 {strides = array<i32>} : memref<4096xi32, #tpu.memory_space<vmem>>, vector<16xi32>,
    %add3A_3340 = arith.constant 1 : i32
    %add3A_3341 = arith.addi %mul3A_3329, %add3A_3340 : i32
    %mul3A_3342 = arith.constant 65536 : i32
    %mul3A_3343 = arith.muli %add3A_3341, %mul3A_3342 : i32
    %add3A_3344 = vector.broadcast %mul3A_3343 : i32 to vector<16xi32>
    %add3A_3345 = arith.addi %add3A_3344, %add3A_3325 : vector<16xi32>
    %swap3A_3346 = arith.constant 3264 : index
    %swap3A_3347 = tpu.vector_load %arg6[%swap3A_3346] {strides = array<i32>} : memref<4096xi32, #tpu.memory_space<vmem>>, vector<16xi32>,
    %swap3A_3348 = vector.shape_cast %swap3A_3347 : vector<16xi32> to vector<16xi32>
    %swap3A_3349 = vector.shape_cast %add3A_3345 : vector<16xi32> to vector<16xi32>
    tpu.vector_store %arg6[%swap3A_3346], %swap3A_3349 {strides = array<i32>} : memref<4096xi32, #tpu.memory_space<vmem>>, vector<16xi32>,
    %add3A_3350 = arith.constant 2 : i32
    %add3A_3351 = arith.addi %mul3A_3329, %add3A_3350 : i32
    %mul3A_3352 = arith.constant 65536 : i32
    %mul3A_3353 = arith.muli %add3A_3351, %mul3A_3352 : i32
    %add3A_3354 = vector.broadcast %mul3A_3353 : i32 to vector<16xi32>
    %add3A_3355 = arith.addi %add3A_3354, %add3A_3325 : vector<16xi32>
    %swap3A_3356 = arith.constant 3392 : index
    %swap3A_3357 = tpu.vector_load %arg6[%swap3A_3356] {strides = array<i32>} : memref<4096xi32, #tpu.memory_space<vmem>>, vector<16xi32>,
    %swap3A_3358 = vector.shape_cast %swap3A_3357 : vector<16xi32> to vector<16xi32>
    %swap3A_3359 = vector.shape_cast %add3A_3355 : vector<16xi32> to vector<16xi32>
    tpu.vector_store %arg6[%swap3A_3356], %swap3A_3359 {strides = array<i32>} : memref<4096xi32, #tpu.memory_space<vmem>>, vector<16xi32>,
    %add3A_3360 = arith.constant 3 : i32
    %add3A_3361 = arith.addi %mul3A_3329, %add3A_3360 : i32
    %mul3A_3362 = arith.constant 65536 : i32
    %mul3A_3363 = arith.muli %add3A_3361, %mul3A_3362 : i32
    %add3A_3364 = vector.broadcast %mul3A_3363 : i32 to vector<16xi32>
    %add3A_3365 = arith.addi %add3A_3364, %add3A_3325 : vector<16xi32>
    %swap3A_3366 = arith.constant 3520 : index
    %swap3A_3367 = tpu.vector_load %arg6[%swap3A_3366] {strides = array<i32>} : memref<4096xi32, #tpu.memory_space<vmem>>, vector<16xi32>,
    %swap3A_3368 = vector.shape_cast %swap3A_3367 : vector<16xi32> to vector<16xi32>
    %swap3A_3369 = vector.shape_cast %add3A_3365 : vector<16xi32> to vector<16xi32>
    tpu.vector_store %arg6[%swap3A_3366], %swap3A_3369 {strides = array<i32>} : memref<4096xi32, #tpu.memory_space<vmem>>, vector<16xi32>,
    %add3A_3370 = arith.constant 4 : i32
    %add3A_3371 = arith.addi %mul3A_3329, %add3A_3370 : i32
    %mul3A_3372 = arith.constant 65536 : i32
    %mul3A_3373 = arith.muli %add3A_3371, %mul3A_3372 : i32
    %add3A_3374 = vector.broadcast %mul3A_3373 : i32 to vector<16xi32>
    %add3A_3375 = arith.addi %add3A_3374, %add3A_3325 : vector<16xi32>
    %swap3A_3376 = arith.constant 3648 : index
    %swap3A_3377 = tpu.vector_load %arg6[%swap3A_3376] {strides = array<i32>} : memref<4096xi32, #tpu.memory_space<vmem>>, vector<16xi32>,
    %swap3A_3378 = vector.shape_cast %swap3A_3377 : vector<16xi32> to vector<16xi32>
    %swap3A_3379 = vector.shape_cast %add3A_3375 : vector<16xi32> to vector<16xi32>
    tpu.vector_store %arg6[%swap3A_3376], %swap3A_3379 {strides = array<i32>} : memref<4096xi32, #tpu.memory_space<vmem>>, vector<16xi32>,
    %add3A_3380 = arith.constant 5 : i32
    %add3A_3381 = arith.addi %mul3A_3329, %add3A_3380 : i32
    %mul3A_3382 = arith.constant 65536 : i32
    %mul3A_3383 = arith.muli %add3A_3381, %mul3A_3382 : i32
    %add3A_3384 = vector.broadcast %mul3A_3383 : i32 to vector<16xi32>
    %add3A_3385 = arith.addi %add3A_3384, %add3A_3325 : vector<16xi32>
    %swap3A_3386 = arith.constant 3776 : index
    %swap3A_3387 = tpu.vector_load %arg6[%swap3A_3386] {strides = array<i32>} : memref<4096xi32, #tpu.memory_space<vmem>>, vector<16xi32>,
    %swap3A_3388 = vector.shape_cast %swap3A_3387 : vector<16xi32> to vector<16xi32>
    %swap3A_3389 = vector.shape_cast %add3A_3385 : vector<16xi32> to vector<16xi32>
    tpu.vector_store %arg6[%swap3A_3386], %swap3A_3389 {strides = array<i32>} : memref<4096xi32, #tpu.memory_space<vmem>>, vector<16xi32>,
    %add3A_3390 = arith.constant 6 : i32
    %add3A_3391 = arith.addi %mul3A_3329, %add3A_3390 : i32
    %mul3A_3392 = arith.constant 65536 : i32
    %mul3A_3393 = arith.muli %add3A_3391, %mul3A_3392 : i32
    %add3A_3394 = vector.broadcast %mul3A_3393 : i32 to vector<16xi32>
    %add3A_3395 = arith.addi %add3A_3394, %add3A_3325 : vector<16xi32>
    %swap3A_3396 = arith.constant 3904 : index
    %swap3A_3397 = tpu.vector_load %arg6[%swap3A_3396] {strides = array<i32>} : memref<4096xi32, #tpu.memory_space<vmem>>, vector<16xi32>,
    %swap3A_3398 = vector.shape_cast %swap3A_3397 : vector<16xi32> to vector<16xi32>
    %swap3A_3399 = vector.shape_cast %add3A_3395 : vector<16xi32> to vector<16xi32>
    tpu.vector_store %arg6[%swap3A_3396], %swap3A_3399 {strides = array<i32>} : memref<4096xi32, #tpu.memory_space<vmem>>, vector<16xi32>,
    %add3A_3400 = arith.constant 7 : i32
    %add3A_3401 = arith.addi %mul3A_3329, %add3A_3400 : i32
    %mul3A_3402 = arith.constant 65536 : i32
    %mul3A_3403 = arith.muli %add3A_3401, %mul3A_3402 : i32
    %add3A_3404 = vector.broadcast %mul3A_3403 : i32 to vector<16xi32>
    %add3A_3405 = arith.addi %add3A_3404, %add3A_3325 : vector<16xi32>
    %swap3A_3406 = arith.constant 4032 : index
    %swap3A_3407 = tpu.vector_load %arg6[%swap3A_3406] {strides = array<i32>} : memref<4096xi32, #tpu.memory_space<vmem>>, vector<16xi32>,
    %swap3A_3408 = vector.shape_cast %swap3A_3407 : vector<16xi32> to vector<16xi32>
    %swap3A_3409 = vector.shape_cast %add3A_3405 : vector<16xi32> to vector<16xi32>
    tpu.vector_store %arg6[%swap3A_3406], %swap3A_3409 {strides = array<i32>} : memref<4096xi32, #tpu.memory_space<vmem>>, vector<16xi32>,
    %get3A_3410 = arith.constant 464 : index
    %get3A_3411 = tpu.vector_load %arg5[%get3A_3410] {strides = array<i32>} : memref<512xi32, #tpu.memory_space<vmem>>, vector<16xi32>,
    %get3A_3412 = vector.shape_cast %get3A_3411 : vector<16xi32> to vector<16xi32>
    %shift_right_arithmetic3A_3413 = arith.constant 8 : i32
    %shift_right_arithmetic3A_3414 = vector.broadcast %shift_right_arithmetic3A_3413 : i32 to vector<16xi32>
    %shift_right_arithmetic3A_3415 = arith.shrsi %get3A_3412, %shift_right_arithmetic3A_3414 : vector<16xi32>
    %and3A_3416 = arith.constant 255 : i32
    %and3A_3417 = vector.broadcast %and3A_3416 : i32 to vector<16xi32>
    %and3A_3418 = arith.andi %get3A_3412, %and3A_3417 : vector<16xi32>
    %shift_right_arithmetic3A_3419 = arith.constant 3 : i32
    %shift_right_arithmetic3A_3420 = vector.broadcast %shift_right_arithmetic3A_3419 : i32 to vector<16xi32>
    %shift_right_arithmetic3A_3421 = arith.shrsi %shift_right_arithmetic3A_3415, %shift_right_arithmetic3A_3420 : vector<16xi32>
    %shift_left3A_3422 = arith.constant 11 : i32
    %shift_left3A_3423 = vector.broadcast %shift_left3A_3422 : i32 to vector<16xi32>
    %shift_left3A_3424 = arith.shli %shift_right_arithmetic3A_3421, %shift_left3A_3423 : vector<16xi32>
    %shift_right_arithmetic3A_3425 = arith.constant 7 : i32
    %shift_right_arithmetic3A_3426 = vector.broadcast %shift_right_arithmetic3A_3425 : i32 to vector<16xi32>
    %shift_right_arithmetic3A_3427 = arith.shrsi %and3A_3418, %shift_right_arithmetic3A_3426 : vector<16xi32>
    %shift_left3A_3428 = arith.constant 10 : i32
    %shift_left3A_3429 = vector.broadcast %shift_left3A_3428 : i32 to vector<16xi32>
    %shift_left3A_3430 = arith.shli %shift_right_arithmetic3A_3427, %shift_left3A_3429 : vector<16xi32>
    %add3A_3431 = arith.addi %shift_left3A_3424, %shift_left3A_3430 : vector<16xi32>
    %and3A_3432 = arith.constant 7 : i32
    %and3A_3433 = vector.broadcast %and3A_3432 : i32 to vector<16xi32>
    %and3A_3434 = arith.andi %shift_right_arithmetic3A_3415, %and3A_3433 : vector<16xi32>
    %shift_left3A_3435 = arith.constant 7 : i32
    %shift_left3A_3436 = vector.broadcast %shift_left3A_3435 : i32 to vector<16xi32>
    %shift_left3A_3437 = arith.shli %and3A_3434, %shift_left3A_3436 : vector<16xi32>
    %add3A_3438 = arith.addi %add3A_3431, %shift_left3A_3437 : vector<16xi32>
    %and3A_3439 = arith.constant 127 : i32
    %and3A_3440 = vector.broadcast %and3A_3439 : i32 to vector<16xi32>
    %and3A_3441 = arith.andi %and3A_3418, %and3A_3440 : vector<16xi32>
    %add3A_3442 = arith.addi %add3A_3438, %and3A_3441 : vector<16xi32>
    %add3A_3443 = arith.constant 1 : i32
    %add3A_3444 = arith.addi %mul3A_2, %add3A_3443 : i32
    %mul3A_3445 = arith.constant 8 : i32
    %mul3A_3446 = arith.muli %add3A_3444, %mul3A_3445 : i32
    %add3A_3447 = arith.constant 0 : i32
    %add3A_3448 = arith.addi %mul3A_3446, %add3A_3447 : i32
    %mul3A_3449 = arith.constant 65536 : i32
    %mul3A_3450 = arith.muli %add3A_3448, %mul3A_3449 : i32
    %add3A_3451 = vector.broadcast %mul3A_3450 : i32 to vector<16xi32>
    %add3A_3452 = arith.addi %add3A_3451, %add3A_3442 : vector<16xi32>
    %swap3A_3453 = arith.constant 3152 : index
    %swap3A_3454 = tpu.vector_load %arg6[%swap3A_3453] {strides = array<i32>} : memref<4096xi32, #tpu.memory_space<vmem>>, vector<16xi32>,
    %swap3A_3455 = vector.shape_cast %swap3A_3454 : vector<16xi32> to vector<16xi32>
    %swap3A_3456 = vector.shape_cast %add3A_3452 : vector<16xi32> to vector<16xi32>
    tpu.vector_store %arg6[%swap3A_3453], %swap3A_3456 {strides = array<i32>} : memref<4096xi32, #tpu.memory_space<vmem>>, vector<16xi32>,
    %add3A_3457 = arith.constant 1 : i32
    %add3A_3458 = arith.addi %mul3A_3446, %add3A_3457 : i32
    %mul3A_3459 = arith.constant 65536 : i32
    %mul3A_3460 = arith.muli %add3A_3458, %mul3A_3459 : i32
    %add3A_3461 = vector.broadcast %mul3A_3460 : i32 to vector<16xi32>
    %add3A_3462 = arith.addi %add3A_3461, %add3A_3442 : vector<16xi32>
    %swap3A_3463 = arith.constant 3280 : index
    %swap3A_3464 = tpu.vector_load %arg6[%swap3A_3463] {strides = array<i32>} : memref<4096xi32, #tpu.memory_space<vmem>>, vector<16xi32>,
    %swap3A_3465 = vector.shape_cast %swap3A_3464 : vector<16xi32> to vector<16xi32>
    %swap3A_3466 = vector.shape_cast %add3A_3462 : vector<16xi32> to vector<16xi32>
    tpu.vector_store %arg6[%swap3A_3463], %swap3A_3466 {strides = array<i32>} : memref<4096xi32, #tpu.memory_space<vmem>>, vector<16xi32>,
    %add3A_3467 = arith.constant 2 : i32
    %add3A_3468 = arith.addi %mul3A_3446, %add3A_3467 : i32
    %mul3A_3469 = arith.constant 65536 : i32
    %mul3A_3470 = arith.muli %add3A_3468, %mul3A_3469 : i32
    %add3A_3471 = vector.broadcast %mul3A_3470 : i32 to vector<16xi32>
    %add3A_3472 = arith.addi %add3A_3471, %add3A_3442 : vector<16xi32>
    %swap3A_3473 = arith.constant 3408 : index
    %swap3A_3474 = tpu.vector_load %arg6[%swap3A_3473] {strides = array<i32>} : memref<4096xi32, #tpu.memory_space<vmem>>, vector<16xi32>,
    %swap3A_3475 = vector.shape_cast %swap3A_3474 : vector<16xi32> to vector<16xi32>
    %swap3A_3476 = vector.shape_cast %add3A_3472 : vector<16xi32> to vector<16xi32>
    tpu.vector_store %arg6[%swap3A_3473], %swap3A_3476 {strides = array<i32>} : memref<4096xi32, #tpu.memory_space<vmem>>, vector<16xi32>,
    %add3A_3477 = arith.constant 3 : i32
    %add3A_3478 = arith.addi %mul3A_3446, %add3A_3477 : i32
    %mul3A_3479 = arith.constant 65536 : i32
    %mul3A_3480 = arith.muli %add3A_3478, %mul3A_3479 : i32
    %add3A_3481 = vector.broadcast %mul3A_3480 : i32 to vector<16xi32>
    %add3A_3482 = arith.addi %add3A_3481, %add3A_3442 : vector<16xi32>
    %swap3A_3483 = arith.constant 3536 : index
    %swap3A_3484 = tpu.vector_load %arg6[%swap3A_3483] {strides = array<i32>} : memref<4096xi32, #tpu.memory_space<vmem>>, vector<16xi32>,
    %swap3A_3485 = vector.shape_cast %swap3A_3484 : vector<16xi32> to vector<16xi32>
    %swap3A_3486 = vector.shape_cast %add3A_3482 : vector<16xi32> to vector<16xi32>
    tpu.vector_store %arg6[%swap3A_3483], %swap3A_3486 {strides = array<i32>} : memref<4096xi32, #tpu.memory_space<vmem>>, vector<16xi32>,
    %add3A_3487 = arith.constant 4 : i32
    %add3A_3488 = arith.addi %mul3A_3446, %add3A_3487 : i32
    %mul3A_3489 = arith.constant 65536 : i32
    %mul3A_3490 = arith.muli %add3A_3488, %mul3A_3489 : i32
    %add3A_3491 = vector.broadcast %mul3A_3490 : i32 to vector<16xi32>
    %add3A_3492 = arith.addi %add3A_3491, %add3A_3442 : vector<16xi32>
    %swap3A_3493 = arith.constant 3664 : index
    %swap3A_3494 = tpu.vector_load %arg6[%swap3A_3493] {strides = array<i32>} : memref<4096xi32, #tpu.memory_space<vmem>>, vector<16xi32>,
    %swap3A_3495 = vector.shape_cast %swap3A_3494 : vector<16xi32> to vector<16xi32>
    %swap3A_3496 = vector.shape_cast %add3A_3492 : vector<16xi32> to vector<16xi32>
    tpu.vector_store %arg6[%swap3A_3493], %swap3A_3496 {strides = array<i32>} : memref<4096xi32, #tpu.memory_space<vmem>>, vector<16xi32>,
    %add3A_3497 = arith.constant 5 : i32
    %add3A_3498 = arith.addi %mul3A_3446, %add3A_3497 : i32
    %mul3A_3499 = arith.constant 65536 : i32
    %mul3A_3500 = arith.muli %add3A_3498, %mul3A_3499 : i32
    %add3A_3501 = vector.broadcast %mul3A_3500 : i32 to vector<16xi32>
    %add3A_3502 = arith.addi %add3A_3501, %add3A_3442 : vector<16xi32>
    %swap3A_3503 = arith.constant 3792 : index
    %swap3A_3504 = tpu.vector_load %arg6[%swap3A_3503] {strides = array<i32>} : memref<4096xi32, #tpu.memory_space<vmem>>, vector<16xi32>,
    %swap3A_3505 = vector.shape_cast %swap3A_3504 : vector<16xi32> to vector<16xi32>
    %swap3A_3506 = vector.shape_cast %add3A_3502 : vector<16xi32> to vector<16xi32>
    tpu.vector_store %arg6[%swap3A_3503], %swap3A_3506 {strides = array<i32>} : memref<4096xi32, #tpu.memory_space<vmem>>, vector<16xi32>,
    %add3A_3507 = arith.constant 6 : i32
    %add3A_3508 = arith.addi %mul3A_3446, %add3A_3507 : i32
    %mul3A_3509 = arith.constant 65536 : i32
    %mul3A_3510 = arith.muli %add3A_3508, %mul3A_3509 : i32
    %add3A_3511 = vector.broadcast %mul3A_3510 : i32 to vector<16xi32>
    %add3A_3512 = arith.addi %add3A_3511, %add3A_3442 : vector<16xi32>
    %swap3A_3513 = arith.constant 3920 : index
    %swap3A_3514 = tpu.vector_load %arg6[%swap3A_3513] {strides = array<i32>} : memref<4096xi32, #tpu.memory_space<vmem>>, vector<16xi32>,
    %swap3A_3515 = vector.shape_cast %swap3A_3514 : vector<16xi32> to vector<16xi32>
    %swap3A_3516 = vector.shape_cast %add3A_3512 : vector<16xi32> to vector<16xi32>
    tpu.vector_store %arg6[%swap3A_3513], %swap3A_3516 {strides = array<i32>} : memref<4096xi32, #tpu.memory_space<vmem>>, vector<16xi32>,
    %add3A_3517 = arith.constant 7 : i32
    %add3A_3518 = arith.addi %mul3A_3446, %add3A_3517 : i32
    %mul3A_3519 = arith.constant 65536 : i32
    %mul3A_3520 = arith.muli %add3A_3518, %mul3A_3519 : i32
    %add3A_3521 = vector.broadcast %mul3A_3520 : i32 to vector<16xi32>
    %add3A_3522 = arith.addi %add3A_3521, %add3A_3442 : vector<16xi32>
    %swap3A_3523 = arith.constant 4048 : index
    %swap3A_3524 = tpu.vector_load %arg6[%swap3A_3523] {strides = array<i32>} : memref<4096xi32, #tpu.memory_space<vmem>>, vector<16xi32>,
    %swap3A_3525 = vector.shape_cast %swap3A_3524 : vector<16xi32> to vector<16xi32>
    %swap3A_3526 = vector.shape_cast %add3A_3522 : vector<16xi32> to vector<16xi32>
    tpu.vector_store %arg6[%swap3A_3523], %swap3A_3526 {strides = array<i32>} : memref<4096xi32, #tpu.memory_space<vmem>>, vector<16xi32>,
    %get3A_3527 = arith.constant 480 : index
    %get3A_3528 = tpu.vector_load %arg5[%get3A_3527] {strides = array<i32>} : memref<512xi32, #tpu.memory_space<vmem>>, vector<16xi32>,
    %get3A_3529 = vector.shape_cast %get3A_3528 : vector<16xi32> to vector<16xi32>
    %shift_right_arithmetic3A_3530 = arith.constant 8 : i32
    %shift_right_arithmetic3A_3531 = vector.broadcast %shift_right_arithmetic3A_3530 : i32 to vector<16xi32>
    %shift_right_arithmetic3A_3532 = arith.shrsi %get3A_3529, %shift_right_arithmetic3A_3531 : vector<16xi32>
    %and3A_3533 = arith.constant 255 : i32
    %and3A_3534 = vector.broadcast %and3A_3533 : i32 to vector<16xi32>
    %and3A_3535 = arith.andi %get3A_3529, %and3A_3534 : vector<16xi32>
    %shift_right_arithmetic3A_3536 = arith.constant 3 : i32
    %shift_right_arithmetic3A_3537 = vector.broadcast %shift_right_arithmetic3A_3536 : i32 to vector<16xi32>
    %shift_right_arithmetic3A_3538 = arith.shrsi %shift_right_arithmetic3A_3532, %shift_right_arithmetic3A_3537 : vector<16xi32>
    %shift_left3A_3539 = arith.constant 11 : i32
    %shift_left3A_3540 = vector.broadcast %shift_left3A_3539 : i32 to vector<16xi32>
    %shift_left3A_3541 = arith.shli %shift_right_arithmetic3A_3538, %shift_left3A_3540 : vector<16xi32>
    %shift_right_arithmetic3A_3542 = arith.constant 7 : i32
    %shift_right_arithmetic3A_3543 = vector.broadcast %shift_right_arithmetic3A_3542 : i32 to vector<16xi32>
    %shift_right_arithmetic3A_3544 = arith.shrsi %and3A_3535, %shift_right_arithmetic3A_3543 : vector<16xi32>
    %shift_left3A_3545 = arith.constant 10 : i32
    %shift_left3A_3546 = vector.broadcast %shift_left3A_3545 : i32 to vector<16xi32>
    %shift_left3A_3547 = arith.shli %shift_right_arithmetic3A_3544, %shift_left3A_3546 : vector<16xi32>
    %add3A_3548 = arith.addi %shift_left3A_3541, %shift_left3A_3547 : vector<16xi32>
    %and3A_3549 = arith.constant 7 : i32
    %and3A_3550 = vector.broadcast %and3A_3549 : i32 to vector<16xi32>
    %and3A_3551 = arith.andi %shift_right_arithmetic3A_3532, %and3A_3550 : vector<16xi32>
    %shift_left3A_3552 = arith.constant 7 : i32
    %shift_left3A_3553 = vector.broadcast %shift_left3A_3552 : i32 to vector<16xi32>
    %shift_left3A_3554 = arith.shli %and3A_3551, %shift_left3A_3553 : vector<16xi32>
    %add3A_3555 = arith.addi %add3A_3548, %shift_left3A_3554 : vector<16xi32>
    %and3A_3556 = arith.constant 127 : i32
    %and3A_3557 = vector.broadcast %and3A_3556 : i32 to vector<16xi32>
    %and3A_3558 = arith.andi %and3A_3535, %and3A_3557 : vector<16xi32>
    %add3A_3559 = arith.addi %add3A_3555, %and3A_3558 : vector<16xi32>
    %add3A_3560 = arith.constant 1 : i32
    %add3A_3561 = arith.addi %mul3A_2, %add3A_3560 : i32
    %mul3A_3562 = arith.constant 8 : i32
    %mul3A_3563 = arith.muli %add3A_3561, %mul3A_3562 : i32
    %add3A_3564 = arith.constant 0 : i32
    %add3A_3565 = arith.addi %mul3A_3563, %add3A_3564 : i32
    %mul3A_3566 = arith.constant 65536 : i32
    %mul3A_3567 = arith.muli %add3A_3565, %mul3A_3566 : i32
    %add3A_3568 = vector.broadcast %mul3A_3567 : i32 to vector<16xi32>
    %add3A_3569 = arith.addi %add3A_3568, %add3A_3559 : vector<16xi32>
    %swap3A_3570 = arith.constant 3168 : index
    %swap3A_3571 = tpu.vector_load %arg6[%swap3A_3570] {strides = array<i32>} : memref<4096xi32, #tpu.memory_space<vmem>>, vector<16xi32>,
    %swap3A_3572 = vector.shape_cast %swap3A_3571 : vector<16xi32> to vector<16xi32>
    %swap3A_3573 = vector.shape_cast %add3A_3569 : vector<16xi32> to vector<16xi32>
    tpu.vector_store %arg6[%swap3A_3570], %swap3A_3573 {strides = array<i32>} : memref<4096xi32, #tpu.memory_space<vmem>>, vector<16xi32>,
    %add3A_3574 = arith.constant 1 : i32
    %add3A_3575 = arith.addi %mul3A_3563, %add3A_3574 : i32
    %mul3A_3576 = arith.constant 65536 : i32
    %mul3A_3577 = arith.muli %add3A_3575, %mul3A_3576 : i32
    %add3A_3578 = vector.broadcast %mul3A_3577 : i32 to vector<16xi32>
    %add3A_3579 = arith.addi %add3A_3578, %add3A_3559 : vector<16xi32>
    %swap3A_3580 = arith.constant 3296 : index
    %swap3A_3581 = tpu.vector_load %arg6[%swap3A_3580] {strides = array<i32>} : memref<4096xi32, #tpu.memory_space<vmem>>, vector<16xi32>,
    %swap3A_3582 = vector.shape_cast %swap3A_3581 : vector<16xi32> to vector<16xi32>
    %swap3A_3583 = vector.shape_cast %add3A_3579 : vector<16xi32> to vector<16xi32>
    tpu.vector_store %arg6[%swap3A_3580], %swap3A_3583 {strides = array<i32>} : memref<4096xi32, #tpu.memory_space<vmem>>, vector<16xi32>,
    %add3A_3584 = arith.constant 2 : i32
    %add3A_3585 = arith.addi %mul3A_3563, %add3A_3584 : i32
    %mul3A_3586 = arith.constant 65536 : i32
    %mul3A_3587 = arith.muli %add3A_3585, %mul3A_3586 : i32
    %add3A_3588 = vector.broadcast %mul3A_3587 : i32 to vector<16xi32>
    %add3A_3589 = arith.addi %add3A_3588, %add3A_3559 : vector<16xi32>
    %swap3A_3590 = arith.constant 3424 : index
    %swap3A_3591 = tpu.vector_load %arg6[%swap3A_3590] {strides = array<i32>} : memref<4096xi32, #tpu.memory_space<vmem>>, vector<16xi32>,
    %swap3A_3592 = vector.shape_cast %swap3A_3591 : vector<16xi32> to vector<16xi32>
    %swap3A_3593 = vector.shape_cast %add3A_3589 : vector<16xi32> to vector<16xi32>
    tpu.vector_store %arg6[%swap3A_3590], %swap3A_3593 {strides = array<i32>} : memref<4096xi32, #tpu.memory_space<vmem>>, vector<16xi32>,
    %add3A_3594 = arith.constant 3 : i32
    %add3A_3595 = arith.addi %mul3A_3563, %add3A_3594 : i32
    %mul3A_3596 = arith.constant 65536 : i32
    %mul3A_3597 = arith.muli %add3A_3595, %mul3A_3596 : i32
    %add3A_3598 = vector.broadcast %mul3A_3597 : i32 to vector<16xi32>
    %add3A_3599 = arith.addi %add3A_3598, %add3A_3559 : vector<16xi32>
    %swap3A_3600 = arith.constant 3552 : index
    %swap3A_3601 = tpu.vector_load %arg6[%swap3A_3600] {strides = array<i32>} : memref<4096xi32, #tpu.memory_space<vmem>>, vector<16xi32>,
    %swap3A_3602 = vector.shape_cast %swap3A_3601 : vector<16xi32> to vector<16xi32>
    %swap3A_3603 = vector.shape_cast %add3A_3599 : vector<16xi32> to vector<16xi32>
    tpu.vector_store %arg6[%swap3A_3600], %swap3A_3603 {strides = array<i32>} : memref<4096xi32, #tpu.memory_space<vmem>>, vector<16xi32>,
    %add3A_3604 = arith.constant 4 : i32
    %add3A_3605 = arith.addi %mul3A_3563, %add3A_3604 : i32
    %mul3A_3606 = arith.constant 65536 : i32
    %mul3A_3607 = arith.muli %add3A_3605, %mul3A_3606 : i32
    %add3A_3608 = vector.broadcast %mul3A_3607 : i32 to vector<16xi32>
    %add3A_3609 = arith.addi %add3A_3608, %add3A_3559 : vector<16xi32>
    %swap3A_3610 = arith.constant 3680 : index
    %swap3A_3611 = tpu.vector_load %arg6[%swap3A_3610] {strides = array<i32>} : memref<4096xi32, #tpu.memory_space<vmem>>, vector<16xi32>,
    %swap3A_3612 = vector.shape_cast %swap3A_3611 : vector<16xi32> to vector<16xi32>
    %swap3A_3613 = vector.shape_cast %add3A_3609 : vector<16xi32> to vector<16xi32>
    tpu.vector_store %arg6[%swap3A_3610], %swap3A_3613 {strides = array<i32>} : memref<4096xi32, #tpu.memory_space<vmem>>, vector<16xi32>,
    %add3A_3614 = arith.constant 5 : i32
    %add3A_3615 = arith.addi %mul3A_3563, %add3A_3614 : i32
    %mul3A_3616 = arith.constant 65536 : i32
    %mul3A_3617 = arith.muli %add3A_3615, %mul3A_3616 : i32
    %add3A_3618 = vector.broadcast %mul3A_3617 : i32 to vector<16xi32>
    %add3A_3619 = arith.addi %add3A_3618, %add3A_3559 : vector<16xi32>
    %swap3A_3620 = arith.constant 3808 : index
    %swap3A_3621 = tpu.vector_load %arg6[%swap3A_3620] {strides = array<i32>} : memref<4096xi32, #tpu.memory_space<vmem>>, vector<16xi32>,
    %swap3A_3622 = vector.shape_cast %swap3A_3621 : vector<16xi32> to vector<16xi32>
    %swap3A_3623 = vector.shape_cast %add3A_3619 : vector<16xi32> to vector<16xi32>
    tpu.vector_store %arg6[%swap3A_3620], %swap3A_3623 {strides = array<i32>} : memref<4096xi32, #tpu.memory_space<vmem>>, vector<16xi32>,
    %add3A_3624 = arith.constant 6 : i32
    %add3A_3625 = arith.addi %mul3A_3563, %add3A_3624 : i32
    %mul3A_3626 = arith.constant 65536 : i32
    %mul3A_3627 = arith.muli %add3A_3625, %mul3A_3626 : i32
    %add3A_3628 = vector.broadcast %mul3A_3627 : i32 to vector<16xi32>
    %add3A_3629 = arith.addi %add3A_3628, %add3A_3559 : vector<16xi32>
    %swap3A_3630 = arith.constant 3936 : index
    %swap3A_3631 = tpu.vector_load %arg6[%swap3A_3630] {strides = array<i32>} : memref<4096xi32, #tpu.memory_space<vmem>>, vector<16xi32>,
    %swap3A_3632 = vector.shape_cast %swap3A_3631 : vector<16xi32> to vector<16xi32>
    %swap3A_3633 = vector.shape_cast %add3A_3629 : vector<16xi32> to vector<16xi32>
    tpu.vector_store %arg6[%swap3A_3630], %swap3A_3633 {strides = array<i32>} : memref<4096xi32, #tpu.memory_space<vmem>>, vector<16xi32>,
    %add3A_3634 = arith.constant 7 : i32
    %add3A_3635 = arith.addi %mul3A_3563, %add3A_3634 : i32
    %mul3A_3636 = arith.constant 65536 : i32
    %mul3A_3637 = arith.muli %add3A_3635, %mul3A_3636 : i32
    %add3A_3638 = vector.broadcast %mul3A_3637 : i32 to vector<16xi32>
    %add3A_3639 = arith.addi %add3A_3638, %add3A_3559 : vector<16xi32>
    %swap3A_3640 = arith.constant 4064 : index
    %swap3A_3641 = tpu.vector_load %arg6[%swap3A_3640] {strides = array<i32>} : memref<4096xi32, #tpu.memory_space<vmem>>, vector<16xi32>,
    %swap3A_3642 = vector.shape_cast %swap3A_3641 : vector<16xi32> to vector<16xi32>
    %swap3A_3643 = vector.shape_cast %add3A_3639 : vector<16xi32> to vector<16xi32>
    tpu.vector_store %arg6[%swap3A_3640], %swap3A_3643 {strides = array<i32>} : memref<4096xi32, #tpu.memory_space<vmem>>, vector<16xi32>,
    %get3A_3644 = arith.constant 496 : index
    %get3A_3645 = tpu.vector_load %arg5[%get3A_3644] {strides = array<i32>} : memref<512xi32, #tpu.memory_space<vmem>>, vector<16xi32>,
    %get3A_3646 = vector.shape_cast %get3A_3645 : vector<16xi32> to vector<16xi32>
    %shift_right_arithmetic3A_3647 = arith.constant 8 : i32
    %shift_right_arithmetic3A_3648 = vector.broadcast %shift_right_arithmetic3A_3647 : i32 to vector<16xi32>
    %shift_right_arithmetic3A_3649 = arith.shrsi %get3A_3646, %shift_right_arithmetic3A_3648 : vector<16xi32>
    %and3A_3650 = arith.constant 255 : i32
    %and3A_3651 = vector.broadcast %and3A_3650 : i32 to vector<16xi32>
    %and3A_3652 = arith.andi %get3A_3646, %and3A_3651 : vector<16xi32>
    %shift_right_arithmetic3A_3653 = arith.constant 3 : i32
    %shift_right_arithmetic3A_3654 = vector.broadcast %shift_right_arithmetic3A_3653 : i32 to vector<16xi32>
    %shift_right_arithmetic3A_3655 = arith.shrsi %shift_right_arithmetic3A_3649, %shift_right_arithmetic3A_3654 : vector<16xi32>
    %shift_left3A_3656 = arith.constant 11 : i32
    %shift_left3A_3657 = vector.broadcast %shift_left3A_3656 : i32 to vector<16xi32>
    %shift_left3A_3658 = arith.shli %shift_right_arithmetic3A_3655, %shift_left3A_3657 : vector<16xi32>
    %shift_right_arithmetic3A_3659 = arith.constant 7 : i32
    %shift_right_arithmetic3A_3660 = vector.broadcast %shift_right_arithmetic3A_3659 : i32 to vector<16xi32>
    %shift_right_arithmetic3A_3661 = arith.shrsi %and3A_3652, %shift_right_arithmetic3A_3660 : vector<16xi32>
    %shift_left3A_3662 = arith.constant 10 : i32
    %shift_left3A_3663 = vector.broadcast %shift_left3A_3662 : i32 to vector<16xi32>
    %shift_left3A_3664 = arith.shli %shift_right_arithmetic3A_3661, %shift_left3A_3663 : vector<16xi32>
    %add3A_3665 = arith.addi %shift_left3A_3658, %shift_left3A_3664 : vector<16xi32>
    %and3A_3666 = arith.constant 7 : i32
    %and3A_3667 = vector.broadcast %and3A_3666 : i32 to vector<16xi32>
    %and3A_3668 = arith.andi %shift_right_arithmetic3A_3649, %and3A_3667 : vector<16xi32>
    %shift_left3A_3669 = arith.constant 7 : i32
    %shift_left3A_3670 = vector.broadcast %shift_left3A_3669 : i32 to vector<16xi32>
    %shift_left3A_3671 = arith.shli %and3A_3668, %shift_left3A_3670 : vector<16xi32>
    %add3A_3672 = arith.addi %add3A_3665, %shift_left3A_3671 : vector<16xi32>
    %and3A_3673 = arith.constant 127 : i32
    %and3A_3674 = vector.broadcast %and3A_3673 : i32 to vector<16xi32>
    %and3A_3675 = arith.andi %and3A_3652, %and3A_3674 : vector<16xi32>
    %add3A_3676 = arith.addi %add3A_3672, %and3A_3675 : vector<16xi32>
    %add3A_3677 = arith.constant 1 : i32
    %add3A_3678 = arith.addi %mul3A_2, %add3A_3677 : i32
    %mul3A_3679 = arith.constant 8 : i32
    %mul3A_3680 = arith.muli %add3A_3678, %mul3A_3679 : i32
    %add3A_3681 = arith.constant 0 : i32
    %add3A_3682 = arith.addi %mul3A_3680, %add3A_3681 : i32
    %mul3A_3683 = arith.constant 65536 : i32
    %mul3A_3684 = arith.muli %add3A_3682, %mul3A_3683 : i32
    %add3A_3685 = vector.broadcast %mul3A_3684 : i32 to vector<16xi32>
    %add3A_3686 = arith.addi %add3A_3685, %add3A_3676 : vector<16xi32>
    %swap3A_3687 = arith.constant 3184 : index
    %swap3A_3688 = tpu.vector_load %arg6[%swap3A_3687] {strides = array<i32>} : memref<4096xi32, #tpu.memory_space<vmem>>, vector<16xi32>,
    %swap3A_3689 = vector.shape_cast %swap3A_3688 : vector<16xi32> to vector<16xi32>
    %swap3A_3690 = vector.shape_cast %add3A_3686 : vector<16xi32> to vector<16xi32>
    tpu.vector_store %arg6[%swap3A_3687], %swap3A_3690 {strides = array<i32>} : memref<4096xi32, #tpu.memory_space<vmem>>, vector<16xi32>,
    %add3A_3691 = arith.constant 1 : i32
    %add3A_3692 = arith.addi %mul3A_3680, %add3A_3691 : i32
    %mul3A_3693 = arith.constant 65536 : i32
    %mul3A_3694 = arith.muli %add3A_3692, %mul3A_3693 : i32
    %add3A_3695 = vector.broadcast %mul3A_3694 : i32 to vector<16xi32>
    %add3A_3696 = arith.addi %add3A_3695, %add3A_3676 : vector<16xi32>
    %swap3A_3697 = arith.constant 3312 : index
    %swap3A_3698 = tpu.vector_load %arg6[%swap3A_3697] {strides = array<i32>} : memref<4096xi32, #tpu.memory_space<vmem>>, vector<16xi32>,
    %swap3A_3699 = vector.shape_cast %swap3A_3698 : vector<16xi32> to vector<16xi32>
    %swap3A_3700 = vector.shape_cast %add3A_3696 : vector<16xi32> to vector<16xi32>
    tpu.vector_store %arg6[%swap3A_3697], %swap3A_3700 {strides = array<i32>} : memref<4096xi32, #tpu.memory_space<vmem>>, vector<16xi32>,
    %add3A_3701 = arith.constant 2 : i32
    %add3A_3702 = arith.addi %mul3A_3680, %add3A_3701 : i32
    %mul3A_3703 = arith.constant 65536 : i32
    %mul3A_3704 = arith.muli %add3A_3702, %mul3A_3703 : i32
    %add3A_3705 = vector.broadcast %mul3A_3704 : i32 to vector<16xi32>
    %add3A_3706 = arith.addi %add3A_3705, %add3A_3676 : vector<16xi32>
    %swap3A_3707 = arith.constant 3440 : index
    %swap3A_3708 = tpu.vector_load %arg6[%swap3A_3707] {strides = array<i32>} : memref<4096xi32, #tpu.memory_space<vmem>>, vector<16xi32>,
    %swap3A_3709 = vector.shape_cast %swap3A_3708 : vector<16xi32> to vector<16xi32>
    %swap3A_3710 = vector.shape_cast %add3A_3706 : vector<16xi32> to vector<16xi32>
    tpu.vector_store %arg6[%swap3A_3707], %swap3A_3710 {strides = array<i32>} : memref<4096xi32, #tpu.memory_space<vmem>>, vector<16xi32>,
    %add3A_3711 = arith.constant 3 : i32
    %add3A_3712 = arith.addi %mul3A_3680, %add3A_3711 : i32
    %mul3A_3713 = arith.constant 65536 : i32
    %mul3A_3714 = arith.muli %add3A_3712, %mul3A_3713 : i32
    %add3A_3715 = vector.broadcast %mul3A_3714 : i32 to vector<16xi32>
    %add3A_3716 = arith.addi %add3A_3715, %add3A_3676 : vector<16xi32>
    %swap3A_3717 = arith.constant 3568 : index
    %swap3A_3718 = tpu.vector_load %arg6[%swap3A_3717] {strides = array<i32>} : memref<4096xi32, #tpu.memory_space<vmem>>, vector<16xi32>,
    %swap3A_3719 = vector.shape_cast %swap3A_3718 : vector<16xi32> to vector<16xi32>
    %swap3A_3720 = vector.shape_cast %add3A_3716 : vector<16xi32> to vector<16xi32>
    tpu.vector_store %arg6[%swap3A_3717], %swap3A_3720 {strides = array<i32>} : memref<4096xi32, #tpu.memory_space<vmem>>, vector<16xi32>,
    %add3A_3721 = arith.constant 4 : i32
    %add3A_3722 = arith.addi %mul3A_3680, %add3A_3721 : i32
    %mul3A_3723 = arith.constant 65536 : i32
    %mul3A_3724 = arith.muli %add3A_3722, %mul3A_3723 : i32
    %add3A_3725 = vector.broadcast %mul3A_3724 : i32 to vector<16xi32>
    %add3A_3726 = arith.addi %add3A_3725, %add3A_3676 : vector<16xi32>
    %swap3A_3727 = arith.constant 3696 : index
    %swap3A_3728 = tpu.vector_load %arg6[%swap3A_3727] {strides = array<i32>} : memref<4096xi32, #tpu.memory_space<vmem>>, vector<16xi32>,
    %swap3A_3729 = vector.shape_cast %swap3A_3728 : vector<16xi32> to vector<16xi32>
    %swap3A_3730 = vector.shape_cast %add3A_3726 : vector<16xi32> to vector<16xi32>
    tpu.vector_store %arg6[%swap3A_3727], %swap3A_3730 {strides = array<i32>} : memref<4096xi32, #tpu.memory_space<vmem>>, vector<16xi32>,
    %add3A_3731 = arith.constant 5 : i32
    %add3A_3732 = arith.addi %mul3A_3680, %add3A_3731 : i32
    %mul3A_3733 = arith.constant 65536 : i32
    %mul3A_3734 = arith.muli %add3A_3732, %mul3A_3733 : i32
    %add3A_3735 = vector.broadcast %mul3A_3734 : i32 to vector<16xi32>
    %add3A_3736 = arith.addi %add3A_3735, %add3A_3676 : vector<16xi32>
    %swap3A_3737 = arith.constant 3824 : index
    %swap3A_3738 = tpu.vector_load %arg6[%swap3A_3737] {strides = array<i32>} : memref<4096xi32, #tpu.memory_space<vmem>>, vector<16xi32>,
    %swap3A_3739 = vector.shape_cast %swap3A_3738 : vector<16xi32> to vector<16xi32>
    %swap3A_3740 = vector.shape_cast %add3A_3736 : vector<16xi32> to vector<16xi32>
    tpu.vector_store %arg6[%swap3A_3737], %swap3A_3740 {strides = array<i32>} : memref<4096xi32, #tpu.memory_space<vmem>>, vector<16xi32>,
    %add3A_3741 = arith.constant 6 : i32
    %add3A_3742 = arith.addi %mul3A_3680, %add3A_3741 : i32
    %mul3A_3743 = arith.constant 65536 : i32
    %mul3A_3744 = arith.muli %add3A_3742, %mul3A_3743 : i32
    %add3A_3745 = vector.broadcast %mul3A_3744 : i32 to vector<16xi32>
    %add3A_3746 = arith.addi %add3A_3745, %add3A_3676 : vector<16xi32>
    %swap3A_3747 = arith.constant 3952 : index
    %swap3A_3748 = tpu.vector_load %arg6[%swap3A_3747] {strides = array<i32>} : memref<4096xi32, #tpu.memory_space<vmem>>, vector<16xi32>,
    %swap3A_3749 = vector.shape_cast %swap3A_3748 : vector<16xi32> to vector<16xi32>
    %swap3A_3750 = vector.shape_cast %add3A_3746 : vector<16xi32> to vector<16xi32>
    tpu.vector_store %arg6[%swap3A_3747], %swap3A_3750 {strides = array<i32>} : memref<4096xi32, #tpu.memory_space<vmem>>, vector<16xi32>,
    %add3A_3751 = arith.constant 7 : i32
    %add3A_3752 = arith.addi %mul3A_3680, %add3A_3751 : i32
    %mul3A_3753 = arith.constant 65536 : i32
    %mul3A_3754 = arith.muli %add3A_3752, %mul3A_3753 : i32
    %add3A_3755 = vector.broadcast %mul3A_3754 : i32 to vector<16xi32>
    %add3A_3756 = arith.addi %add3A_3755, %add3A_3676 : vector<16xi32>
    %swap3A_3757 = arith.constant 4080 : index
    %swap3A_3758 = tpu.vector_load %arg6[%swap3A_3757] {strides = array<i32>} : memref<4096xi32, #tpu.memory_space<vmem>>, vector<16xi32>,
    %swap3A_3759 = vector.shape_cast %swap3A_3758 : vector<16xi32> to vector<16xi32>
    %swap3A_3760 = vector.shape_cast %add3A_3756 : vector<16xi32> to vector<16xi32>
    tpu.vector_store %arg6[%swap3A_3757], %swap3A_3760 {strides = array<i32>} : memref<4096xi32, #tpu.memory_space<vmem>>, vector<16xi32>,
    %dma_start3A_3761 = arith.constant 3072 : i32
    %dma_start3A_3762 = tpu.memref_slice %arg7[%dma_start3A_3761] : memref<4096xf32, #tpu.memory_space<vmem>> -> memref<1024xf32, #tpu.memory_space<vmem>>
    %dma_start3A_3763 = arith.constant 3072 : i32
    %dma_start3A_3764 = tpu.memref_slice %arg6[%dma_start3A_3763] : memref<4096xi32, #tpu.memory_space<vmem>> -> memref<1024xi32, #tpu.memory_space<vmem>>
    %dma_start3A_3765 = arith.constant 0 : i32
    %dma_start3A_3766 = tpu.memref_slice %arg2[%dma_start3A_3765] : memref<33554432xf32, #tpu.memory_space<hbm>> -> memref<33554432xf32, #tpu.memory_space<hbm>>
    tpu.enqueue_indirect_dma source(%dma_start3A_3766 : memref<33554432xf32, #tpu.memory_space<hbm>>) target(%dma_start3A_3762 : memref<1024xf32, #tpu.memory_space<vmem>>) offsets(%dma_start3A_3764 : memref<1024xi32, #tpu.memory_space<vmem>>) semaphore(%arg8 : memref<!tpu.dma_semaphore, #tpu.memory_space<semaphore_mem>>)
    %dma_wait3A = arith.constant 0 : i32
    %dma_wait3A_3767 = tpu.memref_slice %arg7[%dma_wait3A] : memref<4096xf32, #tpu.memory_space<vmem>> -> memref<1024xf32, #tpu.memory_space<vmem>>
    %dma_wait3A_3768 = arith.constant 0 : i32
    %dma_wait3A_3769 = tpu.memref_slice %arg6[%dma_wait3A_3768] : memref<4096xi32, #tpu.memory_space<vmem>> -> memref<1024xi32, #tpu.memory_space<vmem>>
    %dma_wait3A_3770 = arith.constant 0 : i32
    %dma_wait3A_3771 = tpu.memref_slice %arg2[%dma_wait3A_3770] : memref<33554432xf32, #tpu.memory_space<hbm>> -> memref<33554432xf32, #tpu.memory_space<hbm>>
    tpu.wait_indirect_dma semaphore(%arg8 : memref<!tpu.dma_semaphore, #tpu.memory_space<semaphore_mem>>) src(%dma_wait3A_3771 : memref<33554432xf32, #tpu.memory_space<hbm>>) dst(%dma_wait3A_3767 : memref<1024xf32, #tpu.memory_space<vmem>>)
    %dma_wait3A_3772 = arith.constant 1024 : i32
    %dma_wait3A_3773 = tpu.memref_slice %arg7[%dma_wait3A_3772] : memref<4096xf32, #tpu.memory_space<vmem>> -> memref<1024xf32, #tpu.memory_space<vmem>>
    %dma_wait3A_3774 = arith.constant 1024 : i32
    %dma_wait3A_3775 = tpu.memref_slice %arg6[%dma_wait3A_3774] : memref<4096xi32, #tpu.memory_space<vmem>> -> memref<1024xi32, #tpu.memory_space<vmem>>
    %dma_wait3A_3776 = arith.constant 0 : i32
    %dma_wait3A_3777 = tpu.memref_slice %arg2[%dma_wait3A_3776] : memref<33554432xf32, #tpu.memory_space<hbm>> -> memref<33554432xf32, #tpu.memory_space<hbm>>
    tpu.wait_indirect_dma semaphore(%arg8 : memref<!tpu.dma_semaphore, #tpu.memory_space<semaphore_mem>>) src(%dma_wait3A_3777 : memref<33554432xf32, #tpu.memory_space<hbm>>) dst(%dma_wait3A_3773 : memref<1024xf32, #tpu.memory_space<vmem>>)
    %dma_wait3A_3778 = arith.constant 2048 : i32
    %dma_wait3A_3779 = tpu.memref_slice %arg7[%dma_wait3A_3778] : memref<4096xf32, #tpu.memory_space<vmem>> -> memref<1024xf32, #tpu.memory_space<vmem>>
    %dma_wait3A_3780 = arith.constant 2048 : i32
    %dma_wait3A_3781 = tpu.memref_slice %arg6[%dma_wait3A_3780] : memref<4096xi32, #tpu.memory_space<vmem>> -> memref<1024xi32, #tpu.memory_space<vmem>>
    %dma_wait3A_3782 = arith.constant 0 : i32
    %dma_wait3A_3783 = tpu.memref_slice %arg2[%dma_wait3A_3782] : memref<33554432xf32, #tpu.memory_space<hbm>> -> memref<33554432xf32, #tpu.memory_space<hbm>>
    tpu.wait_indirect_dma semaphore(%arg8 : memref<!tpu.dma_semaphore, #tpu.memory_space<semaphore_mem>>) src(%dma_wait3A_3783 : memref<33554432xf32, #tpu.memory_space<hbm>>) dst(%dma_wait3A_3779 : memref<1024xf32, #tpu.memory_space<vmem>>)
    %dma_wait3A_3784 = arith.constant 3072 : i32
    %dma_wait3A_3785 = tpu.memref_slice %arg7[%dma_wait3A_3784] : memref<4096xf32, #tpu.memory_space<vmem>> -> memref<1024xf32, #tpu.memory_space<vmem>>
    %dma_wait3A_3786 = arith.constant 3072 : i32
    %dma_wait3A_3787 = tpu.memref_slice %arg6[%dma_wait3A_3786] : memref<4096xi32, #tpu.memory_space<vmem>> -> memref<1024xi32, #tpu.memory_space<vmem>>
    %dma_wait3A_3788 = arith.constant 0 : i32
    %dma_wait3A_3789 = tpu.memref_slice %arg2[%dma_wait3A_3788] : memref<33554432xf32, #tpu.memory_space<hbm>> -> memref<33554432xf32, #tpu.memory_space<hbm>>
    tpu.wait_indirect_dma semaphore(%arg8 : memref<!tpu.dma_semaphore, #tpu.memory_space<semaphore_mem>>) src(%dma_wait3A_3789 : memref<33554432xf32, #tpu.memory_space<hbm>>) dst(%dma_wait3A_3785 : memref<1024xf32, #tpu.memory_space<vmem>>)
    %mul3A_3790 = arith.constant 4096 : i32
    %mul3A_3791 = arith.muli %add3A, %mul3A_3790 : i32
    "tpu.region"() ({
      %run_scoped3A = tpu.sem_alloc : memref<!tpu.dma_semaphore, #tpu.memory_space<semaphore_mem>>
      %dma_start3A_3792 = tpu.memref_slice %arg4[%mul3A_3791] : memref<131072xf32, #tpu.memory_space<hbm>> -> memref<4096xf32, #tpu.memory_space<hbm>>
      %dma_start3A_3793 = tpu.memref_slice %arg4[%mul3A_3791] : memref<131072xf32, #tpu.memory_space<hbm>> -> memref<4096xf32, #tpu.memory_space<hbm>>
      tpu.enqueue_dma source(%arg7 : memref<4096xf32, #tpu.memory_space<vmem>>) target(%dma_start3A_3793 : memref<4096xf32, #tpu.memory_space<hbm>>) target_semaphore(%run_scoped3A : memref<!tpu.dma_semaphore, #tpu.memory_space<semaphore_mem>>)
      %dma_wait3A_3794 = tpu.memref_slice %arg4[%mul3A_3791] : memref<131072xf32, #tpu.memory_space<hbm>> -> memref<4096xf32, #tpu.memory_space<hbm>>
      %dma_wait3A_3795 = tpu.memref_slice %arg4[%mul3A_3791] : memref<131072xf32, #tpu.memory_space<hbm>> -> memref<4096xf32, #tpu.memory_space<hbm>>
      tpu.wait_dma2 semaphore(%run_scoped3A : memref<!tpu.dma_semaphore, #tpu.memory_space<semaphore_mem>>) src(%arg7 : memref<4096xf32, #tpu.memory_space<vmem>>) dst(%dma_wait3A_3795 : memref<4096xf32, #tpu.memory_space<hbm>>)
      tpu.yield
    }) : () -> ()
    return
  }
}

module attributes {stable_mosaic.version = 14 : i64} {
  func.func @_loss_body(%arg0: memref<64x8x256xf32, #tpu.memory_space<vmem>>, %arg1: memref<2x64x256xi32, #tpu.memory_space<vmem>>, %arg2: memref<2x64x256xf32, #tpu.memory_space<vmem>>, %arg3: memref<64x256xf32, #tpu.memory_space<vmem>>, %arg4: memref<1x1xf32, #tpu.memory_space<vmem>>) attributes {dimension_semantics = [], scalar_prefetch = 0 : i64, scratch_operands = 0 : i64, tpu.core_type = #tpu.core_type<tc>} {
    %get3A = arith.constant 0 : index
    %get3A_0 = arith.constant 0 : index
    %get3A_1 = vector.load %arg3[%get3A, %get3A_0] : memref<64x256xf32, #tpu.memory_space<vmem>>, vector<64x256xf32>
    %get3A_2 = arith.constant 0 : index
    %get3A_3 = arith.constant 0 : index
    %get3A_4 = arith.constant 0 : index
    %get3A_5 = vector.load %arg1[%get3A_2, %get3A_3, %get3A_4] : memref<2x64x256xi32, #tpu.memory_space<vmem>>, vector<1x64x256xi32>
    %get3A_6 = vector.shape_cast %get3A_5 : vector<1x64x256xi32> to vector<64x256xi32>
    %get3A_7 = arith.constant 1 : index
    %get3A_8 = arith.constant 0 : index
    %get3A_9 = arith.constant 0 : index
    %get3A_10 = vector.load %arg1[%get3A_7, %get3A_8, %get3A_9] : memref<2x64x256xi32, #tpu.memory_space<vmem>>, vector<1x64x256xi32>
    %get3A_11 = vector.shape_cast %get3A_10 : vector<1x64x256xi32> to vector<64x256xi32>
    %get3A_12 = arith.constant 0 : index
    %get3A_13 = arith.constant 0 : index
    %get3A_14 = arith.constant 0 : index
    %get3A_15 = vector.load %arg2[%get3A_12, %get3A_13, %get3A_14] : memref<2x64x256xf32, #tpu.memory_space<vmem>>, vector<1x64x256xf32>
    %get3A_16 = vector.shape_cast %get3A_15 : vector<1x64x256xf32> to vector<64x256xf32>
    %get3A_17 = arith.constant 1 : index
    %get3A_18 = arith.constant 0 : index
    %get3A_19 = arith.constant 0 : index
    %get3A_20 = vector.load %arg2[%get3A_17, %get3A_18, %get3A_19] : memref<2x64x256xf32, #tpu.memory_space<vmem>>, vector<1x64x256xf32>
    %get3A_21 = vector.shape_cast %get3A_20 : vector<1x64x256xf32> to vector<64x256xf32>
    %ne3A = arith.constant 0 : i32
    %ne3A_22 = vector.broadcast %ne3A : i32 to vector<64x256xi32>
    %ne3A_23 = arith.cmpi ne, %get3A_6, %ne3A_22 : vector<64x256xi32>
    %convert_element_type3A = arith.extui %ne3A_23 : vector<64x256xi1> to vector<64x256xi32>
    %convert_element_type3A_24 = arith.sitofp %convert_element_type3A : vector<64x256xi32> to vector<64x256xf32>
    %ne3A_25 = arith.constant 0 : i32
    %ne3A_26 = vector.broadcast %ne3A_25 : i32 to vector<64x256xi32>
    %ne3A_27 = arith.cmpi ne, %get3A_11, %ne3A_26 : vector<64x256xi32>
    %convert_element_type3A_28 = arith.extui %ne3A_27 : vector<64x256xi1> to vector<64x256xi32>
    %convert_element_type3A_29 = arith.sitofp %convert_element_type3A_28 : vector<64x256xi32> to vector<64x256xf32>
    %reduce_sum3A = vector.shape_cast %convert_element_type3A_24 : vector<64x256xf32> to vector<1x64x256xf32>
    %reduce_sum3A_30 = arith.constant dense<0.000000e+00> : vector<1xf32>
    %reduce_sum3A_31 = vector.multi_reduction <add>, %reduce_sum3A, %reduce_sum3A_30 [1, 2] : vector<1x64x256xf32> to vector<1xf32>
    %reduce_sum3A_32 = vector.shape_cast %reduce_sum3A_31 : vector<1xf32> to vector<1x1x1xf32>
    %reduce_sum3A_33 = vector.extract %reduce_sum3A_32[0, 0, 0] : f32 from vector<1x1x1xf32>
    %reduce_sum3A_34 = vector.shape_cast %convert_element_type3A_29 : vector<64x256xf32> to vector<1x64x256xf32>
    %reduce_sum3A_35 = arith.constant dense<0.000000e+00> : vector<1xf32>
    %reduce_sum3A_36 = vector.multi_reduction <add>, %reduce_sum3A_34, %reduce_sum3A_35 [1, 2] : vector<1x64x256xf32> to vector<1xf32>
    %reduce_sum3A_37 = vector.shape_cast %reduce_sum3A_36 : vector<1xf32> to vector<1x1x1xf32>
    %reduce_sum3A_38 = vector.extract %reduce_sum3A_37[0, 0, 0] : f32 from vector<1x1x1xf32>
    %get3A_39 = arith.constant 0 : index
    %get3A_40 = arith.constant 0 : index
    %get3A_41 = arith.constant 0 : index
    %get3A_42 = vector.load %arg0[%get3A_39, %get3A_40, %get3A_41] : memref<64x8x256xf32, #tpu.memory_space<vmem>>, vector<64x1x256xf32>
    %get3A_43 = vector.shape_cast %get3A_42 : vector<64x1x256xf32> to vector<64x256xf32>
    %get3A_44 = arith.constant 0 : index
    %get3A_45 = arith.constant 1 : index
    %get3A_46 = arith.constant 0 : index
    %get3A_47 = vector.load %arg0[%get3A_44, %get3A_45, %get3A_46] : memref<64x8x256xf32, #tpu.memory_space<vmem>>, vector<64x1x256xf32>
    %get3A_48 = vector.shape_cast %get3A_47 : vector<64x1x256xf32> to vector<64x256xf32>
    %mul3A = arith.mulf %get3A_43, %get3A_1 : vector<64x256xf32>
    %mul3A_49 = arith.mulf %get3A_48, %get3A_1 : vector<64x256xf32>
    %max3A = arith.maximumf %mul3A, %mul3A_49 : vector<64x256xf32>
    %sub3A = arith.subf %mul3A, %mul3A_49 : vector<64x256xf32>
    %abs3A = math.absf %sub3A : vector<64x256xf32>
    %neg3A = arith.constant 0.000000e+00 : f32
    %neg3A_50 = vector.broadcast %neg3A : f32 to vector<64x256xf32>
    %neg3A_51 = arith.subf %neg3A_50, %abs3A : vector<64x256xf32>
    %exp3A = math.exp %neg3A_51 : vector<64x256xf32>
    %add3A = arith.constant 1.000000e+00 : f32
    %add3A_52 = vector.broadcast %add3A : f32 to vector<64x256xf32>
    %add3A_53 = arith.addf %add3A_52, %exp3A : vector<64x256xf32>
    %log3A = math.log %add3A_53 : vector<64x256xf32>
    %add3A_54 = arith.addf %max3A, %log3A : vector<64x256xf32>
    %convert_element_type3A_55 = arith.sitofp %get3A_6 : vector<64x256xi32> to vector<64x256xf32>
    %sub3A_56 = arith.subf %mul3A_49, %mul3A : vector<64x256xf32>
    %mul3A_57 = arith.mulf %convert_element_type3A_55, %sub3A_56 : vector<64x256xf32>
    %add3A_58 = arith.addf %mul3A, %mul3A_57 : vector<64x256xf32>
    %sub3A_59 = arith.subf %add3A_54, %add3A_58 : vector<64x256xf32>
    %reduce_sum3A_60 = vector.shape_cast %sub3A_59 : vector<64x256xf32> to vector<1x64x256xf32>
    %reduce_sum3A_61 = arith.constant dense<0.000000e+00> : vector<1xf32>
    %reduce_sum3A_62 = vector.multi_reduction <add>, %reduce_sum3A_60, %reduce_sum3A_61 [1, 2] : vector<1x64x256xf32> to vector<1xf32>
    %reduce_sum3A_63 = vector.shape_cast %reduce_sum3A_62 : vector<1xf32> to vector<1x1x1xf32>
    %reduce_sum3A_64 = vector.extract %reduce_sum3A_63[0, 0, 0] : f32 from vector<1x1x1xf32>
    %div3A = arith.constant 1.638400e+04 : f32
    %div3A_65 = arith.divf %reduce_sum3A_64, %div3A : f32
    %get3A_66 = arith.constant 0 : index
    %get3A_67 = arith.constant 4 : index
    %get3A_68 = arith.constant 0 : index
    %get3A_69 = vector.load %arg0[%get3A_66, %get3A_67, %get3A_68] : memref<64x8x256xf32, #tpu.memory_space<vmem>>, vector<64x1x256xf32>
    %get3A_70 = vector.shape_cast %get3A_69 : vector<64x1x256xf32> to vector<64x256xf32>
    %get3A_71 = arith.constant 0 : index
    %get3A_72 = arith.constant 5 : index
    %get3A_73 = arith.constant 0 : index
    %get3A_74 = vector.load %arg0[%get3A_71, %get3A_72, %get3A_73] : memref<64x8x256xf32, #tpu.memory_space<vmem>>, vector<64x1x256xf32>
    %get3A_75 = vector.shape_cast %get3A_74 : vector<64x1x256xf32> to vector<64x256xf32>
    %mul3A_76 = arith.mulf %get3A_70, %get3A_1 : vector<64x256xf32>
    %mul3A_77 = arith.mulf %get3A_75, %get3A_1 : vector<64x256xf32>
    %max3A_78 = arith.maximumf %mul3A_76, %mul3A_77 : vector<64x256xf32>
    %sub3A_79 = arith.subf %mul3A_76, %mul3A_77 : vector<64x256xf32>
    %abs3A_80 = math.absf %sub3A_79 : vector<64x256xf32>
    %neg3A_81 = arith.constant 0.000000e+00 : f32
    %neg3A_82 = vector.broadcast %neg3A_81 : f32 to vector<64x256xf32>
    %neg3A_83 = arith.subf %neg3A_82, %abs3A_80 : vector<64x256xf32>
    %exp3A_84 = math.exp %neg3A_83 : vector<64x256xf32>
    %add3A_85 = arith.constant 1.000000e+00 : f32
    %add3A_86 = vector.broadcast %add3A_85 : f32 to vector<64x256xf32>
    %add3A_87 = arith.addf %add3A_86, %exp3A_84 : vector<64x256xf32>
    %log3A_88 = math.log %add3A_87 : vector<64x256xf32>
    %add3A_89 = arith.addf %max3A_78, %log3A_88 : vector<64x256xf32>
    %convert_element_type3A_90 = arith.sitofp %get3A_11 : vector<64x256xi32> to vector<64x256xf32>
    %sub3A_91 = arith.subf %mul3A_77, %mul3A_76 : vector<64x256xf32>
    %mul3A_92 = arith.mulf %convert_element_type3A_90, %sub3A_91 : vector<64x256xf32>
    %add3A_93 = arith.addf %mul3A_76, %mul3A_92 : vector<64x256xf32>
    %sub3A_94 = arith.subf %add3A_89, %add3A_93 : vector<64x256xf32>
    %reduce_sum3A_95 = vector.shape_cast %sub3A_94 : vector<64x256xf32> to vector<1x64x256xf32>
    %reduce_sum3A_96 = arith.constant dense<0.000000e+00> : vector<1xf32>
    %reduce_sum3A_97 = vector.multi_reduction <add>, %reduce_sum3A_95, %reduce_sum3A_96 [1, 2] : vector<1x64x256xf32> to vector<1xf32>
    %reduce_sum3A_98 = vector.shape_cast %reduce_sum3A_97 : vector<1xf32> to vector<1x1x1xf32>
    %reduce_sum3A_99 = vector.extract %reduce_sum3A_98[0, 0, 0] : f32 from vector<1x1x1xf32>
    %div3A_100 = arith.constant 1.638400e+04 : f32
    %div3A_101 = arith.divf %reduce_sum3A_99, %div3A_100 : f32
    %add3A_102 = arith.addf %div3A_65, %div3A_101 : f32
    %get3A_103 = arith.constant 0 : index
    %get3A_104 = arith.constant 2 : index
    %get3A_105 = arith.constant 0 : index
    %get3A_106 = vector.load %arg0[%get3A_103, %get3A_104, %get3A_105] : memref<64x8x256xf32, #tpu.memory_space<vmem>>, vector<64x1x256xf32>
    %get3A_107 = vector.shape_cast %get3A_106 : vector<64x1x256xf32> to vector<64x256xf32>
    %sin3A = math.sin %get3A_16 : vector<64x256xf32>
    %sub3A_108 = arith.subf %get3A_107, %sin3A : vector<64x256xf32>
    %abs3A_109 = math.absf %sub3A_108 : vector<64x256xf32>
    %lt3A = arith.constant 1.000000e+00 : f32
    %lt3A_110 = vector.broadcast %lt3A : f32 to vector<64x256xf32>
    %lt3A_111 = arith.cmpf olt, %abs3A_109, %lt3A_110 : vector<64x256xf32>
    %mul3A_112 = arith.constant 5.000000e-01 : f32
    %mul3A_113 = vector.broadcast %mul3A_112 : f32 to vector<64x256xf32>
    %mul3A_114 = arith.mulf %mul3A_113, %sub3A_108 : vector<64x256xf32>
    %mul3A_115 = arith.mulf %mul3A_114, %sub3A_108 : vector<64x256xf32>
    %sub3A_116 = arith.constant 5.000000e-01 : f32
    %sub3A_117 = vector.broadcast %sub3A_116 : f32 to vector<64x256xf32>
    %sub3A_118 = arith.subf %abs3A_109, %sub3A_117 : vector<64x256xf32>
    %select_n3A = arith.select %lt3A_111, %mul3A_115, %sub3A_118 : vector<64x256xi1>, vector<64x256xf32>
    %mul3A_119 = arith.mulf %select_n3A, %convert_element_type3A_24 : vector<64x256xf32>
    %reduce_sum3A_120 = vector.shape_cast %mul3A_119 : vector<64x256xf32> to vector<1x64x256xf32>
    %reduce_sum3A_121 = arith.constant dense<0.000000e+00> : vector<1xf32>
    %reduce_sum3A_122 = vector.multi_reduction <add>, %reduce_sum3A_120, %reduce_sum3A_121 [1, 2] : vector<1x64x256xf32> to vector<1xf32>
    %reduce_sum3A_123 = vector.shape_cast %reduce_sum3A_122 : vector<1xf32> to vector<1x1x1xf32>
    %reduce_sum3A_124 = vector.extract %reduce_sum3A_123[0, 0, 0] : f32 from vector<1x1x1xf32>
    %get3A_125 = arith.constant 0 : index
    %get3A_126 = arith.constant 3 : index
    %get3A_127 = arith.constant 0 : index
    %get3A_128 = vector.load %arg0[%get3A_125, %get3A_126, %get3A_127] : memref<64x8x256xf32, #tpu.memory_space<vmem>>, vector<64x1x256xf32>
    %get3A_129 = vector.shape_cast %get3A_128 : vector<64x1x256xf32> to vector<64x256xf32>
    %cos3A = math.cos %get3A_16 : vector<64x256xf32>
    %sub3A_130 = arith.subf %get3A_129, %cos3A : vector<64x256xf32>
    %abs3A_131 = math.absf %sub3A_130 : vector<64x256xf32>
    %lt3A_132 = arith.constant 1.000000e+00 : f32
    %lt3A_133 = vector.broadcast %lt3A_132 : f32 to vector<64x256xf32>
    %lt3A_134 = arith.cmpf olt, %abs3A_131, %lt3A_133 : vector<64x256xf32>
    %mul3A_135 = arith.constant 5.000000e-01 : f32
    %mul3A_136 = vector.broadcast %mul3A_135 : f32 to vector<64x256xf32>
    %mul3A_137 = arith.mulf %mul3A_136, %sub3A_130 : vector<64x256xf32>
    %mul3A_138 = arith.mulf %mul3A_137, %sub3A_130 : vector<64x256xf32>
    %sub3A_139 = arith.constant 5.000000e-01 : f32
    %sub3A_140 = vector.broadcast %sub3A_139 : f32 to vector<64x256xf32>
    %sub3A_141 = arith.subf %abs3A_131, %sub3A_140 : vector<64x256xf32>
    %select_n3A_142 = arith.select %lt3A_134, %mul3A_138, %sub3A_141 : vector<64x256xi1>, vector<64x256xf32>
    %mul3A_143 = arith.mulf %select_n3A_142, %convert_element_type3A_24 : vector<64x256xf32>
    %reduce_sum3A_144 = vector.shape_cast %mul3A_143 : vector<64x256xf32> to vector<1x64x256xf32>
    %reduce_sum3A_145 = arith.constant dense<0.000000e+00> : vector<1xf32>
    %reduce_sum3A_146 = vector.multi_reduction <add>, %reduce_sum3A_144, %reduce_sum3A_145 [1, 2] : vector<1x64x256xf32> to vector<1xf32>
    %reduce_sum3A_147 = vector.shape_cast %reduce_sum3A_146 : vector<1xf32> to vector<1x1x1xf32>
    %reduce_sum3A_148 = vector.extract %reduce_sum3A_147[0, 0, 0] : f32 from vector<1x1x1xf32>
    %add3A_149 = arith.addf %reduce_sum3A_124, %reduce_sum3A_148 : f32
    %get3A_150 = arith.constant 0 : index
    %get3A_151 = arith.constant 6 : index
    %get3A_152 = arith.constant 0 : index
    %get3A_153 = vector.load %arg0[%get3A_150, %get3A_151, %get3A_152] : memref<64x8x256xf32, #tpu.memory_space<vmem>>, vector<64x1x256xf32>
    %get3A_154 = vector.shape_cast %get3A_153 : vector<64x1x256xf32> to vector<64x256xf32>
    %sin3A_155 = math.sin %get3A_21 : vector<64x256xf32>
    %sub3A_156 = arith.subf %get3A_154, %sin3A_155 : vector<64x256xf32>
    %abs3A_157 = math.absf %sub3A_156 : vector<64x256xf32>
    %lt3A_158 = arith.constant 1.000000e+00 : f32
    %lt3A_159 = vector.broadcast %lt3A_158 : f32 to vector<64x256xf32>
    %lt3A_160 = arith.cmpf olt, %abs3A_157, %lt3A_159 : vector<64x256xf32>
    %mul3A_161 = arith.constant 5.000000e-01 : f32
    %mul3A_162 = vector.broadcast %mul3A_161 : f32 to vector<64x256xf32>
    %mul3A_163 = arith.mulf %mul3A_162, %sub3A_156 : vector<64x256xf32>
    %mul3A_164 = arith.mulf %mul3A_163, %sub3A_156 : vector<64x256xf32>
    %sub3A_165 = arith.constant 5.000000e-01 : f32
    %sub3A_166 = vector.broadcast %sub3A_165 : f32 to vector<64x256xf32>
    %sub3A_167 = arith.subf %abs3A_157, %sub3A_166 : vector<64x256xf32>
    %select_n3A_168 = arith.select %lt3A_160, %mul3A_164, %sub3A_167 : vector<64x256xi1>, vector<64x256xf32>
    %mul3A_169 = arith.mulf %select_n3A_168, %convert_element_type3A_29 : vector<64x256xf32>
    %reduce_sum3A_170 = vector.shape_cast %mul3A_169 : vector<64x256xf32> to vector<1x64x256xf32>
    %reduce_sum3A_171 = arith.constant dense<0.000000e+00> : vector<1xf32>
    %reduce_sum3A_172 = vector.multi_reduction <add>, %reduce_sum3A_170, %reduce_sum3A_171 [1, 2] : vector<1x64x256xf32> to vector<1xf32>
    %reduce_sum3A_173 = vector.shape_cast %reduce_sum3A_172 : vector<1xf32> to vector<1x1x1xf32>
    %reduce_sum3A_174 = vector.extract %reduce_sum3A_173[0, 0, 0] : f32 from vector<1x1x1xf32>
    %get3A_175 = arith.constant 0 : index
    %get3A_176 = arith.constant 7 : index
    %get3A_177 = arith.constant 0 : index
    %get3A_178 = vector.load %arg0[%get3A_175, %get3A_176, %get3A_177] : memref<64x8x256xf32, #tpu.memory_space<vmem>>, vector<64x1x256xf32>
    %get3A_179 = vector.shape_cast %get3A_178 : vector<64x1x256xf32> to vector<64x256xf32>
    %cos3A_180 = math.cos %get3A_21 : vector<64x256xf32>
    %sub3A_181 = arith.subf %get3A_179, %cos3A_180 : vector<64x256xf32>
    %abs3A_182 = math.absf %sub3A_181 : vector<64x256xf32>
    %lt3A_183 = arith.constant 1.000000e+00 : f32
    %lt3A_184 = vector.broadcast %lt3A_183 : f32 to vector<64x256xf32>
    %lt3A_185 = arith.cmpf olt, %abs3A_182, %lt3A_184 : vector<64x256xf32>
    %mul3A_186 = arith.constant 5.000000e-01 : f32
    %mul3A_187 = vector.broadcast %mul3A_186 : f32 to vector<64x256xf32>
    %mul3A_188 = arith.mulf %mul3A_187, %sub3A_181 : vector<64x256xf32>
    %mul3A_189 = arith.mulf %mul3A_188, %sub3A_181 : vector<64x256xf32>
    %sub3A_190 = arith.constant 5.000000e-01 : f32
    %sub3A_191 = vector.broadcast %sub3A_190 : f32 to vector<64x256xf32>
    %sub3A_192 = arith.subf %abs3A_182, %sub3A_191 : vector<64x256xf32>
    %select_n3A_193 = arith.select %lt3A_185, %mul3A_189, %sub3A_192 : vector<64x256xi1>, vector<64x256xf32>
    %mul3A_194 = arith.mulf %select_n3A_193, %convert_element_type3A_29 : vector<64x256xf32>
    %reduce_sum3A_195 = vector.shape_cast %mul3A_194 : vector<64x256xf32> to vector<1x64x256xf32>
    %reduce_sum3A_196 = arith.constant dense<0.000000e+00> : vector<1xf32>
    %reduce_sum3A_197 = vector.multi_reduction <add>, %reduce_sum3A_195, %reduce_sum3A_196 [1, 2] : vector<1x64x256xf32> to vector<1xf32>
    %reduce_sum3A_198 = vector.shape_cast %reduce_sum3A_197 : vector<1xf32> to vector<1x1x1xf32>
    %reduce_sum3A_199 = vector.extract %reduce_sum3A_198[0, 0, 0] : f32 from vector<1x1x1xf32>
    %add3A_200 = arith.addf %reduce_sum3A_174, %reduce_sum3A_199 : f32
    %gt3A = arith.constant 0.000000e+00 : f32
    %gt3A_201 = arith.cmpf ogt, %reduce_sum3A_33, %gt3A : f32
    %div3A_202 = arith.divf %add3A_149, %reduce_sum3A_33 : f32
    %jit3A = arith.constant 0.000000e+00 : f32
    %select_n3A_203 = arith.select %gt3A_201, %div3A_202, %jit3A : f32
    %add3A_204 = arith.addf %add3A_102, %select_n3A_203 : f32
    %gt3A_205 = arith.constant 0.000000e+00 : f32
    %gt3A_206 = arith.cmpf ogt, %reduce_sum3A_38, %gt3A_205 : f32
    %div3A_207 = arith.divf %add3A_200, %reduce_sum3A_38 : f32
    %jit3A_208 = arith.constant 0.000000e+00 : f32
    %select_n3A_209 = arith.select %gt3A_206, %div3A_207, %jit3A_208 : f32
    %add3A_210 = arith.addf %add3A_204, %select_n3A_209 : f32
    %reshape3A = vector.broadcast %add3A_210 : f32 to vector<1x1xf32>
    %swap3A = arith.constant 0 : index
    %swap3A_211 = arith.constant 0 : index
    %swap3A_212 = vector.load %arg4[%swap3A, %swap3A_211] : memref<1x1xf32, #tpu.memory_space<vmem>>, vector<1x1xf32>
    tpu.vector_store %arg4[%swap3A, %swap3A_211], %reshape3A {strides = array<i32>} : memref<1x1xf32, #tpu.memory_space<vmem>>, vector<1x1xf32>,
    return
  }
}

</mosaic_0001>

<sc_bundles>
// kernel: kernel.4.cloned.1.call-start
scs
__scs_entry_jumppad:
0x0: {  	(pc) =	sbr.rel $0x88, $3  }
0x1: {  	(tag) =	ssettag $0x0;
	lr =	simm.s32 $0x1  }
0x2: {  	[smem:$0x3F9C] =	sst lr;
	_ =	strace $0xD0000000  }
0x3: {  	_ = 	snop  }
0x4: {  	_ = 	snop  }
0x5: {  	_ = 	snop  }
0x6: {  	_ = 	snop  }
0x7: {  	_ = 	snop  }
__scs_overlays_trampoline_lowered:
0x8: {  	[smem:$0x3FAB] =	sst s0  }
0x9: {  	[smem:$0x3FAC] =	sst s1  }
0xa: {  	[smem:$0x3FAD] =	sst s2  }
0xb: {  	[smem:$0x3FAE] =	sst s3  }
0xc: {  	[smem:$0x3FAF] =	sst s4  }
0xd: {  	[smem:$0x3FB0] =	sst s5  }
0xe: {  	[smem:$0x3FB1] =	sst s6  }
0xf: {  	[smem:$0x3FB2] =	sst s7  }
0x10: {  	[smem:$0x3FB3] =	sst s8  }
0x11: {  	[smem:$0x3FB4] =	sst s9;
	s0 =	simm.s32 @!p0 $0x0  }
0x12: {  	s1 =	sld [smem:$0x3F9A];
	s0 =	simm.s32 @p0 $0x1  }
0x13: {  	[smem:$0x3FB5] =	sst s0;
	s0 =	simm.s32 @!p1 $0x0  }
0x14: {  	s2 =	sld [smem:$0x3F99];
	s0 =	simm.s32 @p1 $0x1  }
0x15: {  	[smem:$0x3FB6] =	sst s0;
	s0 =	simm.s32 @!p2 $0x0  }
0x16: {  	s3 =	sld [smem:$0x3FDB];
	s0 =	simm.s32 @p2 $0x1  }
0x17: {  	s4 =	simm.s32 $0x1BF5;
	[smem:$0x3FB8] =	sst s0  }
0x18: {  	s0 =	sld [smem:$0x3F9B];
	_ =	swait.ge [sflag:s4], $0x0  }
0x19: {  	s7 =	sld [smem:$0x3F9C]  }
0x1a: {  	s8 =	sadd.s32 $0xFFFFE003, lr  }
0x1b: {  	s9 =	sadd.s32 $0xFFFFFEF7, lr;
	s5 =	simm.s32 $0xFFFFFFFF;
	p2 =	slt.u32 s8, $0xFFFFF086  }
0x1c: {  	p1 =	slt.u32 s9, $0xF7A;
	s5 =	simm.s32 @!p2 $0x0  }
0x1d: {  	s5 =	simm.s32 @p1 $0x1;
	p0 =	seq.s32 s7, s2  }
0x1e: {  	s7 =	smul.u32 @!p0 $0xF7A, s2;
	p2 =	seq.s32 @!p0 s5, $0x0  }
0x1f: {  	s9 =	smul.u32 $0xF7A, s1;
	s8 =	simm.s32 @!p0 $0x1BF5;
	p2 =	por !p2, p0  }
0x20: {  	[sflag:s8] =	ssyncset.s32 @!p0 $0xFFFFF086;
	s6 =	sadd.s32 @!p0 s3, s7;
	s7 =	simm.s32 @!p0 $0x108  }
0x21: {  	s3 =	sadd.s32 s3, s9;
	s6 =	sadd.s32 @!p0 $0x88, s6;
	s7 =	simm.s32 @p2 $0x1082  }
0x22: {  	[simem:s7], [sflag:s8] =	dma.local @!p0 [hbm:s6], $0xF7A  }
0x23: {  	s9 =	sor.u32 $0xD0000000, s2;
	s6 =	simm.s32 $0x108;
	_ =	swait.ge @!p0 [sflag:s8], $0x0  }
0x24: {  	s3 =	sadd.s32 $0x88, s3;
	s6 =	simm.s32 @!p1 $0x1082;
	[sflag:s4] =	ssyncset.s32 $0xFFFFF086  }
0x25: {  	[simem:s6], [sflag:s4] =	dma.local [hbm:s3], $0xF7A  }
0x26: {  	[smem:$0x3F9C] =	sst s1;
	(tag) =	ssettag s2;
	_ =	strace s9  }
0x27: {  	s1 =	sld [smem:$0x3FAC]  }
0x28: {  	s2 =	sld [smem:$0x3FAD]  }
0x29: {  	s4 =	sld [smem:$0x3FAF]  }
0x2a: {  	p0 =	seq.s32 s5, $0x0;
	s5 =	sld [smem:$0x3FB0]  }
0x2b: {  	s6 =	sld [smem:$0x3FB1]  }
0x2c: {  	s7 =	sld [smem:$0x3FB2]  }
0x2d: {  	s3 =	simm.s32 $0x108;
	s8 =	sld [smem:$0x3FB3]  }
0x2e: {  	s3 =	simm.s32 @!p0 $0x1082;
	s9 =	sld [smem:$0x3FB4]  }
0x2f: {  	lr =	sadd.s32 s0, s3;
	s0 =	sld [smem:$0x3FAB]  }
0x30: {  	s3 =	sld [smem:$0x3FAE]  }
0x31: {  	[smem:$0x3FB7] =	sst s10  }
0x32: {  	s10 =	sld [smem:$0x3FB5];
	_ =	sdelay $0x3  }
0x33: {  	p0 =	seq.s32 s10, $0x1;
	s10 =	sld [smem:$0x3FB7];
	_ =	sdelay $0x3  }
0x34: {  	[smem:$0x3FB7] =	sst s10  }
0x35: {  	s10 =	sld [smem:$0x3FB6];
	_ =	sdelay $0x3  }
0x36: {  	p1 =	seq.s32 s10, $0x1;
	s10 =	sld [smem:$0x3FB7];
	_ =	sdelay $0x3  }
0x37: {  	[smem:$0x3FB7] =	sst s10  }
0x38: {  	s10 =	sld [smem:$0x3FB8]  }
0x39: {  	_ = 	snop;
	(pc) =	sbr.ind lr, $3  }
0x3a: {  	_ = 	snop  }
0x3b: {  	_ = 	snop  }
0x3c: {  	p2 =	seq.s32 s10, $0x1;
	s10 =	sld [smem:$0x3FB7]  }
0x3d: {  	_ =	shalt  }
0x3e: {  	_ =	shalt  }
0x3f: {  	_ =	shalt  }
0x40: {  	_ =	shalt  }
0x41: {  	_ =	shalt  }
0x42: {  	_ =	shalt  }
0x43: {  	_ =	shalt  }
0x44: {  	_ =	shalt  }
0x45: {  	_ =	shalt  }
0x46: {  	_ =	shalt  }
0x47: {  	_ =	shalt  }
0x48: {  	_ =	shalt  }
0x49: {  	_ =	shalt  }
0x4a: {  	_ =	shalt  }
0x4b: {  	_ =	shalt  }
0x4c: {  	_ =	shalt  }
0x4d: {  	_ =	shalt  }
0x4e: {  	_ =	shalt  }
0x4f: {  	_ =	shalt  }
0x50: {  	_ =	shalt  }
0x51: {  	_ =	shalt  }
0x52: {  	_ =	shalt  }
0x53: {  	_ =	shalt  }
0x54: {  	_ =	shalt  }
0x55: {  	_ =	shalt  }
0x56: {  	_ =	shalt  }
0x57: {  	_ =	shalt  }
0x58: {  	_ =	shalt  }
0x59: {  	_ =	shalt  }
0x5a: {  	_ =	shalt  }
0x5b: {  	_ =	shalt  }
0x5c: {  	_ =	shalt  }
0x5d: {  	_ =	shalt  }
0x5e: {  	_ =	shalt  }
0x5f: {  	_ =	shalt  }
0x60: {  	_ =	shalt  }
0x61: {  	_ =	shalt  }
0x62: {  	_ =	shalt  }
0x63: {  	_ =	shalt  }
0x64: {  	_ =	shalt  }
0x65: {  	_ =	shalt  }
0x66: {  	_ =	shalt  }
0x67: {  	_ =	shalt  }
0x68: {  	_ =	shalt  }
0x69: {  	_ =	shalt  }
0x6a: {  	_ =	shalt  }
0x6b: {  	_ =	shalt  }
0x6c: {  	_ =	shalt  }
0x6d: {  	_ =	shalt  }
0x6e: {  	_ =	shalt  }
0x6f: {  	_ =	shalt  }
0x70: {  	_ =	shalt  }
0x71: {  	_ =	shalt  }
0x72: {  	_ =	shalt  }
0x73: {  	_ =	shalt  }
0x74: {  	_ =	shalt  }
0x75: {  	_ =	shalt  }
0x76: {  	_ =	shalt  }
0x77: {  	_ =	shalt  }
0x78: {  	_ =	shalt  }
0x79: {  	_ =	shalt  }
0x7a: {  	_ =	shalt  }
0x7b: {  	_ =	shalt  }
0x7c: {  	_ =	shalt  }
0x7d: {  	_ =	shalt  }
0x7e: {  	_ =	shalt  }
0x7f: {  	_ =	shalt  }
0x80: {  	_ =	shalt  }
0x81: {  	_ =	shalt  }
0x82: {  	_ =	shalt  }
0x83: {  	_ =	shalt  }
0x84: {  	_ =	shalt  }
0x85: {  	_ =	shalt  }
0x86: {  	_ =	shalt  }
0x87: {  	_ =	shalt  }
.Lfunc_end0:
.L_simem_size_0:
called_computation_lowered:
.L_overlay_start_0:
0x88: {  	s2 =	sld [smem:$0x3FD9]  }
0x89: {  	s3 =	sld [smem:$0x3FFE];
	_ =	sdelay $0x1  }
0x8a: {  	s1 =	srdreg.scid  }
0x8b: {  	s0 =	sand.u32 $0x1, s1  }
0x8c: {  	s17 =	sshll.u32 s0, $0xA;
	s2 =	sadd.s32 s3, s2  }
0x8d: {  	s2 =	sadd.s32 s2, s17  }
0x8e: {  	[smem:$0x3FC3] =	sst s2  }
0x8f: {  	_ = 	snop  }
0x90: {  	s2 =	sld [smem:$0x3FC9];
	(tm) =	ssettm $0x1  }
0x91: {  	s18 =	sld [smem:$0x3FFB];
	_ =	sdelay $0x3  }
0x92: {  	_ =	strace s18  }
0x93: {  	s3 =	sld [smem:$0x3FFC];
	_ =	sdelay $0x3  }
0x94: {  	_ =	strace s3  }
0x95: {  	s3 =	sld [smem:$0x3FFD];
	_ =	sdelay $0x3  }
0x96: {  	_ =	strace s3  }
0x97: {  	_ =	strace $0x8FFFFFFF  }
0x98: {  	s19 =	sld [smem:$0x3FDB];
	_ =	sdelay $0x1  }
0x99: {  	s4 =	simm.s32 $_scs_section_size  }
0x9a: {  	s5 =	simm.s32 $_size__tile_overlayer_lowered;
	s6 =	simm.s32 $_tile_overlayer_lowered  }
0x9b: {  	s22 =	simm.s32 $0x1BFF;
	s21 =	sshll.u32 s6, $0x1;
	s3 =	sadd.s32 s4, s19  }
0x9c: {  	s7 =	simm.s32 $0x0;
	s20 =	sshll.u32 s5, $0x1;
	s5 =	sadd.s32 s21, s3  }
0x9d: {  	[timem:s7], [sflag:s22] =	dma.local [hbm:s5], s20  }
0x9e: {  	_ =	swait.ge [sflag:s22], s20  }
0x9f: {  	s4 =	ssub.s32 $0x0, s20;
	[sflag:s22] =	ssyncset.done $0x0  }
0xa0: {  	[sflag:s22] =	ssyncadd.s32 s4;
	_ =	sdelay $0x1  }
0xa1: {  	s23 =	simm.s32 $0x1B8B  }
0xa2: {  	_ =	swait.ge [sflag:s23], $0x1  }
0xa3: {  	[sflag:s23] =	ssyncset.done $0x0  }
0xa4: {  	s25 =	simm.s32 $0x1B8E;
	s24 =	sld [smem:$0x3FFE];
	[sflag:s23] =	ssyncadd.s32 $0xFFFFFFFF  }
0xa5: {  	s26 =	simm.s32 $execute0_lowered;
	[smem:$0x3FD2] =	sst s25  }
0xa6: {  	s5 =	sshll.u32 s26, $0x1;
	_ =	strace $0x80000046;
	[dreg:$0x1] =	wrdreg $0xFFFFFFFF  }
0xa7: {  	s28 =	simm.s32 $_size_execute0_lowered;
	s3 =	sadd.s32 s3, s5;
	[dreg:$0x0] =	wrdreg $0x0  }
0xa8: {  	s5 =	sshll.u32 s28, $0x1;
	[dreg:$0x2] =	wrdreg s3  }
0xa9: {  	[dreg:$0x3] =	wrdreg s5  }
0xaa: {  	[dreg:$0x4] =	wrdreg $0xC0  }
0xab: {  	_ =	task [dreg:s7], $0x5FFFF  }
0xac: {  	[dreg:$0x1] =	wrdreg $0xFFFFFFFF  }
0xad: {  	[dreg:$0x0] =	wrdreg $0x60  }
0xae: {  	[dreg:$0x2] =	wrdreg s2  }
0xaf: {  	[dreg:$0x3] =	wrdreg s24  }
0xb0: {  	[dreg:$0x4] =	wrdreg $0x9  }
0xb1: {  	_ =	task.clear_ibuf [dreg:s7], $0x5FFFF;
	_ =	strace $0x90000046  }
0xb2: {  	s29 =	simm.s32 $0x9;
	_ =	strace $0x80000048  }
0xb3: {  	_ =	swait.ge [sflag:s29], $0x1  }
0xb4: {  	[sflag:s29] =	ssyncadd.s32 $0xFFFFFFFF  }
0xb5: {  	_ =	strace $0x90000048  }
0xb6: {  	_ =	sfence  }
0xb7: {  	s30 =	sld [smem:$0x0];
	_ =	sdelay $0x2  }
0xb8: {  	s31 =	sshll.u32 s1, $0xD;
	s1 =	sshrl.u32 s1, $0x2  }
0xb9: {  	s3 =	sand.u32 $0x4000, s31;
	s1 =	sadd.s32 s1, s30  }
0xba: {  	s0 =	sor.u32 s3, s0;
	s1 =	sshll.u32 s1, $0x11  }
0xbb: {  	s0 =	sor.u32 s1, s0  }
0xbc: {  	s0 =	sadd.s32 $0x8F2B, s0  }
0xbd: {  	[sflag:s0] =	ssyncadd.remote.s32 $0x1  }
0xbe: {  	_ =	sfence.sel $0xFFFF  }
0xbf: {  	[dreg:$0x0] =	wrdreg $0xFFFFFFFF;
	(pc) =	sbr.abs _section_cstart, $3  }
0xc0: {  	[dreg:$0x1] =	wrdreg $0xFFFFFFFF  }
0xc1: {  	_ =	task.clear_ibuf [dreg:s7], $0x2FFFF;
	_ =	strace $0x9FFFFFFF  }
0xc2: {  	(tm) =	ssettm $0x7FFFFFFF  }
0xc3: {  	_ =	shalt  }
tec
execute0_lowered:
.L_overlay_start_1:
0x0: {  	(tag) =	ssettag $0x1  }
0x1: {  	s2 =	rddreg [dreg:$0x0]  }
0x2: {  	s4 =	rddreg [dreg:$0x1]  }
0x3: {  	s0 =	rddreg [dreg:$0x2]  }
0x4: {  	s5 =	srdreg.scid;
	s1 =	stileid.u32;
	s3 =	simm.s32 $0x0  }
0x5: {  	s5 =	sand.u32 $0x1, s5;
	s6 =	sshll.u32 s1, $0x1;
	[smem:$0x7FF] =	sst s3  }
0x6: {  	s6 =	sor.u32 s5, s6;
	_ =	strace $0x80000047;
	s5 =	ssub.s32 $0x2, s5  }
0x7: {  	s7 =	sshll.u32 s6, $0x6;
	s8 =	sshll.u32 s6, $0x9;
	s29 =	sshrl.u32 s5, $0x1  }
0x8: {  	s6 =	sshll.u32 s6, $0x14;
	s7 =	sadd.s32 s7, s4;
	s8 =	sadd.s32 s8, s4  }
0x9: {  	s9 =	ssub.s32 s5, s29;
	s30 =	sor.u32 $0x10000, s6;
	s31 =	sor.u32 $0x20000, s6  }
0xa: {  	s10 =	sor.u32 $0x30000, s6;
	s11 =	sor.u32 $0x40000, s6;
	s12 =	sor.u32 $0x50000, s6  }
0xb: {  	s13 =	sor.u32 $0x60000, s6;
	s14 =	sor.u32 $0x70000, s6;
	s15 =	sor.u32 $0x80000, s6  }
0xc: {  	s16 =	sor.u32 $0x90000, s6;
	s17 =	sor.u32 $0xA0000, s6;
	s18 =	sor.u32 $0xB0000, s6  }
0xd: {  	s19 =	sor.u32 $0xC0000, s6;
	s20 =	sor.u32 $0xD0000, s6;
	v2 =	vmov s6;
	s21 =	sor.u32 $0xE0000, s6  }
0xe: {  	s22 =	sor.u32 $0xF0000, s6;
	s4 =	sadd.s32 $0xC00, s7;
	v0 =	vmov s30;
	v1 =	vmov s31;
	v3 =	vmov s10;
	s5 =	sadd.s32 $0x1400, s8  }
0xf: {  	v4 =	vmov s11;
	v5 =	vmov s12;
	v6 =	vmov s13;
	s6 =	smax.u32 s9, $0x1;
	s7 =	simm.s32 $0x2;
	s8 =	simm.s32 $0x400  }
0x10: {  	v7 =	vmov s14;
	v8 =	vmov s15;
	v9 =	vmov s16;
	s9 =	simm.s32 $0x200;
	s10 =	simm.s32 $0x1200;
	s11 =	simm.s32 $0x600  }
0x11: {  	v10 =	vmov s17;
	v11 =	vmov s18;
	v12 =	vmov s19;
	s12 =	simm.s32 $0x1600;
	s13 =	simm.s32 $0xA00;
	s14 =	simm.s32 $0x1A00  }
0x12: {  	v13 =	vmov s20;
	v14 =	vmov s21;
	v15 =	vmov s22;
	s15 =	simm.s32 $0xE00;
	s16 =	simm.s32 $0x1E00;
	s17 =	simm.s32 $0x1  }
.LBB2_1:
0x13: {  	[tilespmem:s3], [sflag:$0x2] =	stream.linear.gather [hbm4b:s4+s3], $0x200, $0x38;
	[tilespmem:$0x2200] =	vst v63  }
0x14: {  	_ =	swait.ge [sflag:s7], $0x200  }
0x15: {  	[sflag:s7] =	ssyncset.done $0x0  }
0x16: {  	[sflag:s7] =	ssyncadd.s32 $0xFFFFFE00  }
0x17: {  	v16 =	vld [tilespmem:$0x0];
	_ =	sdelay $0x4  }
0x18: {  	v17 =	vshll.u32 v16, $0x3  }
0x19: {  	v18 =	vshrl.u32 v16, $0x1;
	v16 =	vand.u32 $0xFFFFF87F, v16;
	v17 =	vand.u32 $0x400, v17  }
0x1a: {  	v18 =	vand.u32 $0x380, v18;
	v16 =	vor.u32 v17, v16  }
0x1b: {  	v17 =	vld [tilespmem:$0x10];
	v16 =	vor.u32 v18, v16  }
0x1c: {  	v18 =	vadd.s32 v2, v16  }
0x1d: {  	v27 =	vadd.s32 v0, v16;
	[tilespmem:$0x200] =	vst v18  }
0x1e: {  	v28 =	vadd.s32 v1, v16;
	[tilespmem:$0x280] =	vst v27  }
0x1f: {  	v29 =	vadd.s32 v3, v16;
	[tilespmem:$0x300] =	vst v28  }
0x20: {  	v30 =	vadd.s32 v4, v16;
	v19 =	vadd.s32 v5, v16;
	[tilespmem:$0x380] =	vst v29;
	v20 =	vshll.u32 v17, $0x3  }
0x21: {  	[tilespmem:$0x400] =	vst v30;
	v32 =	vshrl.u32 v17, $0x1;
	v17 =	vand.u32 $0xFFFFF87F, v17;
	v31 =	vand.u32 $0x400, v20  }
0x22: {  	v33 =	vadd.s32 v6, v16;
	[tilespmem:$0x480] =	vst v19;
	v20 =	vand.u32 $0x380, v32;
	v17 =	vor.u32 v31, v17  }
0x23: {  	v34 =	vld [tilespmem:$0x20];
	v16 =	vadd.s32 v7, v16;
	[tilespmem:$0x500] =	vst v33;
	v17 =	vor.u32 v20, v17  }
0x24: {  	[tilespmem:$0x580] =	vst v16;
	v16 =	vadd.s32 v2, v17  }
0x25: {  	[tilespmem:$0x210] =	vst v16;
	v16 =	vadd.s32 v0, v17  }
0x26: {  	[tilespmem:$0x290] =	vst v16;
	v16 =	vadd.s32 v1, v17  }
0x27: {  	[tilespmem:$0x310] =	vst v16;
	v16 =	vadd.s32 v3, v17  }
0x28: {  	v36 =	vshll.u32 v34, $0x3;
	v37 =	vshrl.u32 v34, $0x1;
	[tilespmem:$0x390] =	vst v16;
	v16 =	vadd.s32 v4, v17  }
0x29: {  	v18 =	vand.u32 $0xFFFFF87F, v34;
	v35 =	vadd.s32 v5, v17;
	[tilespmem:$0x410] =	vst v16;
	v16 =	vand.u32 $0x400, v36  }
0x2a: {  	v20 =	vand.u32 $0x380, v37;
	v38 =	vadd.s32 v6, v17;
	[tilespmem:$0x490] =	vst v35;
	v16 =	vor.u32 v16, v18  }
0x2b: {  	v39 =	vld [tilespmem:$0x30];
	[tilespmem:$0x510] =	vst v38;
	v17 =	vadd.s32 v7, v17;
	v16 =	vor.u32 v20, v16  }
0x2c: {  	[tilespmem:$0x590] =	vst v17;
	v17 =	vadd.s32 v2, v16  }
0x2d: {  	[tilespmem:$0x220] =	vst v17;
	v17 =	vadd.s32 v0, v16  }
0x2e: {  	[tilespmem:$0x2A0] =	vst v17;
	v17 =	vadd.s32 v1, v16  }
0x2f: {  	[tilespmem:$0x320] =	vst v17;
	v17 =	vadd.s32 v3, v16  }
0x30: {  	v41 =	vshll.u32 v39, $0x3;
	v42 =	vshrl.u32 v39, $0x1;
	[tilespmem:$0x3A0] =	vst v17;
	v17 =	vadd.s32 v4, v16  }
0x31: {  	v18 =	vand.u32 $0xFFFFF87F, v39;
	v40 =	vadd.s32 v5, v16;
	[tilespmem:$0x420] =	vst v17;
	v17 =	vand.u32 $0x400, v41  }
0x32: {  	v20 =	vand.u32 $0x380, v42;
	v43 =	vadd.s32 v6, v16;
	[tilespmem:$0x4A0] =	vst v40;
	v17 =	vor.u32 v17, v18  }
0x33: {  	v44 =	vld [tilespmem:$0x40];
	[tilespmem:$0x520] =	vst v43;
	v16 =	vadd.s32 v7, v16;
	v17 =	vor.u32 v20, v17  }
0x34: {  	[tilespmem:$0x5A0] =	vst v16;
	v16 =	vadd.s32 v2, v17  }
0x35: {  	[tilespmem:$0x230] =	vst v16;
	v16 =	vadd.s32 v0, v17  }
0x36: {  	[tilespmem:$0x2B0] =	vst v16;
	v16 =	vadd.s32 v1, v17  }
0x37: {  	[tilespmem:$0x330] =	vst v16;
	v16 =	vadd.s32 v3, v17  }
0x38: {  	v46 =	vshll.u32 v44, $0x3;
	v47 =	vshrl.u32 v44, $0x1;
	[tilespmem:$0x3B0] =	vst v16;
	v16 =	vadd.s32 v4, v17  }
0x39: {  	v18 =	vand.u32 $0xFFFFF87F, v44;
	v45 =	vadd.s32 v5, v17;
	[tilespmem:$0x430] =	vst v16;
	v16 =	vand.u32 $0x400, v46  }
0x3a: {  	v20 =	vand.u32 $0x380, v47;
	v48 =	vadd.s32 v6, v17;
	[tilespmem:$0x4B0] =	vst v45;
	v16 =	vor.u32 v16, v18  }
0x3b: {  	v49 =	vld [tilespmem:$0x50];
	[tilespmem:$0x530] =	vst v48;
	v17 =	vadd.s32 v7, v17;
	v16 =	vor.u32 v20, v16  }
0x3c: {  	[tilespmem:$0x5B0] =	vst v17;
	v17 =	vadd.s32 v2, v16  }
0x3d: {  	[tilespmem:$0x240] =	vst v17;
	v17 =	vadd.s32 v0, v16  }
0x3e: {  	[tilespmem:$0x2C0] =	vst v17;
	v17 =	vadd.s32 v1, v16  }
0x3f: {  	[tilespmem:$0x340] =	vst v17;
	v17 =	vadd.s32 v3, v16  }
0x40: {  	v51 =	vshll.u32 v49, $0x3;
	v52 =	vshrl.u32 v49, $0x1;
	[tilespmem:$0x3C0] =	vst v17;
	v17 =	vadd.s32 v4, v16  }
0x41: {  	v18 =	vand.u32 $0xFFFFF87F, v49;
	v50 =	vadd.s32 v5, v16;
	[tilespmem:$0x440] =	vst v17;
	v17 =	vand.u32 $0x400, v51  }
0x42: {  	v20 =	vand.u32 $0x380, v52;
	v53 =	vadd.s32 v6, v16;
	[tilespmem:$0x4C0] =	vst v50;
	v17 =	vor.u32 v17, v18  }
0x43: {  	v54 =	vld [tilespmem:$0x60];
	[tilespmem:$0x540] =	vst v53;
	v16 =	vadd.s32 v7, v16;
	v17 =	vor.u32 v20, v17  }
0x44: {  	[tilespmem:$0x5C0] =	vst v16;
	v16 =	vadd.s32 v2, v17  }
0x45: {  	[tilespmem:$0x250] =	vst v16;
	v16 =	vadd.s32 v0, v17  }
0x46: {  	[tilespmem:$0x2D0] =	vst v16;
	v16 =	vadd.s32 v1, v17  }
0x47: {  	[tilespmem:$0x350] =	vst v16;
	v16 =	vadd.s32 v3, v17  }
0x48: {  	v56 =	vshll.u32 v54, $0x3;
	v57 =	vshrl.u32 v54, $0x1;
	[tilespmem:$0x3D0] =	vst v16;
	v16 =	vadd.s32 v4, v17  }
0x49: {  	v18 =	vand.u32 $0xFFFFF87F, v54;
	v55 =	vadd.s32 v5, v17;
	[tilespmem:$0x450] =	vst v16;
	v16 =	vand.u32 $0x400, v56  }
0x4a: {  	v20 =	vand.u32 $0x380, v57;
	v58 =	vadd.s32 v6, v17;
	[tilespmem:$0x4D0] =	vst v55;
	v16 =	vor.u32 v16, v18  }
0x4b: {  	v59 =	vld [tilespmem:$0x70];
	[tilespmem:$0x550] =	vst v58;
	v17 =	vadd.s32 v7, v17;
	v16 =	vor.u32 v20, v16  }
0x4c: {  	[tilespmem:$0x5D0] =	vst v17;
	v17 =	vadd.s32 v2, v16  }
0x4d: {  	[tilespmem:$0x260] =	vst v17;
	v17 =	vadd.s32 v0, v16  }
0x4e: {  	[tilespmem:$0x2E0] =	vst v17;
	v17 =	vadd.s32 v1, v16  }
0x4f: {  	[tilespmem:$0x360] =	vst v17;
	v17 =	vadd.s32 v3, v16  }
0x50: {  	v61 =	vshll.u32 v59, $0x3;
	v62 =	vshrl.u32 v59, $0x1;
	[tilespmem:$0x3E0] =	vst v17;
	v17 =	vadd.s32 v4, v16  }
0x51: {  	v18 =	vand.u32 $0xFFFFF87F, v59;
	v60 =	vadd.s32 v5, v16;
	[tilespmem:$0x460] =	vst v17;
	v17 =	vand.u32 $0x400, v61  }
0x52: {  	v20 =	vand.u32 $0x380, v62;
	v63 =	vadd.s32 v6, v16;
	[tilespmem:$0x4E0] =	vst v60;
	v17 =	vor.u32 v17, v18  }
0x53: {  	[tilespmem:$0x560] =	vst v63;
	v16 =	vadd.s32 v7, v16;
	v17 =	vor.u32 v20, v17  }
0x54: {  	[tilespmem:$0x5E0] =	vst v16;
	v16 =	vadd.s32 v2, v17  }
0x55: {  	[tilespmem:$0x270] =	vst v16;
	v16 =	vadd.s32 v0, v17  }
0x56: {  	[tilespmem:$0x2F0] =	vst v16;
	v16 =	vadd.s32 v1, v17  }
0x57: {  	[tilespmem:$0x370] =	vst v16;
	v16 =	vadd.s32 v3, v17  }
0x58: {  	[tilespmem:$0x3F0] =	vst v16;
	v16 =	vadd.s32 v4, v17  }
0x59: {  	[tilespmem:$0x470] =	vst v16;
	v16 =	vadd.s32 v5, v17  }
0x5a: {  	[tilespmem:$0x4F0] =	vst v16;
	v16 =	vadd.s32 v6, v17  }
0x5b: {  	[tilespmem:$0x570] =	vst v16;
	v16 =	vadd.s32 v7, v17  }
0x5c: {  	[tilespmem:$0x5F0] =	vst v16  }
0x5d: {  	[tilespmem:s10], [sflag:$0x1] =	stream.indirect.gather [hbm4b:s2+s8], $0x1, s9, s8, $0xb8;
	[tilespmem:$0x2200] =	vst v63  }
0x5e: {  	v16 =	vld [tilespmem:$0x80];
	_ =	sdelay $0x4  }
0x5f: {  	v17 =	vshll.u32 v16, $0x3  }
0x60: {  	v24 =	vshrl.u32 v16, $0x1;
	v16 =	vand.u32 $0xFFFFF87F, v16;
	v17 =	vand.u32 $0x400, v17  }
0x61: {  	v18 =	vand.u32 $0x380, v24;
	v16 =	vor.u32 v17, v16  }
0x62: {  	v17 =	vld [tilespmem:$0x90];
	v16 =	vor.u32 v18, v16  }
0x63: {  	v18 =	vadd.s32 v2, v16  }
0x64: {  	v25 =	vadd.s32 v0, v16;
	[tilespmem:$0x600] =	vst v18  }
0x65: {  	v26 =	vadd.s32 v1, v16;
	[tilespmem:$0x680] =	vst v25  }
0x66: {  	v27 =	vadd.s32 v3, v16;
	[tilespmem:$0x700] =	vst v26  }
0x67: {  	v28 =	vadd.s32 v4, v16;
	v29 =	vadd.s32 v5, v16;
	[tilespmem:$0x780] =	vst v27;
	v30 =	vshll.u32 v17, $0x3  }
0x68: {  	[tilespmem:$0x800] =	vst v28;
	v32 =	vshrl.u32 v17, $0x1;
	v17 =	vand.u32 $0xFFFFF87F, v17;
	v31 =	vand.u32 $0x400, v30  }
0x69: {  	v33 =	vadd.s32 v6, v16;
	[tilespmem:$0x880] =	vst v29;
	v20 =	vand.u32 $0x380, v32;
	v17 =	vor.u32 v31, v17  }
0x6a: {  	v34 =	vld [tilespmem:$0xA0];
	v16 =	vadd.s32 v7, v16;
	[tilespmem:$0x900] =	vst v33;
	v17 =	vor.u32 v20, v17  }
0x6b: {  	[tilespmem:$0x980] =	vst v16;
	v16 =	vadd.s32 v2, v17  }
0x6c: {  	[tilespmem:$0x610] =	vst v16;
	v16 =	vadd.s32 v0, v17  }
0x6d: {  	[tilespmem:$0x690] =	vst v16;
	v16 =	vadd.s32 v1, v17  }
0x6e: {  	[tilespmem:$0x710] =	vst v16;
	v16 =	vadd.s32 v3, v17  }
0x6f: {  	v36 =	vshll.u32 v34, $0x3;
	v37 =	vshrl.u32 v34, $0x1;
	[tilespmem:$0x790] =	vst v16;
	v16 =	vadd.s32 v4, v17  }
0x70: {  	v18 =	vand.u32 $0xFFFFF87F, v34;
	v35 =	vadd.s32 v5, v17;
	[tilespmem:$0x810] =	vst v16;
	v16 =	vand.u32 $0x400, v36  }
0x71: {  	v20 =	vand.u32 $0x380, v37;
	v38 =	vadd.s32 v6, v17;
	[tilespmem:$0x890] =	vst v35;
	v16 =	vor.u32 v16, v18  }
0x72: {  	v39 =	vld [tilespmem:$0xB0];
	[tilespmem:$0x910] =	vst v38;
	v17 =	vadd.s32 v7, v17;
	v16 =	vor.u32 v20, v16  }
0x73: {  	[tilespmem:$0x990] =	vst v17;
	v17 =	vadd.s32 v2, v16  }
0x74: {  	[tilespmem:$0x620] =	vst v17;
	v17 =	vadd.s32 v0, v16  }
0x75: {  	[tilespmem:$0x6A0] =	vst v17;
	v17 =	vadd.s32 v1, v16  }
0x76: {  	[tilespmem:$0x720] =	vst v17;
	v17 =	vadd.s32 v3, v16  }
0x77: {  	v41 =	vshll.u32 v39, $0x3;
	v42 =	vshrl.u32 v39, $0x1;
	[tilespmem:$0x7A0] =	vst v17;
	v17 =	vadd.s32 v4, v16  }
0x78: {  	v18 =	vand.u32 $0xFFFFF87F, v39;
	v40 =	vadd.s32 v5, v16;
	[tilespmem:$0x820] =	vst v17;
	v17 =	vand.u32 $0x400, v41  }
0x79: {  	v20 =	vand.u32 $0x380, v42;
	v43 =	vadd.s32 v6, v16;
	[tilespmem:$0x8A0] =	vst v40;
	v17 =	vor.u32 v17, v18  }
0x7a: {  	v44 =	vld [tilespmem:$0xC0];
	[tilespmem:$0x920] =	vst v43;
	v16 =	vadd.s32 v7, v16;
	v17 =	vor.u32 v20, v17  }
0x7b: {  	[tilespmem:$0x9A0] =	vst v16;
	v16 =	vadd.s32 v2, v17  }
0x7c: {  	[tilespmem:$0x630] =	vst v16;
	v16 =	vadd.s32 v0, v17  }
0x7d: {  	[tilespmem:$0x6B0] =	vst v16;
	v16 =	vadd.s32 v1, v17  }
0x7e: {  	[tilespmem:$0x730] =	vst v16;
	v16 =	vadd.s32 v3, v17  }
0x7f: {  	v46 =	vshll.u32 v44, $0x3;
	v47 =	vshrl.u32 v44, $0x1;
	[tilespmem:$0x7B0] =	vst v16;
	v16 =	vadd.s32 v4, v17  }
0x80: {  	v18 =	vand.u32 $0xFFFFF87F, v44;
	v45 =	vadd.s32 v5, v17;
	[tilespmem:$0x830] =	vst v16;
	v16 =	vand.u32 $0x400, v46  }
0x81: {  	v20 =	vand.u32 $0x380, v47;
	v48 =	vadd.s32 v6, v17;
	[tilespmem:$0x8B0] =	vst v45;
	v16 =	vor.u32 v16, v18  }
0x82: {  	v49 =	vld [tilespmem:$0xD0];
	[tilespmem:$0x930] =	vst v48;
	v17 =	vadd.s32 v7, v17;
	v16 =	vor.u32 v20, v16  }
0x83: {  	[tilespmem:$0x9B0] =	vst v17;
	v17 =	vadd.s32 v2, v16  }
0x84: {  	[tilespmem:$0x640] =	vst v17;
	v17 =	vadd.s32 v0, v16  }
0x85: {  	[tilespmem:$0x6C0] =	vst v17;
	v17 =	vadd.s32 v1, v16  }
0x86: {  	[tilespmem:$0x740] =	vst v17;
	v17 =	vadd.s32 v3, v16  }
0x87: {  	v51 =	vshll.u32 v49, $0x3;
	v52 =	vshrl.u32 v49, $0x1;
	[tilespmem:$0x7C0] =	vst v17;
	v17 =	vadd.s32 v4, v16  }
0x88: {  	v18 =	vand.u32 $0xFFFFF87F, v49;
	v50 =	vadd.s32 v5, v16;
	[tilespmem:$0x840] =	vst v17;
	v17 =	vand.u32 $0x400, v51  }
0x89: {  	v20 =	vand.u32 $0x380, v52;
	v53 =	vadd.s32 v6, v16;
	[tilespmem:$0x8C0] =	vst v50;
	v17 =	vor.u32 v17, v18  }
0x8a: {  	v54 =	vld [tilespmem:$0xE0];
	[tilespmem:$0x940] =	vst v53;
	v16 =	vadd.s32 v7, v16;
	v17 =	vor.u32 v20, v17  }
0x8b: {  	[tilespmem:$0x9C0] =	vst v16;
	v16 =	vadd.s32 v2, v17  }
0x8c: {  	[tilespmem:$0x650] =	vst v16;
	v16 =	vadd.s32 v0, v17  }
0x8d: {  	[tilespmem:$0x6D0] =	vst v16;
	v16 =	vadd.s32 v1, v17  }
0x8e: {  	[tilespmem:$0x750] =	vst v16;
	v16 =	vadd.s32 v3, v17  }
0x8f: {  	v56 =	vshll.u32 v54, $0x3;
	v57 =	vshrl.u32 v54, $0x1;
	[tilespmem:$0x7D0] =	vst v16;
	v16 =	vadd.s32 v4, v17  }
0x90: {  	v18 =	vand.u32 $0xFFFFF87F, v54;
	v55 =	vadd.s32 v5, v17;
	[tilespmem:$0x850] =	vst v16;
	v16 =	vand.u32 $0x400, v56  }
0x91: {  	v20 =	vand.u32 $0x380, v57;
	v58 =	vadd.s32 v6, v17;
	[tilespmem:$0x8D0] =	vst v55;
	v16 =	vor.u32 v16, v18  }
0x92: {  	v59 =	vld [tilespmem:$0xF0];
	[tilespmem:$0x950] =	vst v58;
	v17 =	vadd.s32 v7, v17;
	v16 =	vor.u32 v20, v16  }
0x93: {  	[tilespmem:$0x9D0] =	vst v17;
	v17 =	vadd.s32 v2, v16  }
0x94: {  	[tilespmem:$0x660] =	vst v17;
	v17 =	vadd.s32 v0, v16  }
0x95: {  	[tilespmem:$0x6E0] =	vst v17;
	v17 =	vadd.s32 v1, v16  }
0x96: {  	[tilespmem:$0x760] =	vst v17;
	v17 =	vadd.s32 v3, v16  }
0x97: {  	v61 =	vshll.u32 v59, $0x3;
	v62 =	vshrl.u32 v59, $0x1;
	[tilespmem:$0x7E0] =	vst v17;
	v17 =	vadd.s32 v4, v16  }
0x98: {  	v18 =	vand.u32 $0xFFFFF87F, v59;
	v60 =	vadd.s32 v5, v16;
	[tilespmem:$0x860] =	vst v17;
	v17 =	vand.u32 $0x400, v61  }
0x99: {  	v20 =	vand.u32 $0x380, v62;
	v63 =	vadd.s32 v6, v16;
	[tilespmem:$0x8E0] =	vst v60;
	v17 =	vor.u32 v17, v18  }
0x9a: {  	[tilespmem:$0x960] =	vst v63;
	v16 =	vadd.s32 v7, v16;
	v17 =	vor.u32 v20, v17  }
0x9b: {  	[tilespmem:$0x9E0] =	vst v16;
	v16 =	vadd.s32 v2, v17  }
0x9c: {  	[tilespmem:$0x670] =	vst v16;
	v16 =	vadd.s32 v0, v17  }
0x9d: {  	[tilespmem:$0x6F0] =	vst v16;
	v16 =	vadd.s32 v1, v17  }
0x9e: {  	[tilespmem:$0x770] =	vst v16;
	v16 =	vadd.s32 v3, v17  }
0x9f: {  	[tilespmem:$0x7F0] =	vst v16;
	v16 =	vadd.s32 v4, v17  }
0xa0: {  	[tilespmem:$0x870] =	vst v16;
	v16 =	vadd.s32 v5, v17  }
0xa1: {  	[tilespmem:$0x8F0] =	vst v16;
	v16 =	vadd.s32 v6, v17  }
0xa2: {  	[tilespmem:$0x970] =	vst v16;
	v16 =	vadd.s32 v7, v17  }
0xa3: {  	[tilespmem:$0x9F0] =	vst v16  }
0xa4: {  	[tilespmem:s12], [sflag:$0x1] =	stream.indirect.gather [hbm4b:s2+s8], $0x1, s11, s8, $0xb8;
	[tilespmem:$0x2200] =	vst v63  }
0xa5: {  	v16 =	vld [tilespmem:$0x100];
	_ =	sdelay $0x4  }
0xa6: {  	v17 =	vshll.u32 v16, $0x3  }
0xa7: {  	v24 =	vshrl.u32 v16, $0x1;
	v16 =	vand.u32 $0xFFFFF87F, v16;
	v17 =	vand.u32 $0x400, v17  }
0xa8: {  	v18 =	vand.u32 $0x380, v24;
	v16 =	vor.u32 v17, v16  }
0xa9: {  	v17 =	vld [tilespmem:$0x110];
	v16 =	vor.u32 v18, v16  }
0xaa: {  	v18 =	vadd.s32 v8, v16  }
0xab: {  	v25 =	vadd.s32 v9, v16;
	[tilespmem:$0xA00] =	vst v18  }
0xac: {  	v26 =	vadd.s32 v10, v16;
	[tilespmem:$0xA80] =	vst v25  }
0xad: {  	v27 =	vadd.s32 v11, v16;
	[tilespmem:$0xB00] =	vst v26  }
0xae: {  	v28 =	vadd.s32 v12, v16;
	v29 =	vadd.s32 v13, v16;
	[tilespmem:$0xB80] =	vst v27;
	v30 =	vshll.u32 v17, $0x3  }
0xaf: {  	[tilespmem:$0xC00] =	vst v28;
	v32 =	vshrl.u32 v17, $0x1;
	v17 =	vand.u32 $0xFFFFF87F, v17;
	v31 =	vand.u32 $0x400, v30  }
0xb0: {  	v33 =	vadd.s32 v14, v16;
	[tilespmem:$0xC80] =	vst v29;
	v20 =	vand.u32 $0x380, v32;
	v17 =	vor.u32 v31, v17  }
0xb1: {  	v34 =	vld [tilespmem:$0x120];
	v16 =	vadd.s32 v15, v16;
	[tilespmem:$0xD00] =	vst v33;
	v17 =	vor.u32 v20, v17  }
0xb2: {  	[tilespmem:$0xD80] =	vst v16;
	v16 =	vadd.s32 v8, v17  }
0xb3: {  	[tilespmem:$0xA10] =	vst v16;
	v16 =	vadd.s32 v9, v17  }
0xb4: {  	[tilespmem:$0xA90] =	vst v16;
	v16 =	vadd.s32 v10, v17  }
0xb5: {  	[tilespmem:$0xB10] =	vst v16;
	v16 =	vadd.s32 v11, v17  }
0xb6: {  	v36 =	vshll.u32 v34, $0x3;
	v37 =	vshrl.u32 v34, $0x1;
	[tilespmem:$0xB90] =	vst v16;
	v16 =	vadd.s32 v12, v17  }
0xb7: {  	v18 =	vand.u32 $0xFFFFF87F, v34;
	v35 =	vadd.s32 v13, v17;
	[tilespmem:$0xC10] =	vst v16;
	v16 =	vand.u32 $0x400, v36  }
0xb8: {  	v20 =	vand.u32 $0x380, v37;
	v38 =	vadd.s32 v14, v17;
	[tilespmem:$0xC90] =	vst v35;
	v16 =	vor.u32 v16, v18  }
0xb9: {  	v39 =	vld [tilespmem:$0x130];
	[tilespmem:$0xD10] =	vst v38;
	v17 =	vadd.s32 v15, v17;
	v16 =	vor.u32 v20, v16  }
0xba: {  	[tilespmem:$0xD90] =	vst v17;
	v17 =	vadd.s32 v8, v16  }
0xbb: {  	[tilespmem:$0xA20] =	vst v17;
	v17 =	vadd.s32 v9, v16  }
0xbc: {  	[tilespmem:$0xAA0] =	vst v17;
	v17 =	vadd.s32 v10, v16  }
0xbd: {  	[tilespmem:$0xB20] =	vst v17;
	v17 =	vadd.s32 v11, v16  }
0xbe: {  	v41 =	vshll.u32 v39, $0x3;
	v42 =	vshrl.u32 v39, $0x1;
	[tilespmem:$0xBA0] =	vst v17;
	v17 =	vadd.s32 v12, v16  }
0xbf: {  	v18 =	vand.u32 $0xFFFFF87F, v39;
	v40 =	vadd.s32 v13, v16;
	[tilespmem:$0xC20] =	vst v17;
	v17 =	vand.u32 $0x400, v41  }
0xc0: {  	v20 =	vand.u32 $0x380, v42;
	v43 =	vadd.s32 v14, v16;
	[tilespmem:$0xCA0] =	vst v40;
	v17 =	vor.u32 v17, v18  }
0xc1: {  	v44 =	vld [tilespmem:$0x140];
	[tilespmem:$0xD20] =	vst v43;
	v16 =	vadd.s32 v15, v16;
	v17 =	vor.u32 v20, v17  }
0xc2: {  	[tilespmem:$0xDA0] =	vst v16;
	v16 =	vadd.s32 v8, v17  }
0xc3: {  	[tilespmem:$0xA30] =	vst v16;
	v16 =	vadd.s32 v9, v17  }
0xc4: {  	[tilespmem:$0xAB0] =	vst v16;
	v16 =	vadd.s32 v10, v17  }
0xc5: {  	[tilespmem:$0xB30] =	vst v16;
	v16 =	vadd.s32 v11, v17  }
0xc6: {  	v46 =	vshll.u32 v44, $0x3;
	v47 =	vshrl.u32 v44, $0x1;
	[tilespmem:$0xBB0] =	vst v16;
	v16 =	vadd.s32 v12, v17  }
0xc7: {  	v18 =	vand.u32 $0xFFFFF87F, v44;
	v45 =	vadd.s32 v13, v17;
	[tilespmem:$0xC30] =	vst v16;
	v16 =	vand.u32 $0x400, v46  }
0xc8: {  	v20 =	vand.u32 $0x380, v47;
	v48 =	vadd.s32 v14, v17;
	[tilespmem:$0xCB0] =	vst v45;
	v16 =	vor.u32 v16, v18  }
0xc9: {  	v49 =	vld [tilespmem:$0x150];
	[tilespmem:$0xD30] =	vst v48;
	v17 =	vadd.s32 v15, v17;
	v16 =	vor.u32 v20, v16  }
0xca: {  	[tilespmem:$0xDB0] =	vst v17;
	v17 =	vadd.s32 v8, v16  }
0xcb: {  	[tilespmem:$0xA40] =	vst v17;
	v17 =	vadd.s32 v9, v16  }
0xcc: {  	[tilespmem:$0xAC0] =	vst v17;
	v17 =	vadd.s32 v10, v16  }
0xcd: {  	[tilespmem:$0xB40] =	vst v17;
	v17 =	vadd.s32 v11, v16  }
0xce: {  	v51 =	vshll.u32 v49, $0x3;
	v52 =	vshrl.u32 v49, $0x1;
	[tilespmem:$0xBC0] =	vst v17;
	v17 =	vadd.s32 v12, v16  }
0xcf: {  	v18 =	vand.u32 $0xFFFFF87F, v49;
	v50 =	vadd.s32 v13, v16;
	[tilespmem:$0xC40] =	vst v17;
	v17 =	vand.u32 $0x400, v51  }
0xd0: {  	v20 =	vand.u32 $0x380, v52;
	v53 =	vadd.s32 v14, v16;
	[tilespmem:$0xCC0] =	vst v50;
	v17 =	vor.u32 v17, v18  }
0xd1: {  	v54 =	vld [tilespmem:$0x160];
	[tilespmem:$0xD40] =	vst v53;
	v16 =	vadd.s32 v15, v16;
	v17 =	vor.u32 v20, v17  }
0xd2: {  	[tilespmem:$0xDC0] =	vst v16;
	v16 =	vadd.s32 v8, v17  }
0xd3: {  	[tilespmem:$0xA50] =	vst v16;
	v16 =	vadd.s32 v9, v17  }
0xd4: {  	[tilespmem:$0xAD0] =	vst v16;
	v16 =	vadd.s32 v10, v17  }
0xd5: {  	[tilespmem:$0xB50] =	vst v16;
	v16 =	vadd.s32 v11, v17  }
0xd6: {  	v56 =	vshll.u32 v54, $0x3;
	v57 =	vshrl.u32 v54, $0x1;
	[tilespmem:$0xBD0] =	vst v16;
	v16 =	vadd.s32 v12, v17  }
0xd7: {  	v18 =	vand.u32 $0xFFFFF87F, v54;
	v55 =	vadd.s32 v13, v17;
	[tilespmem:$0xC50] =	vst v16;
	v16 =	vand.u32 $0x400, v56  }
0xd8: {  	v20 =	vand.u32 $0x380, v57;
	v58 =	vadd.s32 v14, v17;
	[tilespmem:$0xCD0] =	vst v55;
	v16 =	vor.u32 v16, v18  }
0xd9: {  	v59 =	vld [tilespmem:$0x170];
	[tilespmem:$0xD50] =	vst v58;
	v17 =	vadd.s32 v15, v17;
	v16 =	vor.u32 v20, v16  }
0xda: {  	[tilespmem:$0xDD0] =	vst v17;
	v17 =	vadd.s32 v8, v16  }
0xdb: {  	[tilespmem:$0xA60] =	vst v17;
	v17 =	vadd.s32 v9, v16  }
0xdc: {  	[tilespmem:$0xAE0] =	vst v17;
	v17 =	vadd.s32 v10, v16  }
0xdd: {  	[tilespmem:$0xB60] =	vst v17;
	v17 =	vadd.s32 v11, v16  }
0xde: {  	v61 =	vshll.u32 v59, $0x3;
	v62 =	vshrl.u32 v59, $0x1;
	[tilespmem:$0xBE0] =	vst v17;
	v17 =	vadd.s32 v12, v16  }
0xdf: {  	v18 =	vand.u32 $0xFFFFF87F, v59;
	v60 =	vadd.s32 v13, v16;
	[tilespmem:$0xC60] =	vst v17;
	v17 =	vand.u32 $0x400, v61  }
0xe0: {  	v20 =	vand.u32 $0x380, v62;
	v63 =	vadd.s32 v14, v16;
	[tilespmem:$0xCE0] =	vst v60;
	v17 =	vor.u32 v17, v18  }
0xe1: {  	[tilespmem:$0xD60] =	vst v63;
	v16 =	vadd.s32 v15, v16;
	v17 =	vor.u32 v20, v17  }
0xe2: {  	[tilespmem:$0xDE0] =	vst v16;
	v16 =	vadd.s32 v8, v17  }
0xe3: {  	[tilespmem:$0xA70] =	vst v16;
	v16 =	vadd.s32 v9, v17  }
0xe4: {  	[tilespmem:$0xAF0] =	vst v16;
	v16 =	vadd.s32 v10, v17  }
0xe5: {  	[tilespmem:$0xB70] =	vst v16;
	v16 =	vadd.s32 v11, v17  }
0xe6: {  	[tilespmem:$0xBF0] =	vst v16;
	v16 =	vadd.s32 v12, v17  }
0xe7: {  	[tilespmem:$0xC70] =	vst v16;
	v16 =	vadd.s32 v13, v17  }
0xe8: {  	[tilespmem:$0xCF0] =	vst v16;
	v16 =	vadd.s32 v14, v17  }
0xe9: {  	[tilespmem:$0xD70] =	vst v16;
	v16 =	vadd.s32 v15, v17  }
0xea: {  	[tilespmem:$0xDF0] =	vst v16  }
0xeb: {  	[tilespmem:s14], [sflag:$0x1] =	stream.indirect.gather [hbm4b:s2+s8], $0x1, s13, s8, $0xb8;
	[tilespmem:$0x2200] =	vst v63  }
0xec: {  	v16 =	vld [tilespmem:$0x180];
	_ =	sdelay $0x4  }
0xed: {  	v17 =	vshll.u32 v16, $0x3  }
0xee: {  	v23 =	vshrl.u32 v16, $0x1;
	v16 =	vand.u32 $0xFFFFF87F, v16;
	v17 =	vand.u32 $0x400, v17  }
0xef: {  	v18 =	vand.u32 $0x380, v23;
	v16 =	vor.u32 v17, v16  }
0xf0: {  	v17 =	vld [tilespmem:$0x190];
	v16 =	vor.u32 v18, v16  }
0xf1: {  	v18 =	vadd.s32 v8, v16  }
0xf2: {  	v24 =	vadd.s32 v9, v16;
	[tilespmem:$0xE00] =	vst v18  }
0xf3: {  	v25 =	vadd.s32 v10, v16;
	[tilespmem:$0xE80] =	vst v24  }
0xf4: {  	v26 =	vadd.s32 v11, v16;
	[tilespmem:$0xF00] =	vst v25  }
0xf5: {  	v27 =	vadd.s32 v12, v16;
	v28 =	vadd.s32 v13, v16;
	[tilespmem:$0xF80] =	vst v26;
	v29 =	vshll.u32 v17, $0x3  }
0xf6: {  	[tilespmem:$0x1000] =	vst v27;
	v31 =	vshrl.u32 v17, $0x1;
	v17 =	vand.u32 $0xFFFFF87F, v17;
	v30 =	vand.u32 $0x400, v29  }
0xf7: {  	v32 =	vadd.s32 v14, v16;
	[tilespmem:$0x1080] =	vst v28;
	v20 =	vand.u32 $0x380, v31;
	v17 =	vor.u32 v30, v17  }
0xf8: {  	v33 =	vld [tilespmem:$0x1A0];
	v16 =	vadd.s32 v15, v16;
	[tilespmem:$0x1100] =	vst v32;
	v17 =	vor.u32 v20, v17  }
0xf9: {  	[tilespmem:$0x1180] =	vst v16;
	v16 =	vadd.s32 v8, v17  }
0xfa: {  	[tilespmem:$0xE10] =	vst v16;
	v16 =	vadd.s32 v9, v17  }
0xfb: {  	[tilespmem:$0xE90] =	vst v16;
	v16 =	vadd.s32 v10, v17  }
0xfc: {  	[tilespmem:$0xF10] =	vst v16;
	v16 =	vadd.s32 v11, v17  }
0xfd: {  	v35 =	vshll.u32 v33, $0x3;
	v36 =	vshrl.u32 v33, $0x1;
	[tilespmem:$0xF90] =	vst v16;
	v16 =	vadd.s32 v12, v17  }
0xfe: {  	v18 =	vand.u32 $0xFFFFF87F, v33;
	v34 =	vadd.s32 v13, v17;
	[tilespmem:$0x1010] =	vst v16;
	v16 =	vand.u32 $0x400, v35  }
0xff: {  	v20 =	vand.u32 $0x380, v36;
	v37 =	vadd.s32 v14, v17;
	[tilespmem:$0x1090] =	vst v34;
	v16 =	vor.u32 v16, v18  }
0x100: {  	v38 =	vld [tilespmem:$0x1B0];
	[tilespmem:$0x1110] =	vst v37;
	v17 =	vadd.s32 v15, v17;
	v16 =	vor.u32 v20, v16  }
0x101: {  	[tilespmem:$0x1190] =	vst v17;
	v17 =	vadd.s32 v8, v16  }
0x102: {  	[tilespmem:$0xE20] =	vst v17;
	v17 =	vadd.s32 v9, v16  }
0x103: {  	[tilespmem:$0xEA0] =	vst v17;
	v17 =	vadd.s32 v10, v16  }
0x104: {  	[tilespmem:$0xF20] =	vst v17;
	v17 =	vadd.s32 v11, v16  }
0x105: {  	v40 =	vshll.u32 v38, $0x3;
	v41 =	vshrl.u32 v38, $0x1;
	[tilespmem:$0xFA0] =	vst v17;
	v17 =	vadd.s32 v12, v16  }
0x106: {  	v18 =	vand.u32 $0xFFFFF87F, v38;
	v39 =	vadd.s32 v13, v16;
	[tilespmem:$0x1020] =	vst v17;
	v17 =	vand.u32 $0x400, v40  }
0x107: {  	v20 =	vand.u32 $0x380, v41;
	v42 =	vadd.s32 v14, v16;
	[tilespmem:$0x10A0] =	vst v39;
	v17 =	vor.u32 v17, v18  }
0x108: {  	v43 =	vld [tilespmem:$0x1C0];
	[tilespmem:$0x1120] =	vst v42;
	v16 =	vadd.s32 v15, v16;
	v17 =	vor.u32 v20, v17  }
0x109: {  	[tilespmem:$0x11A0] =	vst v16;
	v16 =	vadd.s32 v8, v17  }
0x10a: {  	[tilespmem:$0xE30] =	vst v16;
	v16 =	vadd.s32 v9, v17  }
0x10b: {  	[tilespmem:$0xEB0] =	vst v16;
	v16 =	vadd.s32 v10, v17  }
0x10c: {  	[tilespmem:$0xF30] =	vst v16;
	v16 =	vadd.s32 v11, v17  }
0x10d: {  	v45 =	vshll.u32 v43, $0x3;
	v46 =	vshrl.u32 v43, $0x1;
	[tilespmem:$0xFB0] =	vst v16;
	v16 =	vadd.s32 v12, v17  }
0x10e: {  	v18 =	vand.u32 $0xFFFFF87F, v43;
	v44 =	vadd.s32 v13, v17;
	[tilespmem:$0x1030] =	vst v16;
	v16 =	vand.u32 $0x400, v45  }
0x10f: {  	v20 =	vand.u32 $0x380, v46;
	v47 =	vadd.s32 v14, v17;
	[tilespmem:$0x10B0] =	vst v44;
	v16 =	vor.u32 v16, v18  }
0x110: {  	v48 =	vld [tilespmem:$0x1D0];
	[tilespmem:$0x1130] =	vst v47;
	v17 =	vadd.s32 v15, v17;
	v16 =	vor.u32 v20, v16  }
0x111: {  	[tilespmem:$0x11B0] =	vst v17;
	v17 =	vadd.s32 v8, v16  }
0x112: {  	[tilespmem:$0xE40] =	vst v17;
	v17 =	vadd.s32 v9, v16  }
0x113: {  	[tilespmem:$0xEC0] =	vst v17;
	v17 =	vadd.s32 v10, v16  }
0x114: {  	[tilespmem:$0xF40] =	vst v17;
	v17 =	vadd.s32 v11, v16  }
0x115: {  	v50 =	vshll.u32 v48, $0x3;
	v51 =	vshrl.u32 v48, $0x1;
	[tilespmem:$0xFC0] =	vst v17;
	v17 =	vadd.s32 v12, v16  }
0x116: {  	v18 =	vand.u32 $0xFFFFF87F, v48;
	v49 =	vadd.s32 v13, v16;
	[tilespmem:$0x1040] =	vst v17;
	v17 =	vand.u32 $0x400, v50  }
0x117: {  	v20 =	vand.u32 $0x380, v51;
	v52 =	vadd.s32 v14, v16;
	[tilespmem:$0x10C0] =	vst v49;
	v17 =	vor.u32 v17, v18  }
0x118: {  	v53 =	vld [tilespmem:$0x1E0];
	[tilespmem:$0x1140] =	vst v52;
	v16 =	vadd.s32 v15, v16;
	v17 =	vor.u32 v20, v17  }
0x119: {  	[tilespmem:$0x11C0] =	vst v16;
	v16 =	vadd.s32 v8, v17  }
0x11a: {  	[tilespmem:$0xE50] =	vst v16;
	v16 =	vadd.s32 v9, v17  }
0x11b: {  	[tilespmem:$0xED0] =	vst v16;
	v16 =	vadd.s32 v10, v17  }
0x11c: {  	[tilespmem:$0xF50] =	vst v16;
	v16 =	vadd.s32 v11, v17  }
0x11d: {  	v55 =	vshll.u32 v53, $0x3;
	v56 =	vshrl.u32 v53, $0x1;
	[tilespmem:$0xFD0] =	vst v16;
	v16 =	vadd.s32 v12, v17  }
0x11e: {  	v18 =	vand.u32 $0xFFFFF87F, v53;
	v54 =	vadd.s32 v13, v17;
	[tilespmem:$0x1050] =	vst v16;
	v16 =	vand.u32 $0x400, v55  }
0x11f: {  	v20 =	vand.u32 $0x380, v56;
	v57 =	vadd.s32 v14, v17;
	[tilespmem:$0x10D0] =	vst v54;
	v16 =	vor.u32 v16, v18  }
0x120: {  	v58 =	vld [tilespmem:$0x1F0];
	[tilespmem:$0x1150] =	vst v57;
	v17 =	vadd.s32 v15, v17;
	v16 =	vor.u32 v20, v16  }
0x121: {  	[tilespmem:$0x11D0] =	vst v17;
	v17 =	vadd.s32 v8, v16  }
0x122: {  	[tilespmem:$0xE60] =	vst v17;
	v17 =	vadd.s32 v9, v16  }
0x123: {  	[tilespmem:$0xEE0] =	vst v17;
	v17 =	vadd.s32 v10, v16  }
0x124: {  	[tilespmem:$0xF60] =	vst v17;
	v17 =	vadd.s32 v11, v16  }
0x125: {  	v60 =	vshll.u32 v58, $0x3;
	v61 =	vshrl.u32 v58, $0x1;
	[tilespmem:$0xFE0] =	vst v17;
	v17 =	vadd.s32 v12, v16  }
0x126: {  	v18 =	vand.u32 $0xFFFFF87F, v58;
	v59 =	vadd.s32 v13, v16;
	[tilespmem:$0x1060] =	vst v17;
	v17 =	vand.u32 $0x400, v60  }
0x127: {  	v63 =	vand.u32 $0x380, v61;
	v62 =	vadd.s32 v14, v16;
	[tilespmem:$0x10E0] =	vst v59;
	v17 =	vor.u32 v17, v18  }
0x128: {  	[tilespmem:$0x1160] =	vst v62;
	v16 =	vadd.s32 v15, v16;
	v17 =	vor.u32 v63, v17  }
0x129: {  	[tilespmem:$0x11E0] =	vst v16;
	v16 =	vadd.s32 v8, v17  }
0x12a: {  	[tilespmem:$0xE70] =	vst v16;
	v16 =	vadd.s32 v9, v17  }
0x12b: {  	[tilespmem:$0xEF0] =	vst v16;
	v16 =	vadd.s32 v10, v17  }
0x12c: {  	[tilespmem:$0xF70] =	vst v16;
	v16 =	vadd.s32 v11, v17  }
0x12d: {  	[tilespmem:$0xFF0] =	vst v16;
	v16 =	vadd.s32 v12, v17  }
0x12e: {  	[tilespmem:$0x1070] =	vst v16;
	v16 =	vadd.s32 v13, v17  }
0x12f: {  	[tilespmem:$0x10F0] =	vst v16;
	v16 =	vadd.s32 v14, v17  }
0x130: {  	[tilespmem:$0x1170] =	vst v16;
	v16 =	vadd.s32 v15, v17  }
0x131: {  	[tilespmem:$0x11F0] =	vst v16  }
0x132: {  	[tilespmem:s16], [sflag:$0x1] =	stream.indirect.gather [hbm4b:s2+s8], $0x1, s15, s8, $0xb8;
	[tilespmem:$0x2200] =	vst v63  }
0x133: {  	_ =	swait.ge [sflag:s17], $0x400  }
0x134: {  	[sflag:s17] =	ssyncset.done $0x0  }
0x135: {  	[sflag:s17] =	ssyncadd.s32 $0xFFFFFC00  }
0x136: {  	_ =	swait.ge [sflag:s17], $0x400  }
0x137: {  	[sflag:s17] =	ssyncset.done $0x0  }
0x138: {  	[sflag:s17] =	ssyncadd.s32 $0xFFFFFC00  }
0x139: {  	_ =	swait.ge [sflag:s17], $0x400  }
0x13a: {  	[sflag:s17] =	ssyncset.done $0x0  }
0x13b: {  	[sflag:s17] =	ssyncadd.s32 $0xFFFFFC00  }
0x13c: {  	_ =	swait.ge [sflag:s17], $0x400  }
0x13d: {  	p0 =	sne.s32 s6, $0x1;
	[sflag:s17] =	ssyncset.done $0x0  }
.Ltmp0:
0x13e: {  	[sflag:s17] =	ssyncadd.s32 $0xFFFFFC00;
	(pc) =	sbr.rel @p0 .LBB2_1-.Ltmp0, $4  }
0x13f: {  	[hbm4b:s5+s3] =	stream.linear.scatter [tilespmem:s10], [sflag:$0x2], $0x1000, $0x38;
	[tilespmem:$0x2200] =	vst v63  }
0x140: {  	_ =	swait.ge [sflag:s7], $0x1000  }
0x141: {  	[sflag:s7] =	ssyncset.done $0x0  }
0x142: {  	s6 =	sadd.s32 $0xFFFFFFFF, s6;
	[sflag:s7] =	ssyncadd.s32 $0xFFFFF000  }
0x143: {  	_ =	sfence.sel $0x180000  }
0x144: {  	[bflag:$0x0] =	sbarrier.arrive $0xFFFF  }
0x145: {  	p0 =	sne.s32 s1, $0x0;
	_ =	strace $0x90000047  }
0x146: {  	s0 =	sadd.s32 @!p0 $0x100000, s0;
	[bflag:$0x2] =	sbarrier.arrive $0xFFFF  }
0x147: {  	[sflag:s0] =	ssyncadd.tile.s32 @!p0 $0x1;
	_ =	shalt  }
.Lfunc_end2:
_tile_overlayer_lowered:
.L_overlay_start_2:
0x148: {  	(tag) =	ssettag $0x2  }
0x149: {  	s0 =	rddreg [dreg:$0x0];
	s2 =	stileid.u32  }
0x14a: {  	s1 =	rddreg [dreg:$0x1];
	p0 =	sne.s32 s2, $0x0  }
0x14b: {  	s3 =	rddreg [dreg:$0x2];
	[bflag:$0x3] =	sbarrier.arrive $0xFFFF;
	s2 =	simm.s32 @!p0 $0x1C02  }
0x14c: {  	[timem:s3], [sflag:s2] =	dma.local @!p0 [hbm:s0], s1  }
0x14d: {  	s0 =	simm.s32 @!p0 $0x2  }
0x14e: {  	_ =	swait.ge @!p0 [sflag:s0], s1  }
0x14f: {  	s1 =	ssub.s32 @!p0 $0x0, s1;
	[sflag:s0] =	ssyncset.done @!p0 $0x0  }
0x150: {  	[sflag:s0] =	ssyncadd.s32 @!p0 s1  }
0x151: {  	[bflag:$0x3] =	sbarrier.arrive $0xFFFF  }
0x152: {  	_ =	shalt  }

</sc_bundles>
